<compile_context>
chip_gen: v7x
topology: tpu7x:2x2x1
jax: 0.10.2.dev20260603
libtpu: 0.0.44.dev20260713+nightly
codegen_flags: <defaults>
</compile_context>

<pallas_src>
import functools

import jax
import jax.numpy as jnp
from jax import lax
from jax.experimental import pallas as pl
from jax.experimental.pallas import tpu as pltpu
from jax.experimental.pallas import tpu_sc as plsc

IN_DIM = 128
HID = 128
N_NODES = 10000
N_EDGES = 320000

NC = 2
NS = 16
L = 16
NW = NC * NS
PER_W = N_EDGES // NW
K = 256
KI = 128
N_CHUNKS = -(-PER_W // K)


def _pack_rows(v):
    u = lax.bitcast_convert_type(v.astype(jnp.bfloat16), jnp.uint16)
    lo = u[:, :HID // 2].astype(jnp.uint32)
    hi = u[:, HID // 2:].astype(jnp.uint32)
    return lax.bitcast_convert_type(lo | (hi << 16), jnp.int32)


def _tables_body(x_ref, w1a_ref, w1b_ref, b1_ref, a_ref, b_ref):
    x = x_ref[...].astype(jnp.bfloat16)
    dn = (((1,), (1,)), ((), ()))
    a = lax.dot_general(x, w1a_ref[...].astype(jnp.bfloat16), dn,
                        preferred_element_type=jnp.float32)
    b = lax.dot_general(x, w1b_ref[...].astype(jnp.bfloat16), dn,
                        preferred_element_type=jnp.float32)
    a_ref[...] = _pack_rows(a + b1_ref[...])
    b_ref[...] = _pack_rows(b)


def _make_tables(x, w1a, w1b, b1):
    blk = 1000
    grid = (N_NODES // blk,)
    return pl.pallas_call(
        _tables_body,
        grid=grid,
        in_specs=[
            pl.BlockSpec((blk, IN_DIM), lambda i: (i, 0)),
            pl.BlockSpec((HID, IN_DIM), lambda i: (0, 0)),
            pl.BlockSpec((HID, IN_DIM), lambda i: (0, 0)),
            pl.BlockSpec((1, HID), lambda i: (0, 0)),
        ],
        out_specs=[
            pl.BlockSpec((blk, HID // 2), lambda i: (i, 0)),
            pl.BlockSpec((blk, HID // 2), lambda i: (i, 0)),
        ],
        out_shape=[
            jax.ShapeDtypeStruct((N_NODES, HID // 2), jnp.int32),
            jax.ShapeDtypeStruct((N_NODES, HID // 2), jnp.int32),
        ],
    )(x, w1a, w1b, b1)


N_CH = 2 * (-(-PER_W // (2 * K)))


def _edge_body(a_hbm, b_hbm, ei_hbm, w2_hbm, b2_hbm, out_hbm,
               ridx_all, cidx_all, ar0, ar1, br0, br1,
               ov0, ov1, hsum, w2v, b2v,
               sa0, sa1, sb0, sb1, so0, so1):
    ar = (ar0, ar1)
    br = (br0, br1)
    ov = (ov0, ov1)
    sa = (sa0, sa1)
    sb = (sb0, sb1)
    so = (so0, so1)

    wid = lax.axis_index("s") * NC + lax.axis_index("c")
    base = pl.multiple_of(wid * PER_W, 8)

    pltpu.sync_copy(w2_hbm, w2v)
    pltpu.sync_copy(b2_hbm, b2v)
    pltpu.sync_copy(ei_hbm.at[0, pl.ds(base, PER_W)], ridx_all)
    pltpu.sync_copy(ei_hbm.at[1, pl.ds(base, PER_W)], cidx_all)
    iota = lax.iota(jnp.int32, L)
    w2c = [w2v[ci] for ci in range(HID // (2 * L))]
    b2c = b2v[...]

    def local_off(c):
        return pl.multiple_of(jnp.minimum(c * K, PER_W - K), 8)

    def offset(c):
        return pl.multiple_of(base + jnp.minimum(c * K, PER_W - K), 8)

    def fetch(c, s):
        sl = local_off(c)
        for q in range(K // KI):
            sq = pl.multiple_of(sl + q * KI, 8)
            dq = pl.ds(q * KI, KI)
            pltpu.async_copy(
                a_hbm.at[ridx_all.at[pl.ds(sq, KI)]], ar[s].at[dq], sa[s])
            pltpu.async_copy(
                b_hbm.at[cidx_all.at[pl.ds(sq, KI)]], br[s].at[dq], sb[s])

    def compute(c, s):
        arows, brows, outv = ar[s], br[s], ov[s]

        @plsc.parallel_loop(0, K, unroll=4)
        def edge(e):
            accs = [jnp.zeros((2 * L,), jnp.bfloat16) for _ in range(2)]
            for ci in range(HID // (2 * L)):
                aw = arows[e, pl.ds(ci * L, L)]
                bw = brows[e, pl.ds(ci * L, L)]
                a2 = plsc.bitcast(aw, jnp.bfloat16)
                b2_ = plsc.bitcast(bw, jnp.bfloat16)
                h = jnp.maximum(a2 + b2_, jnp.bfloat16(0))
                accs[ci % 2] = accs[ci % 2] + h * w2c[ci]
            he, ho = plsc.unpack(accs[0] + accs[1],
                                 format=plsc.PackFormat.INTERLEAVED)
            hsum[pl.ds(e * L, L)] = he + ho

        for g in range(K // L):
            flat = (g * L + iota) * L
            zs = [plsc.load_gather(hsum, [flat + j]) for j in range(L)]
            while len(zs) > 1:
                zs = [zs[i] + zs[i + 1] for i in range(0, len(zs), 2)]
            z = zs[0] + b2c
            outv[pl.ds(g * L, L)] = 1.0 / (1.0 + jnp.exp(-z))

        pltpu.async_copy(outv, out_hbm.at[pl.ds(offset(c), K)], so[s])

    fetch(0, 0)

    def pair(i, _):
        c0 = 2 * i
        for s in range(2):
            c = c0 + s

            @pl.when(c + 1 < N_CH)
            def _():
                fetch(c + 1, 1 - s)

            for q in range(K // KI):
                dq = pl.ds(q * KI, KI)
                pltpu.make_async_copy(
                    a_hbm.at[ridx_all.at[pl.ds(0, KI)]], ar[s].at[dq],
                    sa[s]).wait()
                pltpu.make_async_copy(
                    b_hbm.at[cidx_all.at[pl.ds(0, KI)]], br[s].at[dq],
                    sb[s]).wait()

            @pl.when(c0 > 0)
            def _():
                pltpu.make_async_copy(ov[s], out_hbm.at[pl.ds(0, K)], so[s]).wait()

            compute(c, s)
        return 0

    lax.fori_loop(0, N_CH // 2, pair, 0)

    for s in range(2):
        pltpu.make_async_copy(ov[s], out_hbm.at[pl.ds(0, K)], so[s]).wait()


_edge_kernel = functools.partial(
    pl.kernel,
    out_type=jax.ShapeDtypeStruct((N_EDGES,), jnp.float32),
    mesh=plsc.VectorSubcoreMesh(core_axis_name="c", subcore_axis_name="s"),
    scratch_types=(
        [pltpu.VMEM((PER_W,), jnp.int32)] * 2
        + [pltpu.VMEM((K, HID // 2), jnp.int32)] * 4
        + [pltpu.VMEM((K,), jnp.float32)] * 2
        + [
            pltpu.VMEM((K * L,), jnp.float32),
            pltpu.VMEM((HID // (2 * L), 2 * L), jnp.bfloat16),
            pltpu.VMEM((L,), jnp.float32),
        ]
        + [pltpu.SemaphoreType.DMA] * 6
    ),
    compiler_params=pltpu.CompilerParams(
        needs_layout_passes=False, use_tc_tiling_on_sc=False),
)(_edge_body)


def kernel(x, edge_index, W1, b1, W2, b2):
    ei = edge_index.astype(jnp.int32)
    w1a = W1[:, :IN_DIM]
    w1b = W1[:, IN_DIM:]
    a_tab, b_tab = _make_tables(x, w1a, w1b, b1.reshape(1, HID))
    w2r = (W2.reshape(2, HID // (2 * L), L).transpose(1, 2, 0)
           .reshape(HID // (2 * L), 2 * L).astype(jnp.bfloat16))
    b2v = jnp.broadcast_to(b2, (L,)).astype(jnp.float32)
    return _edge_kernel(a_tab, b_tab, ei, w2r, b2v)

# --- scband reference (transcript-rebuilt; emitter-appended) ---
"""Pipeline reference for scband-edge-mask-generator-8916352106738 (READ-ONLY COPY).

The authoritative reference and input builder live on the scoring server;
editing this copy changes nothing except your own understanding.
"""

import jax, jax.numpy as jnp
import numpy as np

IN_DIM = 128
HIDDEN_DIM = 128
TEMPERATURE = 1.0
N_NODES = 10000
N_EDGES = 320000


def setup_inputs(seed: int = 0) -> dict:
    key = jax.random.key(seed)
    k_x, k_ei, k_w1, k_b1, k_w2, k_b2 = jax.random.split(key, 6)
    x = jax.random.normal(k_x, (N_NODES, IN_DIM), dtype=jnp.float32)
    edge_index = jax.random.randint(k_ei, (2, N_EDGES), 0, N_NODES, dtype=jnp.int64)
    # nn.Linear(2*in_dim, hidden_dim): weight (hidden, 2*in), bias (hidden,)
    lim1 = 1.0 / np.sqrt(2 * IN_DIM)
    W1 = jax.random.uniform(k_w1, (HIDDEN_DIM, 2 * IN_DIM), minval=-lim1, maxval=lim1, dtype=jnp.float32)
    b1 = jax.random.uniform(k_b1, (HIDDEN_DIM,), minval=-lim1, maxval=lim1, dtype=jnp.float32)
    lim2 = 1.0 / np.sqrt(HIDDEN_DIM)
    W2 = jax.random.uniform(k_w2, (1, HIDDEN_DIM), minval=-lim2, maxval=lim2, dtype=jnp.float32)
    b2 = jax.random.uniform(k_b2, (1,), minval=-lim2, maxval=lim2, dtype=jnp.float32)
    return {"x": x, "edge_index": edge_index, "W1": W1, "b1": b1, "W2": W2, "b2": b2}


def reference(x, edge_index, W1, b1, W2, b2):
    row = edge_index[0]
    col = edge_index[1]
    x_i = jnp.take(x, row, axis=0)
    x_j = jnp.take(x, col, axis=0)
    edge_feat = jnp.concatenate([x_i, x_j], axis=-1)  # (E, 2*in_dim)
    h = edge_feat @ W1.T + b1
    h = jax.nn.relu(h)
    logits = (h @ W2.T + b2).squeeze(-1)  # (E,)
    m = jax.nn.sigmoid(logits / max(TEMPERATURE, 1e-06)).reshape(-1)
    return m

if __name__ == "__main__":
    import jax
    _d = setup_inputs()
    print(jax.jit(kernel)(*tuple(_d.values())))

</pallas_src>

<mosaic_0001>
#map = affine_map<(d0, d1) -> (0, 0)>
#map1 = affine_map<(d0, d1) -> (0)>
module attributes {stable_mosaic.version = 14 : i64} {
  func.func @_edge_body(%arg0: i32, %arg1: i32, %arg2: memref<10000x64xi32, #tpu.memory_space<hbm>>, %arg3: memref<10000x64xi32, #tpu.memory_space<hbm>>, %arg4: memref<2x320000xi32, #tpu.memory_space<hbm>>, %arg5: memref<4x32xbf16, #tpu.memory_space<hbm>>, %arg6: memref<16xf32, #tpu.memory_space<hbm>>, %arg7: memref<320000xf32, #tpu.memory_space<hbm>>, %arg8: memref<10000xi32, #tpu.memory_space<vmem>>, %arg9: memref<10000xi32, #tpu.memory_space<vmem>>, %arg10: memref<256x64xi32, #tpu.memory_space<vmem>>, %arg11: memref<256x64xi32, #tpu.memory_space<vmem>>, %arg12: memref<256x64xi32, #tpu.memory_space<vmem>>, %arg13: memref<256x64xi32, #tpu.memory_space<vmem>>, %arg14: memref<256xf32, #tpu.memory_space<vmem>>, %arg15: memref<256xf32, #tpu.memory_space<vmem>>, %arg16: memref<4096xf32, #tpu.memory_space<vmem>>, %arg17: memref<4x32xbf16, #tpu.memory_space<vmem>>, %arg18: memref<16xf32, #tpu.memory_space<vmem>>, %arg19: memref<!tpu.dma_semaphore, #tpu.memory_space<semaphore_mem>>, %arg20: memref<!tpu.dma_semaphore, #tpu.memory_space<semaphore_mem>>, %arg21: memref<!tpu.dma_semaphore, #tpu.memory_space<semaphore_mem>>, %arg22: memref<!tpu.dma_semaphore, #tpu.memory_space<semaphore_mem>>, %arg23: memref<!tpu.dma_semaphore, #tpu.memory_space<semaphore_mem>>, %arg24: memref<!tpu.dma_semaphore, #tpu.memory_space<semaphore_mem>>) attributes {dimension_semantics = [#tpu.dimension_semantics<core_parallel>, #tpu.dimension_semantics<subcore_parallel>], iteration_bounds = array<i64: 2, 16>, scalar_prefetch = 0 : i64, scratch_operands = 17 : i64, tpu.core_type = #tpu.core_type<sc_vector_subcore>, window_params = [{transform_indices = #map}, {transform_indices = #map}, {transform_indices = #map}, {transform_indices = #map}, {transform_indices = #map1}, {transform_indices = #map1}]} {
    %mul3A = arith.constant 2 : i32
    %mul3A_0 = arith.muli %arg1, %mul3A : i32
    %add3A = arith.addi %mul3A_0, %arg0 : i32
    %mul3A_1 = arith.constant 10000 : i32
    %mul3A_2 = arith.muli %add3A, %mul3A_1 : i32
    %multiple_of3A = tpu.assume_multiple %mul3A_2, 8 : i32
    "tpu.region"() ({
      %run_scoped3A_70 = tpu.sem_alloc : memref<!tpu.dma_semaphore, #tpu.memory_space<semaphore_mem>>
      tpu.enqueue_dma source(%arg5 : memref<4x32xbf16, #tpu.memory_space<hbm>>) target(%arg17 : memref<4x32xbf16, #tpu.memory_space<vmem>>) target_semaphore(%run_scoped3A_70 : memref<!tpu.dma_semaphore, #tpu.memory_space<semaphore_mem>>)
      tpu.wait_dma2 semaphore(%run_scoped3A_70 : memref<!tpu.dma_semaphore, #tpu.memory_space<semaphore_mem>>) src(%arg5 : memref<4x32xbf16, #tpu.memory_space<hbm>>) dst(%arg17 : memref<4x32xbf16, #tpu.memory_space<vmem>>)
      tpu.yield
    }) : () -> ()
    "tpu.region"() ({
      %run_scoped3A_70 = tpu.sem_alloc : memref<!tpu.dma_semaphore, #tpu.memory_space<semaphore_mem>>
      tpu.enqueue_dma source(%arg6 : memref<16xf32, #tpu.memory_space<hbm>>) target(%arg18 : memref<16xf32, #tpu.memory_space<vmem>>) target_semaphore(%run_scoped3A_70 : memref<!tpu.dma_semaphore, #tpu.memory_space<semaphore_mem>>)
      tpu.wait_dma2 semaphore(%run_scoped3A_70 : memref<!tpu.dma_semaphore, #tpu.memory_space<semaphore_mem>>) src(%arg6 : memref<16xf32, #tpu.memory_space<hbm>>) dst(%arg18 : memref<16xf32, #tpu.memory_space<vmem>>)
      tpu.yield
    }) : () -> ()
    %run_scoped3A = arith.constant 0 : i32
    "tpu.region"() ({
      %run_scoped3A_70 = tpu.sem_alloc : memref<!tpu.dma_semaphore, #tpu.memory_space<semaphore_mem>>
      %dma_start3A_71 = tpu.memref_slice %arg4[%run_scoped3A, %multiple_of3A] : memref<2x320000xi32, #tpu.memory_space<hbm>> -> memref<1x10000xi32, #tpu.memory_space<hbm>>
      %dma_start3A_72 = tpu.memref_squeeze %dma_start3A_71 : memref<1x10000xi32, #tpu.memory_space<hbm>> -> memref<10000xi32, #tpu.memory_space<hbm>>
      %dma_start3A_73 = tpu.memref_slice %arg4[%run_scoped3A, %multiple_of3A] : memref<2x320000xi32, #tpu.memory_space<hbm>> -> memref<1x10000xi32, #tpu.memory_space<hbm>>
      %dma_start3A_74 = tpu.memref_squeeze %dma_start3A_73 : memref<1x10000xi32, #tpu.memory_space<hbm>> -> memref<10000xi32, #tpu.memory_space<hbm>>
      tpu.enqueue_dma source(%dma_start3A_74 : memref<10000xi32, #tpu.memory_space<hbm>>) target(%arg8 : memref<10000xi32, #tpu.memory_space<vmem>>) target_semaphore(%run_scoped3A_70 : memref<!tpu.dma_semaphore, #tpu.memory_space<semaphore_mem>>)
      %dma_wait3A_75 = tpu.memref_slice %arg4[%run_scoped3A, %multiple_of3A] : memref<2x320000xi32, #tpu.memory_space<hbm>> -> memref<1x10000xi32, #tpu.memory_space<hbm>>
      %dma_wait3A_76 = tpu.memref_squeeze %dma_wait3A_75 : memref<1x10000xi32, #tpu.memory_space<hbm>> -> memref<10000xi32, #tpu.memory_space<hbm>>
      %dma_wait3A_77 = tpu.memref_slice %arg4[%run_scoped3A, %multiple_of3A] : memref<2x320000xi32, #tpu.memory_space<hbm>> -> memref<1x10000xi32, #tpu.memory_space<hbm>>
      %dma_wait3A_78 = tpu.memref_squeeze %dma_wait3A_77 : memref<1x10000xi32, #tpu.memory_space<hbm>> -> memref<10000xi32, #tpu.memory_space<hbm>>
      tpu.wait_dma2 semaphore(%run_scoped3A_70 : memref<!tpu.dma_semaphore, #tpu.memory_space<semaphore_mem>>) src(%dma_wait3A_78 : memref<10000xi32, #tpu.memory_space<hbm>>) dst(%arg8 : memref<10000xi32, #tpu.memory_space<vmem>>)
      tpu.yield
    }) : () -> ()
    %run_scoped3A_3 = arith.constant 1 : i32
    "tpu.region"() ({
      %run_scoped3A_70 = tpu.sem_alloc : memref<!tpu.dma_semaphore, #tpu.memory_space<semaphore_mem>>
      %dma_start3A_71 = tpu.memref_slice %arg4[%run_scoped3A_3, %multiple_of3A] : memref<2x320000xi32, #tpu.memory_space<hbm>> -> memref<1x10000xi32, #tpu.memory_space<hbm>>
      %dma_start3A_72 = tpu.memref_squeeze %dma_start3A_71 : memref<1x10000xi32, #tpu.memory_space<hbm>> -> memref<10000xi32, #tpu.memory_space<hbm>>
      %dma_start3A_73 = tpu.memref_slice %arg4[%run_scoped3A_3, %multiple_of3A] : memref<2x320000xi32, #tpu.memory_space<hbm>> -> memref<1x10000xi32, #tpu.memory_space<hbm>>
      %dma_start3A_74 = tpu.memref_squeeze %dma_start3A_73 : memref<1x10000xi32, #tpu.memory_space<hbm>> -> memref<10000xi32, #tpu.memory_space<hbm>>
      tpu.enqueue_dma source(%dma_start3A_74 : memref<10000xi32, #tpu.memory_space<hbm>>) target(%arg9 : memref<10000xi32, #tpu.memory_space<vmem>>) target_semaphore(%run_scoped3A_70 : memref<!tpu.dma_semaphore, #tpu.memory_space<semaphore_mem>>)
      %dma_wait3A_75 = tpu.memref_slice %arg4[%run_scoped3A_3, %multiple_of3A] : memref<2x320000xi32, #tpu.memory_space<hbm>> -> memref<1x10000xi32, #tpu.memory_space<hbm>>
      %dma_wait3A_76 = tpu.memref_squeeze %dma_wait3A_75 : memref<1x10000xi32, #tpu.memory_space<hbm>> -> memref<10000xi32, #tpu.memory_space<hbm>>
      %dma_wait3A_77 = tpu.memref_slice %arg4[%run_scoped3A_3, %multiple_of3A] : memref<2x320000xi32, #tpu.memory_space<hbm>> -> memref<1x10000xi32, #tpu.memory_space<hbm>>
      %dma_wait3A_78 = tpu.memref_squeeze %dma_wait3A_77 : memref<1x10000xi32, #tpu.memory_space<hbm>> -> memref<10000xi32, #tpu.memory_space<hbm>>
      tpu.wait_dma2 semaphore(%run_scoped3A_70 : memref<!tpu.dma_semaphore, #tpu.memory_space<semaphore_mem>>) src(%dma_wait3A_78 : memref<10000xi32, #tpu.memory_space<hbm>>) dst(%arg9 : memref<10000xi32, #tpu.memory_space<vmem>>)
      tpu.yield
    }) : () -> ()
    %iota3A = tpu.iota {dimensions = array<i32: 0>} : vector<16xi32>
    %get3A = arith.constant 0 : i32
    %get3A_4 = arith.index_cast %get3A : i32 to index
    %get3A_5 = arith.constant 0 : index
    %get3A_6 = tpu.vector_load %arg17[%get3A_4, %get3A_5] {strides = array<i32>} : memref<4x32xbf16, #tpu.memory_space<vmem>>, vector<32xbf16>,
    %get3A_7 = arith.constant 1 : i32
    %get3A_8 = arith.index_cast %get3A_7 : i32 to index
    %get3A_9 = arith.constant 0 : index
    %get3A_10 = tpu.vector_load %arg17[%get3A_8, %get3A_9] {strides = array<i32>} : memref<4x32xbf16, #tpu.memory_space<vmem>>, vector<32xbf16>,
    %get3A_11 = arith.constant 2 : i32
    %get3A_12 = arith.index_cast %get3A_11 : i32 to index
    %get3A_13 = arith.constant 0 : index
    %get3A_14 = tpu.vector_load %arg17[%get3A_12, %get3A_13] {strides = array<i32>} : memref<4x32xbf16, #tpu.memory_space<vmem>>, vector<32xbf16>,
    %get3A_15 = arith.constant 3 : i32
    %get3A_16 = arith.index_cast %get3A_15 : i32 to index
    %get3A_17 = arith.constant 0 : index
    %get3A_18 = tpu.vector_load %arg17[%get3A_16, %get3A_17] {strides = array<i32>} : memref<4x32xbf16, #tpu.memory_space<vmem>>, vector<32xbf16>,
    %get3A_19 = arith.constant 0 : index
    %get3A_20 = tpu.vector_load %arg18[%get3A_19] {strides = array<i32>} : memref<16xf32, #tpu.memory_space<vmem>>, vector<16xf32>,
    %min3A = arith.constant 0 : i32
    %min3A_21 = arith.constant 9744 : i32
    %min3A_22 = arith.minsi %min3A, %min3A_21 : i32
    %multiple_of3A_23 = tpu.assume_multiple %min3A_22, 8 : i32
    %add3A_24 = arith.constant 0 : i32
    %add3A_25 = arith.addi %multiple_of3A_23, %add3A_24 : i32
    %multiple_of3A_26 = tpu.assume_multiple %add3A_25, 8 : i32
    %dma_start3A = arith.constant 0 : i32
    %dma_start3A_27 = arith.constant 0 : i32
    %dma_start3A_28 = tpu.memref_slice %arg10[%dma_start3A, %dma_start3A_27] : memref<256x64xi32, #tpu.memory_space<vmem>> -> memref<128x64xi32, #tpu.memory_space<vmem>>
    %dma_start3A_29 = tpu.memref_slice %arg8[%multiple_of3A_26] : memref<10000xi32, #tpu.memory_space<vmem>> -> memref<128xi32, #tpu.memory_space<vmem>>
    %dma_start3A_30 = arith.constant 0 : i32
    %dma_start3A_31 = arith.constant 0 : i32
    %dma_start3A_32 = tpu.memref_slice %arg2[%dma_start3A_30, %dma_start3A_31] : memref<10000x64xi32, #tpu.memory_space<hbm>> -> memref<10000x64xi32, #tpu.memory_space<hbm>>
    tpu.enqueue_indirect_dma source(%dma_start3A_32 : memref<10000x64xi32, #tpu.memory_space<hbm>>) target(%dma_start3A_28 : memref<128x64xi32, #tpu.memory_space<vmem>>) offsets(%dma_start3A_29 : memref<128xi32, #tpu.memory_space<vmem>>) semaphore(%arg19 : memref<!tpu.dma_semaphore, #tpu.memory_space<semaphore_mem>>)
    %dma_start3A_33 = arith.constant 0 : i32
    %dma_start3A_34 = arith.constant 0 : i32
    %dma_start3A_35 = tpu.memref_slice %arg12[%dma_start3A_33, %dma_start3A_34] : memref<256x64xi32, #tpu.memory_space<vmem>> -> memref<128x64xi32, #tpu.memory_space<vmem>>
    %dma_start3A_36 = tpu.memref_slice %arg9[%multiple_of3A_26] : memref<10000xi32, #tpu.memory_space<vmem>> -> memref<128xi32, #tpu.memory_space<vmem>>
    %dma_start3A_37 = arith.constant 0 : i32
    %dma_start3A_38 = arith.constant 0 : i32
    %dma_start3A_39 = tpu.memref_slice %arg3[%dma_start3A_37, %dma_start3A_38] : memref<10000x64xi32, #tpu.memory_space<hbm>> -> memref<10000x64xi32, #tpu.memory_space<hbm>>
    tpu.enqueue_indirect_dma source(%dma_start3A_39 : memref<10000x64xi32, #tpu.memory_space<hbm>>) target(%dma_start3A_35 : memref<128x64xi32, #tpu.memory_space<vmem>>) offsets(%dma_start3A_36 : memref<128xi32, #tpu.memory_space<vmem>>) semaphore(%arg21 : memref<!tpu.dma_semaphore, #tpu.memory_space<semaphore_mem>>)
    %add3A_40 = arith.constant 128 : i32
    %add3A_41 = arith.addi %multiple_of3A_23, %add3A_40 : i32
    %multiple_of3A_42 = tpu.assume_multiple %add3A_41, 8 : i32
    %dma_start3A_43 = arith.constant 128 : i32
    %dma_start3A_44 = arith.constant 0 : i32
    %dma_start3A_45 = tpu.memref_slice %arg10[%dma_start3A_43, %dma_start3A_44] : memref<256x64xi32, #tpu.memory_space<vmem>> -> memref<128x64xi32, #tpu.memory_space<vmem>>
    %dma_start3A_46 = tpu.memref_slice %arg8[%multiple_of3A_42] : memref<10000xi32, #tpu.memory_space<vmem>> -> memref<128xi32, #tpu.memory_space<vmem>>
    %dma_start3A_47 = arith.constant 0 : i32
    %dma_start3A_48 = arith.constant 0 : i32
    %dma_start3A_49 = tpu.memref_slice %arg2[%dma_start3A_47, %dma_start3A_48] : memref<10000x64xi32, #tpu.memory_space<hbm>> -> memref<10000x64xi32, #tpu.memory_space<hbm>>
    tpu.enqueue_indirect_dma source(%dma_start3A_49 : memref<10000x64xi32, #tpu.memory_space<hbm>>) target(%dma_start3A_45 : memref<128x64xi32, #tpu.memory_space<vmem>>) offsets(%dma_start3A_46 : memref<128xi32, #tpu.memory_space<vmem>>) semaphore(%arg19 : memref<!tpu.dma_semaphore, #tpu.memory_space<semaphore_mem>>)
    %dma_start3A_50 = arith.constant 128 : i32
    %dma_start3A_51 = arith.constant 0 : i32
    %dma_start3A_52 = tpu.memref_slice %arg12[%dma_start3A_50, %dma_start3A_51] : memref<256x64xi32, #tpu.memory_space<vmem>> -> memref<128x64xi32, #tpu.memory_space<vmem>>
    %dma_start3A_53 = tpu.memref_slice %arg9[%multiple_of3A_42] : memref<10000xi32, #tpu.memory_space<vmem>> -> memref<128xi32, #tpu.memory_space<vmem>>
    %dma_start3A_54 = arith.constant 0 : i32
    %dma_start3A_55 = arith.constant 0 : i32
    %dma_start3A_56 = tpu.memref_slice %arg3[%dma_start3A_54, %dma_start3A_55] : memref<10000x64xi32, #tpu.memory_space<hbm>> -> memref<10000x64xi32, #tpu.memory_space<hbm>>
    tpu.enqueue_indirect_dma source(%dma_start3A_56 : memref<10000x64xi32, #tpu.memory_space<hbm>>) target(%dma_start3A_52 : memref<128x64xi32, #tpu.memory_space<vmem>>) offsets(%dma_start3A_53 : memref<128xi32, #tpu.memory_space<vmem>>) semaphore(%arg21 : memref<!tpu.dma_semaphore, #tpu.memory_space<semaphore_mem>>)
    %scan3A = arith.constant 0 : i32
    %scan3A_57 = arith.constant 0 : i32
    %scan3A_58 = arith.constant 20 : i32
    %scan3A_59 = arith.addi %scan3A_57, %scan3A_58 : i32
    %scan3A_60 = arith.constant 1 : i32
    %scan3A_61 = scf.for %scan3A_70 = %scan3A_57 to %scan3A_59 step %scan3A_60 iter_args(%scan3A_71 = %scan3A) -> (i32)  : i32 {
      %mul3A_72 = arith.constant 2 : i32
      %mul3A_73 = arith.muli %mul3A_72, %scan3A_70 : i32
      %add3A_74 = arith.constant 0 : i32
      %add3A_75 = arith.addi %mul3A_73, %add3A_74 : i32
      %add3A_76 = arith.constant 1 : i32
      %add3A_77 = arith.addi %add3A_75, %add3A_76 : i32
      %lt3A = arith.constant 40 : i32
      %lt3A_78 = arith.cmpi slt, %add3A_77, %lt3A : i32
      %convert_element_type3A = arith.extui %lt3A_78 : i1 to i32
      %cond3A = arith.constant 0 : i32
      %cond3A_79 = arith.cmpi ne, %convert_element_type3A, %cond3A : i32
      scf.if %cond3A_79 {
        %add3A_3315 = arith.constant 1 : i32
        %add3A_3316 = arith.addi %add3A_75, %add3A_3315 : i32
        %mul3A_3317 = arith.constant 256 : i32
        %mul3A_3318 = arith.muli %add3A_3316, %mul3A_3317 : i32
        %min3A_3319 = arith.constant 9744 : i32
        %min3A_3320 = arith.minsi %mul3A_3318, %min3A_3319 : i32
        %multiple_of3A_3321 = tpu.assume_multiple %min3A_3320, 8 : i32
        %add3A_3322 = arith.constant 0 : i32
        %add3A_3323 = arith.addi %multiple_of3A_3321, %add3A_3322 : i32
        %multiple_of3A_3324 = tpu.assume_multiple %add3A_3323, 8 : i32
        %dma_start3A_3325 = arith.constant 0 : i32
        %dma_start3A_3326 = arith.constant 0 : i32
        %dma_start3A_3327 = tpu.memref_slice %arg11[%dma_start3A_3325, %dma_start3A_3326] : memref<256x64xi32, #tpu.memory_space<vmem>> -> memref<128x64xi32, #tpu.memory_space<vmem>>
        %dma_start3A_3328 = tpu.memref_slice %arg8[%multiple_of3A_3324] : memref<10000xi32, #tpu.memory_space<vmem>> -> memref<128xi32, #tpu.memory_space<vmem>>
        %dma_start3A_3329 = arith.constant 0 : i32
        %dma_start3A_3330 = arith.constant 0 : i32
        %dma_start3A_3331 = tpu.memref_slice %arg2[%dma_start3A_3329, %dma_start3A_3330] : memref<10000x64xi32, #tpu.memory_space<hbm>> -> memref<10000x64xi32, #tpu.memory_space<hbm>>
        tpu.enqueue_indirect_dma source(%dma_start3A_3331 : memref<10000x64xi32, #tpu.memory_space<hbm>>) target(%dma_start3A_3327 : memref<128x64xi32, #tpu.memory_space<vmem>>) offsets(%dma_start3A_3328 : memref<128xi32, #tpu.memory_space<vmem>>) semaphore(%arg20 : memref<!tpu.dma_semaphore, #tpu.memory_space<semaphore_mem>>)
        %dma_start3A_3332 = arith.constant 0 : i32
        %dma_start3A_3333 = arith.constant 0 : i32
        %dma_start3A_3334 = tpu.memref_slice %arg13[%dma_start3A_3332, %dma_start3A_3333] : memref<256x64xi32, #tpu.memory_space<vmem>> -> memref<128x64xi32, #tpu.memory_space<vmem>>
        %dma_start3A_3335 = tpu.memref_slice %arg9[%multiple_of3A_3324] : memref<10000xi32, #tpu.memory_space<vmem>> -> memref<128xi32, #tpu.memory_space<vmem>>
        %dma_start3A_3336 = arith.constant 0 : i32
        %dma_start3A_3337 = arith.constant 0 : i32
        %dma_start3A_3338 = tpu.memref_slice %arg3[%dma_start3A_3336, %dma_start3A_3337] : memref<10000x64xi32, #tpu.memory_space<hbm>> -> memref<10000x64xi32, #tpu.memory_space<hbm>>
        tpu.enqueue_indirect_dma source(%dma_start3A_3338 : memref<10000x64xi32, #tpu.memory_space<hbm>>) target(%dma_start3A_3334 : memref<128x64xi32, #tpu.memory_space<vmem>>) offsets(%dma_start3A_3335 : memref<128xi32, #tpu.memory_space<vmem>>) semaphore(%arg22 : memref<!tpu.dma_semaphore, #tpu.memory_space<semaphore_mem>>)
        %add3A_3339 = arith.constant 128 : i32
        %add3A_3340 = arith.addi %multiple_of3A_3321, %add3A_3339 : i32
        %multiple_of3A_3341 = tpu.assume_multiple %add3A_3340, 8 : i32
        %dma_start3A_3342 = arith.constant 128 : i32
        %dma_start3A_3343 = arith.constant 0 : i32
        %dma_start3A_3344 = tpu.memref_slice %arg11[%dma_start3A_3342, %dma_start3A_3343] : memref<256x64xi32, #tpu.memory_space<vmem>> -> memref<128x64xi32, #tpu.memory_space<vmem>>
        %dma_start3A_3345 = tpu.memref_slice %arg8[%multiple_of3A_3341] : memref<10000xi32, #tpu.memory_space<vmem>> -> memref<128xi32, #tpu.memory_space<vmem>>
        %dma_start3A_3346 = arith.constant 0 : i32
        %dma_start3A_3347 = arith.constant 0 : i32
        %dma_start3A_3348 = tpu.memref_slice %arg2[%dma_start3A_3346, %dma_start3A_3347] : memref<10000x64xi32, #tpu.memory_space<hbm>> -> memref<10000x64xi32, #tpu.memory_space<hbm>>
        tpu.enqueue_indirect_dma source(%dma_start3A_3348 : memref<10000x64xi32, #tpu.memory_space<hbm>>) target(%dma_start3A_3344 : memref<128x64xi32, #tpu.memory_space<vmem>>) offsets(%dma_start3A_3345 : memref<128xi32, #tpu.memory_space<vmem>>) semaphore(%arg20 : memref<!tpu.dma_semaphore, #tpu.memory_space<semaphore_mem>>)
        %dma_start3A_3349 = arith.constant 128 : i32
        %dma_start3A_3350 = arith.constant 0 : i32
        %dma_start3A_3351 = tpu.memref_slice %arg13[%dma_start3A_3349, %dma_start3A_3350] : memref<256x64xi32, #tpu.memory_space<vmem>> -> memref<128x64xi32, #tpu.memory_space<vmem>>
        %dma_start3A_3352 = tpu.memref_slice %arg9[%multiple_of3A_3341] : memref<10000xi32, #tpu.memory_space<vmem>> -> memref<128xi32, #tpu.memory_space<vmem>>
        %dma_start3A_3353 = arith.constant 0 : i32
        %dma_start3A_3354 = arith.constant 0 : i32
        %dma_start3A_3355 = tpu.memref_slice %arg3[%dma_start3A_3353, %dma_start3A_3354] : memref<10000x64xi32, #tpu.memory_space<hbm>> -> memref<10000x64xi32, #tpu.memory_space<hbm>>
        tpu.enqueue_indirect_dma source(%dma_start3A_3355 : memref<10000x64xi32, #tpu.memory_space<hbm>>) target(%dma_start3A_3351 : memref<128x64xi32, #tpu.memory_space<vmem>>) offsets(%dma_start3A_3352 : memref<128xi32, #tpu.memory_space<vmem>>) semaphore(%arg22 : memref<!tpu.dma_semaphore, #tpu.memory_space<semaphore_mem>>)
      } else {
      }
      %dma_wait3A_80 = arith.constant 0 : i32
      %dma_wait3A_81 = arith.constant 0 : i32
      %dma_wait3A_82 = tpu.memref_slice %arg10[%dma_wait3A_80, %dma_wait3A_81] : memref<256x64xi32, #tpu.memory_space<vmem>> -> memref<128x64xi32, #tpu.memory_space<vmem>>
      %dma_wait3A_83 = arith.constant 0 : i32
      %dma_wait3A_84 = tpu.memref_slice %arg8[%dma_wait3A_83] : memref<10000xi32, #tpu.memory_space<vmem>> -> memref<128xi32, #tpu.memory_space<vmem>>
      %dma_wait3A_85 = arith.constant 0 : i32
      %dma_wait3A_86 = arith.constant 0 : i32
      %dma_wait3A_87 = tpu.memref_slice %arg2[%dma_wait3A_85, %dma_wait3A_86] : memref<10000x64xi32, #tpu.memory_space<hbm>> -> memref<10000x64xi32, #tpu.memory_space<hbm>>
      tpu.wait_indirect_dma semaphore(%arg19 : memref<!tpu.dma_semaphore, #tpu.memory_space<semaphore_mem>>) src(%dma_wait3A_87 : memref<10000x64xi32, #tpu.memory_space<hbm>>) dst(%dma_wait3A_82 : memref<128x64xi32, #tpu.memory_space<vmem>>)
      %dma_wait3A_88 = arith.constant 0 : i32
      %dma_wait3A_89 = arith.constant 0 : i32
      %dma_wait3A_90 = tpu.memref_slice %arg12[%dma_wait3A_88, %dma_wait3A_89] : memref<256x64xi32, #tpu.memory_space<vmem>> -> memref<128x64xi32, #tpu.memory_space<vmem>>
      %dma_wait3A_91 = arith.constant 0 : i32
      %dma_wait3A_92 = tpu.memref_slice %arg9[%dma_wait3A_91] : memref<10000xi32, #tpu.memory_space<vmem>> -> memref<128xi32, #tpu.memory_space<vmem>>
      %dma_wait3A_93 = arith.constant 0 : i32
      %dma_wait3A_94 = arith.constant 0 : i32
      %dma_wait3A_95 = tpu.memref_slice %arg3[%dma_wait3A_93, %dma_wait3A_94] : memref<10000x64xi32, #tpu.memory_space<hbm>> -> memref<10000x64xi32, #tpu.memory_space<hbm>>
      tpu.wait_indirect_dma semaphore(%arg21 : memref<!tpu.dma_semaphore, #tpu.memory_space<semaphore_mem>>) src(%dma_wait3A_95 : memref<10000x64xi32, #tpu.memory_space<hbm>>) dst(%dma_wait3A_90 : memref<128x64xi32, #tpu.memory_space<vmem>>)
      %dma_wait3A_96 = arith.constant 128 : i32
      %dma_wait3A_97 = arith.constant 0 : i32
      %dma_wait3A_98 = tpu.memref_slice %arg10[%dma_wait3A_96, %dma_wait3A_97] : memref<256x64xi32, #tpu.memory_space<vmem>> -> memref<128x64xi32, #tpu.memory_space<vmem>>
      %dma_wait3A_99 = arith.constant 0 : i32
      %dma_wait3A_100 = tpu.memref_slice %arg8[%dma_wait3A_99] : memref<10000xi32, #tpu.memory_space<vmem>> -> memref<128xi32, #tpu.memory_space<vmem>>
      %dma_wait3A_101 = arith.constant 0 : i32
      %dma_wait3A_102 = arith.constant 0 : i32
      %dma_wait3A_103 = tpu.memref_slice %arg2[%dma_wait3A_101, %dma_wait3A_102] : memref<10000x64xi32, #tpu.memory_space<hbm>> -> memref<10000x64xi32, #tpu.memory_space<hbm>>
      tpu.wait_indirect_dma semaphore(%arg19 : memref<!tpu.dma_semaphore, #tpu.memory_space<semaphore_mem>>) src(%dma_wait3A_103 : memref<10000x64xi32, #tpu.memory_space<hbm>>) dst(%dma_wait3A_98 : memref<128x64xi32, #tpu.memory_space<vmem>>)
      %dma_wait3A_104 = arith.constant 128 : i32
      %dma_wait3A_105 = arith.constant 0 : i32
      %dma_wait3A_106 = tpu.memref_slice %arg12[%dma_wait3A_104, %dma_wait3A_105] : memref<256x64xi32, #tpu.memory_space<vmem>> -> memref<128x64xi32, #tpu.memory_space<vmem>>
      %dma_wait3A_107 = arith.constant 0 : i32
      %dma_wait3A_108 = tpu.memref_slice %arg9[%dma_wait3A_107] : memref<10000xi32, #tpu.memory_space<vmem>> -> memref<128xi32, #tpu.memory_space<vmem>>
      %dma_wait3A_109 = arith.constant 0 : i32
      %dma_wait3A_110 = arith.constant 0 : i32
      %dma_wait3A_111 = tpu.memref_slice %arg3[%dma_wait3A_109, %dma_wait3A_110] : memref<10000x64xi32, #tpu.memory_space<hbm>> -> memref<10000x64xi32, #tpu.memory_space<hbm>>
      tpu.wait_indirect_dma semaphore(%arg21 : memref<!tpu.dma_semaphore, #tpu.memory_space<semaphore_mem>>) src(%dma_wait3A_111 : memref<10000x64xi32, #tpu.memory_space<hbm>>) dst(%dma_wait3A_106 : memref<128x64xi32, #tpu.memory_space<vmem>>)
      %gt3A = arith.constant 0 : i32
      %gt3A_112 = arith.cmpi sgt, %mul3A_73, %gt3A : i32
      %convert_element_type3A_113 = arith.extui %gt3A_112 : i1 to i32
      %cond3A_114 = arith.constant 0 : i32
      %cond3A_115 = arith.cmpi ne, %convert_element_type3A_113, %cond3A_114 : i32
      scf.if %cond3A_115 {
        %dma_wait3A_3315 = arith.constant 0 : i32
        %dma_wait3A_3316 = tpu.memref_slice %arg7[%dma_wait3A_3315] : memref<320000xf32, #tpu.memory_space<hbm>> -> memref<256xf32, #tpu.memory_space<hbm>>
        %dma_wait3A_3317 = arith.constant 0 : i32
        %dma_wait3A_3318 = tpu.memref_slice %arg7[%dma_wait3A_3317] : memref<320000xf32, #tpu.memory_space<hbm>> -> memref<256xf32, #tpu.memory_space<hbm>>
        tpu.wait_dma2 semaphore(%arg23 : memref<!tpu.dma_semaphore, #tpu.memory_space<semaphore_mem>>) src(%arg14 : memref<256xf32, #tpu.memory_space<vmem>>) dst(%dma_wait3A_3318 : memref<256xf32, #tpu.memory_space<hbm>>)
      } else {
      }
      %parallel_loop3A = arith.constant 0 : i32
      %parallel_loop3A_116 = arith.constant 256 : i32
      %parallel_loop3A_117 = arith.constant 1 : i32
      scf.for %parallel_loop3A_3315 = %parallel_loop3A to %parallel_loop3A_116 step %parallel_loop3A_117  : i32 {
        %parallel_loop3A_3316 = arith.constant 0.000000e+00 : bf16
        %parallel_loop3A_3317 = vector.broadcast %parallel_loop3A_3316 : bf16 to vector<32xbf16>
        %parallel_loop3A_3318 = arith.constant 0.000000e+00 : bf16
        %parallel_loop3A_3319 = vector.broadcast %parallel_loop3A_3318 : bf16 to vector<32xbf16>
        %parallel_loop3A_3320 = arith.index_cast %parallel_loop3A_3315 : i32 to index
        %parallel_loop3A_3321 = arith.constant 0 : index
        %parallel_loop3A_3322 = tpu.vector_load %arg10[%parallel_loop3A_3320, %parallel_loop3A_3321] {strides = array<i32>} : memref<256x64xi32, #tpu.memory_space<vmem>>, vector<16xi32>,
        %parallel_loop3A_3323 = arith.index_cast %parallel_loop3A_3315 : i32 to index
        %parallel_loop3A_3324 = arith.constant 0 : index
        %parallel_loop3A_3325 = tpu.vector_load %arg12[%parallel_loop3A_3323, %parallel_loop3A_3324] {strides = array<i32>} : memref<256x64xi32, #tpu.memory_space<vmem>>, vector<16xi32>,
        %parallel_loop3A_3326 = vector.bitcast %parallel_loop3A_3322 : vector<16xi32> to vector<32xbf16>
        %parallel_loop3A_3327 = vector.bitcast %parallel_loop3A_3325 : vector<16xi32> to vector<32xbf16>
        %parallel_loop3A_3328 = arith.addf %parallel_loop3A_3326, %parallel_loop3A_3327 : vector<32xbf16>
        %parallel_loop3A_3329 = arith.constant 0.000000e+00 : bf16
        %parallel_loop3A_3330 = vector.broadcast %parallel_loop3A_3329 : bf16 to vector<32xbf16>
        %parallel_loop3A_3331 = arith.maximumf %parallel_loop3A_3328, %parallel_loop3A_3330 : vector<32xbf16>
        %parallel_loop3A_3332 = arith.mulf %parallel_loop3A_3331, %get3A_6 : vector<32xbf16>
        %parallel_loop3A_3333 = arith.addf %parallel_loop3A_3317, %parallel_loop3A_3332 : vector<32xbf16>
        %parallel_loop3A_3334 = arith.index_cast %parallel_loop3A_3315 : i32 to index
        %parallel_loop3A_3335 = arith.constant 16 : index
        %parallel_loop3A_3336 = tpu.vector_load %arg10[%parallel_loop3A_3334, %parallel_loop3A_3335] {strides = array<i32>} : memref<256x64xi32, #tpu.memory_space<vmem>>, vector<16xi32>,
        %parallel_loop3A_3337 = arith.index_cast %parallel_loop3A_3315 : i32 to index
        %parallel_loop3A_3338 = arith.constant 16 : index
        %parallel_loop3A_3339 = tpu.vector_load %arg12[%parallel_loop3A_3337, %parallel_loop3A_3338] {strides = array<i32>} : memref<256x64xi32, #tpu.memory_space<vmem>>, vector<16xi32>,
        %parallel_loop3A_3340 = vector.bitcast %parallel_loop3A_3336 : vector<16xi32> to vector<32xbf16>
        %parallel_loop3A_3341 = vector.bitcast %parallel_loop3A_3339 : vector<16xi32> to vector<32xbf16>
        %parallel_loop3A_3342 = arith.addf %parallel_loop3A_3340, %parallel_loop3A_3341 : vector<32xbf16>
        %parallel_loop3A_3343 = arith.constant 0.000000e+00 : bf16
        %parallel_loop3A_3344 = vector.broadcast %parallel_loop3A_3343 : bf16 to vector<32xbf16>
        %parallel_loop3A_3345 = arith.maximumf %parallel_loop3A_3342, %parallel_loop3A_3344 : vector<32xbf16>
        %parallel_loop3A_3346 = arith.mulf %parallel_loop3A_3345, %get3A_10 : vector<32xbf16>
        %parallel_loop3A_3347 = arith.addf %parallel_loop3A_3319, %parallel_loop3A_3346 : vector<32xbf16>
        %parallel_loop3A_3348 = arith.index_cast %parallel_loop3A_3315 : i32 to index
        %parallel_loop3A_3349 = arith.constant 32 : index
        %parallel_loop3A_3350 = tpu.vector_load %arg10[%parallel_loop3A_3348, %parallel_loop3A_3349] {strides = array<i32>} : memref<256x64xi32, #tpu.memory_space<vmem>>, vector<16xi32>,
        %parallel_loop3A_3351 = arith.index_cast %parallel_loop3A_3315 : i32 to index
        %parallel_loop3A_3352 = arith.constant 32 : index
        %parallel_loop3A_3353 = tpu.vector_load %arg12[%parallel_loop3A_3351, %parallel_loop3A_3352] {strides = array<i32>} : memref<256x64xi32, #tpu.memory_space<vmem>>, vector<16xi32>,
        %parallel_loop3A_3354 = vector.bitcast %parallel_loop3A_3350 : vector<16xi32> to vector<32xbf16>
        %parallel_loop3A_3355 = vector.bitcast %parallel_loop3A_3353 : vector<16xi32> to vector<32xbf16>
        %parallel_loop3A_3356 = arith.addf %parallel_loop3A_3354, %parallel_loop3A_3355 : vector<32xbf16>
        %parallel_loop3A_3357 = arith.constant 0.000000e+00 : bf16
        %parallel_loop3A_3358 = vector.broadcast %parallel_loop3A_3357 : bf16 to vector<32xbf16>
        %parallel_loop3A_3359 = arith.maximumf %parallel_loop3A_3356, %parallel_loop3A_3358 : vector<32xbf16>
        %parallel_loop3A_3360 = arith.mulf %parallel_loop3A_3359, %get3A_14 : vector<32xbf16>
        %parallel_loop3A_3361 = arith.addf %parallel_loop3A_3333, %parallel_loop3A_3360 : vector<32xbf16>
        %parallel_loop3A_3362 = arith.index_cast %parallel_loop3A_3315 : i32 to index
        %parallel_loop3A_3363 = arith.constant 48 : index
        %parallel_loop3A_3364 = tpu.vector_load %arg10[%parallel_loop3A_3362, %parallel_loop3A_3363] {strides = array<i32>} : memref<256x64xi32, #tpu.memory_space<vmem>>, vector<16xi32>,
        %parallel_loop3A_3365 = arith.index_cast %parallel_loop3A_3315 : i32 to index
        %parallel_loop3A_3366 = arith.constant 48 : index
        %parallel_loop3A_3367 = tpu.vector_load %arg12[%parallel_loop3A_3365, %parallel_loop3A_3366] {strides = array<i32>} : memref<256x64xi32, #tpu.memory_space<vmem>>, vector<16xi32>,
        %parallel_loop3A_3368 = vector.bitcast %parallel_loop3A_3364 : vector<16xi32> to vector<32xbf16>
        %parallel_loop3A_3369 = vector.bitcast %parallel_loop3A_3367 : vector<16xi32> to vector<32xbf16>
        %parallel_loop3A_3370 = arith.addf %parallel_loop3A_3368, %parallel_loop3A_3369 : vector<32xbf16>
        %parallel_loop3A_3371 = arith.constant 0.000000e+00 : bf16
        %parallel_loop3A_3372 = vector.broadcast %parallel_loop3A_3371 : bf16 to vector<32xbf16>
        %parallel_loop3A_3373 = arith.maximumf %parallel_loop3A_3370, %parallel_loop3A_3372 : vector<32xbf16>
        %parallel_loop3A_3374 = arith.mulf %parallel_loop3A_3373, %get3A_18 : vector<32xbf16>
        %parallel_loop3A_3375 = arith.addf %parallel_loop3A_3347, %parallel_loop3A_3374 : vector<32xbf16>
        %parallel_loop3A_3376 = arith.addf %parallel_loop3A_3361, %parallel_loop3A_3375 : vector<32xbf16>
        %parallel_loop3A_3377 = tpu.unpack_subelements %parallel_loop3A_3376, 0 {pack_format = #tpu.pack_format<interleaved>} : vector<32xbf16> -> vector<16xf32>
        %parallel_loop3A_3378 = tpu.unpack_subelements %parallel_loop3A_3376, 1 {pack_format = #tpu.pack_format<interleaved>} : vector<32xbf16> -> vector<16xf32>
        %parallel_loop3A_3379 = arith.addf %parallel_loop3A_3377, %parallel_loop3A_3378 : vector<16xf32>
        %parallel_loop3A_3380 = arith.constant 16 : i32
        %parallel_loop3A_3381 = arith.muli %parallel_loop3A_3315, %parallel_loop3A_3380 : i32
        %parallel_loop3A_3382 = arith.index_cast %parallel_loop3A_3381 : i32 to index
        %parallel_loop3A_3383 = tpu.vector_load %arg16[%parallel_loop3A_3382] {strides = array<i32>} : memref<4096xf32, #tpu.memory_space<vmem>>, vector<16xf32>,
        tpu.vector_store %arg16[%parallel_loop3A_3382], %parallel_loop3A_3379 {strides = array<i32>} : memref<4096xf32, #tpu.memory_space<vmem>>, vector<16xf32>,
      } {sc.loop_unroll_factor = 4 : i64, sc.parallel_access}
      %add3A_118 = arith.constant 0 : i32
      %add3A_119 = vector.broadcast %add3A_118 : i32 to vector<16xi32>
      %add3A_120 = arith.addi %add3A_119, %iota3A : vector<16xi32>
      %mul3A_121 = arith.constant 16 : i32
      %mul3A_122 = vector.broadcast %mul3A_121 : i32 to vector<16xi32>
      %mul3A_123 = arith.muli %add3A_120, %mul3A_122 : vector<16xi32>
      %add3A_124 = arith.constant 0 : i32
      %add3A_125 = vector.broadcast %add3A_124 : i32 to vector<16xi32>
      %add3A_126 = arith.addi %mul3A_123, %add3A_125 : vector<16xi32>
      %gather3A = tpu.vector_load_idx %arg16[%add3A_126] : memref<4096xf32, #tpu.memory_space<vmem>>[vector<16xi32>], vector<16xf32>,
      %add3A_127 = arith.constant 1 : i32
      %add3A_128 = vector.broadcast %add3A_127 : i32 to vector<16xi32>
      %add3A_129 = arith.addi %mul3A_123, %add3A_128 : vector<16xi32>
      %gather3A_130 = tpu.vector_load_idx %arg16[%add3A_129] : memref<4096xf32, #tpu.memory_space<vmem>>[vector<16xi32>], vector<16xf32>,
      %add3A_131 = arith.constant 2 : i32
      %add3A_132 = vector.broadcast %add3A_131 : i32 to vector<16xi32>
      %add3A_133 = arith.addi %mul3A_123, %add3A_132 : vector<16xi32>
      %gather3A_134 = tpu.vector_load_idx %arg16[%add3A_133] : memref<4096xf32, #tpu.memory_space<vmem>>[vector<16xi32>], vector<16xf32>,
      %add3A_135 = arith.constant 3 : i32
      %add3A_136 = vector.broadcast %add3A_135 : i32 to vector<16xi32>
      %add3A_137 = arith.addi %mul3A_123, %add3A_136 : vector<16xi32>
      %gather3A_138 = tpu.vector_load_idx %arg16[%add3A_137] : memref<4096xf32, #tpu.memory_space<vmem>>[vector<16xi32>], vector<16xf32>,
      %add3A_139 = arith.constant 4 : i32
      %add3A_140 = vector.broadcast %add3A_139 : i32 to vector<16xi32>
      %add3A_141 = arith.addi %mul3A_123, %add3A_140 : vector<16xi32>
      %gather3A_142 = tpu.vector_load_idx %arg16[%add3A_141] : memref<4096xf32, #tpu.memory_space<vmem>>[vector<16xi32>], vector<16xf32>,
      %add3A_143 = arith.constant 5 : i32
      %add3A_144 = vector.broadcast %add3A_143 : i32 to vector<16xi32>
      %add3A_145 = arith.addi %mul3A_123, %add3A_144 : vector<16xi32>
      %gather3A_146 = tpu.vector_load_idx %arg16[%add3A_145] : memref<4096xf32, #tpu.memory_space<vmem>>[vector<16xi32>], vector<16xf32>,
      %add3A_147 = arith.constant 6 : i32
      %add3A_148 = vector.broadcast %add3A_147 : i32 to vector<16xi32>
      %add3A_149 = arith.addi %mul3A_123, %add3A_148 : vector<16xi32>
      %gather3A_150 = tpu.vector_load_idx %arg16[%add3A_149] : memref<4096xf32, #tpu.memory_space<vmem>>[vector<16xi32>], vector<16xf32>,
      %add3A_151 = arith.constant 7 : i32
      %add3A_152 = vector.broadcast %add3A_151 : i32 to vector<16xi32>
      %add3A_153 = arith.addi %mul3A_123, %add3A_152 : vector<16xi32>
      %gather3A_154 = tpu.vector_load_idx %arg16[%add3A_153] : memref<4096xf32, #tpu.memory_space<vmem>>[vector<16xi32>], vector<16xf32>,
      %add3A_155 = arith.constant 8 : i32
      %add3A_156 = vector.broadcast %add3A_155 : i32 to vector<16xi32>
      %add3A_157 = arith.addi %mul3A_123, %add3A_156 : vector<16xi32>
      %gather3A_158 = tpu.vector_load_idx %arg16[%add3A_157] : memref<4096xf32, #tpu.memory_space<vmem>>[vector<16xi32>], vector<16xf32>,
      %add3A_159 = arith.constant 9 : i32
      %add3A_160 = vector.broadcast %add3A_159 : i32 to vector<16xi32>
      %add3A_161 = arith.addi %mul3A_123, %add3A_160 : vector<16xi32>
      %gather3A_162 = tpu.vector_load_idx %arg16[%add3A_161] : memref<4096xf32, #tpu.memory_space<vmem>>[vector<16xi32>], vector<16xf32>,
      %add3A_163 = arith.constant 10 : i32
      %add3A_164 = vector.broadcast %add3A_163 : i32 to vector<16xi32>
      %add3A_165 = arith.addi %mul3A_123, %add3A_164 : vector<16xi32>
      %gather3A_166 = tpu.vector_load_idx %arg16[%add3A_165] : memref<4096xf32, #tpu.memory_space<vmem>>[vector<16xi32>], vector<16xf32>,
      %add3A_167 = arith.constant 11 : i32
      %add3A_168 = vector.broadcast %add3A_167 : i32 to vector<16xi32>
      %add3A_169 = arith.addi %mul3A_123, %add3A_168 : vector<16xi32>
      %gather3A_170 = tpu.vector_load_idx %arg16[%add3A_169] : memref<4096xf32, #tpu.memory_space<vmem>>[vector<16xi32>], vector<16xf32>,
      %add3A_171 = arith.constant 12 : i32
      %add3A_172 = vector.broadcast %add3A_171 : i32 to vector<16xi32>
      %add3A_173 = arith.addi %mul3A_123, %add3A_172 : vector<16xi32>
      %gather3A_174 = tpu.vector_load_idx %arg16[%add3A_173] : memref<4096xf32, #tpu.memory_space<vmem>>[vector<16xi32>], vector<16xf32>,
      %add3A_175 = arith.constant 13 : i32
      %add3A_176 = vector.broadcast %add3A_175 : i32 to vector<16xi32>
      %add3A_177 = arith.addi %mul3A_123, %add3A_176 : vector<16xi32>
      %gather3A_178 = tpu.vector_load_idx %arg16[%add3A_177] : memref<4096xf32, #tpu.memory_space<vmem>>[vector<16xi32>], vector<16xf32>,
      %add3A_179 = arith.constant 14 : i32
      %add3A_180 = vector.broadcast %add3A_179 : i32 to vector<16xi32>
      %add3A_181 = arith.addi %mul3A_123, %add3A_180 : vector<16xi32>
      %gather3A_182 = tpu.vector_load_idx %arg16[%add3A_181] : memref<4096xf32, #tpu.memory_space<vmem>>[vector<16xi32>], vector<16xf32>,
      %add3A_183 = arith.constant 15 : i32
      %add3A_184 = vector.broadcast %add3A_183 : i32 to vector<16xi32>
      %add3A_185 = arith.addi %mul3A_123, %add3A_184 : vector<16xi32>
      %gather3A_186 = tpu.vector_load_idx %arg16[%add3A_185] : memref<4096xf32, #tpu.memory_space<vmem>>[vector<16xi32>], vector<16xf32>,
      %add3A_187 = arith.addf %gather3A, %gather3A_130 : vector<16xf32>
      %add3A_188 = arith.addf %gather3A_134, %gather3A_138 : vector<16xf32>
      %add3A_189 = arith.addf %gather3A_142, %gather3A_146 : vector<16xf32>
      %add3A_190 = arith.addf %gather3A_150, %gather3A_154 : vector<16xf32>
      %add3A_191 = arith.addf %gather3A_158, %gather3A_162 : vector<16xf32>
      %add3A_192 = arith.addf %gather3A_166, %gather3A_170 : vector<16xf32>
      %add3A_193 = arith.addf %gather3A_174, %gather3A_178 : vector<16xf32>
      %add3A_194 = arith.addf %gather3A_182, %gather3A_186 : vector<16xf32>
      %add3A_195 = arith.addf %add3A_187, %add3A_188 : vector<16xf32>
      %add3A_196 = arith.addf %add3A_189, %add3A_190 : vector<16xf32>
      %add3A_197 = arith.addf %add3A_191, %add3A_192 : vector<16xf32>
      %add3A_198 = arith.addf %add3A_193, %add3A_194 : vector<16xf32>
      %add3A_199 = arith.addf %add3A_195, %add3A_196 : vector<16xf32>
      %add3A_200 = arith.addf %add3A_197, %add3A_198 : vector<16xf32>
      %add3A_201 = arith.addf %add3A_199, %add3A_200 : vector<16xf32>
      %add3A_202 = arith.addf %add3A_201, %get3A_20 : vector<16xf32>
      %neg3A = arith.constant 0.000000e+00 : f32
      %neg3A_203 = vector.broadcast %neg3A : f32 to vector<16xf32>
      %neg3A_204 = arith.subf %neg3A_203, %add3A_202 : vector<16xf32>
      %exp3A = math.exp %neg3A_204 : vector<16xf32>
      %add3A_205 = arith.constant 1.000000e+00 : f32
      %add3A_206 = vector.broadcast %add3A_205 : f32 to vector<16xf32>
      %add3A_207 = arith.addf %add3A_206, %exp3A : vector<16xf32>
      %div3A = arith.constant 1.000000e+00 : f32
      %div3A_208 = vector.broadcast %div3A : f32 to vector<16xf32>
      %div3A_209 = arith.divf %div3A_208, %add3A_207 : vector<16xf32>
      %swap3A = arith.constant 0 : index
      %swap3A_210 = tpu.vector_load %arg14[%swap3A] {strides = array<i32>} : memref<256xf32, #tpu.memory_space<vmem>>, vector<16xf32>,
      tpu.vector_store %arg14[%swap3A], %div3A_209 {strides = array<i32>} : memref<256xf32, #tpu.memory_space<vmem>>, vector<16xf32>,
      %add3A_211 = arith.constant 16 : i32
      %add3A_212 = vector.broadcast %add3A_211 : i32 to vector<16xi32>
      %add3A_213 = arith.addi %add3A_212, %iota3A : vector<16xi32>
      %mul3A_214 = arith.constant 16 : i32
      %mul3A_215 = vector.broadcast %mul3A_214 : i32 to vector<16xi32>
      %mul3A_216 = arith.muli %add3A_213, %mul3A_215 : vector<16xi32>
      %add3A_217 = arith.constant 0 : i32
      %add3A_218 = vector.broadcast %add3A_217 : i32 to vector<16xi32>
      %add3A_219 = arith.addi %mul3A_216, %add3A_218 : vector<16xi32>
      %gather3A_220 = tpu.vector_load_idx %arg16[%add3A_219] : memref<4096xf32, #tpu.memory_space<vmem>>[vector<16xi32>], vector<16xf32>,
      %add3A_221 = arith.constant 1 : i32
      %add3A_222 = vector.broadcast %add3A_221 : i32 to vector<16xi32>
      %add3A_223 = arith.addi %mul3A_216, %add3A_222 : vector<16xi32>
      %gather3A_224 = tpu.vector_load_idx %arg16[%add3A_223] : memref<4096xf32, #tpu.memory_space<vmem>>[vector<16xi32>], vector<16xf32>,
      %add3A_225 = arith.constant 2 : i32
      %add3A_226 = vector.broadcast %add3A_225 : i32 to vector<16xi32>
      %add3A_227 = arith.addi %mul3A_216, %add3A_226 : vector<16xi32>
      %gather3A_228 = tpu.vector_load_idx %arg16[%add3A_227] : memref<4096xf32, #tpu.memory_space<vmem>>[vector<16xi32>], vector<16xf32>,
      %add3A_229 = arith.constant 3 : i32
      %add3A_230 = vector.broadcast %add3A_229 : i32 to vector<16xi32>
      %add3A_231 = arith.addi %mul3A_216, %add3A_230 : vector<16xi32>
      %gather3A_232 = tpu.vector_load_idx %arg16[%add3A_231] : memref<4096xf32, #tpu.memory_space<vmem>>[vector<16xi32>], vector<16xf32>,
      %add3A_233 = arith.constant 4 : i32
      %add3A_234 = vector.broadcast %add3A_233 : i32 to vector<16xi32>
      %add3A_235 = arith.addi %mul3A_216, %add3A_234 : vector<16xi32>
      %gather3A_236 = tpu.vector_load_idx %arg16[%add3A_235] : memref<4096xf32, #tpu.memory_space<vmem>>[vector<16xi32>], vector<16xf32>,
      %add3A_237 = arith.constant 5 : i32
      %add3A_238 = vector.broadcast %add3A_237 : i32 to vector<16xi32>
      %add3A_239 = arith.addi %mul3A_216, %add3A_238 : vector<16xi32>
      %gather3A_240 = tpu.vector_load_idx %arg16[%add3A_239] : memref<4096xf32, #tpu.memory_space<vmem>>[vector<16xi32>], vector<16xf32>,
      %add3A_241 = arith.constant 6 : i32
      %add3A_242 = vector.broadcast %add3A_241 : i32 to vector<16xi32>
      %add3A_243 = arith.addi %mul3A_216, %add3A_242 : vector<16xi32>
      %gather3A_244 = tpu.vector_load_idx %arg16[%add3A_243] : memref<4096xf32, #tpu.memory_space<vmem>>[vector<16xi32>], vector<16xf32>,
      %add3A_245 = arith.constant 7 : i32
      %add3A_246 = vector.broadcast %add3A_245 : i32 to vector<16xi32>
      %add3A_247 = arith.addi %mul3A_216, %add3A_246 : vector<16xi32>
      %gather3A_248 = tpu.vector_load_idx %arg16[%add3A_247] : memref<4096xf32, #tpu.memory_space<vmem>>[vector<16xi32>], vector<16xf32>,
      %add3A_249 = arith.constant 8 : i32
      %add3A_250 = vector.broadcast %add3A_249 : i32 to vector<16xi32>
      %add3A_251 = arith.addi %mul3A_216, %add3A_250 : vector<16xi32>
      %gather3A_252 = tpu.vector_load_idx %arg16[%add3A_251] : memref<4096xf32, #tpu.memory_space<vmem>>[vector<16xi32>], vector<16xf32>,
      %add3A_253 = arith.constant 9 : i32
      %add3A_254 = vector.broadcast %add3A_253 : i32 to vector<16xi32>
      %add3A_255 = arith.addi %mul3A_216, %add3A_254 : vector<16xi32>
      %gather3A_256 = tpu.vector_load_idx %arg16[%add3A_255] : memref<4096xf32, #tpu.memory_space<vmem>>[vector<16xi32>], vector<16xf32>,
      %add3A_257 = arith.constant 10 : i32
      %add3A_258 = vector.broadcast %add3A_257 : i32 to vector<16xi32>
      %add3A_259 = arith.addi %mul3A_216, %add3A_258 : vector<16xi32>
      %gather3A_260 = tpu.vector_load_idx %arg16[%add3A_259] : memref<4096xf32, #tpu.memory_space<vmem>>[vector<16xi32>], vector<16xf32>,
      %add3A_261 = arith.constant 11 : i32
      %add3A_262 = vector.broadcast %add3A_261 : i32 to vector<16xi32>
      %add3A_263 = arith.addi %mul3A_216, %add3A_262 : vector<16xi32>
      %gather3A_264 = tpu.vector_load_idx %arg16[%add3A_263] : memref<4096xf32, #tpu.memory_space<vmem>>[vector<16xi32>], vector<16xf32>,
      %add3A_265 = arith.constant 12 : i32
      %add3A_266 = vector.broadcast %add3A_265 : i32 to vector<16xi32>
      %add3A_267 = arith.addi %mul3A_216, %add3A_266 : vector<16xi32>
      %gather3A_268 = tpu.vector_load_idx %arg16[%add3A_267] : memref<4096xf32, #tpu.memory_space<vmem>>[vector<16xi32>], vector<16xf32>,
      %add3A_269 = arith.constant 13 : i32
      %add3A_270 = vector.broadcast %add3A_269 : i32 to vector<16xi32>
      %add3A_271 = arith.addi %mul3A_216, %add3A_270 : vector<16xi32>
      %gather3A_272 = tpu.vector_load_idx %arg16[%add3A_271] : memref<4096xf32, #tpu.memory_space<vmem>>[vector<16xi32>], vector<16xf32>,
      %add3A_273 = arith.constant 14 : i32
      %add3A_274 = vector.broadcast %add3A_273 : i32 to vector<16xi32>
      %add3A_275 = arith.addi %mul3A_216, %add3A_274 : vector<16xi32>
      %gather3A_276 = tpu.vector_load_idx %arg16[%add3A_275] : memref<4096xf32, #tpu.memory_space<vmem>>[vector<16xi32>], vector<16xf32>,
      %add3A_277 = arith.constant 15 : i32
      %add3A_278 = vector.broadcast %add3A_277 : i32 to vector<16xi32>
      %add3A_279 = arith.addi %mul3A_216, %add3A_278 : vector<16xi32>
      %gather3A_280 = tpu.vector_load_idx %arg16[%add3A_279] : memref<4096xf32, #tpu.memory_space<vmem>>[vector<16xi32>], vector<16xf32>,
      %add3A_281 = arith.addf %gather3A_220, %gather3A_224 : vector<16xf32>
      %add3A_282 = arith.addf %gather3A_228, %gather3A_232 : vector<16xf32>
      %add3A_283 = arith.addf %gather3A_236, %gather3A_240 : vector<16xf32>
      %add3A_284 = arith.addf %gather3A_244, %gather3A_248 : vector<16xf32>
      %add3A_285 = arith.addf %gather3A_252, %gather3A_256 : vector<16xf32>
      %add3A_286 = arith.addf %gather3A_260, %gather3A_264 : vector<16xf32>
      %add3A_287 = arith.addf %gather3A_268, %gather3A_272 : vector<16xf32>
      %add3A_288 = arith.addf %gather3A_276, %gather3A_280 : vector<16xf32>
      %add3A_289 = arith.addf %add3A_281, %add3A_282 : vector<16xf32>
      %add3A_290 = arith.addf %add3A_283, %add3A_284 : vector<16xf32>
      %add3A_291 = arith.addf %add3A_285, %add3A_286 : vector<16xf32>
      %add3A_292 = arith.addf %add3A_287, %add3A_288 : vector<16xf32>
      %add3A_293 = arith.addf %add3A_289, %add3A_290 : vector<16xf32>
      %add3A_294 = arith.addf %add3A_291, %add3A_292 : vector<16xf32>
      %add3A_295 = arith.addf %add3A_293, %add3A_294 : vector<16xf32>
      %add3A_296 = arith.addf %add3A_295, %get3A_20 : vector<16xf32>
      %neg3A_297 = arith.constant 0.000000e+00 : f32
      %neg3A_298 = vector.broadcast %neg3A_297 : f32 to vector<16xf32>
      %neg3A_299 = arith.subf %neg3A_298, %add3A_296 : vector<16xf32>
      %exp3A_300 = math.exp %neg3A_299 : vector<16xf32>
      %add3A_301 = arith.constant 1.000000e+00 : f32
      %add3A_302 = vector.broadcast %add3A_301 : f32 to vector<16xf32>
      %add3A_303 = arith.addf %add3A_302, %exp3A_300 : vector<16xf32>
      %div3A_304 = arith.constant 1.000000e+00 : f32
      %div3A_305 = vector.broadcast %div3A_304 : f32 to vector<16xf32>
      %div3A_306 = arith.divf %div3A_305, %add3A_303 : vector<16xf32>
      %swap3A_307 = arith.constant 16 : index
      %swap3A_308 = tpu.vector_load %arg14[%swap3A_307] {strides = array<i32>} : memref<256xf32, #tpu.memory_space<vmem>>, vector<16xf32>,
      tpu.vector_store %arg14[%swap3A_307], %div3A_306 {strides = array<i32>} : memref<256xf32, #tpu.memory_space<vmem>>, vector<16xf32>,
      %add3A_309 = arith.constant 32 : i32
      %add3A_310 = vector.broadcast %add3A_309 : i32 to vector<16xi32>
      %add3A_311 = arith.addi %add3A_310, %iota3A : vector<16xi32>
      %mul3A_312 = arith.constant 16 : i32
      %mul3A_313 = vector.broadcast %mul3A_312 : i32 to vector<16xi32>
      %mul3A_314 = arith.muli %add3A_311, %mul3A_313 : vector<16xi32>
      %add3A_315 = arith.constant 0 : i32
      %add3A_316 = vector.broadcast %add3A_315 : i32 to vector<16xi32>
      %add3A_317 = arith.addi %mul3A_314, %add3A_316 : vector<16xi32>
      %gather3A_318 = tpu.vector_load_idx %arg16[%add3A_317] : memref<4096xf32, #tpu.memory_space<vmem>>[vector<16xi32>], vector<16xf32>,
      %add3A_319 = arith.constant 1 : i32
      %add3A_320 = vector.broadcast %add3A_319 : i32 to vector<16xi32>
      %add3A_321 = arith.addi %mul3A_314, %add3A_320 : vector<16xi32>
      %gather3A_322 = tpu.vector_load_idx %arg16[%add3A_321] : memref<4096xf32, #tpu.memory_space<vmem>>[vector<16xi32>], vector<16xf32>,
      %add3A_323 = arith.constant 2 : i32
      %add3A_324 = vector.broadcast %add3A_323 : i32 to vector<16xi32>
      %add3A_325 = arith.addi %mul3A_314, %add3A_324 : vector<16xi32>
      %gather3A_326 = tpu.vector_load_idx %arg16[%add3A_325] : memref<4096xf32, #tpu.memory_space<vmem>>[vector<16xi32>], vector<16xf32>,
      %add3A_327 = arith.constant 3 : i32
      %add3A_328 = vector.broadcast %add3A_327 : i32 to vector<16xi32>
      %add3A_329 = arith.addi %mul3A_314, %add3A_328 : vector<16xi32>
      %gather3A_330 = tpu.vector_load_idx %arg16[%add3A_329] : memref<4096xf32, #tpu.memory_space<vmem>>[vector<16xi32>], vector<16xf32>,
      %add3A_331 = arith.constant 4 : i32
      %add3A_332 = vector.broadcast %add3A_331 : i32 to vector<16xi32>
      %add3A_333 = arith.addi %mul3A_314, %add3A_332 : vector<16xi32>
      %gather3A_334 = tpu.vector_load_idx %arg16[%add3A_333] : memref<4096xf32, #tpu.memory_space<vmem>>[vector<16xi32>], vector<16xf32>,
      %add3A_335 = arith.constant 5 : i32
      %add3A_336 = vector.broadcast %add3A_335 : i32 to vector<16xi32>
      %add3A_337 = arith.addi %mul3A_314, %add3A_336 : vector<16xi32>
      %gather3A_338 = tpu.vector_load_idx %arg16[%add3A_337] : memref<4096xf32, #tpu.memory_space<vmem>>[vector<16xi32>], vector<16xf32>,
      %add3A_339 = arith.constant 6 : i32
      %add3A_340 = vector.broadcast %add3A_339 : i32 to vector<16xi32>
      %add3A_341 = arith.addi %mul3A_314, %add3A_340 : vector<16xi32>
      %gather3A_342 = tpu.vector_load_idx %arg16[%add3A_341] : memref<4096xf32, #tpu.memory_space<vmem>>[vector<16xi32>], vector<16xf32>,
      %add3A_343 = arith.constant 7 : i32
      %add3A_344 = vector.broadcast %add3A_343 : i32 to vector<16xi32>
      %add3A_345 = arith.addi %mul3A_314, %add3A_344 : vector<16xi32>
      %gather3A_346 = tpu.vector_load_idx %arg16[%add3A_345] : memref<4096xf32, #tpu.memory_space<vmem>>[vector<16xi32>], vector<16xf32>,
      %add3A_347 = arith.constant 8 : i32
      %add3A_348 = vector.broadcast %add3A_347 : i32 to vector<16xi32>
      %add3A_349 = arith.addi %mul3A_314, %add3A_348 : vector<16xi32>
      %gather3A_350 = tpu.vector_load_idx %arg16[%add3A_349] : memref<4096xf32, #tpu.memory_space<vmem>>[vector<16xi32>], vector<16xf32>,
      %add3A_351 = arith.constant 9 : i32
      %add3A_352 = vector.broadcast %add3A_351 : i32 to vector<16xi32>
      %add3A_353 = arith.addi %mul3A_314, %add3A_352 : vector<16xi32>
      %gather3A_354 = tpu.vector_load_idx %arg16[%add3A_353] : memref<4096xf32, #tpu.memory_space<vmem>>[vector<16xi32>], vector<16xf32>,
      %add3A_355 = arith.constant 10 : i32
      %add3A_356 = vector.broadcast %add3A_355 : i32 to vector<16xi32>
      %add3A_357 = arith.addi %mul3A_314, %add3A_356 : vector<16xi32>
      %gather3A_358 = tpu.vector_load_idx %arg16[%add3A_357] : memref<4096xf32, #tpu.memory_space<vmem>>[vector<16xi32>], vector<16xf32>,
      %add3A_359 = arith.constant 11 : i32
      %add3A_360 = vector.broadcast %add3A_359 : i32 to vector<16xi32>
      %add3A_361 = arith.addi %mul3A_314, %add3A_360 : vector<16xi32>
      %gather3A_362 = tpu.vector_load_idx %arg16[%add3A_361] : memref<4096xf32, #tpu.memory_space<vmem>>[vector<16xi32>], vector<16xf32>,
      %add3A_363 = arith.constant 12 : i32
      %add3A_364 = vector.broadcast %add3A_363 : i32 to vector<16xi32>
      %add3A_365 = arith.addi %mul3A_314, %add3A_364 : vector<16xi32>
      %gather3A_366 = tpu.vector_load_idx %arg16[%add3A_365] : memref<4096xf32, #tpu.memory_space<vmem>>[vector<16xi32>], vector<16xf32>,
      %add3A_367 = arith.constant 13 : i32
      %add3A_368 = vector.broadcast %add3A_367 : i32 to vector<16xi32>
      %add3A_369 = arith.addi %mul3A_314, %add3A_368 : vector<16xi32>
      %gather3A_370 = tpu.vector_load_idx %arg16[%add3A_369] : memref<4096xf32, #tpu.memory_space<vmem>>[vector<16xi32>], vector<16xf32>,
      %add3A_371 = arith.constant 14 : i32
      %add3A_372 = vector.broadcast %add3A_371 : i32 to vector<16xi32>
      %add3A_373 = arith.addi %mul3A_314, %add3A_372 : vector<16xi32>
      %gather3A_374 = tpu.vector_load_idx %arg16[%add3A_373] : memref<4096xf32, #tpu.memory_space<vmem>>[vector<16xi32>], vector<16xf32>,
      %add3A_375 = arith.constant 15 : i32
      %add3A_376 = vector.broadcast %add3A_375 : i32 to vector<16xi32>
      %add3A_377 = arith.addi %mul3A_314, %add3A_376 : vector<16xi32>
      %gather3A_378 = tpu.vector_load_idx %arg16[%add3A_377] : memref<4096xf32, #tpu.memory_space<vmem>>[vector<16xi32>], vector<16xf32>,
      %add3A_379 = arith.addf %gather3A_318, %gather3A_322 : vector<16xf32>
      %add3A_380 = arith.addf %gather3A_326, %gather3A_330 : vector<16xf32>
      %add3A_381 = arith.addf %gather3A_334, %gather3A_338 : vector<16xf32>
      %add3A_382 = arith.addf %gather3A_342, %gather3A_346 : vector<16xf32>
      %add3A_383 = arith.addf %gather3A_350, %gather3A_354 : vector<16xf32>
      %add3A_384 = arith.addf %gather3A_358, %gather3A_362 : vector<16xf32>
      %add3A_385 = arith.addf %gather3A_366, %gather3A_370 : vector<16xf32>
      %add3A_386 = arith.addf %gather3A_374, %gather3A_378 : vector<16xf32>
      %add3A_387 = arith.addf %add3A_379, %add3A_380 : vector<16xf32>
      %add3A_388 = arith.addf %add3A_381, %add3A_382 : vector<16xf32>
      %add3A_389 = arith.addf %add3A_383, %add3A_384 : vector<16xf32>
      %add3A_390 = arith.addf %add3A_385, %add3A_386 : vector<16xf32>
      %add3A_391 = arith.addf %add3A_387, %add3A_388 : vector<16xf32>
      %add3A_392 = arith.addf %add3A_389, %add3A_390 : vector<16xf32>
      %add3A_393 = arith.addf %add3A_391, %add3A_392 : vector<16xf32>
      %add3A_394 = arith.addf %add3A_393, %get3A_20 : vector<16xf32>
      %neg3A_395 = arith.constant 0.000000e+00 : f32
      %neg3A_396 = vector.broadcast %neg3A_395 : f32 to vector<16xf32>
      %neg3A_397 = arith.subf %neg3A_396, %add3A_394 : vector<16xf32>
      %exp3A_398 = math.exp %neg3A_397 : vector<16xf32>
      %add3A_399 = arith.constant 1.000000e+00 : f32
      %add3A_400 = vector.broadcast %add3A_399 : f32 to vector<16xf32>
      %add3A_401 = arith.addf %add3A_400, %exp3A_398 : vector<16xf32>
      %div3A_402 = arith.constant 1.000000e+00 : f32
      %div3A_403 = vector.broadcast %div3A_402 : f32 to vector<16xf32>
      %div3A_404 = arith.divf %div3A_403, %add3A_401 : vector<16xf32>
      %swap3A_405 = arith.constant 32 : index
      %swap3A_406 = tpu.vector_load %arg14[%swap3A_405] {strides = array<i32>} : memref<256xf32, #tpu.memory_space<vmem>>, vector<16xf32>,
      tpu.vector_store %arg14[%swap3A_405], %div3A_404 {strides = array<i32>} : memref<256xf32, #tpu.memory_space<vmem>>, vector<16xf32>,
      %add3A_407 = arith.constant 48 : i32
      %add3A_408 = vector.broadcast %add3A_407 : i32 to vector<16xi32>
      %add3A_409 = arith.addi %add3A_408, %iota3A : vector<16xi32>
      %mul3A_410 = arith.constant 16 : i32
      %mul3A_411 = vector.broadcast %mul3A_410 : i32 to vector<16xi32>
      %mul3A_412 = arith.muli %add3A_409, %mul3A_411 : vector<16xi32>
      %add3A_413 = arith.constant 0 : i32
      %add3A_414 = vector.broadcast %add3A_413 : i32 to vector<16xi32>
      %add3A_415 = arith.addi %mul3A_412, %add3A_414 : vector<16xi32>
      %gather3A_416 = tpu.vector_load_idx %arg16[%add3A_415] : memref<4096xf32, #tpu.memory_space<vmem>>[vector<16xi32>], vector<16xf32>,
      %add3A_417 = arith.constant 1 : i32
      %add3A_418 = vector.broadcast %add3A_417 : i32 to vector<16xi32>
      %add3A_419 = arith.addi %mul3A_412, %add3A_418 : vector<16xi32>
      %gather3A_420 = tpu.vector_load_idx %arg16[%add3A_419] : memref<4096xf32, #tpu.memory_space<vmem>>[vector<16xi32>], vector<16xf32>,
      %add3A_421 = arith.constant 2 : i32
      %add3A_422 = vector.broadcast %add3A_421 : i32 to vector<16xi32>
      %add3A_423 = arith.addi %mul3A_412, %add3A_422 : vector<16xi32>
      %gather3A_424 = tpu.vector_load_idx %arg16[%add3A_423] : memref<4096xf32, #tpu.memory_space<vmem>>[vector<16xi32>], vector<16xf32>,
      %add3A_425 = arith.constant 3 : i32
      %add3A_426 = vector.broadcast %add3A_425 : i32 to vector<16xi32>
      %add3A_427 = arith.addi %mul3A_412, %add3A_426 : vector<16xi32>
      %gather3A_428 = tpu.vector_load_idx %arg16[%add3A_427] : memref<4096xf32, #tpu.memory_space<vmem>>[vector<16xi32>], vector<16xf32>,
      %add3A_429 = arith.constant 4 : i32
      %add3A_430 = vector.broadcast %add3A_429 : i32 to vector<16xi32>
      %add3A_431 = arith.addi %mul3A_412, %add3A_430 : vector<16xi32>
      %gather3A_432 = tpu.vector_load_idx %arg16[%add3A_431] : memref<4096xf32, #tpu.memory_space<vmem>>[vector<16xi32>], vector<16xf32>,
      %add3A_433 = arith.constant 5 : i32
      %add3A_434 = vector.broadcast %add3A_433 : i32 to vector<16xi32>
      %add3A_435 = arith.addi %mul3A_412, %add3A_434 : vector<16xi32>
      %gather3A_436 = tpu.vector_load_idx %arg16[%add3A_435] : memref<4096xf32, #tpu.memory_space<vmem>>[vector<16xi32>], vector<16xf32>,
      %add3A_437 = arith.constant 6 : i32
      %add3A_438 = vector.broadcast %add3A_437 : i32 to vector<16xi32>
      %add3A_439 = arith.addi %mul3A_412, %add3A_438 : vector<16xi32>
      %gather3A_440 = tpu.vector_load_idx %arg16[%add3A_439] : memref<4096xf32, #tpu.memory_space<vmem>>[vector<16xi32>], vector<16xf32>,
      %add3A_441 = arith.constant 7 : i32
      %add3A_442 = vector.broadcast %add3A_441 : i32 to vector<16xi32>
      %add3A_443 = arith.addi %mul3A_412, %add3A_442 : vector<16xi32>
      %gather3A_444 = tpu.vector_load_idx %arg16[%add3A_443] : memref<4096xf32, #tpu.memory_space<vmem>>[vector<16xi32>], vector<16xf32>,
      %add3A_445 = arith.constant 8 : i32
      %add3A_446 = vector.broadcast %add3A_445 : i32 to vector<16xi32>
      %add3A_447 = arith.addi %mul3A_412, %add3A_446 : vector<16xi32>
      %gather3A_448 = tpu.vector_load_idx %arg16[%add3A_447] : memref<4096xf32, #tpu.memory_space<vmem>>[vector<16xi32>], vector<16xf32>,
      %add3A_449 = arith.constant 9 : i32
      %add3A_450 = vector.broadcast %add3A_449 : i32 to vector<16xi32>
      %add3A_451 = arith.addi %mul3A_412, %add3A_450 : vector<16xi32>
      %gather3A_452 = tpu.vector_load_idx %arg16[%add3A_451] : memref<4096xf32, #tpu.memory_space<vmem>>[vector<16xi32>], vector<16xf32>,
      %add3A_453 = arith.constant 10 : i32
      %add3A_454 = vector.broadcast %add3A_453 : i32 to vector<16xi32>
      %add3A_455 = arith.addi %mul3A_412, %add3A_454 : vector<16xi32>
      %gather3A_456 = tpu.vector_load_idx %arg16[%add3A_455] : memref<4096xf32, #tpu.memory_space<vmem>>[vector<16xi32>], vector<16xf32>,
      %add3A_457 = arith.constant 11 : i32
      %add3A_458 = vector.broadcast %add3A_457 : i32 to vector<16xi32>
      %add3A_459 = arith.addi %mul3A_412, %add3A_458 : vector<16xi32>
      %gather3A_460 = tpu.vector_load_idx %arg16[%add3A_459] : memref<4096xf32, #tpu.memory_space<vmem>>[vector<16xi32>], vector<16xf32>,
      %add3A_461 = arith.constant 12 : i32
      %add3A_462 = vector.broadcast %add3A_461 : i32 to vector<16xi32>
      %add3A_463 = arith.addi %mul3A_412, %add3A_462 : vector<16xi32>
      %gather3A_464 = tpu.vector_load_idx %arg16[%add3A_463] : memref<4096xf32, #tpu.memory_space<vmem>>[vector<16xi32>], vector<16xf32>,
      %add3A_465 = arith.constant 13 : i32
      %add3A_466 = vector.broadcast %add3A_465 : i32 to vector<16xi32>
      %add3A_467 = arith.addi %mul3A_412, %add3A_466 : vector<16xi32>
      %gather3A_468 = tpu.vector_load_idx %arg16[%add3A_467] : memref<4096xf32, #tpu.memory_space<vmem>>[vector<16xi32>], vector<16xf32>,
      %add3A_469 = arith.constant 14 : i32
      %add3A_470 = vector.broadcast %add3A_469 : i32 to vector<16xi32>
      %add3A_471 = arith.addi %mul3A_412, %add3A_470 : vector<16xi32>
      %gather3A_472 = tpu.vector_load_idx %arg16[%add3A_471] : memref<4096xf32, #tpu.memory_space<vmem>>[vector<16xi32>], vector<16xf32>,
      %add3A_473 = arith.constant 15 : i32
      %add3A_474 = vector.broadcast %add3A_473 : i32 to vector<16xi32>
      %add3A_475 = arith.addi %mul3A_412, %add3A_474 : vector<16xi32>
      %gather3A_476 = tpu.vector_load_idx %arg16[%add3A_475] : memref<4096xf32, #tpu.memory_space<vmem>>[vector<16xi32>], vector<16xf32>,
      %add3A_477 = arith.addf %gather3A_416, %gather3A_420 : vector<16xf32>
      %add3A_478 = arith.addf %gather3A_424, %gather3A_428 : vector<16xf32>
      %add3A_479 = arith.addf %gather3A_432, %gather3A_436 : vector<16xf32>
      %add3A_480 = arith.addf %gather3A_440, %gather3A_444 : vector<16xf32>
      %add3A_481 = arith.addf %gather3A_448, %gather3A_452 : vector<16xf32>
      %add3A_482 = arith.addf %gather3A_456, %gather3A_460 : vector<16xf32>
      %add3A_483 = arith.addf %gather3A_464, %gather3A_468 : vector<16xf32>
      %add3A_484 = arith.addf %gather3A_472, %gather3A_476 : vector<16xf32>
      %add3A_485 = arith.addf %add3A_477, %add3A_478 : vector<16xf32>
      %add3A_486 = arith.addf %add3A_479, %add3A_480 : vector<16xf32>
      %add3A_487 = arith.addf %add3A_481, %add3A_482 : vector<16xf32>
      %add3A_488 = arith.addf %add3A_483, %add3A_484 : vector<16xf32>
      %add3A_489 = arith.addf %add3A_485, %add3A_486 : vector<16xf32>
      %add3A_490 = arith.addf %add3A_487, %add3A_488 : vector<16xf32>
      %add3A_491 = arith.addf %add3A_489, %add3A_490 : vector<16xf32>
      %add3A_492 = arith.addf %add3A_491, %get3A_20 : vector<16xf32>
      %neg3A_493 = arith.constant 0.000000e+00 : f32
      %neg3A_494 = vector.broadcast %neg3A_493 : f32 to vector<16xf32>
      %neg3A_495 = arith.subf %neg3A_494, %add3A_492 : vector<16xf32>
      %exp3A_496 = math.exp %neg3A_495 : vector<16xf32>
      %add3A_497 = arith.constant 1.000000e+00 : f32
      %add3A_498 = vector.broadcast %add3A_497 : f32 to vector<16xf32>
      %add3A_499 = arith.addf %add3A_498, %exp3A_496 : vector<16xf32>
      %div3A_500 = arith.constant 1.000000e+00 : f32
      %div3A_501 = vector.broadcast %div3A_500 : f32 to vector<16xf32>
      %div3A_502 = arith.divf %div3A_501, %add3A_499 : vector<16xf32>
      %swap3A_503 = arith.constant 48 : index
      %swap3A_504 = tpu.vector_load %arg14[%swap3A_503] {strides = array<i32>} : memref<256xf32, #tpu.memory_space<vmem>>, vector<16xf32>,
      tpu.vector_store %arg14[%swap3A_503], %div3A_502 {strides = array<i32>} : memref<256xf32, #tpu.memory_space<vmem>>, vector<16xf32>,
      %add3A_505 = arith.constant 64 : i32
      %add3A_506 = vector.broadcast %add3A_505 : i32 to vector<16xi32>
      %add3A_507 = arith.addi %add3A_506, %iota3A : vector<16xi32>
      %mul3A_508 = arith.constant 16 : i32
      %mul3A_509 = vector.broadcast %mul3A_508 : i32 to vector<16xi32>
      %mul3A_510 = arith.muli %add3A_507, %mul3A_509 : vector<16xi32>
      %add3A_511 = arith.constant 0 : i32
      %add3A_512 = vector.broadcast %add3A_511 : i32 to vector<16xi32>
      %add3A_513 = arith.addi %mul3A_510, %add3A_512 : vector<16xi32>
      %gather3A_514 = tpu.vector_load_idx %arg16[%add3A_513] : memref<4096xf32, #tpu.memory_space<vmem>>[vector<16xi32>], vector<16xf32>,
      %add3A_515 = arith.constant 1 : i32
      %add3A_516 = vector.broadcast %add3A_515 : i32 to vector<16xi32>
      %add3A_517 = arith.addi %mul3A_510, %add3A_516 : vector<16xi32>
      %gather3A_518 = tpu.vector_load_idx %arg16[%add3A_517] : memref<4096xf32, #tpu.memory_space<vmem>>[vector<16xi32>], vector<16xf32>,
      %add3A_519 = arith.constant 2 : i32
      %add3A_520 = vector.broadcast %add3A_519 : i32 to vector<16xi32>
      %add3A_521 = arith.addi %mul3A_510, %add3A_520 : vector<16xi32>
      %gather3A_522 = tpu.vector_load_idx %arg16[%add3A_521] : memref<4096xf32, #tpu.memory_space<vmem>>[vector<16xi32>], vector<16xf32>,
      %add3A_523 = arith.constant 3 : i32
      %add3A_524 = vector.broadcast %add3A_523 : i32 to vector<16xi32>
      %add3A_525 = arith.addi %mul3A_510, %add3A_524 : vector<16xi32>
      %gather3A_526 = tpu.vector_load_idx %arg16[%add3A_525] : memref<4096xf32, #tpu.memory_space<vmem>>[vector<16xi32>], vector<16xf32>,
      %add3A_527 = arith.constant 4 : i32
      %add3A_528 = vector.broadcast %add3A_527 : i32 to vector<16xi32>
      %add3A_529 = arith.addi %mul3A_510, %add3A_528 : vector<16xi32>
      %gather3A_530 = tpu.vector_load_idx %arg16[%add3A_529] : memref<4096xf32, #tpu.memory_space<vmem>>[vector<16xi32>], vector<16xf32>,
      %add3A_531 = arith.constant 5 : i32
      %add3A_532 = vector.broadcast %add3A_531 : i32 to vector<16xi32>
      %add3A_533 = arith.addi %mul3A_510, %add3A_532 : vector<16xi32>
      %gather3A_534 = tpu.vector_load_idx %arg16[%add3A_533] : memref<4096xf32, #tpu.memory_space<vmem>>[vector<16xi32>], vector<16xf32>,
      %add3A_535 = arith.constant 6 : i32
      %add3A_536 = vector.broadcast %add3A_535 : i32 to vector<16xi32>
      %add3A_537 = arith.addi %mul3A_510, %add3A_536 : vector<16xi32>
      %gather3A_538 = tpu.vector_load_idx %arg16[%add3A_537] : memref<4096xf32, #tpu.memory_space<vmem>>[vector<16xi32>], vector<16xf32>,
      %add3A_539 = arith.constant 7 : i32
      %add3A_540 = vector.broadcast %add3A_539 : i32 to vector<16xi32>
      %add3A_541 = arith.addi %mul3A_510, %add3A_540 : vector<16xi32>
      %gather3A_542 = tpu.vector_load_idx %arg16[%add3A_541] : memref<4096xf32, #tpu.memory_space<vmem>>[vector<16xi32>], vector<16xf32>,
      %add3A_543 = arith.constant 8 : i32
      %add3A_544 = vector.broadcast %add3A_543 : i32 to vector<16xi32>
      %add3A_545 = arith.addi %mul3A_510, %add3A_544 : vector<16xi32>
      %gather3A_546 = tpu.vector_load_idx %arg16[%add3A_545] : memref<4096xf32, #tpu.memory_space<vmem>>[vector<16xi32>], vector<16xf32>,
      %add3A_547 = arith.constant 9 : i32
      %add3A_548 = vector.broadcast %add3A_547 : i32 to vector<16xi32>
      %add3A_549 = arith.addi %mul3A_510, %add3A_548 : vector<16xi32>
      %gather3A_550 = tpu.vector_load_idx %arg16[%add3A_549] : memref<4096xf32, #tpu.memory_space<vmem>>[vector<16xi32>], vector<16xf32>,
      %add3A_551 = arith.constant 10 : i32
      %add3A_552 = vector.broadcast %add3A_551 : i32 to vector<16xi32>
      %add3A_553 = arith.addi %mul3A_510, %add3A_552 : vector<16xi32>
      %gather3A_554 = tpu.vector_load_idx %arg16[%add3A_553] : memref<4096xf32, #tpu.memory_space<vmem>>[vector<16xi32>], vector<16xf32>,
      %add3A_555 = arith.constant 11 : i32
      %add3A_556 = vector.broadcast %add3A_555 : i32 to vector<16xi32>
      %add3A_557 = arith.addi %mul3A_510, %add3A_556 : vector<16xi32>
      %gather3A_558 = tpu.vector_load_idx %arg16[%add3A_557] : memref<4096xf32, #tpu.memory_space<vmem>>[vector<16xi32>], vector<16xf32>,
      %add3A_559 = arith.constant 12 : i32
      %add3A_560 = vector.broadcast %add3A_559 : i32 to vector<16xi32>
      %add3A_561 = arith.addi %mul3A_510, %add3A_560 : vector<16xi32>
      %gather3A_562 = tpu.vector_load_idx %arg16[%add3A_561] : memref<4096xf32, #tpu.memory_space<vmem>>[vector<16xi32>], vector<16xf32>,
      %add3A_563 = arith.constant 13 : i32
      %add3A_564 = vector.broadcast %add3A_563 : i32 to vector<16xi32>
      %add3A_565 = arith.addi %mul3A_510, %add3A_564 : vector<16xi32>
      %gather3A_566 = tpu.vector_load_idx %arg16[%add3A_565] : memref<4096xf32, #tpu.memory_space<vmem>>[vector<16xi32>], vector<16xf32>,
      %add3A_567 = arith.constant 14 : i32
      %add3A_568 = vector.broadcast %add3A_567 : i32 to vector<16xi32>
      %add3A_569 = arith.addi %mul3A_510, %add3A_568 : vector<16xi32>
      %gather3A_570 = tpu.vector_load_idx %arg16[%add3A_569] : memref<4096xf32, #tpu.memory_space<vmem>>[vector<16xi32>], vector<16xf32>,
      %add3A_571 = arith.constant 15 : i32
      %add3A_572 = vector.broadcast %add3A_571 : i32 to vector<16xi32>
      %add3A_573 = arith.addi %mul3A_510, %add3A_572 : vector<16xi32>
      %gather3A_574 = tpu.vector_load_idx %arg16[%add3A_573] : memref<4096xf32, #tpu.memory_space<vmem>>[vector<16xi32>], vector<16xf32>,
      %add3A_575 = arith.addf %gather3A_514, %gather3A_518 : vector<16xf32>
      %add3A_576 = arith.addf %gather3A_522, %gather3A_526 : vector<16xf32>
      %add3A_577 = arith.addf %gather3A_530, %gather3A_534 : vector<16xf32>
      %add3A_578 = arith.addf %gather3A_538, %gather3A_542 : vector<16xf32>
      %add3A_579 = arith.addf %gather3A_546, %gather3A_550 : vector<16xf32>
      %add3A_580 = arith.addf %gather3A_554, %gather3A_558 : vector<16xf32>
      %add3A_581 = arith.addf %gather3A_562, %gather3A_566 : vector<16xf32>
      %add3A_582 = arith.addf %gather3A_570, %gather3A_574 : vector<16xf32>
      %add3A_583 = arith.addf %add3A_575, %add3A_576 : vector<16xf32>
      %add3A_584 = arith.addf %add3A_577, %add3A_578 : vector<16xf32>
      %add3A_585 = arith.addf %add3A_579, %add3A_580 : vector<16xf32>
      %add3A_586 = arith.addf %add3A_581, %add3A_582 : vector<16xf32>
      %add3A_587 = arith.addf %add3A_583, %add3A_584 : vector<16xf32>
      %add3A_588 = arith.addf %add3A_585, %add3A_586 : vector<16xf32>
      %add3A_589 = arith.addf %add3A_587, %add3A_588 : vector<16xf32>
      %add3A_590 = arith.addf %add3A_589, %get3A_20 : vector<16xf32>
      %neg3A_591 = arith.constant 0.000000e+00 : f32
      %neg3A_592 = vector.broadcast %neg3A_591 : f32 to vector<16xf32>
      %neg3A_593 = arith.subf %neg3A_592, %add3A_590 : vector<16xf32>
      %exp3A_594 = math.exp %neg3A_593 : vector<16xf32>
      %add3A_595 = arith.constant 1.000000e+00 : f32
      %add3A_596 = vector.broadcast %add3A_595 : f32 to vector<16xf32>
      %add3A_597 = arith.addf %add3A_596, %exp3A_594 : vector<16xf32>
      %div3A_598 = arith.constant 1.000000e+00 : f32
      %div3A_599 = vector.broadcast %div3A_598 : f32 to vector<16xf32>
      %div3A_600 = arith.divf %div3A_599, %add3A_597 : vector<16xf32>
      %swap3A_601 = arith.constant 64 : index
      %swap3A_602 = tpu.vector_load %arg14[%swap3A_601] {strides = array<i32>} : memref<256xf32, #tpu.memory_space<vmem>>, vector<16xf32>,
      tpu.vector_store %arg14[%swap3A_601], %div3A_600 {strides = array<i32>} : memref<256xf32, #tpu.memory_space<vmem>>, vector<16xf32>,
      %add3A_603 = arith.constant 80 : i32
      %add3A_604 = vector.broadcast %add3A_603 : i32 to vector<16xi32>
      %add3A_605 = arith.addi %add3A_604, %iota3A : vector<16xi32>
      %mul3A_606 = arith.constant 16 : i32
      %mul3A_607 = vector.broadcast %mul3A_606 : i32 to vector<16xi32>
      %mul3A_608 = arith.muli %add3A_605, %mul3A_607 : vector<16xi32>
      %add3A_609 = arith.constant 0 : i32
      %add3A_610 = vector.broadcast %add3A_609 : i32 to vector<16xi32>
      %add3A_611 = arith.addi %mul3A_608, %add3A_610 : vector<16xi32>
      %gather3A_612 = tpu.vector_load_idx %arg16[%add3A_611] : memref<4096xf32, #tpu.memory_space<vmem>>[vector<16xi32>], vector<16xf32>,
      %add3A_613 = arith.constant 1 : i32
      %add3A_614 = vector.broadcast %add3A_613 : i32 to vector<16xi32>
      %add3A_615 = arith.addi %mul3A_608, %add3A_614 : vector<16xi32>
      %gather3A_616 = tpu.vector_load_idx %arg16[%add3A_615] : memref<4096xf32, #tpu.memory_space<vmem>>[vector<16xi32>], vector<16xf32>,
      %add3A_617 = arith.constant 2 : i32
      %add3A_618 = vector.broadcast %add3A_617 : i32 to vector<16xi32>
      %add3A_619 = arith.addi %mul3A_608, %add3A_618 : vector<16xi32>
      %gather3A_620 = tpu.vector_load_idx %arg16[%add3A_619] : memref<4096xf32, #tpu.memory_space<vmem>>[vector<16xi32>], vector<16xf32>,
      %add3A_621 = arith.constant 3 : i32
      %add3A_622 = vector.broadcast %add3A_621 : i32 to vector<16xi32>
      %add3A_623 = arith.addi %mul3A_608, %add3A_622 : vector<16xi32>
      %gather3A_624 = tpu.vector_load_idx %arg16[%add3A_623] : memref<4096xf32, #tpu.memory_space<vmem>>[vector<16xi32>], vector<16xf32>,
      %add3A_625 = arith.constant 4 : i32
      %add3A_626 = vector.broadcast %add3A_625 : i32 to vector<16xi32>
      %add3A_627 = arith.addi %mul3A_608, %add3A_626 : vector<16xi32>
      %gather3A_628 = tpu.vector_load_idx %arg16[%add3A_627] : memref<4096xf32, #tpu.memory_space<vmem>>[vector<16xi32>], vector<16xf32>,
      %add3A_629 = arith.constant 5 : i32
      %add3A_630 = vector.broadcast %add3A_629 : i32 to vector<16xi32>
      %add3A_631 = arith.addi %mul3A_608, %add3A_630 : vector<16xi32>
      %gather3A_632 = tpu.vector_load_idx %arg16[%add3A_631] : memref<4096xf32, #tpu.memory_space<vmem>>[vector<16xi32>], vector<16xf32>,
      %add3A_633 = arith.constant 6 : i32
      %add3A_634 = vector.broadcast %add3A_633 : i32 to vector<16xi32>
      %add3A_635 = arith.addi %mul3A_608, %add3A_634 : vector<16xi32>
      %gather3A_636 = tpu.vector_load_idx %arg16[%add3A_635] : memref<4096xf32, #tpu.memory_space<vmem>>[vector<16xi32>], vector<16xf32>,
      %add3A_637 = arith.constant 7 : i32
      %add3A_638 = vector.broadcast %add3A_637 : i32 to vector<16xi32>
      %add3A_639 = arith.addi %mul3A_608, %add3A_638 : vector<16xi32>
      %gather3A_640 = tpu.vector_load_idx %arg16[%add3A_639] : memref<4096xf32, #tpu.memory_space<vmem>>[vector<16xi32>], vector<16xf32>,
      %add3A_641 = arith.constant 8 : i32
      %add3A_642 = vector.broadcast %add3A_641 : i32 to vector<16xi32>
      %add3A_643 = arith.addi %mul3A_608, %add3A_642 : vector<16xi32>
      %gather3A_644 = tpu.vector_load_idx %arg16[%add3A_643] : memref<4096xf32, #tpu.memory_space<vmem>>[vector<16xi32>], vector<16xf32>,
      %add3A_645 = arith.constant 9 : i32
      %add3A_646 = vector.broadcast %add3A_645 : i32 to vector<16xi32>
      %add3A_647 = arith.addi %mul3A_608, %add3A_646 : vector<16xi32>
      %gather3A_648 = tpu.vector_load_idx %arg16[%add3A_647] : memref<4096xf32, #tpu.memory_space<vmem>>[vector<16xi32>], vector<16xf32>,
      %add3A_649 = arith.constant 10 : i32
      %add3A_650 = vector.broadcast %add3A_649 : i32 to vector<16xi32>
      %add3A_651 = arith.addi %mul3A_608, %add3A_650 : vector<16xi32>
      %gather3A_652 = tpu.vector_load_idx %arg16[%add3A_651] : memref<4096xf32, #tpu.memory_space<vmem>>[vector<16xi32>], vector<16xf32>,
      %add3A_653 = arith.constant 11 : i32
      %add3A_654 = vector.broadcast %add3A_653 : i32 to vector<16xi32>
      %add3A_655 = arith.addi %mul3A_608, %add3A_654 : vector<16xi32>
      %gather3A_656 = tpu.vector_load_idx %arg16[%add3A_655] : memref<4096xf32, #tpu.memory_space<vmem>>[vector<16xi32>], vector<16xf32>,
      %add3A_657 = arith.constant 12 : i32
      %add3A_658 = vector.broadcast %add3A_657 : i32 to vector<16xi32>
      %add3A_659 = arith.addi %mul3A_608, %add3A_658 : vector<16xi32>
      %gather3A_660 = tpu.vector_load_idx %arg16[%add3A_659] : memref<4096xf32, #tpu.memory_space<vmem>>[vector<16xi32>], vector<16xf32>,
      %add3A_661 = arith.constant 13 : i32
      %add3A_662 = vector.broadcast %add3A_661 : i32 to vector<16xi32>
      %add3A_663 = arith.addi %mul3A_608, %add3A_662 : vector<16xi32>
      %gather3A_664 = tpu.vector_load_idx %arg16[%add3A_663] : memref<4096xf32, #tpu.memory_space<vmem>>[vector<16xi32>], vector<16xf32>,
      %add3A_665 = arith.constant 14 : i32
      %add3A_666 = vector.broadcast %add3A_665 : i32 to vector<16xi32>
      %add3A_667 = arith.addi %mul3A_608, %add3A_666 : vector<16xi32>
      %gather3A_668 = tpu.vector_load_idx %arg16[%add3A_667] : memref<4096xf32, #tpu.memory_space<vmem>>[vector<16xi32>], vector<16xf32>,
      %add3A_669 = arith.constant 15 : i32
      %add3A_670 = vector.broadcast %add3A_669 : i32 to vector<16xi32>
      %add3A_671 = arith.addi %mul3A_608, %add3A_670 : vector<16xi32>
      %gather3A_672 = tpu.vector_load_idx %arg16[%add3A_671] : memref<4096xf32, #tpu.memory_space<vmem>>[vector<16xi32>], vector<16xf32>,
      %add3A_673 = arith.addf %gather3A_612, %gather3A_616 : vector<16xf32>
      %add3A_674 = arith.addf %gather3A_620, %gather3A_624 : vector<16xf32>
      %add3A_675 = arith.addf %gather3A_628, %gather3A_632 : vector<16xf32>
      %add3A_676 = arith.addf %gather3A_636, %gather3A_640 : vector<16xf32>
      %add3A_677 = arith.addf %gather3A_644, %gather3A_648 : vector<16xf32>
      %add3A_678 = arith.addf %gather3A_652, %gather3A_656 : vector<16xf32>
      %add3A_679 = arith.addf %gather3A_660, %gather3A_664 : vector<16xf32>
      %add3A_680 = arith.addf %gather3A_668, %gather3A_672 : vector<16xf32>
      %add3A_681 = arith.addf %add3A_673, %add3A_674 : vector<16xf32>
      %add3A_682 = arith.addf %add3A_675, %add3A_676 : vector<16xf32>
      %add3A_683 = arith.addf %add3A_677, %add3A_678 : vector<16xf32>
      %add3A_684 = arith.addf %add3A_679, %add3A_680 : vector<16xf32>
      %add3A_685 = arith.addf %add3A_681, %add3A_682 : vector<16xf32>
      %add3A_686 = arith.addf %add3A_683, %add3A_684 : vector<16xf32>
      %add3A_687 = arith.addf %add3A_685, %add3A_686 : vector<16xf32>
      %add3A_688 = arith.addf %add3A_687, %get3A_20 : vector<16xf32>
      %neg3A_689 = arith.constant 0.000000e+00 : f32
      %neg3A_690 = vector.broadcast %neg3A_689 : f32 to vector<16xf32>
      %neg3A_691 = arith.subf %neg3A_690, %add3A_688 : vector<16xf32>
      %exp3A_692 = math.exp %neg3A_691 : vector<16xf32>
      %add3A_693 = arith.constant 1.000000e+00 : f32
      %add3A_694 = vector.broadcast %add3A_693 : f32 to vector<16xf32>
      %add3A_695 = arith.addf %add3A_694, %exp3A_692 : vector<16xf32>
      %div3A_696 = arith.constant 1.000000e+00 : f32
      %div3A_697 = vector.broadcast %div3A_696 : f32 to vector<16xf32>
      %div3A_698 = arith.divf %div3A_697, %add3A_695 : vector<16xf32>
      %swap3A_699 = arith.constant 80 : index
      %swap3A_700 = tpu.vector_load %arg14[%swap3A_699] {strides = array<i32>} : memref<256xf32, #tpu.memory_space<vmem>>, vector<16xf32>,
      tpu.vector_store %arg14[%swap3A_699], %div3A_698 {strides = array<i32>} : memref<256xf32, #tpu.memory_space<vmem>>, vector<16xf32>,
      %add3A_701 = arith.constant 96 : i32
      %add3A_702 = vector.broadcast %add3A_701 : i32 to vector<16xi32>
      %add3A_703 = arith.addi %add3A_702, %iota3A : vector<16xi32>
      %mul3A_704 = arith.constant 16 : i32
      %mul3A_705 = vector.broadcast %mul3A_704 : i32 to vector<16xi32>
      %mul3A_706 = arith.muli %add3A_703, %mul3A_705 : vector<16xi32>
      %add3A_707 = arith.constant 0 : i32
      %add3A_708 = vector.broadcast %add3A_707 : i32 to vector<16xi32>
      %add3A_709 = arith.addi %mul3A_706, %add3A_708 : vector<16xi32>
      %gather3A_710 = tpu.vector_load_idx %arg16[%add3A_709] : memref<4096xf32, #tpu.memory_space<vmem>>[vector<16xi32>], vector<16xf32>,
      %add3A_711 = arith.constant 1 : i32
      %add3A_712 = vector.broadcast %add3A_711 : i32 to vector<16xi32>
      %add3A_713 = arith.addi %mul3A_706, %add3A_712 : vector<16xi32>
      %gather3A_714 = tpu.vector_load_idx %arg16[%add3A_713] : memref<4096xf32, #tpu.memory_space<vmem>>[vector<16xi32>], vector<16xf32>,
      %add3A_715 = arith.constant 2 : i32
      %add3A_716 = vector.broadcast %add3A_715 : i32 to vector<16xi32>
      %add3A_717 = arith.addi %mul3A_706, %add3A_716 : vector<16xi32>
      %gather3A_718 = tpu.vector_load_idx %arg16[%add3A_717] : memref<4096xf32, #tpu.memory_space<vmem>>[vector<16xi32>], vector<16xf32>,
      %add3A_719 = arith.constant 3 : i32
      %add3A_720 = vector.broadcast %add3A_719 : i32 to vector<16xi32>
      %add3A_721 = arith.addi %mul3A_706, %add3A_720 : vector<16xi32>
      %gather3A_722 = tpu.vector_load_idx %arg16[%add3A_721] : memref<4096xf32, #tpu.memory_space<vmem>>[vector<16xi32>], vector<16xf32>,
      %add3A_723 = arith.constant 4 : i32
      %add3A_724 = vector.broadcast %add3A_723 : i32 to vector<16xi32>
      %add3A_725 = arith.addi %mul3A_706, %add3A_724 : vector<16xi32>
      %gather3A_726 = tpu.vector_load_idx %arg16[%add3A_725] : memref<4096xf32, #tpu.memory_space<vmem>>[vector<16xi32>], vector<16xf32>,
      %add3A_727 = arith.constant 5 : i32
      %add3A_728 = vector.broadcast %add3A_727 : i32 to vector<16xi32>
      %add3A_729 = arith.addi %mul3A_706, %add3A_728 : vector<16xi32>
      %gather3A_730 = tpu.vector_load_idx %arg16[%add3A_729] : memref<4096xf32, #tpu.memory_space<vmem>>[vector<16xi32>], vector<16xf32>,
      %add3A_731 = arith.constant 6 : i32
      %add3A_732 = vector.broadcast %add3A_731 : i32 to vector<16xi32>
      %add3A_733 = arith.addi %mul3A_706, %add3A_732 : vector<16xi32>
      %gather3A_734 = tpu.vector_load_idx %arg16[%add3A_733] : memref<4096xf32, #tpu.memory_space<vmem>>[vector<16xi32>], vector<16xf32>,
      %add3A_735 = arith.constant 7 : i32
      %add3A_736 = vector.broadcast %add3A_735 : i32 to vector<16xi32>
      %add3A_737 = arith.addi %mul3A_706, %add3A_736 : vector<16xi32>
      %gather3A_738 = tpu.vector_load_idx %arg16[%add3A_737] : memref<4096xf32, #tpu.memory_space<vmem>>[vector<16xi32>], vector<16xf32>,
      %add3A_739 = arith.constant 8 : i32
      %add3A_740 = vector.broadcast %add3A_739 : i32 to vector<16xi32>
      %add3A_741 = arith.addi %mul3A_706, %add3A_740 : vector<16xi32>
      %gather3A_742 = tpu.vector_load_idx %arg16[%add3A_741] : memref<4096xf32, #tpu.memory_space<vmem>>[vector<16xi32>], vector<16xf32>,
      %add3A_743 = arith.constant 9 : i32
      %add3A_744 = vector.broadcast %add3A_743 : i32 to vector<16xi32>
      %add3A_745 = arith.addi %mul3A_706, %add3A_744 : vector<16xi32>
      %gather3A_746 = tpu.vector_load_idx %arg16[%add3A_745] : memref<4096xf32, #tpu.memory_space<vmem>>[vector<16xi32>], vector<16xf32>,
      %add3A_747 = arith.constant 10 : i32
      %add3A_748 = vector.broadcast %add3A_747 : i32 to vector<16xi32>
      %add3A_749 = arith.addi %mul3A_706, %add3A_748 : vector<16xi32>
      %gather3A_750 = tpu.vector_load_idx %arg16[%add3A_749] : memref<4096xf32, #tpu.memory_space<vmem>>[vector<16xi32>], vector<16xf32>,
      %add3A_751 = arith.constant 11 : i32
      %add3A_752 = vector.broadcast %add3A_751 : i32 to vector<16xi32>
      %add3A_753 = arith.addi %mul3A_706, %add3A_752 : vector<16xi32>
      %gather3A_754 = tpu.vector_load_idx %arg16[%add3A_753] : memref<4096xf32, #tpu.memory_space<vmem>>[vector<16xi32>], vector<16xf32>,
      %add3A_755 = arith.constant 12 : i32
      %add3A_756 = vector.broadcast %add3A_755 : i32 to vector<16xi32>
      %add3A_757 = arith.addi %mul3A_706, %add3A_756 : vector<16xi32>
      %gather3A_758 = tpu.vector_load_idx %arg16[%add3A_757] : memref<4096xf32, #tpu.memory_space<vmem>>[vector<16xi32>], vector<16xf32>,
      %add3A_759 = arith.constant 13 : i32
      %add3A_760 = vector.broadcast %add3A_759 : i32 to vector<16xi32>
      %add3A_761 = arith.addi %mul3A_706, %add3A_760 : vector<16xi32>
      %gather3A_762 = tpu.vector_load_idx %arg16[%add3A_761] : memref<4096xf32, #tpu.memory_space<vmem>>[vector<16xi32>], vector<16xf32>,
      %add3A_763 = arith.constant 14 : i32
      %add3A_764 = vector.broadcast %add3A_763 : i32 to vector<16xi32>
      %add3A_765 = arith.addi %mul3A_706, %add3A_764 : vector<16xi32>
      %gather3A_766 = tpu.vector_load_idx %arg16[%add3A_765] : memref<4096xf32, #tpu.memory_space<vmem>>[vector<16xi32>], vector<16xf32>,
      %add3A_767 = arith.constant 15 : i32
      %add3A_768 = vector.broadcast %add3A_767 : i32 to vector<16xi32>
      %add3A_769 = arith.addi %mul3A_706, %add3A_768 : vector<16xi32>
      %gather3A_770 = tpu.vector_load_idx %arg16[%add3A_769] : memref<4096xf32, #tpu.memory_space<vmem>>[vector<16xi32>], vector<16xf32>,
      %add3A_771 = arith.addf %gather3A_710, %gather3A_714 : vector<16xf32>
      %add3A_772 = arith.addf %gather3A_718, %gather3A_722 : vector<16xf32>
      %add3A_773 = arith.addf %gather3A_726, %gather3A_730 : vector<16xf32>
      %add3A_774 = arith.addf %gather3A_734, %gather3A_738 : vector<16xf32>
      %add3A_775 = arith.addf %gather3A_742, %gather3A_746 : vector<16xf32>
      %add3A_776 = arith.addf %gather3A_750, %gather3A_754 : vector<16xf32>
      %add3A_777 = arith.addf %gather3A_758, %gather3A_762 : vector<16xf32>
      %add3A_778 = arith.addf %gather3A_766, %gather3A_770 : vector<16xf32>
      %add3A_779 = arith.addf %add3A_771, %add3A_772 : vector<16xf32>
      %add3A_780 = arith.addf %add3A_773, %add3A_774 : vector<16xf32>
      %add3A_781 = arith.addf %add3A_775, %add3A_776 : vector<16xf32>
      %add3A_782 = arith.addf %add3A_777, %add3A_778 : vector<16xf32>
      %add3A_783 = arith.addf %add3A_779, %add3A_780 : vector<16xf32>
      %add3A_784 = arith.addf %add3A_781, %add3A_782 : vector<16xf32>
      %add3A_785 = arith.addf %add3A_783, %add3A_784 : vector<16xf32>
      %add3A_786 = arith.addf %add3A_785, %get3A_20 : vector<16xf32>
      %neg3A_787 = arith.constant 0.000000e+00 : f32
      %neg3A_788 = vector.broadcast %neg3A_787 : f32 to vector<16xf32>
      %neg3A_789 = arith.subf %neg3A_788, %add3A_786 : vector<16xf32>
      %exp3A_790 = math.exp %neg3A_789 : vector<16xf32>
      %add3A_791 = arith.constant 1.000000e+00 : f32
      %add3A_792 = vector.broadcast %add3A_791 : f32 to vector<16xf32>
      %add3A_793 = arith.addf %add3A_792, %exp3A_790 : vector<16xf32>
      %div3A_794 = arith.constant 1.000000e+00 : f32
      %div3A_795 = vector.broadcast %div3A_794 : f32 to vector<16xf32>
      %div3A_796 = arith.divf %div3A_795, %add3A_793 : vector<16xf32>
      %swap3A_797 = arith.constant 96 : index
      %swap3A_798 = tpu.vector_load %arg14[%swap3A_797] {strides = array<i32>} : memref<256xf32, #tpu.memory_space<vmem>>, vector<16xf32>,
      tpu.vector_store %arg14[%swap3A_797], %div3A_796 {strides = array<i32>} : memref<256xf32, #tpu.memory_space<vmem>>, vector<16xf32>,
      %add3A_799 = arith.constant 112 : i32
      %add3A_800 = vector.broadcast %add3A_799 : i32 to vector<16xi32>
      %add3A_801 = arith.addi %add3A_800, %iota3A : vector<16xi32>
      %mul3A_802 = arith.constant 16 : i32
      %mul3A_803 = vector.broadcast %mul3A_802 : i32 to vector<16xi32>
      %mul3A_804 = arith.muli %add3A_801, %mul3A_803 : vector<16xi32>
      %add3A_805 = arith.constant 0 : i32
      %add3A_806 = vector.broadcast %add3A_805 : i32 to vector<16xi32>
      %add3A_807 = arith.addi %mul3A_804, %add3A_806 : vector<16xi32>
      %gather3A_808 = tpu.vector_load_idx %arg16[%add3A_807] : memref<4096xf32, #tpu.memory_space<vmem>>[vector<16xi32>], vector<16xf32>,
      %add3A_809 = arith.constant 1 : i32
      %add3A_810 = vector.broadcast %add3A_809 : i32 to vector<16xi32>
      %add3A_811 = arith.addi %mul3A_804, %add3A_810 : vector<16xi32>
      %gather3A_812 = tpu.vector_load_idx %arg16[%add3A_811] : memref<4096xf32, #tpu.memory_space<vmem>>[vector<16xi32>], vector<16xf32>,
      %add3A_813 = arith.constant 2 : i32
      %add3A_814 = vector.broadcast %add3A_813 : i32 to vector<16xi32>
      %add3A_815 = arith.addi %mul3A_804, %add3A_814 : vector<16xi32>
      %gather3A_816 = tpu.vector_load_idx %arg16[%add3A_815] : memref<4096xf32, #tpu.memory_space<vmem>>[vector<16xi32>], vector<16xf32>,
      %add3A_817 = arith.constant 3 : i32
      %add3A_818 = vector.broadcast %add3A_817 : i32 to vector<16xi32>
      %add3A_819 = arith.addi %mul3A_804, %add3A_818 : vector<16xi32>
      %gather3A_820 = tpu.vector_load_idx %arg16[%add3A_819] : memref<4096xf32, #tpu.memory_space<vmem>>[vector<16xi32>], vector<16xf32>,
      %add3A_821 = arith.constant 4 : i32
      %add3A_822 = vector.broadcast %add3A_821 : i32 to vector<16xi32>
      %add3A_823 = arith.addi %mul3A_804, %add3A_822 : vector<16xi32>
      %gather3A_824 = tpu.vector_load_idx %arg16[%add3A_823] : memref<4096xf32, #tpu.memory_space<vmem>>[vector<16xi32>], vector<16xf32>,
      %add3A_825 = arith.constant 5 : i32
      %add3A_826 = vector.broadcast %add3A_825 : i32 to vector<16xi32>
      %add3A_827 = arith.addi %mul3A_804, %add3A_826 : vector<16xi32>
      %gather3A_828 = tpu.vector_load_idx %arg16[%add3A_827] : memref<4096xf32, #tpu.memory_space<vmem>>[vector<16xi32>], vector<16xf32>,
      %add3A_829 = arith.constant 6 : i32
      %add3A_830 = vector.broadcast %add3A_829 : i32 to vector<16xi32>
      %add3A_831 = arith.addi %mul3A_804, %add3A_830 : vector<16xi32>
      %gather3A_832 = tpu.vector_load_idx %arg16[%add3A_831] : memref<4096xf32, #tpu.memory_space<vmem>>[vector<16xi32>], vector<16xf32>,
      %add3A_833 = arith.constant 7 : i32
      %add3A_834 = vector.broadcast %add3A_833 : i32 to vector<16xi32>
      %add3A_835 = arith.addi %mul3A_804, %add3A_834 : vector<16xi32>
      %gather3A_836 = tpu.vector_load_idx %arg16[%add3A_835] : memref<4096xf32, #tpu.memory_space<vmem>>[vector<16xi32>], vector<16xf32>,
      %add3A_837 = arith.constant 8 : i32
      %add3A_838 = vector.broadcast %add3A_837 : i32 to vector<16xi32>
      %add3A_839 = arith.addi %mul3A_804, %add3A_838 : vector<16xi32>
      %gather3A_840 = tpu.vector_load_idx %arg16[%add3A_839] : memref<4096xf32, #tpu.memory_space<vmem>>[vector<16xi32>], vector<16xf32>,
      %add3A_841 = arith.constant 9 : i32
      %add3A_842 = vector.broadcast %add3A_841 : i32 to vector<16xi32>
      %add3A_843 = arith.addi %mul3A_804, %add3A_842 : vector<16xi32>
      %gather3A_844 = tpu.vector_load_idx %arg16[%add3A_843] : memref<4096xf32, #tpu.memory_space<vmem>>[vector<16xi32>], vector<16xf32>,
      %add3A_845 = arith.constant 10 : i32
      %add3A_846 = vector.broadcast %add3A_845 : i32 to vector<16xi32>
      %add3A_847 = arith.addi %mul3A_804, %add3A_846 : vector<16xi32>
      %gather3A_848 = tpu.vector_load_idx %arg16[%add3A_847] : memref<4096xf32, #tpu.memory_space<vmem>>[vector<16xi32>], vector<16xf32>,
      %add3A_849 = arith.constant 11 : i32
      %add3A_850 = vector.broadcast %add3A_849 : i32 to vector<16xi32>
      %add3A_851 = arith.addi %mul3A_804, %add3A_850 : vector<16xi32>
      %gather3A_852 = tpu.vector_load_idx %arg16[%add3A_851] : memref<4096xf32, #tpu.memory_space<vmem>>[vector<16xi32>], vector<16xf32>,
      %add3A_853 = arith.constant 12 : i32
      %add3A_854 = vector.broadcast %add3A_853 : i32 to vector<16xi32>
      %add3A_855 = arith.addi %mul3A_804, %add3A_854 : vector<16xi32>
      %gather3A_856 = tpu.vector_load_idx %arg16[%add3A_855] : memref<4096xf32, #tpu.memory_space<vmem>>[vector<16xi32>], vector<16xf32>,
      %add3A_857 = arith.constant 13 : i32
      %add3A_858 = vector.broadcast %add3A_857 : i32 to vector<16xi32>
      %add3A_859 = arith.addi %mul3A_804, %add3A_858 : vector<16xi32>
      %gather3A_860 = tpu.vector_load_idx %arg16[%add3A_859] : memref<4096xf32, #tpu.memory_space<vmem>>[vector<16xi32>], vector<16xf32>,
      %add3A_861 = arith.constant 14 : i32
      %add3A_862 = vector.broadcast %add3A_861 : i32 to vector<16xi32>
      %add3A_863 = arith.addi %mul3A_804, %add3A_862 : vector<16xi32>
      %gather3A_864 = tpu.vector_load_idx %arg16[%add3A_863] : memref<4096xf32, #tpu.memory_space<vmem>>[vector<16xi32>], vector<16xf32>,
      %add3A_865 = arith.constant 15 : i32
      %add3A_866 = vector.broadcast %add3A_865 : i32 to vector<16xi32>
      %add3A_867 = arith.addi %mul3A_804, %add3A_866 : vector<16xi32>
      %gather3A_868 = tpu.vector_load_idx %arg16[%add3A_867] : memref<4096xf32, #tpu.memory_space<vmem>>[vector<16xi32>], vector<16xf32>,
      %add3A_869 = arith.addf %gather3A_808, %gather3A_812 : vector<16xf32>
      %add3A_870 = arith.addf %gather3A_816, %gather3A_820 : vector<16xf32>
      %add3A_871 = arith.addf %gather3A_824, %gather3A_828 : vector<16xf32>
      %add3A_872 = arith.addf %gather3A_832, %gather3A_836 : vector<16xf32>
      %add3A_873 = arith.addf %gather3A_840, %gather3A_844 : vector<16xf32>
      %add3A_874 = arith.addf %gather3A_848, %gather3A_852 : vector<16xf32>
      %add3A_875 = arith.addf %gather3A_856, %gather3A_860 : vector<16xf32>
      %add3A_876 = arith.addf %gather3A_864, %gather3A_868 : vector<16xf32>
      %add3A_877 = arith.addf %add3A_869, %add3A_870 : vector<16xf32>
      %add3A_878 = arith.addf %add3A_871, %add3A_872 : vector<16xf32>
      %add3A_879 = arith.addf %add3A_873, %add3A_874 : vector<16xf32>
      %add3A_880 = arith.addf %add3A_875, %add3A_876 : vector<16xf32>
      %add3A_881 = arith.addf %add3A_877, %add3A_878 : vector<16xf32>
      %add3A_882 = arith.addf %add3A_879, %add3A_880 : vector<16xf32>
      %add3A_883 = arith.addf %add3A_881, %add3A_882 : vector<16xf32>
      %add3A_884 = arith.addf %add3A_883, %get3A_20 : vector<16xf32>
      %neg3A_885 = arith.constant 0.000000e+00 : f32
      %neg3A_886 = vector.broadcast %neg3A_885 : f32 to vector<16xf32>
      %neg3A_887 = arith.subf %neg3A_886, %add3A_884 : vector<16xf32>
      %exp3A_888 = math.exp %neg3A_887 : vector<16xf32>
      %add3A_889 = arith.constant 1.000000e+00 : f32
      %add3A_890 = vector.broadcast %add3A_889 : f32 to vector<16xf32>
      %add3A_891 = arith.addf %add3A_890, %exp3A_888 : vector<16xf32>
      %div3A_892 = arith.constant 1.000000e+00 : f32
      %div3A_893 = vector.broadcast %div3A_892 : f32 to vector<16xf32>
      %div3A_894 = arith.divf %div3A_893, %add3A_891 : vector<16xf32>
      %swap3A_895 = arith.constant 112 : index
      %swap3A_896 = tpu.vector_load %arg14[%swap3A_895] {strides = array<i32>} : memref<256xf32, #tpu.memory_space<vmem>>, vector<16xf32>,
      tpu.vector_store %arg14[%swap3A_895], %div3A_894 {strides = array<i32>} : memref<256xf32, #tpu.memory_space<vmem>>, vector<16xf32>,
      %add3A_897 = arith.constant 128 : i32
      %add3A_898 = vector.broadcast %add3A_897 : i32 to vector<16xi32>
      %add3A_899 = arith.addi %add3A_898, %iota3A : vector<16xi32>
      %mul3A_900 = arith.constant 16 : i32
      %mul3A_901 = vector.broadcast %mul3A_900 : i32 to vector<16xi32>
      %mul3A_902 = arith.muli %add3A_899, %mul3A_901 : vector<16xi32>
      %add3A_903 = arith.constant 0 : i32
      %add3A_904 = vector.broadcast %add3A_903 : i32 to vector<16xi32>
      %add3A_905 = arith.addi %mul3A_902, %add3A_904 : vector<16xi32>
      %gather3A_906 = tpu.vector_load_idx %arg16[%add3A_905] : memref<4096xf32, #tpu.memory_space<vmem>>[vector<16xi32>], vector<16xf32>,
      %add3A_907 = arith.constant 1 : i32
      %add3A_908 = vector.broadcast %add3A_907 : i32 to vector<16xi32>
      %add3A_909 = arith.addi %mul3A_902, %add3A_908 : vector<16xi32>
      %gather3A_910 = tpu.vector_load_idx %arg16[%add3A_909] : memref<4096xf32, #tpu.memory_space<vmem>>[vector<16xi32>], vector<16xf32>,
      %add3A_911 = arith.constant 2 : i32
      %add3A_912 = vector.broadcast %add3A_911 : i32 to vector<16xi32>
      %add3A_913 = arith.addi %mul3A_902, %add3A_912 : vector<16xi32>
      %gather3A_914 = tpu.vector_load_idx %arg16[%add3A_913] : memref<4096xf32, #tpu.memory_space<vmem>>[vector<16xi32>], vector<16xf32>,
      %add3A_915 = arith.constant 3 : i32
      %add3A_916 = vector.broadcast %add3A_915 : i32 to vector<16xi32>
      %add3A_917 = arith.addi %mul3A_902, %add3A_916 : vector<16xi32>
      %gather3A_918 = tpu.vector_load_idx %arg16[%add3A_917] : memref<4096xf32, #tpu.memory_space<vmem>>[vector<16xi32>], vector<16xf32>,
      %add3A_919 = arith.constant 4 : i32
      %add3A_920 = vector.broadcast %add3A_919 : i32 to vector<16xi32>
      %add3A_921 = arith.addi %mul3A_902, %add3A_920 : vector<16xi32>
      %gather3A_922 = tpu.vector_load_idx %arg16[%add3A_921] : memref<4096xf32, #tpu.memory_space<vmem>>[vector<16xi32>], vector<16xf32>,
      %add3A_923 = arith.constant 5 : i32
      %add3A_924 = vector.broadcast %add3A_923 : i32 to vector<16xi32>
      %add3A_925 = arith.addi %mul3A_902, %add3A_924 : vector<16xi32>
      %gather3A_926 = tpu.vector_load_idx %arg16[%add3A_925] : memref<4096xf32, #tpu.memory_space<vmem>>[vector<16xi32>], vector<16xf32>,
      %add3A_927 = arith.constant 6 : i32
      %add3A_928 = vector.broadcast %add3A_927 : i32 to vector<16xi32>
      %add3A_929 = arith.addi %mul3A_902, %add3A_928 : vector<16xi32>
      %gather3A_930 = tpu.vector_load_idx %arg16[%add3A_929] : memref<4096xf32, #tpu.memory_space<vmem>>[vector<16xi32>], vector<16xf32>,
      %add3A_931 = arith.constant 7 : i32
      %add3A_932 = vector.broadcast %add3A_931 : i32 to vector<16xi32>
      %add3A_933 = arith.addi %mul3A_902, %add3A_932 : vector<16xi32>
      %gather3A_934 = tpu.vector_load_idx %arg16[%add3A_933] : memref<4096xf32, #tpu.memory_space<vmem>>[vector<16xi32>], vector<16xf32>,
      %add3A_935 = arith.constant 8 : i32
      %add3A_936 = vector.broadcast %add3A_935 : i32 to vector<16xi32>
      %add3A_937 = arith.addi %mul3A_902, %add3A_936 : vector<16xi32>
      %gather3A_938 = tpu.vector_load_idx %arg16[%add3A_937] : memref<4096xf32, #tpu.memory_space<vmem>>[vector<16xi32>], vector<16xf32>,
      %add3A_939 = arith.constant 9 : i32
      %add3A_940 = vector.broadcast %add3A_939 : i32 to vector<16xi32>
      %add3A_941 = arith.addi %mul3A_902, %add3A_940 : vector<16xi32>
      %gather3A_942 = tpu.vector_load_idx %arg16[%add3A_941] : memref<4096xf32, #tpu.memory_space<vmem>>[vector<16xi32>], vector<16xf32>,
      %add3A_943 = arith.constant 10 : i32
      %add3A_944 = vector.broadcast %add3A_943 : i32 to vector<16xi32>
      %add3A_945 = arith.addi %mul3A_902, %add3A_944 : vector<16xi32>
      %gather3A_946 = tpu.vector_load_idx %arg16[%add3A_945] : memref<4096xf32, #tpu.memory_space<vmem>>[vector<16xi32>], vector<16xf32>,
      %add3A_947 = arith.constant 11 : i32
      %add3A_948 = vector.broadcast %add3A_947 : i32 to vector<16xi32>
      %add3A_949 = arith.addi %mul3A_902, %add3A_948 : vector<16xi32>
      %gather3A_950 = tpu.vector_load_idx %arg16[%add3A_949] : memref<4096xf32, #tpu.memory_space<vmem>>[vector<16xi32>], vector<16xf32>,
      %add3A_951 = arith.constant 12 : i32
      %add3A_952 = vector.broadcast %add3A_951 : i32 to vector<16xi32>
      %add3A_953 = arith.addi %mul3A_902, %add3A_952 : vector<16xi32>
      %gather3A_954 = tpu.vector_load_idx %arg16[%add3A_953] : memref<4096xf32, #tpu.memory_space<vmem>>[vector<16xi32>], vector<16xf32>,
      %add3A_955 = arith.constant 13 : i32
      %add3A_956 = vector.broadcast %add3A_955 : i32 to vector<16xi32>
      %add3A_957 = arith.addi %mul3A_902, %add3A_956 : vector<16xi32>
      %gather3A_958 = tpu.vector_load_idx %arg16[%add3A_957] : memref<4096xf32, #tpu.memory_space<vmem>>[vector<16xi32>], vector<16xf32>,
      %add3A_959 = arith.constant 14 : i32
      %add3A_960 = vector.broadcast %add3A_959 : i32 to vector<16xi32>
      %add3A_961 = arith.addi %mul3A_902, %add3A_960 : vector<16xi32>
      %gather3A_962 = tpu.vector_load_idx %arg16[%add3A_961] : memref<4096xf32, #tpu.memory_space<vmem>>[vector<16xi32>], vector<16xf32>,
      %add3A_963 = arith.constant 15 : i32
      %add3A_964 = vector.broadcast %add3A_963 : i32 to vector<16xi32>
      %add3A_965 = arith.addi %mul3A_902, %add3A_964 : vector<16xi32>
      %gather3A_966 = tpu.vector_load_idx %arg16[%add3A_965] : memref<4096xf32, #tpu.memory_space<vmem>>[vector<16xi32>], vector<16xf32>,
      %add3A_967 = arith.addf %gather3A_906, %gather3A_910 : vector<16xf32>
      %add3A_968 = arith.addf %gather3A_914, %gather3A_918 : vector<16xf32>
      %add3A_969 = arith.addf %gather3A_922, %gather3A_926 : vector<16xf32>
      %add3A_970 = arith.addf %gather3A_930, %gather3A_934 : vector<16xf32>
      %add3A_971 = arith.addf %gather3A_938, %gather3A_942 : vector<16xf32>
      %add3A_972 = arith.addf %gather3A_946, %gather3A_950 : vector<16xf32>
      %add3A_973 = arith.addf %gather3A_954, %gather3A_958 : vector<16xf32>
      %add3A_974 = arith.addf %gather3A_962, %gather3A_966 : vector<16xf32>
      %add3A_975 = arith.addf %add3A_967, %add3A_968 : vector<16xf32>
      %add3A_976 = arith.addf %add3A_969, %add3A_970 : vector<16xf32>
      %add3A_977 = arith.addf %add3A_971, %add3A_972 : vector<16xf32>
      %add3A_978 = arith.addf %add3A_973, %add3A_974 : vector<16xf32>
      %add3A_979 = arith.addf %add3A_975, %add3A_976 : vector<16xf32>
      %add3A_980 = arith.addf %add3A_977, %add3A_978 : vector<16xf32>
      %add3A_981 = arith.addf %add3A_979, %add3A_980 : vector<16xf32>
      %add3A_982 = arith.addf %add3A_981, %get3A_20 : vector<16xf32>
      %neg3A_983 = arith.constant 0.000000e+00 : f32
      %neg3A_984 = vector.broadcast %neg3A_983 : f32 to vector<16xf32>
      %neg3A_985 = arith.subf %neg3A_984, %add3A_982 : vector<16xf32>
      %exp3A_986 = math.exp %neg3A_985 : vector<16xf32>
      %add3A_987 = arith.constant 1.000000e+00 : f32
      %add3A_988 = vector.broadcast %add3A_987 : f32 to vector<16xf32>
      %add3A_989 = arith.addf %add3A_988, %exp3A_986 : vector<16xf32>
      %div3A_990 = arith.constant 1.000000e+00 : f32
      %div3A_991 = vector.broadcast %div3A_990 : f32 to vector<16xf32>
      %div3A_992 = arith.divf %div3A_991, %add3A_989 : vector<16xf32>
      %swap3A_993 = arith.constant 128 : index
      %swap3A_994 = tpu.vector_load %arg14[%swap3A_993] {strides = array<i32>} : memref<256xf32, #tpu.memory_space<vmem>>, vector<16xf32>,
      tpu.vector_store %arg14[%swap3A_993], %div3A_992 {strides = array<i32>} : memref<256xf32, #tpu.memory_space<vmem>>, vector<16xf32>,
      %add3A_995 = arith.constant 144 : i32
      %add3A_996 = vector.broadcast %add3A_995 : i32 to vector<16xi32>
      %add3A_997 = arith.addi %add3A_996, %iota3A : vector<16xi32>
      %mul3A_998 = arith.constant 16 : i32
      %mul3A_999 = vector.broadcast %mul3A_998 : i32 to vector<16xi32>
      %mul3A_1000 = arith.muli %add3A_997, %mul3A_999 : vector<16xi32>
      %add3A_1001 = arith.constant 0 : i32
      %add3A_1002 = vector.broadcast %add3A_1001 : i32 to vector<16xi32>
      %add3A_1003 = arith.addi %mul3A_1000, %add3A_1002 : vector<16xi32>
      %gather3A_1004 = tpu.vector_load_idx %arg16[%add3A_1003] : memref<4096xf32, #tpu.memory_space<vmem>>[vector<16xi32>], vector<16xf32>,
      %add3A_1005 = arith.constant 1 : i32
      %add3A_1006 = vector.broadcast %add3A_1005 : i32 to vector<16xi32>
      %add3A_1007 = arith.addi %mul3A_1000, %add3A_1006 : vector<16xi32>
      %gather3A_1008 = tpu.vector_load_idx %arg16[%add3A_1007] : memref<4096xf32, #tpu.memory_space<vmem>>[vector<16xi32>], vector<16xf32>,
      %add3A_1009 = arith.constant 2 : i32
      %add3A_1010 = vector.broadcast %add3A_1009 : i32 to vector<16xi32>
      %add3A_1011 = arith.addi %mul3A_1000, %add3A_1010 : vector<16xi32>
      %gather3A_1012 = tpu.vector_load_idx %arg16[%add3A_1011] : memref<4096xf32, #tpu.memory_space<vmem>>[vector<16xi32>], vector<16xf32>,
      %add3A_1013 = arith.constant 3 : i32
      %add3A_1014 = vector.broadcast %add3A_1013 : i32 to vector<16xi32>
      %add3A_1015 = arith.addi %mul3A_1000, %add3A_1014 : vector<16xi32>
      %gather3A_1016 = tpu.vector_load_idx %arg16[%add3A_1015] : memref<4096xf32, #tpu.memory_space<vmem>>[vector<16xi32>], vector<16xf32>,
      %add3A_1017 = arith.constant 4 : i32
      %add3A_1018 = vector.broadcast %add3A_1017 : i32 to vector<16xi32>
      %add3A_1019 = arith.addi %mul3A_1000, %add3A_1018 : vector<16xi32>
      %gather3A_1020 = tpu.vector_load_idx %arg16[%add3A_1019] : memref<4096xf32, #tpu.memory_space<vmem>>[vector<16xi32>], vector<16xf32>,
      %add3A_1021 = arith.constant 5 : i32
      %add3A_1022 = vector.broadcast %add3A_1021 : i32 to vector<16xi32>
      %add3A_1023 = arith.addi %mul3A_1000, %add3A_1022 : vector<16xi32>
      %gather3A_1024 = tpu.vector_load_idx %arg16[%add3A_1023] : memref<4096xf32, #tpu.memory_space<vmem>>[vector<16xi32>], vector<16xf32>,
      %add3A_1025 = arith.constant 6 : i32
      %add3A_1026 = vector.broadcast %add3A_1025 : i32 to vector<16xi32>
      %add3A_1027 = arith.addi %mul3A_1000, %add3A_1026 : vector<16xi32>
      %gather3A_1028 = tpu.vector_load_idx %arg16[%add3A_1027] : memref<4096xf32, #tpu.memory_space<vmem>>[vector<16xi32>], vector<16xf32>,
      %add3A_1029 = arith.constant 7 : i32
      %add3A_1030 = vector.broadcast %add3A_1029 : i32 to vector<16xi32>
      %add3A_1031 = arith.addi %mul3A_1000, %add3A_1030 : vector<16xi32>
      %gather3A_1032 = tpu.vector_load_idx %arg16[%add3A_1031] : memref<4096xf32, #tpu.memory_space<vmem>>[vector<16xi32>], vector<16xf32>,
      %add3A_1033 = arith.constant 8 : i32
      %add3A_1034 = vector.broadcast %add3A_1033 : i32 to vector<16xi32>
      %add3A_1035 = arith.addi %mul3A_1000, %add3A_1034 : vector<16xi32>
      %gather3A_1036 = tpu.vector_load_idx %arg16[%add3A_1035] : memref<4096xf32, #tpu.memory_space<vmem>>[vector<16xi32>], vector<16xf32>,
      %add3A_1037 = arith.constant 9 : i32
      %add3A_1038 = vector.broadcast %add3A_1037 : i32 to vector<16xi32>
      %add3A_1039 = arith.addi %mul3A_1000, %add3A_1038 : vector<16xi32>
      %gather3A_1040 = tpu.vector_load_idx %arg16[%add3A_1039] : memref<4096xf32, #tpu.memory_space<vmem>>[vector<16xi32>], vector<16xf32>,
      %add3A_1041 = arith.constant 10 : i32
      %add3A_1042 = vector.broadcast %add3A_1041 : i32 to vector<16xi32>
      %add3A_1043 = arith.addi %mul3A_1000, %add3A_1042 : vector<16xi32>
      %gather3A_1044 = tpu.vector_load_idx %arg16[%add3A_1043] : memref<4096xf32, #tpu.memory_space<vmem>>[vector<16xi32>], vector<16xf32>,
      %add3A_1045 = arith.constant 11 : i32
      %add3A_1046 = vector.broadcast %add3A_1045 : i32 to vector<16xi32>
      %add3A_1047 = arith.addi %mul3A_1000, %add3A_1046 : vector<16xi32>
      %gather3A_1048 = tpu.vector_load_idx %arg16[%add3A_1047] : memref<4096xf32, #tpu.memory_space<vmem>>[vector<16xi32>], vector<16xf32>,
      %add3A_1049 = arith.constant 12 : i32
      %add3A_1050 = vector.broadcast %add3A_1049 : i32 to vector<16xi32>
      %add3A_1051 = arith.addi %mul3A_1000, %add3A_1050 : vector<16xi32>
      %gather3A_1052 = tpu.vector_load_idx %arg16[%add3A_1051] : memref<4096xf32, #tpu.memory_space<vmem>>[vector<16xi32>], vector<16xf32>,
      %add3A_1053 = arith.constant 13 : i32
      %add3A_1054 = vector.broadcast %add3A_1053 : i32 to vector<16xi32>
      %add3A_1055 = arith.addi %mul3A_1000, %add3A_1054 : vector<16xi32>
      %gather3A_1056 = tpu.vector_load_idx %arg16[%add3A_1055] : memref<4096xf32, #tpu.memory_space<vmem>>[vector<16xi32>], vector<16xf32>,
      %add3A_1057 = arith.constant 14 : i32
      %add3A_1058 = vector.broadcast %add3A_1057 : i32 to vector<16xi32>
      %add3A_1059 = arith.addi %mul3A_1000, %add3A_1058 : vector<16xi32>
      %gather3A_1060 = tpu.vector_load_idx %arg16[%add3A_1059] : memref<4096xf32, #tpu.memory_space<vmem>>[vector<16xi32>], vector<16xf32>,
      %add3A_1061 = arith.constant 15 : i32
      %add3A_1062 = vector.broadcast %add3A_1061 : i32 to vector<16xi32>
      %add3A_1063 = arith.addi %mul3A_1000, %add3A_1062 : vector<16xi32>
      %gather3A_1064 = tpu.vector_load_idx %arg16[%add3A_1063] : memref<4096xf32, #tpu.memory_space<vmem>>[vector<16xi32>], vector<16xf32>,
      %add3A_1065 = arith.addf %gather3A_1004, %gather3A_1008 : vector<16xf32>
      %add3A_1066 = arith.addf %gather3A_1012, %gather3A_1016 : vector<16xf32>
      %add3A_1067 = arith.addf %gather3A_1020, %gather3A_1024 : vector<16xf32>
      %add3A_1068 = arith.addf %gather3A_1028, %gather3A_1032 : vector<16xf32>
      %add3A_1069 = arith.addf %gather3A_1036, %gather3A_1040 : vector<16xf32>
      %add3A_1070 = arith.addf %gather3A_1044, %gather3A_1048 : vector<16xf32>
      %add3A_1071 = arith.addf %gather3A_1052, %gather3A_1056 : vector<16xf32>
      %add3A_1072 = arith.addf %gather3A_1060, %gather3A_1064 : vector<16xf32>
      %add3A_1073 = arith.addf %add3A_1065, %add3A_1066 : vector<16xf32>
      %add3A_1074 = arith.addf %add3A_1067, %add3A_1068 : vector<16xf32>
      %add3A_1075 = arith.addf %add3A_1069, %add3A_1070 : vector<16xf32>
      %add3A_1076 = arith.addf %add3A_1071, %add3A_1072 : vector<16xf32>
      %add3A_1077 = arith.addf %add3A_1073, %add3A_1074 : vector<16xf32>
      %add3A_1078 = arith.addf %add3A_1075, %add3A_1076 : vector<16xf32>
      %add3A_1079 = arith.addf %add3A_1077, %add3A_1078 : vector<16xf32>
      %add3A_1080 = arith.addf %add3A_1079, %get3A_20 : vector<16xf32>
      %neg3A_1081 = arith.constant 0.000000e+00 : f32
      %neg3A_1082 = vector.broadcast %neg3A_1081 : f32 to vector<16xf32>
      %neg3A_1083 = arith.subf %neg3A_1082, %add3A_1080 : vector<16xf32>
      %exp3A_1084 = math.exp %neg3A_1083 : vector<16xf32>
      %add3A_1085 = arith.constant 1.000000e+00 : f32
      %add3A_1086 = vector.broadcast %add3A_1085 : f32 to vector<16xf32>
      %add3A_1087 = arith.addf %add3A_1086, %exp3A_1084 : vector<16xf32>
      %div3A_1088 = arith.constant 1.000000e+00 : f32
      %div3A_1089 = vector.broadcast %div3A_1088 : f32 to vector<16xf32>
      %div3A_1090 = arith.divf %div3A_1089, %add3A_1087 : vector<16xf32>
      %swap3A_1091 = arith.constant 144 : index
      %swap3A_1092 = tpu.vector_load %arg14[%swap3A_1091] {strides = array<i32>} : memref<256xf32, #tpu.memory_space<vmem>>, vector<16xf32>,
      tpu.vector_store %arg14[%swap3A_1091], %div3A_1090 {strides = array<i32>} : memref<256xf32, #tpu.memory_space<vmem>>, vector<16xf32>,
      %add3A_1093 = arith.constant 160 : i32
      %add3A_1094 = vector.broadcast %add3A_1093 : i32 to vector<16xi32>
      %add3A_1095 = arith.addi %add3A_1094, %iota3A : vector<16xi32>
      %mul3A_1096 = arith.constant 16 : i32
      %mul3A_1097 = vector.broadcast %mul3A_1096 : i32 to vector<16xi32>
      %mul3A_1098 = arith.muli %add3A_1095, %mul3A_1097 : vector<16xi32>
      %add3A_1099 = arith.constant 0 : i32
      %add3A_1100 = vector.broadcast %add3A_1099 : i32 to vector<16xi32>
      %add3A_1101 = arith.addi %mul3A_1098, %add3A_1100 : vector<16xi32>
      %gather3A_1102 = tpu.vector_load_idx %arg16[%add3A_1101] : memref<4096xf32, #tpu.memory_space<vmem>>[vector<16xi32>], vector<16xf32>,
      %add3A_1103 = arith.constant 1 : i32
      %add3A_1104 = vector.broadcast %add3A_1103 : i32 to vector<16xi32>
      %add3A_1105 = arith.addi %mul3A_1098, %add3A_1104 : vector<16xi32>
      %gather3A_1106 = tpu.vector_load_idx %arg16[%add3A_1105] : memref<4096xf32, #tpu.memory_space<vmem>>[vector<16xi32>], vector<16xf32>,
      %add3A_1107 = arith.constant 2 : i32
      %add3A_1108 = vector.broadcast %add3A_1107 : i32 to vector<16xi32>
      %add3A_1109 = arith.addi %mul3A_1098, %add3A_1108 : vector<16xi32>
      %gather3A_1110 = tpu.vector_load_idx %arg16[%add3A_1109] : memref<4096xf32, #tpu.memory_space<vmem>>[vector<16xi32>], vector<16xf32>,
      %add3A_1111 = arith.constant 3 : i32
      %add3A_1112 = vector.broadcast %add3A_1111 : i32 to vector<16xi32>
      %add3A_1113 = arith.addi %mul3A_1098, %add3A_1112 : vector<16xi32>
      %gather3A_1114 = tpu.vector_load_idx %arg16[%add3A_1113] : memref<4096xf32, #tpu.memory_space<vmem>>[vector<16xi32>], vector<16xf32>,
      %add3A_1115 = arith.constant 4 : i32
      %add3A_1116 = vector.broadcast %add3A_1115 : i32 to vector<16xi32>
      %add3A_1117 = arith.addi %mul3A_1098, %add3A_1116 : vector<16xi32>
      %gather3A_1118 = tpu.vector_load_idx %arg16[%add3A_1117] : memref<4096xf32, #tpu.memory_space<vmem>>[vector<16xi32>], vector<16xf32>,
      %add3A_1119 = arith.constant 5 : i32
      %add3A_1120 = vector.broadcast %add3A_1119 : i32 to vector<16xi32>
      %add3A_1121 = arith.addi %mul3A_1098, %add3A_1120 : vector<16xi32>
      %gather3A_1122 = tpu.vector_load_idx %arg16[%add3A_1121] : memref<4096xf32, #tpu.memory_space<vmem>>[vector<16xi32>], vector<16xf32>,
      %add3A_1123 = arith.constant 6 : i32
      %add3A_1124 = vector.broadcast %add3A_1123 : i32 to vector<16xi32>
      %add3A_1125 = arith.addi %mul3A_1098, %add3A_1124 : vector<16xi32>
      %gather3A_1126 = tpu.vector_load_idx %arg16[%add3A_1125] : memref<4096xf32, #tpu.memory_space<vmem>>[vector<16xi32>], vector<16xf32>,
      %add3A_1127 = arith.constant 7 : i32
      %add3A_1128 = vector.broadcast %add3A_1127 : i32 to vector<16xi32>
      %add3A_1129 = arith.addi %mul3A_1098, %add3A_1128 : vector<16xi32>
      %gather3A_1130 = tpu.vector_load_idx %arg16[%add3A_1129] : memref<4096xf32, #tpu.memory_space<vmem>>[vector<16xi32>], vector<16xf32>,
      %add3A_1131 = arith.constant 8 : i32
      %add3A_1132 = vector.broadcast %add3A_1131 : i32 to vector<16xi32>
      %add3A_1133 = arith.addi %mul3A_1098, %add3A_1132 : vector<16xi32>
      %gather3A_1134 = tpu.vector_load_idx %arg16[%add3A_1133] : memref<4096xf32, #tpu.memory_space<vmem>>[vector<16xi32>], vector<16xf32>,
      %add3A_1135 = arith.constant 9 : i32
      %add3A_1136 = vector.broadcast %add3A_1135 : i32 to vector<16xi32>
      %add3A_1137 = arith.addi %mul3A_1098, %add3A_1136 : vector<16xi32>
      %gather3A_1138 = tpu.vector_load_idx %arg16[%add3A_1137] : memref<4096xf32, #tpu.memory_space<vmem>>[vector<16xi32>], vector<16xf32>,
      %add3A_1139 = arith.constant 10 : i32
      %add3A_1140 = vector.broadcast %add3A_1139 : i32 to vector<16xi32>
      %add3A_1141 = arith.addi %mul3A_1098, %add3A_1140 : vector<16xi32>
      %gather3A_1142 = tpu.vector_load_idx %arg16[%add3A_1141] : memref<4096xf32, #tpu.memory_space<vmem>>[vector<16xi32>], vector<16xf32>,
      %add3A_1143 = arith.constant 11 : i32
      %add3A_1144 = vector.broadcast %add3A_1143 : i32 to vector<16xi32>
      %add3A_1145 = arith.addi %mul3A_1098, %add3A_1144 : vector<16xi32>
      %gather3A_1146 = tpu.vector_load_idx %arg16[%add3A_1145] : memref<4096xf32, #tpu.memory_space<vmem>>[vector<16xi32>], vector<16xf32>,
      %add3A_1147 = arith.constant 12 : i32
      %add3A_1148 = vector.broadcast %add3A_1147 : i32 to vector<16xi32>
      %add3A_1149 = arith.addi %mul3A_1098, %add3A_1148 : vector<16xi32>
      %gather3A_1150 = tpu.vector_load_idx %arg16[%add3A_1149] : memref<4096xf32, #tpu.memory_space<vmem>>[vector<16xi32>], vector<16xf32>,
      %add3A_1151 = arith.constant 13 : i32
      %add3A_1152 = vector.broadcast %add3A_1151 : i32 to vector<16xi32>
      %add3A_1153 = arith.addi %mul3A_1098, %add3A_1152 : vector<16xi32>
      %gather3A_1154 = tpu.vector_load_idx %arg16[%add3A_1153] : memref<4096xf32, #tpu.memory_space<vmem>>[vector<16xi32>], vector<16xf32>,
      %add3A_1155 = arith.constant 14 : i32
      %add3A_1156 = vector.broadcast %add3A_1155 : i32 to vector<16xi32>
      %add3A_1157 = arith.addi %mul3A_1098, %add3A_1156 : vector<16xi32>
      %gather3A_1158 = tpu.vector_load_idx %arg16[%add3A_1157] : memref<4096xf32, #tpu.memory_space<vmem>>[vector<16xi32>], vector<16xf32>,
      %add3A_1159 = arith.constant 15 : i32
      %add3A_1160 = vector.broadcast %add3A_1159 : i32 to vector<16xi32>
      %add3A_1161 = arith.addi %mul3A_1098, %add3A_1160 : vector<16xi32>
      %gather3A_1162 = tpu.vector_load_idx %arg16[%add3A_1161] : memref<4096xf32, #tpu.memory_space<vmem>>[vector<16xi32>], vector<16xf32>,
      %add3A_1163 = arith.addf %gather3A_1102, %gather3A_1106 : vector<16xf32>
      %add3A_1164 = arith.addf %gather3A_1110, %gather3A_1114 : vector<16xf32>
      %add3A_1165 = arith.addf %gather3A_1118, %gather3A_1122 : vector<16xf32>
      %add3A_1166 = arith.addf %gather3A_1126, %gather3A_1130 : vector<16xf32>
      %add3A_1167 = arith.addf %gather3A_1134, %gather3A_1138 : vector<16xf32>
      %add3A_1168 = arith.addf %gather3A_1142, %gather3A_1146 : vector<16xf32>
      %add3A_1169 = arith.addf %gather3A_1150, %gather3A_1154 : vector<16xf32>
      %add3A_1170 = arith.addf %gather3A_1158, %gather3A_1162 : vector<16xf32>
      %add3A_1171 = arith.addf %add3A_1163, %add3A_1164 : vector<16xf32>
      %add3A_1172 = arith.addf %add3A_1165, %add3A_1166 : vector<16xf32>
      %add3A_1173 = arith.addf %add3A_1167, %add3A_1168 : vector<16xf32>
      %add3A_1174 = arith.addf %add3A_1169, %add3A_1170 : vector<16xf32>
      %add3A_1175 = arith.addf %add3A_1171, %add3A_1172 : vector<16xf32>
      %add3A_1176 = arith.addf %add3A_1173, %add3A_1174 : vector<16xf32>
      %add3A_1177 = arith.addf %add3A_1175, %add3A_1176 : vector<16xf32>
      %add3A_1178 = arith.addf %add3A_1177, %get3A_20 : vector<16xf32>
      %neg3A_1179 = arith.constant 0.000000e+00 : f32
      %neg3A_1180 = vector.broadcast %neg3A_1179 : f32 to vector<16xf32>
      %neg3A_1181 = arith.subf %neg3A_1180, %add3A_1178 : vector<16xf32>
      %exp3A_1182 = math.exp %neg3A_1181 : vector<16xf32>
      %add3A_1183 = arith.constant 1.000000e+00 : f32
      %add3A_1184 = vector.broadcast %add3A_1183 : f32 to vector<16xf32>
      %add3A_1185 = arith.addf %add3A_1184, %exp3A_1182 : vector<16xf32>
      %div3A_1186 = arith.constant 1.000000e+00 : f32
      %div3A_1187 = vector.broadcast %div3A_1186 : f32 to vector<16xf32>
      %div3A_1188 = arith.divf %div3A_1187, %add3A_1185 : vector<16xf32>
      %swap3A_1189 = arith.constant 160 : index
      %swap3A_1190 = tpu.vector_load %arg14[%swap3A_1189] {strides = array<i32>} : memref<256xf32, #tpu.memory_space<vmem>>, vector<16xf32>,
      tpu.vector_store %arg14[%swap3A_1189], %div3A_1188 {strides = array<i32>} : memref<256xf32, #tpu.memory_space<vmem>>, vector<16xf32>,
      %add3A_1191 = arith.constant 176 : i32
      %add3A_1192 = vector.broadcast %add3A_1191 : i32 to vector<16xi32>
      %add3A_1193 = arith.addi %add3A_1192, %iota3A : vector<16xi32>
      %mul3A_1194 = arith.constant 16 : i32
      %mul3A_1195 = vector.broadcast %mul3A_1194 : i32 to vector<16xi32>
      %mul3A_1196 = arith.muli %add3A_1193, %mul3A_1195 : vector<16xi32>
      %add3A_1197 = arith.constant 0 : i32
      %add3A_1198 = vector.broadcast %add3A_1197 : i32 to vector<16xi32>
      %add3A_1199 = arith.addi %mul3A_1196, %add3A_1198 : vector<16xi32>
      %gather3A_1200 = tpu.vector_load_idx %arg16[%add3A_1199] : memref<4096xf32, #tpu.memory_space<vmem>>[vector<16xi32>], vector<16xf32>,
      %add3A_1201 = arith.constant 1 : i32
      %add3A_1202 = vector.broadcast %add3A_1201 : i32 to vector<16xi32>
      %add3A_1203 = arith.addi %mul3A_1196, %add3A_1202 : vector<16xi32>
      %gather3A_1204 = tpu.vector_load_idx %arg16[%add3A_1203] : memref<4096xf32, #tpu.memory_space<vmem>>[vector<16xi32>], vector<16xf32>,
      %add3A_1205 = arith.constant 2 : i32
      %add3A_1206 = vector.broadcast %add3A_1205 : i32 to vector<16xi32>
      %add3A_1207 = arith.addi %mul3A_1196, %add3A_1206 : vector<16xi32>
      %gather3A_1208 = tpu.vector_load_idx %arg16[%add3A_1207] : memref<4096xf32, #tpu.memory_space<vmem>>[vector<16xi32>], vector<16xf32>,
      %add3A_1209 = arith.constant 3 : i32
      %add3A_1210 = vector.broadcast %add3A_1209 : i32 to vector<16xi32>
      %add3A_1211 = arith.addi %mul3A_1196, %add3A_1210 : vector<16xi32>
      %gather3A_1212 = tpu.vector_load_idx %arg16[%add3A_1211] : memref<4096xf32, #tpu.memory_space<vmem>>[vector<16xi32>], vector<16xf32>,
      %add3A_1213 = arith.constant 4 : i32
      %add3A_1214 = vector.broadcast %add3A_1213 : i32 to vector<16xi32>
      %add3A_1215 = arith.addi %mul3A_1196, %add3A_1214 : vector<16xi32>
      %gather3A_1216 = tpu.vector_load_idx %arg16[%add3A_1215] : memref<4096xf32, #tpu.memory_space<vmem>>[vector<16xi32>], vector<16xf32>,
      %add3A_1217 = arith.constant 5 : i32
      %add3A_1218 = vector.broadcast %add3A_1217 : i32 to vector<16xi32>
      %add3A_1219 = arith.addi %mul3A_1196, %add3A_1218 : vector<16xi32>
      %gather3A_1220 = tpu.vector_load_idx %arg16[%add3A_1219] : memref<4096xf32, #tpu.memory_space<vmem>>[vector<16xi32>], vector<16xf32>,
      %add3A_1221 = arith.constant 6 : i32
      %add3A_1222 = vector.broadcast %add3A_1221 : i32 to vector<16xi32>
      %add3A_1223 = arith.addi %mul3A_1196, %add3A_1222 : vector<16xi32>
      %gather3A_1224 = tpu.vector_load_idx %arg16[%add3A_1223] : memref<4096xf32, #tpu.memory_space<vmem>>[vector<16xi32>], vector<16xf32>,
      %add3A_1225 = arith.constant 7 : i32
      %add3A_1226 = vector.broadcast %add3A_1225 : i32 to vector<16xi32>
      %add3A_1227 = arith.addi %mul3A_1196, %add3A_1226 : vector<16xi32>
      %gather3A_1228 = tpu.vector_load_idx %arg16[%add3A_1227] : memref<4096xf32, #tpu.memory_space<vmem>>[vector<16xi32>], vector<16xf32>,
      %add3A_1229 = arith.constant 8 : i32
      %add3A_1230 = vector.broadcast %add3A_1229 : i32 to vector<16xi32>
      %add3A_1231 = arith.addi %mul3A_1196, %add3A_1230 : vector<16xi32>
      %gather3A_1232 = tpu.vector_load_idx %arg16[%add3A_1231] : memref<4096xf32, #tpu.memory_space<vmem>>[vector<16xi32>], vector<16xf32>,
      %add3A_1233 = arith.constant 9 : i32
      %add3A_1234 = vector.broadcast %add3A_1233 : i32 to vector<16xi32>
      %add3A_1235 = arith.addi %mul3A_1196, %add3A_1234 : vector<16xi32>
      %gather3A_1236 = tpu.vector_load_idx %arg16[%add3A_1235] : memref<4096xf32, #tpu.memory_space<vmem>>[vector<16xi32>], vector<16xf32>,
      %add3A_1237 = arith.constant 10 : i32
      %add3A_1238 = vector.broadcast %add3A_1237 : i32 to vector<16xi32>
      %add3A_1239 = arith.addi %mul3A_1196, %add3A_1238 : vector<16xi32>
      %gather3A_1240 = tpu.vector_load_idx %arg16[%add3A_1239] : memref<4096xf32, #tpu.memory_space<vmem>>[vector<16xi32>], vector<16xf32>,
      %add3A_1241 = arith.constant 11 : i32
      %add3A_1242 = vector.broadcast %add3A_1241 : i32 to vector<16xi32>
      %add3A_1243 = arith.addi %mul3A_1196, %add3A_1242 : vector<16xi32>
      %gather3A_1244 = tpu.vector_load_idx %arg16[%add3A_1243] : memref<4096xf32, #tpu.memory_space<vmem>>[vector<16xi32>], vector<16xf32>,
      %add3A_1245 = arith.constant 12 : i32
      %add3A_1246 = vector.broadcast %add3A_1245 : i32 to vector<16xi32>
      %add3A_1247 = arith.addi %mul3A_1196, %add3A_1246 : vector<16xi32>
      %gather3A_1248 = tpu.vector_load_idx %arg16[%add3A_1247] : memref<4096xf32, #tpu.memory_space<vmem>>[vector<16xi32>], vector<16xf32>,
      %add3A_1249 = arith.constant 13 : i32
      %add3A_1250 = vector.broadcast %add3A_1249 : i32 to vector<16xi32>
      %add3A_1251 = arith.addi %mul3A_1196, %add3A_1250 : vector<16xi32>
      %gather3A_1252 = tpu.vector_load_idx %arg16[%add3A_1251] : memref<4096xf32, #tpu.memory_space<vmem>>[vector<16xi32>], vector<16xf32>,
      %add3A_1253 = arith.constant 14 : i32
      %add3A_1254 = vector.broadcast %add3A_1253 : i32 to vector<16xi32>
      %add3A_1255 = arith.addi %mul3A_1196, %add3A_1254 : vector<16xi32>
      %gather3A_1256 = tpu.vector_load_idx %arg16[%add3A_1255] : memref<4096xf32, #tpu.memory_space<vmem>>[vector<16xi32>], vector<16xf32>,
      %add3A_1257 = arith.constant 15 : i32
      %add3A_1258 = vector.broadcast %add3A_1257 : i32 to vector<16xi32>
      %add3A_1259 = arith.addi %mul3A_1196, %add3A_1258 : vector<16xi32>
      %gather3A_1260 = tpu.vector_load_idx %arg16[%add3A_1259] : memref<4096xf32, #tpu.memory_space<vmem>>[vector<16xi32>], vector<16xf32>,
      %add3A_1261 = arith.addf %gather3A_1200, %gather3A_1204 : vector<16xf32>
      %add3A_1262 = arith.addf %gather3A_1208, %gather3A_1212 : vector<16xf32>
      %add3A_1263 = arith.addf %gather3A_1216, %gather3A_1220 : vector<16xf32>
      %add3A_1264 = arith.addf %gather3A_1224, %gather3A_1228 : vector<16xf32>
      %add3A_1265 = arith.addf %gather3A_1232, %gather3A_1236 : vector<16xf32>
      %add3A_1266 = arith.addf %gather3A_1240, %gather3A_1244 : vector<16xf32>
      %add3A_1267 = arith.addf %gather3A_1248, %gather3A_1252 : vector<16xf32>
      %add3A_1268 = arith.addf %gather3A_1256, %gather3A_1260 : vector<16xf32>
      %add3A_1269 = arith.addf %add3A_1261, %add3A_1262 : vector<16xf32>
      %add3A_1270 = arith.addf %add3A_1263, %add3A_1264 : vector<16xf32>
      %add3A_1271 = arith.addf %add3A_1265, %add3A_1266 : vector<16xf32>
      %add3A_1272 = arith.addf %add3A_1267, %add3A_1268 : vector<16xf32>
      %add3A_1273 = arith.addf %add3A_1269, %add3A_1270 : vector<16xf32>
      %add3A_1274 = arith.addf %add3A_1271, %add3A_1272 : vector<16xf32>
      %add3A_1275 = arith.addf %add3A_1273, %add3A_1274 : vector<16xf32>
      %add3A_1276 = arith.addf %add3A_1275, %get3A_20 : vector<16xf32>
      %neg3A_1277 = arith.constant 0.000000e+00 : f32
      %neg3A_1278 = vector.broadcast %neg3A_1277 : f32 to vector<16xf32>
      %neg3A_1279 = arith.subf %neg3A_1278, %add3A_1276 : vector<16xf32>
      %exp3A_1280 = math.exp %neg3A_1279 : vector<16xf32>
      %add3A_1281 = arith.constant 1.000000e+00 : f32
      %add3A_1282 = vector.broadcast %add3A_1281 : f32 to vector<16xf32>
      %add3A_1283 = arith.addf %add3A_1282, %exp3A_1280 : vector<16xf32>
      %div3A_1284 = arith.constant 1.000000e+00 : f32
      %div3A_1285 = vector.broadcast %div3A_1284 : f32 to vector<16xf32>
      %div3A_1286 = arith.divf %div3A_1285, %add3A_1283 : vector<16xf32>
      %swap3A_1287 = arith.constant 176 : index
      %swap3A_1288 = tpu.vector_load %arg14[%swap3A_1287] {strides = array<i32>} : memref<256xf32, #tpu.memory_space<vmem>>, vector<16xf32>,
      tpu.vector_store %arg14[%swap3A_1287], %div3A_1286 {strides = array<i32>} : memref<256xf32, #tpu.memory_space<vmem>>, vector<16xf32>,
      %add3A_1289 = arith.constant 192 : i32
      %add3A_1290 = vector.broadcast %add3A_1289 : i32 to vector<16xi32>
      %add3A_1291 = arith.addi %add3A_1290, %iota3A : vector<16xi32>
      %mul3A_1292 = arith.constant 16 : i32
      %mul3A_1293 = vector.broadcast %mul3A_1292 : i32 to vector<16xi32>
      %mul3A_1294 = arith.muli %add3A_1291, %mul3A_1293 : vector<16xi32>
      %add3A_1295 = arith.constant 0 : i32
      %add3A_1296 = vector.broadcast %add3A_1295 : i32 to vector<16xi32>
      %add3A_1297 = arith.addi %mul3A_1294, %add3A_1296 : vector<16xi32>
      %gather3A_1298 = tpu.vector_load_idx %arg16[%add3A_1297] : memref<4096xf32, #tpu.memory_space<vmem>>[vector<16xi32>], vector<16xf32>,
      %add3A_1299 = arith.constant 1 : i32
      %add3A_1300 = vector.broadcast %add3A_1299 : i32 to vector<16xi32>
      %add3A_1301 = arith.addi %mul3A_1294, %add3A_1300 : vector<16xi32>
      %gather3A_1302 = tpu.vector_load_idx %arg16[%add3A_1301] : memref<4096xf32, #tpu.memory_space<vmem>>[vector<16xi32>], vector<16xf32>,
      %add3A_1303 = arith.constant 2 : i32
      %add3A_1304 = vector.broadcast %add3A_1303 : i32 to vector<16xi32>
      %add3A_1305 = arith.addi %mul3A_1294, %add3A_1304 : vector<16xi32>
      %gather3A_1306 = tpu.vector_load_idx %arg16[%add3A_1305] : memref<4096xf32, #tpu.memory_space<vmem>>[vector<16xi32>], vector<16xf32>,
      %add3A_1307 = arith.constant 3 : i32
      %add3A_1308 = vector.broadcast %add3A_1307 : i32 to vector<16xi32>
      %add3A_1309 = arith.addi %mul3A_1294, %add3A_1308 : vector<16xi32>
      %gather3A_1310 = tpu.vector_load_idx %arg16[%add3A_1309] : memref<4096xf32, #tpu.memory_space<vmem>>[vector<16xi32>], vector<16xf32>,
      %add3A_1311 = arith.constant 4 : i32
      %add3A_1312 = vector.broadcast %add3A_1311 : i32 to vector<16xi32>
      %add3A_1313 = arith.addi %mul3A_1294, %add3A_1312 : vector<16xi32>
      %gather3A_1314 = tpu.vector_load_idx %arg16[%add3A_1313] : memref<4096xf32, #tpu.memory_space<vmem>>[vector<16xi32>], vector<16xf32>,
      %add3A_1315 = arith.constant 5 : i32
      %add3A_1316 = vector.broadcast %add3A_1315 : i32 to vector<16xi32>
      %add3A_1317 = arith.addi %mul3A_1294, %add3A_1316 : vector<16xi32>
      %gather3A_1318 = tpu.vector_load_idx %arg16[%add3A_1317] : memref<4096xf32, #tpu.memory_space<vmem>>[vector<16xi32>], vector<16xf32>,
      %add3A_1319 = arith.constant 6 : i32
      %add3A_1320 = vector.broadcast %add3A_1319 : i32 to vector<16xi32>
      %add3A_1321 = arith.addi %mul3A_1294, %add3A_1320 : vector<16xi32>
      %gather3A_1322 = tpu.vector_load_idx %arg16[%add3A_1321] : memref<4096xf32, #tpu.memory_space<vmem>>[vector<16xi32>], vector<16xf32>,
      %add3A_1323 = arith.constant 7 : i32
      %add3A_1324 = vector.broadcast %add3A_1323 : i32 to vector<16xi32>
      %add3A_1325 = arith.addi %mul3A_1294, %add3A_1324 : vector<16xi32>
      %gather3A_1326 = tpu.vector_load_idx %arg16[%add3A_1325] : memref<4096xf32, #tpu.memory_space<vmem>>[vector<16xi32>], vector<16xf32>,
      %add3A_1327 = arith.constant 8 : i32
      %add3A_1328 = vector.broadcast %add3A_1327 : i32 to vector<16xi32>
      %add3A_1329 = arith.addi %mul3A_1294, %add3A_1328 : vector<16xi32>
      %gather3A_1330 = tpu.vector_load_idx %arg16[%add3A_1329] : memref<4096xf32, #tpu.memory_space<vmem>>[vector<16xi32>], vector<16xf32>,
      %add3A_1331 = arith.constant 9 : i32
      %add3A_1332 = vector.broadcast %add3A_1331 : i32 to vector<16xi32>
      %add3A_1333 = arith.addi %mul3A_1294, %add3A_1332 : vector<16xi32>
      %gather3A_1334 = tpu.vector_load_idx %arg16[%add3A_1333] : memref<4096xf32, #tpu.memory_space<vmem>>[vector<16xi32>], vector<16xf32>,
      %add3A_1335 = arith.constant 10 : i32
      %add3A_1336 = vector.broadcast %add3A_1335 : i32 to vector<16xi32>
      %add3A_1337 = arith.addi %mul3A_1294, %add3A_1336 : vector<16xi32>
      %gather3A_1338 = tpu.vector_load_idx %arg16[%add3A_1337] : memref<4096xf32, #tpu.memory_space<vmem>>[vector<16xi32>], vector<16xf32>,
      %add3A_1339 = arith.constant 11 : i32
      %add3A_1340 = vector.broadcast %add3A_1339 : i32 to vector<16xi32>
      %add3A_1341 = arith.addi %mul3A_1294, %add3A_1340 : vector<16xi32>
      %gather3A_1342 = tpu.vector_load_idx %arg16[%add3A_1341] : memref<4096xf32, #tpu.memory_space<vmem>>[vector<16xi32>], vector<16xf32>,
      %add3A_1343 = arith.constant 12 : i32
      %add3A_1344 = vector.broadcast %add3A_1343 : i32 to vector<16xi32>
      %add3A_1345 = arith.addi %mul3A_1294, %add3A_1344 : vector<16xi32>
      %gather3A_1346 = tpu.vector_load_idx %arg16[%add3A_1345] : memref<4096xf32, #tpu.memory_space<vmem>>[vector<16xi32>], vector<16xf32>,
      %add3A_1347 = arith.constant 13 : i32
      %add3A_1348 = vector.broadcast %add3A_1347 : i32 to vector<16xi32>
      %add3A_1349 = arith.addi %mul3A_1294, %add3A_1348 : vector<16xi32>
      %gather3A_1350 = tpu.vector_load_idx %arg16[%add3A_1349] : memref<4096xf32, #tpu.memory_space<vmem>>[vector<16xi32>], vector<16xf32>,
      %add3A_1351 = arith.constant 14 : i32
      %add3A_1352 = vector.broadcast %add3A_1351 : i32 to vector<16xi32>
      %add3A_1353 = arith.addi %mul3A_1294, %add3A_1352 : vector<16xi32>
      %gather3A_1354 = tpu.vector_load_idx %arg16[%add3A_1353] : memref<4096xf32, #tpu.memory_space<vmem>>[vector<16xi32>], vector<16xf32>,
      %add3A_1355 = arith.constant 15 : i32
      %add3A_1356 = vector.broadcast %add3A_1355 : i32 to vector<16xi32>
      %add3A_1357 = arith.addi %mul3A_1294, %add3A_1356 : vector<16xi32>
      %gather3A_1358 = tpu.vector_load_idx %arg16[%add3A_1357] : memref<4096xf32, #tpu.memory_space<vmem>>[vector<16xi32>], vector<16xf32>,
      %add3A_1359 = arith.addf %gather3A_1298, %gather3A_1302 : vector<16xf32>
      %add3A_1360 = arith.addf %gather3A_1306, %gather3A_1310 : vector<16xf32>
      %add3A_1361 = arith.addf %gather3A_1314, %gather3A_1318 : vector<16xf32>
      %add3A_1362 = arith.addf %gather3A_1322, %gather3A_1326 : vector<16xf32>
      %add3A_1363 = arith.addf %gather3A_1330, %gather3A_1334 : vector<16xf32>
      %add3A_1364 = arith.addf %gather3A_1338, %gather3A_1342 : vector<16xf32>
      %add3A_1365 = arith.addf %gather3A_1346, %gather3A_1350 : vector<16xf32>
      %add3A_1366 = arith.addf %gather3A_1354, %gather3A_1358 : vector<16xf32>
      %add3A_1367 = arith.addf %add3A_1359, %add3A_1360 : vector<16xf32>
      %add3A_1368 = arith.addf %add3A_1361, %add3A_1362 : vector<16xf32>
      %add3A_1369 = arith.addf %add3A_1363, %add3A_1364 : vector<16xf32>
      %add3A_1370 = arith.addf %add3A_1365, %add3A_1366 : vector<16xf32>
      %add3A_1371 = arith.addf %add3A_1367, %add3A_1368 : vector<16xf32>
      %add3A_1372 = arith.addf %add3A_1369, %add3A_1370 : vector<16xf32>
      %add3A_1373 = arith.addf %add3A_1371, %add3A_1372 : vector<16xf32>
      %add3A_1374 = arith.addf %add3A_1373, %get3A_20 : vector<16xf32>
      %neg3A_1375 = arith.constant 0.000000e+00 : f32
      %neg3A_1376 = vector.broadcast %neg3A_1375 : f32 to vector<16xf32>
      %neg3A_1377 = arith.subf %neg3A_1376, %add3A_1374 : vector<16xf32>
      %exp3A_1378 = math.exp %neg3A_1377 : vector<16xf32>
      %add3A_1379 = arith.constant 1.000000e+00 : f32
      %add3A_1380 = vector.broadcast %add3A_1379 : f32 to vector<16xf32>
      %add3A_1381 = arith.addf %add3A_1380, %exp3A_1378 : vector<16xf32>
      %div3A_1382 = arith.constant 1.000000e+00 : f32
      %div3A_1383 = vector.broadcast %div3A_1382 : f32 to vector<16xf32>
      %div3A_1384 = arith.divf %div3A_1383, %add3A_1381 : vector<16xf32>
      %swap3A_1385 = arith.constant 192 : index
      %swap3A_1386 = tpu.vector_load %arg14[%swap3A_1385] {strides = array<i32>} : memref<256xf32, #tpu.memory_space<vmem>>, vector<16xf32>,
      tpu.vector_store %arg14[%swap3A_1385], %div3A_1384 {strides = array<i32>} : memref<256xf32, #tpu.memory_space<vmem>>, vector<16xf32>,
      %add3A_1387 = arith.constant 208 : i32
      %add3A_1388 = vector.broadcast %add3A_1387 : i32 to vector<16xi32>
      %add3A_1389 = arith.addi %add3A_1388, %iota3A : vector<16xi32>
      %mul3A_1390 = arith.constant 16 : i32
      %mul3A_1391 = vector.broadcast %mul3A_1390 : i32 to vector<16xi32>
      %mul3A_1392 = arith.muli %add3A_1389, %mul3A_1391 : vector<16xi32>
      %add3A_1393 = arith.constant 0 : i32
      %add3A_1394 = vector.broadcast %add3A_1393 : i32 to vector<16xi32>
      %add3A_1395 = arith.addi %mul3A_1392, %add3A_1394 : vector<16xi32>
      %gather3A_1396 = tpu.vector_load_idx %arg16[%add3A_1395] : memref<4096xf32, #tpu.memory_space<vmem>>[vector<16xi32>], vector<16xf32>,
      %add3A_1397 = arith.constant 1 : i32
      %add3A_1398 = vector.broadcast %add3A_1397 : i32 to vector<16xi32>
      %add3A_1399 = arith.addi %mul3A_1392, %add3A_1398 : vector<16xi32>
      %gather3A_1400 = tpu.vector_load_idx %arg16[%add3A_1399] : memref<4096xf32, #tpu.memory_space<vmem>>[vector<16xi32>], vector<16xf32>,
      %add3A_1401 = arith.constant 2 : i32
      %add3A_1402 = vector.broadcast %add3A_1401 : i32 to vector<16xi32>
      %add3A_1403 = arith.addi %mul3A_1392, %add3A_1402 : vector<16xi32>
      %gather3A_1404 = tpu.vector_load_idx %arg16[%add3A_1403] : memref<4096xf32, #tpu.memory_space<vmem>>[vector<16xi32>], vector<16xf32>,
      %add3A_1405 = arith.constant 3 : i32
      %add3A_1406 = vector.broadcast %add3A_1405 : i32 to vector<16xi32>
      %add3A_1407 = arith.addi %mul3A_1392, %add3A_1406 : vector<16xi32>
      %gather3A_1408 = tpu.vector_load_idx %arg16[%add3A_1407] : memref<4096xf32, #tpu.memory_space<vmem>>[vector<16xi32>], vector<16xf32>,
      %add3A_1409 = arith.constant 4 : i32
      %add3A_1410 = vector.broadcast %add3A_1409 : i32 to vector<16xi32>
      %add3A_1411 = arith.addi %mul3A_1392, %add3A_1410 : vector<16xi32>
      %gather3A_1412 = tpu.vector_load_idx %arg16[%add3A_1411] : memref<4096xf32, #tpu.memory_space<vmem>>[vector<16xi32>], vector<16xf32>,
      %add3A_1413 = arith.constant 5 : i32
      %add3A_1414 = vector.broadcast %add3A_1413 : i32 to vector<16xi32>
      %add3A_1415 = arith.addi %mul3A_1392, %add3A_1414 : vector<16xi32>
      %gather3A_1416 = tpu.vector_load_idx %arg16[%add3A_1415] : memref<4096xf32, #tpu.memory_space<vmem>>[vector<16xi32>], vector<16xf32>,
      %add3A_1417 = arith.constant 6 : i32
      %add3A_1418 = vector.broadcast %add3A_1417 : i32 to vector<16xi32>
      %add3A_1419 = arith.addi %mul3A_1392, %add3A_1418 : vector<16xi32>
      %gather3A_1420 = tpu.vector_load_idx %arg16[%add3A_1419] : memref<4096xf32, #tpu.memory_space<vmem>>[vector<16xi32>], vector<16xf32>,
      %add3A_1421 = arith.constant 7 : i32
      %add3A_1422 = vector.broadcast %add3A_1421 : i32 to vector<16xi32>
      %add3A_1423 = arith.addi %mul3A_1392, %add3A_1422 : vector<16xi32>
      %gather3A_1424 = tpu.vector_load_idx %arg16[%add3A_1423] : memref<4096xf32, #tpu.memory_space<vmem>>[vector<16xi32>], vector<16xf32>,
      %add3A_1425 = arith.constant 8 : i32
      %add3A_1426 = vector.broadcast %add3A_1425 : i32 to vector<16xi32>
      %add3A_1427 = arith.addi %mul3A_1392, %add3A_1426 : vector<16xi32>
      %gather3A_1428 = tpu.vector_load_idx %arg16[%add3A_1427] : memref<4096xf32, #tpu.memory_space<vmem>>[vector<16xi32>], vector<16xf32>,
      %add3A_1429 = arith.constant 9 : i32
      %add3A_1430 = vector.broadcast %add3A_1429 : i32 to vector<16xi32>
      %add3A_1431 = arith.addi %mul3A_1392, %add3A_1430 : vector<16xi32>
      %gather3A_1432 = tpu.vector_load_idx %arg16[%add3A_1431] : memref<4096xf32, #tpu.memory_space<vmem>>[vector<16xi32>], vector<16xf32>,
      %add3A_1433 = arith.constant 10 : i32
      %add3A_1434 = vector.broadcast %add3A_1433 : i32 to vector<16xi32>
      %add3A_1435 = arith.addi %mul3A_1392, %add3A_1434 : vector<16xi32>
      %gather3A_1436 = tpu.vector_load_idx %arg16[%add3A_1435] : memref<4096xf32, #tpu.memory_space<vmem>>[vector<16xi32>], vector<16xf32>,
      %add3A_1437 = arith.constant 11 : i32
      %add3A_1438 = vector.broadcast %add3A_1437 : i32 to vector<16xi32>
      %add3A_1439 = arith.addi %mul3A_1392, %add3A_1438 : vector<16xi32>
      %gather3A_1440 = tpu.vector_load_idx %arg16[%add3A_1439] : memref<4096xf32, #tpu.memory_space<vmem>>[vector<16xi32>], vector<16xf32>,
      %add3A_1441 = arith.constant 12 : i32
      %add3A_1442 = vector.broadcast %add3A_1441 : i32 to vector<16xi32>
      %add3A_1443 = arith.addi %mul3A_1392, %add3A_1442 : vector<16xi32>
      %gather3A_1444 = tpu.vector_load_idx %arg16[%add3A_1443] : memref<4096xf32, #tpu.memory_space<vmem>>[vector<16xi32>], vector<16xf32>,
      %add3A_1445 = arith.constant 13 : i32
      %add3A_1446 = vector.broadcast %add3A_1445 : i32 to vector<16xi32>
      %add3A_1447 = arith.addi %mul3A_1392, %add3A_1446 : vector<16xi32>
      %gather3A_1448 = tpu.vector_load_idx %arg16[%add3A_1447] : memref<4096xf32, #tpu.memory_space<vmem>>[vector<16xi32>], vector<16xf32>,
      %add3A_1449 = arith.constant 14 : i32
      %add3A_1450 = vector.broadcast %add3A_1449 : i32 to vector<16xi32>
      %add3A_1451 = arith.addi %mul3A_1392, %add3A_1450 : vector<16xi32>
      %gather3A_1452 = tpu.vector_load_idx %arg16[%add3A_1451] : memref<4096xf32, #tpu.memory_space<vmem>>[vector<16xi32>], vector<16xf32>,
      %add3A_1453 = arith.constant 15 : i32
      %add3A_1454 = vector.broadcast %add3A_1453 : i32 to vector<16xi32>
      %add3A_1455 = arith.addi %mul3A_1392, %add3A_1454 : vector<16xi32>
      %gather3A_1456 = tpu.vector_load_idx %arg16[%add3A_1455] : memref<4096xf32, #tpu.memory_space<vmem>>[vector<16xi32>], vector<16xf32>,
      %add3A_1457 = arith.addf %gather3A_1396, %gather3A_1400 : vector<16xf32>
      %add3A_1458 = arith.addf %gather3A_1404, %gather3A_1408 : vector<16xf32>
      %add3A_1459 = arith.addf %gather3A_1412, %gather3A_1416 : vector<16xf32>
      %add3A_1460 = arith.addf %gather3A_1420, %gather3A_1424 : vector<16xf32>
      %add3A_1461 = arith.addf %gather3A_1428, %gather3A_1432 : vector<16xf32>
      %add3A_1462 = arith.addf %gather3A_1436, %gather3A_1440 : vector<16xf32>
      %add3A_1463 = arith.addf %gather3A_1444, %gather3A_1448 : vector<16xf32>
      %add3A_1464 = arith.addf %gather3A_1452, %gather3A_1456 : vector<16xf32>
      %add3A_1465 = arith.addf %add3A_1457, %add3A_1458 : vector<16xf32>
      %add3A_1466 = arith.addf %add3A_1459, %add3A_1460 : vector<16xf32>
      %add3A_1467 = arith.addf %add3A_1461, %add3A_1462 : vector<16xf32>
      %add3A_1468 = arith.addf %add3A_1463, %add3A_1464 : vector<16xf32>
      %add3A_1469 = arith.addf %add3A_1465, %add3A_1466 : vector<16xf32>
      %add3A_1470 = arith.addf %add3A_1467, %add3A_1468 : vector<16xf32>
      %add3A_1471 = arith.addf %add3A_1469, %add3A_1470 : vector<16xf32>
      %add3A_1472 = arith.addf %add3A_1471, %get3A_20 : vector<16xf32>
      %neg3A_1473 = arith.constant 0.000000e+00 : f32
      %neg3A_1474 = vector.broadcast %neg3A_1473 : f32 to vector<16xf32>
      %neg3A_1475 = arith.subf %neg3A_1474, %add3A_1472 : vector<16xf32>
      %exp3A_1476 = math.exp %neg3A_1475 : vector<16xf32>
      %add3A_1477 = arith.constant 1.000000e+00 : f32
      %add3A_1478 = vector.broadcast %add3A_1477 : f32 to vector<16xf32>
      %add3A_1479 = arith.addf %add3A_1478, %exp3A_1476 : vector<16xf32>
      %div3A_1480 = arith.constant 1.000000e+00 : f32
      %div3A_1481 = vector.broadcast %div3A_1480 : f32 to vector<16xf32>
      %div3A_1482 = arith.divf %div3A_1481, %add3A_1479 : vector<16xf32>
      %swap3A_1483 = arith.constant 208 : index
      %swap3A_1484 = tpu.vector_load %arg14[%swap3A_1483] {strides = array<i32>} : memref<256xf32, #tpu.memory_space<vmem>>, vector<16xf32>,
      tpu.vector_store %arg14[%swap3A_1483], %div3A_1482 {strides = array<i32>} : memref<256xf32, #tpu.memory_space<vmem>>, vector<16xf32>,
      %add3A_1485 = arith.constant 224 : i32
      %add3A_1486 = vector.broadcast %add3A_1485 : i32 to vector<16xi32>
      %add3A_1487 = arith.addi %add3A_1486, %iota3A : vector<16xi32>
      %mul3A_1488 = arith.constant 16 : i32
      %mul3A_1489 = vector.broadcast %mul3A_1488 : i32 to vector<16xi32>
      %mul3A_1490 = arith.muli %add3A_1487, %mul3A_1489 : vector<16xi32>
      %add3A_1491 = arith.constant 0 : i32
      %add3A_1492 = vector.broadcast %add3A_1491 : i32 to vector<16xi32>
      %add3A_1493 = arith.addi %mul3A_1490, %add3A_1492 : vector<16xi32>
      %gather3A_1494 = tpu.vector_load_idx %arg16[%add3A_1493] : memref<4096xf32, #tpu.memory_space<vmem>>[vector<16xi32>], vector<16xf32>,
      %add3A_1495 = arith.constant 1 : i32
      %add3A_1496 = vector.broadcast %add3A_1495 : i32 to vector<16xi32>
      %add3A_1497 = arith.addi %mul3A_1490, %add3A_1496 : vector<16xi32>
      %gather3A_1498 = tpu.vector_load_idx %arg16[%add3A_1497] : memref<4096xf32, #tpu.memory_space<vmem>>[vector<16xi32>], vector<16xf32>,
      %add3A_1499 = arith.constant 2 : i32
      %add3A_1500 = vector.broadcast %add3A_1499 : i32 to vector<16xi32>
      %add3A_1501 = arith.addi %mul3A_1490, %add3A_1500 : vector<16xi32>
      %gather3A_1502 = tpu.vector_load_idx %arg16[%add3A_1501] : memref<4096xf32, #tpu.memory_space<vmem>>[vector<16xi32>], vector<16xf32>,
      %add3A_1503 = arith.constant 3 : i32
      %add3A_1504 = vector.broadcast %add3A_1503 : i32 to vector<16xi32>
      %add3A_1505 = arith.addi %mul3A_1490, %add3A_1504 : vector<16xi32>
      %gather3A_1506 = tpu.vector_load_idx %arg16[%add3A_1505] : memref<4096xf32, #tpu.memory_space<vmem>>[vector<16xi32>], vector<16xf32>,
      %add3A_1507 = arith.constant 4 : i32
      %add3A_1508 = vector.broadcast %add3A_1507 : i32 to vector<16xi32>
      %add3A_1509 = arith.addi %mul3A_1490, %add3A_1508 : vector<16xi32>
      %gather3A_1510 = tpu.vector_load_idx %arg16[%add3A_1509] : memref<4096xf32, #tpu.memory_space<vmem>>[vector<16xi32>], vector<16xf32>,
      %add3A_1511 = arith.constant 5 : i32
      %add3A_1512 = vector.broadcast %add3A_1511 : i32 to vector<16xi32>
      %add3A_1513 = arith.addi %mul3A_1490, %add3A_1512 : vector<16xi32>
      %gather3A_1514 = tpu.vector_load_idx %arg16[%add3A_1513] : memref<4096xf32, #tpu.memory_space<vmem>>[vector<16xi32>], vector<16xf32>,
      %add3A_1515 = arith.constant 6 : i32
      %add3A_1516 = vector.broadcast %add3A_1515 : i32 to vector<16xi32>
      %add3A_1517 = arith.addi %mul3A_1490, %add3A_1516 : vector<16xi32>
      %gather3A_1518 = tpu.vector_load_idx %arg16[%add3A_1517] : memref<4096xf32, #tpu.memory_space<vmem>>[vector<16xi32>], vector<16xf32>,
      %add3A_1519 = arith.constant 7 : i32
      %add3A_1520 = vector.broadcast %add3A_1519 : i32 to vector<16xi32>
      %add3A_1521 = arith.addi %mul3A_1490, %add3A_1520 : vector<16xi32>
      %gather3A_1522 = tpu.vector_load_idx %arg16[%add3A_1521] : memref<4096xf32, #tpu.memory_space<vmem>>[vector<16xi32>], vector<16xf32>,
      %add3A_1523 = arith.constant 8 : i32
      %add3A_1524 = vector.broadcast %add3A_1523 : i32 to vector<16xi32>
      %add3A_1525 = arith.addi %mul3A_1490, %add3A_1524 : vector<16xi32>
      %gather3A_1526 = tpu.vector_load_idx %arg16[%add3A_1525] : memref<4096xf32, #tpu.memory_space<vmem>>[vector<16xi32>], vector<16xf32>,
      %add3A_1527 = arith.constant 9 : i32
      %add3A_1528 = vector.broadcast %add3A_1527 : i32 to vector<16xi32>
      %add3A_1529 = arith.addi %mul3A_1490, %add3A_1528 : vector<16xi32>
      %gather3A_1530 = tpu.vector_load_idx %arg16[%add3A_1529] : memref<4096xf32, #tpu.memory_space<vmem>>[vector<16xi32>], vector<16xf32>,
      %add3A_1531 = arith.constant 10 : i32
      %add3A_1532 = vector.broadcast %add3A_1531 : i32 to vector<16xi32>
      %add3A_1533 = arith.addi %mul3A_1490, %add3A_1532 : vector<16xi32>
      %gather3A_1534 = tpu.vector_load_idx %arg16[%add3A_1533] : memref<4096xf32, #tpu.memory_space<vmem>>[vector<16xi32>], vector<16xf32>,
      %add3A_1535 = arith.constant 11 : i32
      %add3A_1536 = vector.broadcast %add3A_1535 : i32 to vector<16xi32>
      %add3A_1537 = arith.addi %mul3A_1490, %add3A_1536 : vector<16xi32>
      %gather3A_1538 = tpu.vector_load_idx %arg16[%add3A_1537] : memref<4096xf32, #tpu.memory_space<vmem>>[vector<16xi32>], vector<16xf32>,
      %add3A_1539 = arith.constant 12 : i32
      %add3A_1540 = vector.broadcast %add3A_1539 : i32 to vector<16xi32>
      %add3A_1541 = arith.addi %mul3A_1490, %add3A_1540 : vector<16xi32>
      %gather3A_1542 = tpu.vector_load_idx %arg16[%add3A_1541] : memref<4096xf32, #tpu.memory_space<vmem>>[vector<16xi32>], vector<16xf32>,
      %add3A_1543 = arith.constant 13 : i32
      %add3A_1544 = vector.broadcast %add3A_1543 : i32 to vector<16xi32>
      %add3A_1545 = arith.addi %mul3A_1490, %add3A_1544 : vector<16xi32>
      %gather3A_1546 = tpu.vector_load_idx %arg16[%add3A_1545] : memref<4096xf32, #tpu.memory_space<vmem>>[vector<16xi32>], vector<16xf32>,
      %add3A_1547 = arith.constant 14 : i32
      %add3A_1548 = vector.broadcast %add3A_1547 : i32 to vector<16xi32>
      %add3A_1549 = arith.addi %mul3A_1490, %add3A_1548 : vector<16xi32>
      %gather3A_1550 = tpu.vector_load_idx %arg16[%add3A_1549] : memref<4096xf32, #tpu.memory_space<vmem>>[vector<16xi32>], vector<16xf32>,
      %add3A_1551 = arith.constant 15 : i32
      %add3A_1552 = vector.broadcast %add3A_1551 : i32 to vector<16xi32>
      %add3A_1553 = arith.addi %mul3A_1490, %add3A_1552 : vector<16xi32>
      %gather3A_1554 = tpu.vector_load_idx %arg16[%add3A_1553] : memref<4096xf32, #tpu.memory_space<vmem>>[vector<16xi32>], vector<16xf32>,
      %add3A_1555 = arith.addf %gather3A_1494, %gather3A_1498 : vector<16xf32>
      %add3A_1556 = arith.addf %gather3A_1502, %gather3A_1506 : vector<16xf32>
      %add3A_1557 = arith.addf %gather3A_1510, %gather3A_1514 : vector<16xf32>
      %add3A_1558 = arith.addf %gather3A_1518, %gather3A_1522 : vector<16xf32>
      %add3A_1559 = arith.addf %gather3A_1526, %gather3A_1530 : vector<16xf32>
      %add3A_1560 = arith.addf %gather3A_1534, %gather3A_1538 : vector<16xf32>
      %add3A_1561 = arith.addf %gather3A_1542, %gather3A_1546 : vector<16xf32>
      %add3A_1562 = arith.addf %gather3A_1550, %gather3A_1554 : vector<16xf32>
      %add3A_1563 = arith.addf %add3A_1555, %add3A_1556 : vector<16xf32>
      %add3A_1564 = arith.addf %add3A_1557, %add3A_1558 : vector<16xf32>
      %add3A_1565 = arith.addf %add3A_1559, %add3A_1560 : vector<16xf32>
      %add3A_1566 = arith.addf %add3A_1561, %add3A_1562 : vector<16xf32>
      %add3A_1567 = arith.addf %add3A_1563, %add3A_1564 : vector<16xf32>
      %add3A_1568 = arith.addf %add3A_1565, %add3A_1566 : vector<16xf32>
      %add3A_1569 = arith.addf %add3A_1567, %add3A_1568 : vector<16xf32>
      %add3A_1570 = arith.addf %add3A_1569, %get3A_20 : vector<16xf32>
      %neg3A_1571 = arith.constant 0.000000e+00 : f32
      %neg3A_1572 = vector.broadcast %neg3A_1571 : f32 to vector<16xf32>
      %neg3A_1573 = arith.subf %neg3A_1572, %add3A_1570 : vector<16xf32>
      %exp3A_1574 = math.exp %neg3A_1573 : vector<16xf32>
      %add3A_1575 = arith.constant 1.000000e+00 : f32
      %add3A_1576 = vector.broadcast %add3A_1575 : f32 to vector<16xf32>
      %add3A_1577 = arith.addf %add3A_1576, %exp3A_1574 : vector<16xf32>
      %div3A_1578 = arith.constant 1.000000e+00 : f32
      %div3A_1579 = vector.broadcast %div3A_1578 : f32 to vector<16xf32>
      %div3A_1580 = arith.divf %div3A_1579, %add3A_1577 : vector<16xf32>
      %swap3A_1581 = arith.constant 224 : index
      %swap3A_1582 = tpu.vector_load %arg14[%swap3A_1581] {strides = array<i32>} : memref<256xf32, #tpu.memory_space<vmem>>, vector<16xf32>,
      tpu.vector_store %arg14[%swap3A_1581], %div3A_1580 {strides = array<i32>} : memref<256xf32, #tpu.memory_space<vmem>>, vector<16xf32>,
      %add3A_1583 = arith.constant 240 : i32
      %add3A_1584 = vector.broadcast %add3A_1583 : i32 to vector<16xi32>
      %add3A_1585 = arith.addi %add3A_1584, %iota3A : vector<16xi32>
      %mul3A_1586 = arith.constant 16 : i32
      %mul3A_1587 = vector.broadcast %mul3A_1586 : i32 to vector<16xi32>
      %mul3A_1588 = arith.muli %add3A_1585, %mul3A_1587 : vector<16xi32>
      %add3A_1589 = arith.constant 0 : i32
      %add3A_1590 = vector.broadcast %add3A_1589 : i32 to vector<16xi32>
      %add3A_1591 = arith.addi %mul3A_1588, %add3A_1590 : vector<16xi32>
      %gather3A_1592 = tpu.vector_load_idx %arg16[%add3A_1591] : memref<4096xf32, #tpu.memory_space<vmem>>[vector<16xi32>], vector<16xf32>,
      %add3A_1593 = arith.constant 1 : i32
      %add3A_1594 = vector.broadcast %add3A_1593 : i32 to vector<16xi32>
      %add3A_1595 = arith.addi %mul3A_1588, %add3A_1594 : vector<16xi32>
      %gather3A_1596 = tpu.vector_load_idx %arg16[%add3A_1595] : memref<4096xf32, #tpu.memory_space<vmem>>[vector<16xi32>], vector<16xf32>,
      %add3A_1597 = arith.constant 2 : i32
      %add3A_1598 = vector.broadcast %add3A_1597 : i32 to vector<16xi32>
      %add3A_1599 = arith.addi %mul3A_1588, %add3A_1598 : vector<16xi32>
      %gather3A_1600 = tpu.vector_load_idx %arg16[%add3A_1599] : memref<4096xf32, #tpu.memory_space<vmem>>[vector<16xi32>], vector<16xf32>,
      %add3A_1601 = arith.constant 3 : i32
      %add3A_1602 = vector.broadcast %add3A_1601 : i32 to vector<16xi32>
      %add3A_1603 = arith.addi %mul3A_1588, %add3A_1602 : vector<16xi32>
      %gather3A_1604 = tpu.vector_load_idx %arg16[%add3A_1603] : memref<4096xf32, #tpu.memory_space<vmem>>[vector<16xi32>], vector<16xf32>,
      %add3A_1605 = arith.constant 4 : i32
      %add3A_1606 = vector.broadcast %add3A_1605 : i32 to vector<16xi32>
      %add3A_1607 = arith.addi %mul3A_1588, %add3A_1606 : vector<16xi32>
      %gather3A_1608 = tpu.vector_load_idx %arg16[%add3A_1607] : memref<4096xf32, #tpu.memory_space<vmem>>[vector<16xi32>], vector<16xf32>,
      %add3A_1609 = arith.constant 5 : i32
      %add3A_1610 = vector.broadcast %add3A_1609 : i32 to vector<16xi32>
      %add3A_1611 = arith.addi %mul3A_1588, %add3A_1610 : vector<16xi32>
      %gather3A_1612 = tpu.vector_load_idx %arg16[%add3A_1611] : memref<4096xf32, #tpu.memory_space<vmem>>[vector<16xi32>], vector<16xf32>,
      %add3A_1613 = arith.constant 6 : i32
      %add3A_1614 = vector.broadcast %add3A_1613 : i32 to vector<16xi32>
      %add3A_1615 = arith.addi %mul3A_1588, %add3A_1614 : vector<16xi32>
      %gather3A_1616 = tpu.vector_load_idx %arg16[%add3A_1615] : memref<4096xf32, #tpu.memory_space<vmem>>[vector<16xi32>], vector<16xf32>,
      %add3A_1617 = arith.constant 7 : i32
      %add3A_1618 = vector.broadcast %add3A_1617 : i32 to vector<16xi32>
      %add3A_1619 = arith.addi %mul3A_1588, %add3A_1618 : vector<16xi32>
      %gather3A_1620 = tpu.vector_load_idx %arg16[%add3A_1619] : memref<4096xf32, #tpu.memory_space<vmem>>[vector<16xi32>], vector<16xf32>,
      %add3A_1621 = arith.constant 8 : i32
      %add3A_1622 = vector.broadcast %add3A_1621 : i32 to vector<16xi32>
      %add3A_1623 = arith.addi %mul3A_1588, %add3A_1622 : vector<16xi32>
      %gather3A_1624 = tpu.vector_load_idx %arg16[%add3A_1623] : memref<4096xf32, #tpu.memory_space<vmem>>[vector<16xi32>], vector<16xf32>,
      %add3A_1625 = arith.constant 9 : i32
      %add3A_1626 = vector.broadcast %add3A_1625 : i32 to vector<16xi32>
      %add3A_1627 = arith.addi %mul3A_1588, %add3A_1626 : vector<16xi32>
      %gather3A_1628 = tpu.vector_load_idx %arg16[%add3A_1627] : memref<4096xf32, #tpu.memory_space<vmem>>[vector<16xi32>], vector<16xf32>,
      %add3A_1629 = arith.constant 10 : i32
      %add3A_1630 = vector.broadcast %add3A_1629 : i32 to vector<16xi32>
      %add3A_1631 = arith.addi %mul3A_1588, %add3A_1630 : vector<16xi32>
      %gather3A_1632 = tpu.vector_load_idx %arg16[%add3A_1631] : memref<4096xf32, #tpu.memory_space<vmem>>[vector<16xi32>], vector<16xf32>,
      %add3A_1633 = arith.constant 11 : i32
      %add3A_1634 = vector.broadcast %add3A_1633 : i32 to vector<16xi32>
      %add3A_1635 = arith.addi %mul3A_1588, %add3A_1634 : vector<16xi32>
      %gather3A_1636 = tpu.vector_load_idx %arg16[%add3A_1635] : memref<4096xf32, #tpu.memory_space<vmem>>[vector<16xi32>], vector<16xf32>,
      %add3A_1637 = arith.constant 12 : i32
      %add3A_1638 = vector.broadcast %add3A_1637 : i32 to vector<16xi32>
      %add3A_1639 = arith.addi %mul3A_1588, %add3A_1638 : vector<16xi32>
      %gather3A_1640 = tpu.vector_load_idx %arg16[%add3A_1639] : memref<4096xf32, #tpu.memory_space<vmem>>[vector<16xi32>], vector<16xf32>,
      %add3A_1641 = arith.constant 13 : i32
      %add3A_1642 = vector.broadcast %add3A_1641 : i32 to vector<16xi32>
      %add3A_1643 = arith.addi %mul3A_1588, %add3A_1642 : vector<16xi32>
      %gather3A_1644 = tpu.vector_load_idx %arg16[%add3A_1643] : memref<4096xf32, #tpu.memory_space<vmem>>[vector<16xi32>], vector<16xf32>,
      %add3A_1645 = arith.constant 14 : i32
      %add3A_1646 = vector.broadcast %add3A_1645 : i32 to vector<16xi32>
      %add3A_1647 = arith.addi %mul3A_1588, %add3A_1646 : vector<16xi32>
      %gather3A_1648 = tpu.vector_load_idx %arg16[%add3A_1647] : memref<4096xf32, #tpu.memory_space<vmem>>[vector<16xi32>], vector<16xf32>,
      %add3A_1649 = arith.constant 15 : i32
      %add3A_1650 = vector.broadcast %add3A_1649 : i32 to vector<16xi32>
      %add3A_1651 = arith.addi %mul3A_1588, %add3A_1650 : vector<16xi32>
      %gather3A_1652 = tpu.vector_load_idx %arg16[%add3A_1651] : memref<4096xf32, #tpu.memory_space<vmem>>[vector<16xi32>], vector<16xf32>,
      %add3A_1653 = arith.addf %gather3A_1592, %gather3A_1596 : vector<16xf32>
      %add3A_1654 = arith.addf %gather3A_1600, %gather3A_1604 : vector<16xf32>
      %add3A_1655 = arith.addf %gather3A_1608, %gather3A_1612 : vector<16xf32>
      %add3A_1656 = arith.addf %gather3A_1616, %gather3A_1620 : vector<16xf32>
      %add3A_1657 = arith.addf %gather3A_1624, %gather3A_1628 : vector<16xf32>
      %add3A_1658 = arith.addf %gather3A_1632, %gather3A_1636 : vector<16xf32>
      %add3A_1659 = arith.addf %gather3A_1640, %gather3A_1644 : vector<16xf32>
      %add3A_1660 = arith.addf %gather3A_1648, %gather3A_1652 : vector<16xf32>
      %add3A_1661 = arith.addf %add3A_1653, %add3A_1654 : vector<16xf32>
      %add3A_1662 = arith.addf %add3A_1655, %add3A_1656 : vector<16xf32>
      %add3A_1663 = arith.addf %add3A_1657, %add3A_1658 : vector<16xf32>
      %add3A_1664 = arith.addf %add3A_1659, %add3A_1660 : vector<16xf32>
      %add3A_1665 = arith.addf %add3A_1661, %add3A_1662 : vector<16xf32>
      %add3A_1666 = arith.addf %add3A_1663, %add3A_1664 : vector<16xf32>
      %add3A_1667 = arith.addf %add3A_1665, %add3A_1666 : vector<16xf32>
      %add3A_1668 = arith.addf %add3A_1667, %get3A_20 : vector<16xf32>
      %neg3A_1669 = arith.constant 0.000000e+00 : f32
      %neg3A_1670 = vector.broadcast %neg3A_1669 : f32 to vector<16xf32>
      %neg3A_1671 = arith.subf %neg3A_1670, %add3A_1668 : vector<16xf32>
      %exp3A_1672 = math.exp %neg3A_1671 : vector<16xf32>
      %add3A_1673 = arith.constant 1.000000e+00 : f32
      %add3A_1674 = vector.broadcast %add3A_1673 : f32 to vector<16xf32>
      %add3A_1675 = arith.addf %add3A_1674, %exp3A_1672 : vector<16xf32>
      %div3A_1676 = arith.constant 1.000000e+00 : f32
      %div3A_1677 = vector.broadcast %div3A_1676 : f32 to vector<16xf32>
      %div3A_1678 = arith.divf %div3A_1677, %add3A_1675 : vector<16xf32>
      %swap3A_1679 = arith.constant 240 : index
      %swap3A_1680 = tpu.vector_load %arg14[%swap3A_1679] {strides = array<i32>} : memref<256xf32, #tpu.memory_space<vmem>>, vector<16xf32>,
      tpu.vector_store %arg14[%swap3A_1679], %div3A_1678 {strides = array<i32>} : memref<256xf32, #tpu.memory_space<vmem>>, vector<16xf32>,
      %mul3A_1681 = arith.constant 256 : i32
      %mul3A_1682 = arith.muli %add3A_75, %mul3A_1681 : i32
      %min3A_1683 = arith.constant 9744 : i32
      %min3A_1684 = arith.minsi %mul3A_1682, %min3A_1683 : i32
      %add3A_1685 = arith.addi %multiple_of3A, %min3A_1684 : i32
      %multiple_of3A_1686 = tpu.assume_multiple %add3A_1685, 8 : i32
      %dma_start3A_1687 = tpu.memref_slice %arg7[%multiple_of3A_1686] : memref<320000xf32, #tpu.memory_space<hbm>> -> memref<256xf32, #tpu.memory_space<hbm>>
      %dma_start3A_1688 = tpu.memref_slice %arg7[%multiple_of3A_1686] : memref<320000xf32, #tpu.memory_space<hbm>> -> memref<256xf32, #tpu.memory_space<hbm>>
      tpu.enqueue_dma source(%arg14 : memref<256xf32, #tpu.memory_space<vmem>>) target(%dma_start3A_1688 : memref<256xf32, #tpu.memory_space<hbm>>) target_semaphore(%arg23 : memref<!tpu.dma_semaphore, #tpu.memory_space<semaphore_mem>>)
      %add3A_1689 = arith.constant 1 : i32
      %add3A_1690 = arith.addi %mul3A_73, %add3A_1689 : i32
      %add3A_1691 = arith.constant 1 : i32
      %add3A_1692 = arith.addi %add3A_1690, %add3A_1691 : i32
      %lt3A_1693 = arith.constant 40 : i32
      %lt3A_1694 = arith.cmpi slt, %add3A_1692, %lt3A_1693 : i32
      %convert_element_type3A_1695 = arith.extui %lt3A_1694 : i1 to i32
      %cond3A_1696 = arith.constant 0 : i32
      %cond3A_1697 = arith.cmpi ne, %convert_element_type3A_1695, %cond3A_1696 : i32
      scf.if %cond3A_1697 {
        %add3A_3315 = arith.constant 1 : i32
        %add3A_3316 = arith.addi %add3A_1690, %add3A_3315 : i32
        %mul3A_3317 = arith.constant 256 : i32
        %mul3A_3318 = arith.muli %add3A_3316, %mul3A_3317 : i32
        %min3A_3319 = arith.constant 9744 : i32
        %min3A_3320 = arith.minsi %mul3A_3318, %min3A_3319 : i32
        %multiple_of3A_3321 = tpu.assume_multiple %min3A_3320, 8 : i32
        %add3A_3322 = arith.constant 0 : i32
        %add3A_3323 = arith.addi %multiple_of3A_3321, %add3A_3322 : i32
        %multiple_of3A_3324 = tpu.assume_multiple %add3A_3323, 8 : i32
        %dma_start3A_3325 = arith.constant 0 : i32
        %dma_start3A_3326 = arith.constant 0 : i32
        %dma_start3A_3327 = tpu.memref_slice %arg10[%dma_start3A_3325, %dma_start3A_3326] : memref<256x64xi32, #tpu.memory_space<vmem>> -> memref<128x64xi32, #tpu.memory_space<vmem>>
        %dma_start3A_3328 = tpu.memref_slice %arg8[%multiple_of3A_3324] : memref<10000xi32, #tpu.memory_space<vmem>> -> memref<128xi32, #tpu.memory_space<vmem>>
        %dma_start3A_3329 = arith.constant 0 : i32
        %dma_start3A_3330 = arith.constant 0 : i32
        %dma_start3A_3331 = tpu.memref_slice %arg2[%dma_start3A_3329, %dma_start3A_3330] : memref<10000x64xi32, #tpu.memory_space<hbm>> -> memref<10000x64xi32, #tpu.memory_space<hbm>>
        tpu.enqueue_indirect_dma source(%dma_start3A_3331 : memref<10000x64xi32, #tpu.memory_space<hbm>>) target(%dma_start3A_3327 : memref<128x64xi32, #tpu.memory_space<vmem>>) offsets(%dma_start3A_3328 : memref<128xi32, #tpu.memory_space<vmem>>) semaphore(%arg19 : memref<!tpu.dma_semaphore, #tpu.memory_space<semaphore_mem>>)
        %dma_start3A_3332 = arith.constant 0 : i32
        %dma_start3A_3333 = arith.constant 0 : i32
        %dma_start3A_3334 = tpu.memref_slice %arg12[%dma_start3A_3332, %dma_start3A_3333] : memref<256x64xi32, #tpu.memory_space<vmem>> -> memref<128x64xi32, #tpu.memory_space<vmem>>
        %dma_start3A_3335 = tpu.memref_slice %arg9[%multiple_of3A_3324] : memref<10000xi32, #tpu.memory_space<vmem>> -> memref<128xi32, #tpu.memory_space<vmem>>
        %dma_start3A_3336 = arith.constant 0 : i32
        %dma_start3A_3337 = arith.constant 0 : i32
        %dma_start3A_3338 = tpu.memref_slice %arg3[%dma_start3A_3336, %dma_start3A_3337] : memref<10000x64xi32, #tpu.memory_space<hbm>> -> memref<10000x64xi32, #tpu.memory_space<hbm>>
        tpu.enqueue_indirect_dma source(%dma_start3A_3338 : memref<10000x64xi32, #tpu.memory_space<hbm>>) target(%dma_start3A_3334 : memref<128x64xi32, #tpu.memory_space<vmem>>) offsets(%dma_start3A_3335 : memref<128xi32, #tpu.memory_space<vmem>>) semaphore(%arg21 : memref<!tpu.dma_semaphore, #tpu.memory_space<semaphore_mem>>)
        %add3A_3339 = arith.constant 128 : i32
        %add3A_3340 = arith.addi %multiple_of3A_3321, %add3A_3339 : i32
        %multiple_of3A_3341 = tpu.assume_multiple %add3A_3340, 8 : i32
        %dma_start3A_3342 = arith.constant 128 : i32
        %dma_start3A_3343 = arith.constant 0 : i32
        %dma_start3A_3344 = tpu.memref_slice %arg10[%dma_start3A_3342, %dma_start3A_3343] : memref<256x64xi32, #tpu.memory_space<vmem>> -> memref<128x64xi32, #tpu.memory_space<vmem>>
        %dma_start3A_3345 = tpu.memref_slice %arg8[%multiple_of3A_3341] : memref<10000xi32, #tpu.memory_space<vmem>> -> memref<128xi32, #tpu.memory_space<vmem>>
        %dma_start3A_3346 = arith.constant 0 : i32
        %dma_start3A_3347 = arith.constant 0 : i32
        %dma_start3A_3348 = tpu.memref_slice %arg2[%dma_start3A_3346, %dma_start3A_3347] : memref<10000x64xi32, #tpu.memory_space<hbm>> -> memref<10000x64xi32, #tpu.memory_space<hbm>>
        tpu.enqueue_indirect_dma source(%dma_start3A_3348 : memref<10000x64xi32, #tpu.memory_space<hbm>>) target(%dma_start3A_3344 : memref<128x64xi32, #tpu.memory_space<vmem>>) offsets(%dma_start3A_3345 : memref<128xi32, #tpu.memory_space<vmem>>) semaphore(%arg19 : memref<!tpu.dma_semaphore, #tpu.memory_space<semaphore_mem>>)
        %dma_start3A_3349 = arith.constant 128 : i32
        %dma_start3A_3350 = arith.constant 0 : i32
        %dma_start3A_3351 = tpu.memref_slice %arg12[%dma_start3A_3349, %dma_start3A_3350] : memref<256x64xi32, #tpu.memory_space<vmem>> -> memref<128x64xi32, #tpu.memory_space<vmem>>
        %dma_start3A_3352 = tpu.memref_slice %arg9[%multiple_of3A_3341] : memref<10000xi32, #tpu.memory_space<vmem>> -> memref<128xi32, #tpu.memory_space<vmem>>
        %dma_start3A_3353 = arith.constant 0 : i32
        %dma_start3A_3354 = arith.constant 0 : i32
        %dma_start3A_3355 = tpu.memref_slice %arg3[%dma_start3A_3353, %dma_start3A_3354] : memref<10000x64xi32, #tpu.memory_space<hbm>> -> memref<10000x64xi32, #tpu.memory_space<hbm>>
        tpu.enqueue_indirect_dma source(%dma_start3A_3355 : memref<10000x64xi32, #tpu.memory_space<hbm>>) target(%dma_start3A_3351 : memref<128x64xi32, #tpu.memory_space<vmem>>) offsets(%dma_start3A_3352 : memref<128xi32, #tpu.memory_space<vmem>>) semaphore(%arg21 : memref<!tpu.dma_semaphore, #tpu.memory_space<semaphore_mem>>)
      } else {
      }
      %dma_wait3A_1698 = arith.constant 0 : i32
      %dma_wait3A_1699 = arith.constant 0 : i32
      %dma_wait3A_1700 = tpu.memref_slice %arg11[%dma_wait3A_1698, %dma_wait3A_1699] : memref<256x64xi32, #tpu.memory_space<vmem>> -> memref<128x64xi32, #tpu.memory_space<vmem>>
      %dma_wait3A_1701 = arith.constant 0 : i32
      %dma_wait3A_1702 = tpu.memref_slice %arg8[%dma_wait3A_1701] : memref<10000xi32, #tpu.memory_space<vmem>> -> memref<128xi32, #tpu.memory_space<vmem>>
      %dma_wait3A_1703 = arith.constant 0 : i32
      %dma_wait3A_1704 = arith.constant 0 : i32
      %dma_wait3A_1705 = tpu.memref_slice %arg2[%dma_wait3A_1703, %dma_wait3A_1704] : memref<10000x64xi32, #tpu.memory_space<hbm>> -> memref<10000x64xi32, #tpu.memory_space<hbm>>
      tpu.wait_indirect_dma semaphore(%arg20 : memref<!tpu.dma_semaphore, #tpu.memory_space<semaphore_mem>>) src(%dma_wait3A_1705 : memref<10000x64xi32, #tpu.memory_space<hbm>>) dst(%dma_wait3A_1700 : memref<128x64xi32, #tpu.memory_space<vmem>>)
      %dma_wait3A_1706 = arith.constant 0 : i32
      %dma_wait3A_1707 = arith.constant 0 : i32
      %dma_wait3A_1708 = tpu.memref_slice %arg13[%dma_wait3A_1706, %dma_wait3A_1707] : memref<256x64xi32, #tpu.memory_space<vmem>> -> memref<128x64xi32, #tpu.memory_space<vmem>>
      %dma_wait3A_1709 = arith.constant 0 : i32
      %dma_wait3A_1710 = tpu.memref_slice %arg9[%dma_wait3A_1709] : memref<10000xi32, #tpu.memory_space<vmem>> -> memref<128xi32, #tpu.memory_space<vmem>>
      %dma_wait3A_1711 = arith.constant 0 : i32
      %dma_wait3A_1712 = arith.constant 0 : i32
      %dma_wait3A_1713 = tpu.memref_slice %arg3[%dma_wait3A_1711, %dma_wait3A_1712] : memref<10000x64xi32, #tpu.memory_space<hbm>> -> memref<10000x64xi32, #tpu.memory_space<hbm>>
      tpu.wait_indirect_dma semaphore(%arg22 : memref<!tpu.dma_semaphore, #tpu.memory_space<semaphore_mem>>) src(%dma_wait3A_1713 : memref<10000x64xi32, #tpu.memory_space<hbm>>) dst(%dma_wait3A_1708 : memref<128x64xi32, #tpu.memory_space<vmem>>)
      %dma_wait3A_1714 = arith.constant 128 : i32
      %dma_wait3A_1715 = arith.constant 0 : i32
      %dma_wait3A_1716 = tpu.memref_slice %arg11[%dma_wait3A_1714, %dma_wait3A_1715] : memref<256x64xi32, #tpu.memory_space<vmem>> -> memref<128x64xi32, #tpu.memory_space<vmem>>
      %dma_wait3A_1717 = arith.constant 0 : i32
      %dma_wait3A_1718 = tpu.memref_slice %arg8[%dma_wait3A_1717] : memref<10000xi32, #tpu.memory_space<vmem>> -> memref<128xi32, #tpu.memory_space<vmem>>
      %dma_wait3A_1719 = arith.constant 0 : i32
      %dma_wait3A_1720 = arith.constant 0 : i32
      %dma_wait3A_1721 = tpu.memref_slice %arg2[%dma_wait3A_1719, %dma_wait3A_1720] : memref<10000x64xi32, #tpu.memory_space<hbm>> -> memref<10000x64xi32, #tpu.memory_space<hbm>>
      tpu.wait_indirect_dma semaphore(%arg20 : memref<!tpu.dma_semaphore, #tpu.memory_space<semaphore_mem>>) src(%dma_wait3A_1721 : memref<10000x64xi32, #tpu.memory_space<hbm>>) dst(%dma_wait3A_1716 : memref<128x64xi32, #tpu.memory_space<vmem>>)
      %dma_wait3A_1722 = arith.constant 128 : i32
      %dma_wait3A_1723 = arith.constant 0 : i32
      %dma_wait3A_1724 = tpu.memref_slice %arg13[%dma_wait3A_1722, %dma_wait3A_1723] : memref<256x64xi32, #tpu.memory_space<vmem>> -> memref<128x64xi32, #tpu.memory_space<vmem>>
      %dma_wait3A_1725 = arith.constant 0 : i32
      %dma_wait3A_1726 = tpu.memref_slice %arg9[%dma_wait3A_1725] : memref<10000xi32, #tpu.memory_space<vmem>> -> memref<128xi32, #tpu.memory_space<vmem>>
      %dma_wait3A_1727 = arith.constant 0 : i32
      %dma_wait3A_1728 = arith.constant 0 : i32
      %dma_wait3A_1729 = tpu.memref_slice %arg3[%dma_wait3A_1727, %dma_wait3A_1728] : memref<10000x64xi32, #tpu.memory_space<hbm>> -> memref<10000x64xi32, #tpu.memory_space<hbm>>
      tpu.wait_indirect_dma semaphore(%arg22 : memref<!tpu.dma_semaphore, #tpu.memory_space<semaphore_mem>>) src(%dma_wait3A_1729 : memref<10000x64xi32, #tpu.memory_space<hbm>>) dst(%dma_wait3A_1724 : memref<128x64xi32, #tpu.memory_space<vmem>>)
      %gt3A_1730 = arith.constant 0 : i32
      %gt3A_1731 = arith.cmpi sgt, %mul3A_73, %gt3A_1730 : i32
      %convert_element_type3A_1732 = arith.extui %gt3A_1731 : i1 to i32
      %cond3A_1733 = arith.constant 0 : i32
      %cond3A_1734 = arith.cmpi ne, %convert_element_type3A_1732, %cond3A_1733 : i32
      scf.if %cond3A_1734 {
        %dma_wait3A_3315 = arith.constant 0 : i32
        %dma_wait3A_3316 = tpu.memref_slice %arg7[%dma_wait3A_3315] : memref<320000xf32, #tpu.memory_space<hbm>> -> memref<256xf32, #tpu.memory_space<hbm>>
        %dma_wait3A_3317 = arith.constant 0 : i32
        %dma_wait3A_3318 = tpu.memref_slice %arg7[%dma_wait3A_3317] : memref<320000xf32, #tpu.memory_space<hbm>> -> memref<256xf32, #tpu.memory_space<hbm>>
        tpu.wait_dma2 semaphore(%arg24 : memref<!tpu.dma_semaphore, #tpu.memory_space<semaphore_mem>>) src(%arg15 : memref<256xf32, #tpu.memory_space<vmem>>) dst(%dma_wait3A_3318 : memref<256xf32, #tpu.memory_space<hbm>>)
      } else {
      }
      %parallel_loop3A_1735 = arith.constant 0 : i32
      %parallel_loop3A_1736 = arith.constant 256 : i32
      %parallel_loop3A_1737 = arith.constant 1 : i32
      scf.for %parallel_loop3A_3315 = %parallel_loop3A_1735 to %parallel_loop3A_1736 step %parallel_loop3A_1737  : i32 {
        %parallel_loop3A_3316 = arith.constant 0.000000e+00 : bf16
        %parallel_loop3A_3317 = vector.broadcast %parallel_loop3A_3316 : bf16 to vector<32xbf16>
        %parallel_loop3A_3318 = arith.constant 0.000000e+00 : bf16
        %parallel_loop3A_3319 = vector.broadcast %parallel_loop3A_3318 : bf16 to vector<32xbf16>
        %parallel_loop3A_3320 = arith.index_cast %parallel_loop3A_3315 : i32 to index
        %parallel_loop3A_3321 = arith.constant 0 : index
        %parallel_loop3A_3322 = tpu.vector_load %arg11[%parallel_loop3A_3320, %parallel_loop3A_3321] {strides = array<i32>} : memref<256x64xi32, #tpu.memory_space<vmem>>, vector<16xi32>,
        %parallel_loop3A_3323 = arith.index_cast %parallel_loop3A_3315 : i32 to index
        %parallel_loop3A_3324 = arith.constant 0 : index
        %parallel_loop3A_3325 = tpu.vector_load %arg13[%parallel_loop3A_3323, %parallel_loop3A_3324] {strides = array<i32>} : memref<256x64xi32, #tpu.memory_space<vmem>>, vector<16xi32>,
        %parallel_loop3A_3326 = vector.bitcast %parallel_loop3A_3322 : vector<16xi32> to vector<32xbf16>
        %parallel_loop3A_3327 = vector.bitcast %parallel_loop3A_3325 : vector<16xi32> to vector<32xbf16>
        %parallel_loop3A_3328 = arith.addf %parallel_loop3A_3326, %parallel_loop3A_3327 : vector<32xbf16>
        %parallel_loop3A_3329 = arith.constant 0.000000e+00 : bf16
        %parallel_loop3A_3330 = vector.broadcast %parallel_loop3A_3329 : bf16 to vector<32xbf16>
        %parallel_loop3A_3331 = arith.maximumf %parallel_loop3A_3328, %parallel_loop3A_3330 : vector<32xbf16>
        %parallel_loop3A_3332 = arith.mulf %parallel_loop3A_3331, %get3A_6 : vector<32xbf16>
        %parallel_loop3A_3333 = arith.addf %parallel_loop3A_3317, %parallel_loop3A_3332 : vector<32xbf16>
        %parallel_loop3A_3334 = arith.index_cast %parallel_loop3A_3315 : i32 to index
        %parallel_loop3A_3335 = arith.constant 16 : index
        %parallel_loop3A_3336 = tpu.vector_load %arg11[%parallel_loop3A_3334, %parallel_loop3A_3335] {strides = array<i32>} : memref<256x64xi32, #tpu.memory_space<vmem>>, vector<16xi32>,
        %parallel_loop3A_3337 = arith.index_cast %parallel_loop3A_3315 : i32 to index
        %parallel_loop3A_3338 = arith.constant 16 : index
        %parallel_loop3A_3339 = tpu.vector_load %arg13[%parallel_loop3A_3337, %parallel_loop3A_3338] {strides = array<i32>} : memref<256x64xi32, #tpu.memory_space<vmem>>, vector<16xi32>,
        %parallel_loop3A_3340 = vector.bitcast %parallel_loop3A_3336 : vector<16xi32> to vector<32xbf16>
        %parallel_loop3A_3341 = vector.bitcast %parallel_loop3A_3339 : vector<16xi32> to vector<32xbf16>
        %parallel_loop3A_3342 = arith.addf %parallel_loop3A_3340, %parallel_loop3A_3341 : vector<32xbf16>
        %parallel_loop3A_3343 = arith.constant 0.000000e+00 : bf16
        %parallel_loop3A_3344 = vector.broadcast %parallel_loop3A_3343 : bf16 to vector<32xbf16>
        %parallel_loop3A_3345 = arith.maximumf %parallel_loop3A_3342, %parallel_loop3A_3344 : vector<32xbf16>
        %parallel_loop3A_3346 = arith.mulf %parallel_loop3A_3345, %get3A_10 : vector<32xbf16>
        %parallel_loop3A_3347 = arith.addf %parallel_loop3A_3319, %parallel_loop3A_3346 : vector<32xbf16>
        %parallel_loop3A_3348 = arith.index_cast %parallel_loop3A_3315 : i32 to index
        %parallel_loop3A_3349 = arith.constant 32 : index
        %parallel_loop3A_3350 = tpu.vector_load %arg11[%parallel_loop3A_3348, %parallel_loop3A_3349] {strides = array<i32>} : memref<256x64xi32, #tpu.memory_space<vmem>>, vector<16xi32>,
        %parallel_loop3A_3351 = arith.index_cast %parallel_loop3A_3315 : i32 to index
        %parallel_loop3A_3352 = arith.constant 32 : index
        %parallel_loop3A_3353 = tpu.vector_load %arg13[%parallel_loop3A_3351, %parallel_loop3A_3352] {strides = array<i32>} : memref<256x64xi32, #tpu.memory_space<vmem>>, vector<16xi32>,
        %parallel_loop3A_3354 = vector.bitcast %parallel_loop3A_3350 : vector<16xi32> to vector<32xbf16>
        %parallel_loop3A_3355 = vector.bitcast %parallel_loop3A_3353 : vector<16xi32> to vector<32xbf16>
        %parallel_loop3A_3356 = arith.addf %parallel_loop3A_3354, %parallel_loop3A_3355 : vector<32xbf16>
        %parallel_loop3A_3357 = arith.constant 0.000000e+00 : bf16
        %parallel_loop3A_3358 = vector.broadcast %parallel_loop3A_3357 : bf16 to vector<32xbf16>
        %parallel_loop3A_3359 = arith.maximumf %parallel_loop3A_3356, %parallel_loop3A_3358 : vector<32xbf16>
        %parallel_loop3A_3360 = arith.mulf %parallel_loop3A_3359, %get3A_14 : vector<32xbf16>
        %parallel_loop3A_3361 = arith.addf %parallel_loop3A_3333, %parallel_loop3A_3360 : vector<32xbf16>
        %parallel_loop3A_3362 = arith.index_cast %parallel_loop3A_3315 : i32 to index
        %parallel_loop3A_3363 = arith.constant 48 : index
        %parallel_loop3A_3364 = tpu.vector_load %arg11[%parallel_loop3A_3362, %parallel_loop3A_3363] {strides = array<i32>} : memref<256x64xi32, #tpu.memory_space<vmem>>, vector<16xi32>,
        %parallel_loop3A_3365 = arith.index_cast %parallel_loop3A_3315 : i32 to index
        %parallel_loop3A_3366 = arith.constant 48 : index
        %parallel_loop3A_3367 = tpu.vector_load %arg13[%parallel_loop3A_3365, %parallel_loop3A_3366] {strides = array<i32>} : memref<256x64xi32, #tpu.memory_space<vmem>>, vector<16xi32>,
        %parallel_loop3A_3368 = vector.bitcast %parallel_loop3A_3364 : vector<16xi32> to vector<32xbf16>
        %parallel_loop3A_3369 = vector.bitcast %parallel_loop3A_3367 : vector<16xi32> to vector<32xbf16>
        %parallel_loop3A_3370 = arith.addf %parallel_loop3A_3368, %parallel_loop3A_3369 : vector<32xbf16>
        %parallel_loop3A_3371 = arith.constant 0.000000e+00 : bf16
        %parallel_loop3A_3372 = vector.broadcast %parallel_loop3A_3371 : bf16 to vector<32xbf16>
        %parallel_loop3A_3373 = arith.maximumf %parallel_loop3A_3370, %parallel_loop3A_3372 : vector<32xbf16>
        %parallel_loop3A_3374 = arith.mulf %parallel_loop3A_3373, %get3A_18 : vector<32xbf16>
        %parallel_loop3A_3375 = arith.addf %parallel_loop3A_3347, %parallel_loop3A_3374 : vector<32xbf16>
        %parallel_loop3A_3376 = arith.addf %parallel_loop3A_3361, %parallel_loop3A_3375 : vector<32xbf16>
        %parallel_loop3A_3377 = tpu.unpack_subelements %parallel_loop3A_3376, 0 {pack_format = #tpu.pack_format<interleaved>} : vector<32xbf16> -> vector<16xf32>
        %parallel_loop3A_3378 = tpu.unpack_subelements %parallel_loop3A_3376, 1 {pack_format = #tpu.pack_format<interleaved>} : vector<32xbf16> -> vector<16xf32>
        %parallel_loop3A_3379 = arith.addf %parallel_loop3A_3377, %parallel_loop3A_3378 : vector<16xf32>
        %parallel_loop3A_3380 = arith.constant 16 : i32
        %parallel_loop3A_3381 = arith.muli %parallel_loop3A_3315, %parallel_loop3A_3380 : i32
        %parallel_loop3A_3382 = arith.index_cast %parallel_loop3A_3381 : i32 to index
        %parallel_loop3A_3383 = tpu.vector_load %arg16[%parallel_loop3A_3382] {strides = array<i32>} : memref<4096xf32, #tpu.memory_space<vmem>>, vector<16xf32>,
        tpu.vector_store %arg16[%parallel_loop3A_3382], %parallel_loop3A_3379 {strides = array<i32>} : memref<4096xf32, #tpu.memory_space<vmem>>, vector<16xf32>,
      } {sc.loop_unroll_factor = 4 : i64, sc.parallel_access}
      %add3A_1738 = arith.constant 0 : i32
      %add3A_1739 = vector.broadcast %add3A_1738 : i32 to vector<16xi32>
      %add3A_1740 = arith.addi %add3A_1739, %iota3A : vector<16xi32>
      %mul3A_1741 = arith.constant 16 : i32
      %mul3A_1742 = vector.broadcast %mul3A_1741 : i32 to vector<16xi32>
      %mul3A_1743 = arith.muli %add3A_1740, %mul3A_1742 : vector<16xi32>
      %add3A_1744 = arith.constant 0 : i32
      %add3A_1745 = vector.broadcast %add3A_1744 : i32 to vector<16xi32>
      %add3A_1746 = arith.addi %mul3A_1743, %add3A_1745 : vector<16xi32>
      %gather3A_1747 = tpu.vector_load_idx %arg16[%add3A_1746] : memref<4096xf32, #tpu.memory_space<vmem>>[vector<16xi32>], vector<16xf32>,
      %add3A_1748 = arith.constant 1 : i32
      %add3A_1749 = vector.broadcast %add3A_1748 : i32 to vector<16xi32>
      %add3A_1750 = arith.addi %mul3A_1743, %add3A_1749 : vector<16xi32>
      %gather3A_1751 = tpu.vector_load_idx %arg16[%add3A_1750] : memref<4096xf32, #tpu.memory_space<vmem>>[vector<16xi32>], vector<16xf32>,
      %add3A_1752 = arith.constant 2 : i32
      %add3A_1753 = vector.broadcast %add3A_1752 : i32 to vector<16xi32>
      %add3A_1754 = arith.addi %mul3A_1743, %add3A_1753 : vector<16xi32>
      %gather3A_1755 = tpu.vector_load_idx %arg16[%add3A_1754] : memref<4096xf32, #tpu.memory_space<vmem>>[vector<16xi32>], vector<16xf32>,
      %add3A_1756 = arith.constant 3 : i32
      %add3A_1757 = vector.broadcast %add3A_1756 : i32 to vector<16xi32>
      %add3A_1758 = arith.addi %mul3A_1743, %add3A_1757 : vector<16xi32>
      %gather3A_1759 = tpu.vector_load_idx %arg16[%add3A_1758] : memref<4096xf32, #tpu.memory_space<vmem>>[vector<16xi32>], vector<16xf32>,
      %add3A_1760 = arith.constant 4 : i32
      %add3A_1761 = vector.broadcast %add3A_1760 : i32 to vector<16xi32>
      %add3A_1762 = arith.addi %mul3A_1743, %add3A_1761 : vector<16xi32>
      %gather3A_1763 = tpu.vector_load_idx %arg16[%add3A_1762] : memref<4096xf32, #tpu.memory_space<vmem>>[vector<16xi32>], vector<16xf32>,
      %add3A_1764 = arith.constant 5 : i32
      %add3A_1765 = vector.broadcast %add3A_1764 : i32 to vector<16xi32>
      %add3A_1766 = arith.addi %mul3A_1743, %add3A_1765 : vector<16xi32>
      %gather3A_1767 = tpu.vector_load_idx %arg16[%add3A_1766] : memref<4096xf32, #tpu.memory_space<vmem>>[vector<16xi32>], vector<16xf32>,
      %add3A_1768 = arith.constant 6 : i32
      %add3A_1769 = vector.broadcast %add3A_1768 : i32 to vector<16xi32>
      %add3A_1770 = arith.addi %mul3A_1743, %add3A_1769 : vector<16xi32>
      %gather3A_1771 = tpu.vector_load_idx %arg16[%add3A_1770] : memref<4096xf32, #tpu.memory_space<vmem>>[vector<16xi32>], vector<16xf32>,
      %add3A_1772 = arith.constant 7 : i32
      %add3A_1773 = vector.broadcast %add3A_1772 : i32 to vector<16xi32>
      %add3A_1774 = arith.addi %mul3A_1743, %add3A_1773 : vector<16xi32>
      %gather3A_1775 = tpu.vector_load_idx %arg16[%add3A_1774] : memref<4096xf32, #tpu.memory_space<vmem>>[vector<16xi32>], vector<16xf32>,
      %add3A_1776 = arith.constant 8 : i32
      %add3A_1777 = vector.broadcast %add3A_1776 : i32 to vector<16xi32>
      %add3A_1778 = arith.addi %mul3A_1743, %add3A_1777 : vector<16xi32>
      %gather3A_1779 = tpu.vector_load_idx %arg16[%add3A_1778] : memref<4096xf32, #tpu.memory_space<vmem>>[vector<16xi32>], vector<16xf32>,
      %add3A_1780 = arith.constant 9 : i32
      %add3A_1781 = vector.broadcast %add3A_1780 : i32 to vector<16xi32>
      %add3A_1782 = arith.addi %mul3A_1743, %add3A_1781 : vector<16xi32>
      %gather3A_1783 = tpu.vector_load_idx %arg16[%add3A_1782] : memref<4096xf32, #tpu.memory_space<vmem>>[vector<16xi32>], vector<16xf32>,
      %add3A_1784 = arith.constant 10 : i32
      %add3A_1785 = vector.broadcast %add3A_1784 : i32 to vector<16xi32>
      %add3A_1786 = arith.addi %mul3A_1743, %add3A_1785 : vector<16xi32>
      %gather3A_1787 = tpu.vector_load_idx %arg16[%add3A_1786] : memref<4096xf32, #tpu.memory_space<vmem>>[vector<16xi32>], vector<16xf32>,
      %add3A_1788 = arith.constant 11 : i32
      %add3A_1789 = vector.broadcast %add3A_1788 : i32 to vector<16xi32>
      %add3A_1790 = arith.addi %mul3A_1743, %add3A_1789 : vector<16xi32>
      %gather3A_1791 = tpu.vector_load_idx %arg16[%add3A_1790] : memref<4096xf32, #tpu.memory_space<vmem>>[vector<16xi32>], vector<16xf32>,
      %add3A_1792 = arith.constant 12 : i32
      %add3A_1793 = vector.broadcast %add3A_1792 : i32 to vector<16xi32>
      %add3A_1794 = arith.addi %mul3A_1743, %add3A_1793 : vector<16xi32>
      %gather3A_1795 = tpu.vector_load_idx %arg16[%add3A_1794] : memref<4096xf32, #tpu.memory_space<vmem>>[vector<16xi32>], vector<16xf32>,
      %add3A_1796 = arith.constant 13 : i32
      %add3A_1797 = vector.broadcast %add3A_1796 : i32 to vector<16xi32>
      %add3A_1798 = arith.addi %mul3A_1743, %add3A_1797 : vector<16xi32>
      %gather3A_1799 = tpu.vector_load_idx %arg16[%add3A_1798] : memref<4096xf32, #tpu.memory_space<vmem>>[vector<16xi32>], vector<16xf32>,
      %add3A_1800 = arith.constant 14 : i32
      %add3A_1801 = vector.broadcast %add3A_1800 : i32 to vector<16xi32>
      %add3A_1802 = arith.addi %mul3A_1743, %add3A_1801 : vector<16xi32>
      %gather3A_1803 = tpu.vector_load_idx %arg16[%add3A_1802] : memref<4096xf32, #tpu.memory_space<vmem>>[vector<16xi32>], vector<16xf32>,
      %add3A_1804 = arith.constant 15 : i32
      %add3A_1805 = vector.broadcast %add3A_1804 : i32 to vector<16xi32>
      %add3A_1806 = arith.addi %mul3A_1743, %add3A_1805 : vector<16xi32>
      %gather3A_1807 = tpu.vector_load_idx %arg16[%add3A_1806] : memref<4096xf32, #tpu.memory_space<vmem>>[vector<16xi32>], vector<16xf32>,
      %add3A_1808 = arith.addf %gather3A_1747, %gather3A_1751 : vector<16xf32>
      %add3A_1809 = arith.addf %gather3A_1755, %gather3A_1759 : vector<16xf32>
      %add3A_1810 = arith.addf %gather3A_1763, %gather3A_1767 : vector<16xf32>
      %add3A_1811 = arith.addf %gather3A_1771, %gather3A_1775 : vector<16xf32>
      %add3A_1812 = arith.addf %gather3A_1779, %gather3A_1783 : vector<16xf32>
      %add3A_1813 = arith.addf %gather3A_1787, %gather3A_1791 : vector<16xf32>
      %add3A_1814 = arith.addf %gather3A_1795, %gather3A_1799 : vector<16xf32>
      %add3A_1815 = arith.addf %gather3A_1803, %gather3A_1807 : vector<16xf32>
      %add3A_1816 = arith.addf %add3A_1808, %add3A_1809 : vector<16xf32>
      %add3A_1817 = arith.addf %add3A_1810, %add3A_1811 : vector<16xf32>
      %add3A_1818 = arith.addf %add3A_1812, %add3A_1813 : vector<16xf32>
      %add3A_1819 = arith.addf %add3A_1814, %add3A_1815 : vector<16xf32>
      %add3A_1820 = arith.addf %add3A_1816, %add3A_1817 : vector<16xf32>
      %add3A_1821 = arith.addf %add3A_1818, %add3A_1819 : vector<16xf32>
      %add3A_1822 = arith.addf %add3A_1820, %add3A_1821 : vector<16xf32>
      %add3A_1823 = arith.addf %add3A_1822, %get3A_20 : vector<16xf32>
      %neg3A_1824 = arith.constant 0.000000e+00 : f32
      %neg3A_1825 = vector.broadcast %neg3A_1824 : f32 to vector<16xf32>
      %neg3A_1826 = arith.subf %neg3A_1825, %add3A_1823 : vector<16xf32>
      %exp3A_1827 = math.exp %neg3A_1826 : vector<16xf32>
      %add3A_1828 = arith.constant 1.000000e+00 : f32
      %add3A_1829 = vector.broadcast %add3A_1828 : f32 to vector<16xf32>
      %add3A_1830 = arith.addf %add3A_1829, %exp3A_1827 : vector<16xf32>
      %div3A_1831 = arith.constant 1.000000e+00 : f32
      %div3A_1832 = vector.broadcast %div3A_1831 : f32 to vector<16xf32>
      %div3A_1833 = arith.divf %div3A_1832, %add3A_1830 : vector<16xf32>
      %swap3A_1834 = arith.constant 0 : index
      %swap3A_1835 = tpu.vector_load %arg15[%swap3A_1834] {strides = array<i32>} : memref<256xf32, #tpu.memory_space<vmem>>, vector<16xf32>,
      tpu.vector_store %arg15[%swap3A_1834], %div3A_1833 {strides = array<i32>} : memref<256xf32, #tpu.memory_space<vmem>>, vector<16xf32>,
      %add3A_1836 = arith.constant 16 : i32
      %add3A_1837 = vector.broadcast %add3A_1836 : i32 to vector<16xi32>
      %add3A_1838 = arith.addi %add3A_1837, %iota3A : vector<16xi32>
      %mul3A_1839 = arith.constant 16 : i32
      %mul3A_1840 = vector.broadcast %mul3A_1839 : i32 to vector<16xi32>
      %mul3A_1841 = arith.muli %add3A_1838, %mul3A_1840 : vector<16xi32>
      %add3A_1842 = arith.constant 0 : i32
      %add3A_1843 = vector.broadcast %add3A_1842 : i32 to vector<16xi32>
      %add3A_1844 = arith.addi %mul3A_1841, %add3A_1843 : vector<16xi32>
      %gather3A_1845 = tpu.vector_load_idx %arg16[%add3A_1844] : memref<4096xf32, #tpu.memory_space<vmem>>[vector<16xi32>], vector<16xf32>,
      %add3A_1846 = arith.constant 1 : i32
      %add3A_1847 = vector.broadcast %add3A_1846 : i32 to vector<16xi32>
      %add3A_1848 = arith.addi %mul3A_1841, %add3A_1847 : vector<16xi32>
      %gather3A_1849 = tpu.vector_load_idx %arg16[%add3A_1848] : memref<4096xf32, #tpu.memory_space<vmem>>[vector<16xi32>], vector<16xf32>,
      %add3A_1850 = arith.constant 2 : i32
      %add3A_1851 = vector.broadcast %add3A_1850 : i32 to vector<16xi32>
      %add3A_1852 = arith.addi %mul3A_1841, %add3A_1851 : vector<16xi32>
      %gather3A_1853 = tpu.vector_load_idx %arg16[%add3A_1852] : memref<4096xf32, #tpu.memory_space<vmem>>[vector<16xi32>], vector<16xf32>,
      %add3A_1854 = arith.constant 3 : i32
      %add3A_1855 = vector.broadcast %add3A_1854 : i32 to vector<16xi32>
      %add3A_1856 = arith.addi %mul3A_1841, %add3A_1855 : vector<16xi32>
      %gather3A_1857 = tpu.vector_load_idx %arg16[%add3A_1856] : memref<4096xf32, #tpu.memory_space<vmem>>[vector<16xi32>], vector<16xf32>,
      %add3A_1858 = arith.constant 4 : i32
      %add3A_1859 = vector.broadcast %add3A_1858 : i32 to vector<16xi32>
      %add3A_1860 = arith.addi %mul3A_1841, %add3A_1859 : vector<16xi32>
      %gather3A_1861 = tpu.vector_load_idx %arg16[%add3A_1860] : memref<4096xf32, #tpu.memory_space<vmem>>[vector<16xi32>], vector<16xf32>,
      %add3A_1862 = arith.constant 5 : i32
      %add3A_1863 = vector.broadcast %add3A_1862 : i32 to vector<16xi32>
      %add3A_1864 = arith.addi %mul3A_1841, %add3A_1863 : vector<16xi32>
      %gather3A_1865 = tpu.vector_load_idx %arg16[%add3A_1864] : memref<4096xf32, #tpu.memory_space<vmem>>[vector<16xi32>], vector<16xf32>,
      %add3A_1866 = arith.constant 6 : i32
      %add3A_1867 = vector.broadcast %add3A_1866 : i32 to vector<16xi32>
      %add3A_1868 = arith.addi %mul3A_1841, %add3A_1867 : vector<16xi32>
      %gather3A_1869 = tpu.vector_load_idx %arg16[%add3A_1868] : memref<4096xf32, #tpu.memory_space<vmem>>[vector<16xi32>], vector<16xf32>,
      %add3A_1870 = arith.constant 7 : i32
      %add3A_1871 = vector.broadcast %add3A_1870 : i32 to vector<16xi32>
      %add3A_1872 = arith.addi %mul3A_1841, %add3A_1871 : vector<16xi32>
      %gather3A_1873 = tpu.vector_load_idx %arg16[%add3A_1872] : memref<4096xf32, #tpu.memory_space<vmem>>[vector<16xi32>], vector<16xf32>,
      %add3A_1874 = arith.constant 8 : i32
      %add3A_1875 = vector.broadcast %add3A_1874 : i32 to vector<16xi32>
      %add3A_1876 = arith.addi %mul3A_1841, %add3A_1875 : vector<16xi32>
      %gather3A_1877 = tpu.vector_load_idx %arg16[%add3A_1876] : memref<4096xf32, #tpu.memory_space<vmem>>[vector<16xi32>], vector<16xf32>,
      %add3A_1878 = arith.constant 9 : i32
      %add3A_1879 = vector.broadcast %add3A_1878 : i32 to vector<16xi32>
      %add3A_1880 = arith.addi %mul3A_1841, %add3A_1879 : vector<16xi32>
      %gather3A_1881 = tpu.vector_load_idx %arg16[%add3A_1880] : memref<4096xf32, #tpu.memory_space<vmem>>[vector<16xi32>], vector<16xf32>,
      %add3A_1882 = arith.constant 10 : i32
      %add3A_1883 = vector.broadcast %add3A_1882 : i32 to vector<16xi32>
      %add3A_1884 = arith.addi %mul3A_1841, %add3A_1883 : vector<16xi32>
      %gather3A_1885 = tpu.vector_load_idx %arg16[%add3A_1884] : memref<4096xf32, #tpu.memory_space<vmem>>[vector<16xi32>], vector<16xf32>,
      %add3A_1886 = arith.constant 11 : i32
      %add3A_1887 = vector.broadcast %add3A_1886 : i32 to vector<16xi32>
      %add3A_1888 = arith.addi %mul3A_1841, %add3A_1887 : vector<16xi32>
      %gather3A_1889 = tpu.vector_load_idx %arg16[%add3A_1888] : memref<4096xf32, #tpu.memory_space<vmem>>[vector<16xi32>], vector<16xf32>,
      %add3A_1890 = arith.constant 12 : i32
      %add3A_1891 = vector.broadcast %add3A_1890 : i32 to vector<16xi32>
      %add3A_1892 = arith.addi %mul3A_1841, %add3A_1891 : vector<16xi32>
      %gather3A_1893 = tpu.vector_load_idx %arg16[%add3A_1892] : memref<4096xf32, #tpu.memory_space<vmem>>[vector<16xi32>], vector<16xf32>,
      %add3A_1894 = arith.constant 13 : i32
      %add3A_1895 = vector.broadcast %add3A_1894 : i32 to vector<16xi32>
      %add3A_1896 = arith.addi %mul3A_1841, %add3A_1895 : vector<16xi32>
      %gather3A_1897 = tpu.vector_load_idx %arg16[%add3A_1896] : memref<4096xf32, #tpu.memory_space<vmem>>[vector<16xi32>], vector<16xf32>,
      %add3A_1898 = arith.constant 14 : i32
      %add3A_1899 = vector.broadcast %add3A_1898 : i32 to vector<16xi32>
      %add3A_1900 = arith.addi %mul3A_1841, %add3A_1899 : vector<16xi32>
      %gather3A_1901 = tpu.vector_load_idx %arg16[%add3A_1900] : memref<4096xf32, #tpu.memory_space<vmem>>[vector<16xi32>], vector<16xf32>,
      %add3A_1902 = arith.constant 15 : i32
      %add3A_1903 = vector.broadcast %add3A_1902 : i32 to vector<16xi32>
      %add3A_1904 = arith.addi %mul3A_1841, %add3A_1903 : vector<16xi32>
      %gather3A_1905 = tpu.vector_load_idx %arg16[%add3A_1904] : memref<4096xf32, #tpu.memory_space<vmem>>[vector<16xi32>], vector<16xf32>,
      %add3A_1906 = arith.addf %gather3A_1845, %gather3A_1849 : vector<16xf32>
      %add3A_1907 = arith.addf %gather3A_1853, %gather3A_1857 : vector<16xf32>
      %add3A_1908 = arith.addf %gather3A_1861, %gather3A_1865 : vector<16xf32>
      %add3A_1909 = arith.addf %gather3A_1869, %gather3A_1873 : vector<16xf32>
      %add3A_1910 = arith.addf %gather3A_1877, %gather3A_1881 : vector<16xf32>
      %add3A_1911 = arith.addf %gather3A_1885, %gather3A_1889 : vector<16xf32>
      %add3A_1912 = arith.addf %gather3A_1893, %gather3A_1897 : vector<16xf32>
      %add3A_1913 = arith.addf %gather3A_1901, %gather3A_1905 : vector<16xf32>
      %add3A_1914 = arith.addf %add3A_1906, %add3A_1907 : vector<16xf32>
      %add3A_1915 = arith.addf %add3A_1908, %add3A_1909 : vector<16xf32>
      %add3A_1916 = arith.addf %add3A_1910, %add3A_1911 : vector<16xf32>
      %add3A_1917 = arith.addf %add3A_1912, %add3A_1913 : vector<16xf32>
      %add3A_1918 = arith.addf %add3A_1914, %add3A_1915 : vector<16xf32>
      %add3A_1919 = arith.addf %add3A_1916, %add3A_1917 : vector<16xf32>
      %add3A_1920 = arith.addf %add3A_1918, %add3A_1919 : vector<16xf32>
      %add3A_1921 = arith.addf %add3A_1920, %get3A_20 : vector<16xf32>
      %neg3A_1922 = arith.constant 0.000000e+00 : f32
      %neg3A_1923 = vector.broadcast %neg3A_1922 : f32 to vector<16xf32>
      %neg3A_1924 = arith.subf %neg3A_1923, %add3A_1921 : vector<16xf32>
      %exp3A_1925 = math.exp %neg3A_1924 : vector<16xf32>
      %add3A_1926 = arith.constant 1.000000e+00 : f32
      %add3A_1927 = vector.broadcast %add3A_1926 : f32 to vector<16xf32>
      %add3A_1928 = arith.addf %add3A_1927, %exp3A_1925 : vector<16xf32>
      %div3A_1929 = arith.constant 1.000000e+00 : f32
      %div3A_1930 = vector.broadcast %div3A_1929 : f32 to vector<16xf32>
      %div3A_1931 = arith.divf %div3A_1930, %add3A_1928 : vector<16xf32>
      %swap3A_1932 = arith.constant 16 : index
      %swap3A_1933 = tpu.vector_load %arg15[%swap3A_1932] {strides = array<i32>} : memref<256xf32, #tpu.memory_space<vmem>>, vector<16xf32>,
      tpu.vector_store %arg15[%swap3A_1932], %div3A_1931 {strides = array<i32>} : memref<256xf32, #tpu.memory_space<vmem>>, vector<16xf32>,
      %add3A_1934 = arith.constant 32 : i32
      %add3A_1935 = vector.broadcast %add3A_1934 : i32 to vector<16xi32>
      %add3A_1936 = arith.addi %add3A_1935, %iota3A : vector<16xi32>
      %mul3A_1937 = arith.constant 16 : i32
      %mul3A_1938 = vector.broadcast %mul3A_1937 : i32 to vector<16xi32>
      %mul3A_1939 = arith.muli %add3A_1936, %mul3A_1938 : vector<16xi32>
      %add3A_1940 = arith.constant 0 : i32
      %add3A_1941 = vector.broadcast %add3A_1940 : i32 to vector<16xi32>
      %add3A_1942 = arith.addi %mul3A_1939, %add3A_1941 : vector<16xi32>
      %gather3A_1943 = tpu.vector_load_idx %arg16[%add3A_1942] : memref<4096xf32, #tpu.memory_space<vmem>>[vector<16xi32>], vector<16xf32>,
      %add3A_1944 = arith.constant 1 : i32
      %add3A_1945 = vector.broadcast %add3A_1944 : i32 to vector<16xi32>
      %add3A_1946 = arith.addi %mul3A_1939, %add3A_1945 : vector<16xi32>
      %gather3A_1947 = tpu.vector_load_idx %arg16[%add3A_1946] : memref<4096xf32, #tpu.memory_space<vmem>>[vector<16xi32>], vector<16xf32>,
      %add3A_1948 = arith.constant 2 : i32
      %add3A_1949 = vector.broadcast %add3A_1948 : i32 to vector<16xi32>
      %add3A_1950 = arith.addi %mul3A_1939, %add3A_1949 : vector<16xi32>
      %gather3A_1951 = tpu.vector_load_idx %arg16[%add3A_1950] : memref<4096xf32, #tpu.memory_space<vmem>>[vector<16xi32>], vector<16xf32>,
      %add3A_1952 = arith.constant 3 : i32
      %add3A_1953 = vector.broadcast %add3A_1952 : i32 to vector<16xi32>
      %add3A_1954 = arith.addi %mul3A_1939, %add3A_1953 : vector<16xi32>
      %gather3A_1955 = tpu.vector_load_idx %arg16[%add3A_1954] : memref<4096xf32, #tpu.memory_space<vmem>>[vector<16xi32>], vector<16xf32>,
      %add3A_1956 = arith.constant 4 : i32
      %add3A_1957 = vector.broadcast %add3A_1956 : i32 to vector<16xi32>
      %add3A_1958 = arith.addi %mul3A_1939, %add3A_1957 : vector<16xi32>
      %gather3A_1959 = tpu.vector_load_idx %arg16[%add3A_1958] : memref<4096xf32, #tpu.memory_space<vmem>>[vector<16xi32>], vector<16xf32>,
      %add3A_1960 = arith.constant 5 : i32
      %add3A_1961 = vector.broadcast %add3A_1960 : i32 to vector<16xi32>
      %add3A_1962 = arith.addi %mul3A_1939, %add3A_1961 : vector<16xi32>
      %gather3A_1963 = tpu.vector_load_idx %arg16[%add3A_1962] : memref<4096xf32, #tpu.memory_space<vmem>>[vector<16xi32>], vector<16xf32>,
      %add3A_1964 = arith.constant 6 : i32
      %add3A_1965 = vector.broadcast %add3A_1964 : i32 to vector<16xi32>
      %add3A_1966 = arith.addi %mul3A_1939, %add3A_1965 : vector<16xi32>
      %gather3A_1967 = tpu.vector_load_idx %arg16[%add3A_1966] : memref<4096xf32, #tpu.memory_space<vmem>>[vector<16xi32>], vector<16xf32>,
      %add3A_1968 = arith.constant 7 : i32
      %add3A_1969 = vector.broadcast %add3A_1968 : i32 to vector<16xi32>
      %add3A_1970 = arith.addi %mul3A_1939, %add3A_1969 : vector<16xi32>
      %gather3A_1971 = tpu.vector_load_idx %arg16[%add3A_1970] : memref<4096xf32, #tpu.memory_space<vmem>>[vector<16xi32>], vector<16xf32>,
      %add3A_1972 = arith.constant 8 : i32
      %add3A_1973 = vector.broadcast %add3A_1972 : i32 to vector<16xi32>
      %add3A_1974 = arith.addi %mul3A_1939, %add3A_1973 : vector<16xi32>
      %gather3A_1975 = tpu.vector_load_idx %arg16[%add3A_1974] : memref<4096xf32, #tpu.memory_space<vmem>>[vector<16xi32>], vector<16xf32>,
      %add3A_1976 = arith.constant 9 : i32
      %add3A_1977 = vector.broadcast %add3A_1976 : i32 to vector<16xi32>
      %add3A_1978 = arith.addi %mul3A_1939, %add3A_1977 : vector<16xi32>
      %gather3A_1979 = tpu.vector_load_idx %arg16[%add3A_1978] : memref<4096xf32, #tpu.memory_space<vmem>>[vector<16xi32>], vector<16xf32>,
      %add3A_1980 = arith.constant 10 : i32
      %add3A_1981 = vector.broadcast %add3A_1980 : i32 to vector<16xi32>
      %add3A_1982 = arith.addi %mul3A_1939, %add3A_1981 : vector<16xi32>
      %gather3A_1983 = tpu.vector_load_idx %arg16[%add3A_1982] : memref<4096xf32, #tpu.memory_space<vmem>>[vector<16xi32>], vector<16xf32>,
      %add3A_1984 = arith.constant 11 : i32
      %add3A_1985 = vector.broadcast %add3A_1984 : i32 to vector<16xi32>
      %add3A_1986 = arith.addi %mul3A_1939, %add3A_1985 : vector<16xi32>
      %gather3A_1987 = tpu.vector_load_idx %arg16[%add3A_1986] : memref<4096xf32, #tpu.memory_space<vmem>>[vector<16xi32>], vector<16xf32>,
      %add3A_1988 = arith.constant 12 : i32
      %add3A_1989 = vector.broadcast %add3A_1988 : i32 to vector<16xi32>
      %add3A_1990 = arith.addi %mul3A_1939, %add3A_1989 : vector<16xi32>
      %gather3A_1991 = tpu.vector_load_idx %arg16[%add3A_1990] : memref<4096xf32, #tpu.memory_space<vmem>>[vector<16xi32>], vector<16xf32>,
      %add3A_1992 = arith.constant 13 : i32
      %add3A_1993 = vector.broadcast %add3A_1992 : i32 to vector<16xi32>
      %add3A_1994 = arith.addi %mul3A_1939, %add3A_1993 : vector<16xi32>
      %gather3A_1995 = tpu.vector_load_idx %arg16[%add3A_1994] : memref<4096xf32, #tpu.memory_space<vmem>>[vector<16xi32>], vector<16xf32>,
      %add3A_1996 = arith.constant 14 : i32
      %add3A_1997 = vector.broadcast %add3A_1996 : i32 to vector<16xi32>
      %add3A_1998 = arith.addi %mul3A_1939, %add3A_1997 : vector<16xi32>
      %gather3A_1999 = tpu.vector_load_idx %arg16[%add3A_1998] : memref<4096xf32, #tpu.memory_space<vmem>>[vector<16xi32>], vector<16xf32>,
      %add3A_2000 = arith.constant 15 : i32
      %add3A_2001 = vector.broadcast %add3A_2000 : i32 to vector<16xi32>
      %add3A_2002 = arith.addi %mul3A_1939, %add3A_2001 : vector<16xi32>
      %gather3A_2003 = tpu.vector_load_idx %arg16[%add3A_2002] : memref<4096xf32, #tpu.memory_space<vmem>>[vector<16xi32>], vector<16xf32>,
      %add3A_2004 = arith.addf %gather3A_1943, %gather3A_1947 : vector<16xf32>
      %add3A_2005 = arith.addf %gather3A_1951, %gather3A_1955 : vector<16xf32>
      %add3A_2006 = arith.addf %gather3A_1959, %gather3A_1963 : vector<16xf32>
      %add3A_2007 = arith.addf %gather3A_1967, %gather3A_1971 : vector<16xf32>
      %add3A_2008 = arith.addf %gather3A_1975, %gather3A_1979 : vector<16xf32>
      %add3A_2009 = arith.addf %gather3A_1983, %gather3A_1987 : vector<16xf32>
      %add3A_2010 = arith.addf %gather3A_1991, %gather3A_1995 : vector<16xf32>
      %add3A_2011 = arith.addf %gather3A_1999, %gather3A_2003 : vector<16xf32>
      %add3A_2012 = arith.addf %add3A_2004, %add3A_2005 : vector<16xf32>
      %add3A_2013 = arith.addf %add3A_2006, %add3A_2007 : vector<16xf32>
      %add3A_2014 = arith.addf %add3A_2008, %add3A_2009 : vector<16xf32>
      %add3A_2015 = arith.addf %add3A_2010, %add3A_2011 : vector<16xf32>
      %add3A_2016 = arith.addf %add3A_2012, %add3A_2013 : vector<16xf32>
      %add3A_2017 = arith.addf %add3A_2014, %add3A_2015 : vector<16xf32>
      %add3A_2018 = arith.addf %add3A_2016, %add3A_2017 : vector<16xf32>
      %add3A_2019 = arith.addf %add3A_2018, %get3A_20 : vector<16xf32>
      %neg3A_2020 = arith.constant 0.000000e+00 : f32
      %neg3A_2021 = vector.broadcast %neg3A_2020 : f32 to vector<16xf32>
      %neg3A_2022 = arith.subf %neg3A_2021, %add3A_2019 : vector<16xf32>
      %exp3A_2023 = math.exp %neg3A_2022 : vector<16xf32>
      %add3A_2024 = arith.constant 1.000000e+00 : f32
      %add3A_2025 = vector.broadcast %add3A_2024 : f32 to vector<16xf32>
      %add3A_2026 = arith.addf %add3A_2025, %exp3A_2023 : vector<16xf32>
      %div3A_2027 = arith.constant 1.000000e+00 : f32
      %div3A_2028 = vector.broadcast %div3A_2027 : f32 to vector<16xf32>
      %div3A_2029 = arith.divf %div3A_2028, %add3A_2026 : vector<16xf32>
      %swap3A_2030 = arith.constant 32 : index
      %swap3A_2031 = tpu.vector_load %arg15[%swap3A_2030] {strides = array<i32>} : memref<256xf32, #tpu.memory_space<vmem>>, vector<16xf32>,
      tpu.vector_store %arg15[%swap3A_2030], %div3A_2029 {strides = array<i32>} : memref<256xf32, #tpu.memory_space<vmem>>, vector<16xf32>,
      %add3A_2032 = arith.constant 48 : i32
      %add3A_2033 = vector.broadcast %add3A_2032 : i32 to vector<16xi32>
      %add3A_2034 = arith.addi %add3A_2033, %iota3A : vector<16xi32>
      %mul3A_2035 = arith.constant 16 : i32
      %mul3A_2036 = vector.broadcast %mul3A_2035 : i32 to vector<16xi32>
      %mul3A_2037 = arith.muli %add3A_2034, %mul3A_2036 : vector<16xi32>
      %add3A_2038 = arith.constant 0 : i32
      %add3A_2039 = vector.broadcast %add3A_2038 : i32 to vector<16xi32>
      %add3A_2040 = arith.addi %mul3A_2037, %add3A_2039 : vector<16xi32>
      %gather3A_2041 = tpu.vector_load_idx %arg16[%add3A_2040] : memref<4096xf32, #tpu.memory_space<vmem>>[vector<16xi32>], vector<16xf32>,
      %add3A_2042 = arith.constant 1 : i32
      %add3A_2043 = vector.broadcast %add3A_2042 : i32 to vector<16xi32>
      %add3A_2044 = arith.addi %mul3A_2037, %add3A_2043 : vector<16xi32>
      %gather3A_2045 = tpu.vector_load_idx %arg16[%add3A_2044] : memref<4096xf32, #tpu.memory_space<vmem>>[vector<16xi32>], vector<16xf32>,
      %add3A_2046 = arith.constant 2 : i32
      %add3A_2047 = vector.broadcast %add3A_2046 : i32 to vector<16xi32>
      %add3A_2048 = arith.addi %mul3A_2037, %add3A_2047 : vector<16xi32>
      %gather3A_2049 = tpu.vector_load_idx %arg16[%add3A_2048] : memref<4096xf32, #tpu.memory_space<vmem>>[vector<16xi32>], vector<16xf32>,
      %add3A_2050 = arith.constant 3 : i32
      %add3A_2051 = vector.broadcast %add3A_2050 : i32 to vector<16xi32>
      %add3A_2052 = arith.addi %mul3A_2037, %add3A_2051 : vector<16xi32>
      %gather3A_2053 = tpu.vector_load_idx %arg16[%add3A_2052] : memref<4096xf32, #tpu.memory_space<vmem>>[vector<16xi32>], vector<16xf32>,
      %add3A_2054 = arith.constant 4 : i32
      %add3A_2055 = vector.broadcast %add3A_2054 : i32 to vector<16xi32>
      %add3A_2056 = arith.addi %mul3A_2037, %add3A_2055 : vector<16xi32>
      %gather3A_2057 = tpu.vector_load_idx %arg16[%add3A_2056] : memref<4096xf32, #tpu.memory_space<vmem>>[vector<16xi32>], vector<16xf32>,
      %add3A_2058 = arith.constant 5 : i32
      %add3A_2059 = vector.broadcast %add3A_2058 : i32 to vector<16xi32>
      %add3A_2060 = arith.addi %mul3A_2037, %add3A_2059 : vector<16xi32>
      %gather3A_2061 = tpu.vector_load_idx %arg16[%add3A_2060] : memref<4096xf32, #tpu.memory_space<vmem>>[vector<16xi32>], vector<16xf32>,
      %add3A_2062 = arith.constant 6 : i32
      %add3A_2063 = vector.broadcast %add3A_2062 : i32 to vector<16xi32>
      %add3A_2064 = arith.addi %mul3A_2037, %add3A_2063 : vector<16xi32>
      %gather3A_2065 = tpu.vector_load_idx %arg16[%add3A_2064] : memref<4096xf32, #tpu.memory_space<vmem>>[vector<16xi32>], vector<16xf32>,
      %add3A_2066 = arith.constant 7 : i32
      %add3A_2067 = vector.broadcast %add3A_2066 : i32 to vector<16xi32>
      %add3A_2068 = arith.addi %mul3A_2037, %add3A_2067 : vector<16xi32>
      %gather3A_2069 = tpu.vector_load_idx %arg16[%add3A_2068] : memref<4096xf32, #tpu.memory_space<vmem>>[vector<16xi32>], vector<16xf32>,
      %add3A_2070 = arith.constant 8 : i32
      %add3A_2071 = vector.broadcast %add3A_2070 : i32 to vector<16xi32>
      %add3A_2072 = arith.addi %mul3A_2037, %add3A_2071 : vector<16xi32>
      %gather3A_2073 = tpu.vector_load_idx %arg16[%add3A_2072] : memref<4096xf32, #tpu.memory_space<vmem>>[vector<16xi32>], vector<16xf32>,
      %add3A_2074 = arith.constant 9 : i32
      %add3A_2075 = vector.broadcast %add3A_2074 : i32 to vector<16xi32>
      %add3A_2076 = arith.addi %mul3A_2037, %add3A_2075 : vector<16xi32>
      %gather3A_2077 = tpu.vector_load_idx %arg16[%add3A_2076] : memref<4096xf32, #tpu.memory_space<vmem>>[vector<16xi32>], vector<16xf32>,
      %add3A_2078 = arith.constant 10 : i32
      %add3A_2079 = vector.broadcast %add3A_2078 : i32 to vector<16xi32>
      %add3A_2080 = arith.addi %mul3A_2037, %add3A_2079 : vector<16xi32>
      %gather3A_2081 = tpu.vector_load_idx %arg16[%add3A_2080] : memref<4096xf32, #tpu.memory_space<vmem>>[vector<16xi32>], vector<16xf32>,
      %add3A_2082 = arith.constant 11 : i32
      %add3A_2083 = vector.broadcast %add3A_2082 : i32 to vector<16xi32>
      %add3A_2084 = arith.addi %mul3A_2037, %add3A_2083 : vector<16xi32>
      %gather3A_2085 = tpu.vector_load_idx %arg16[%add3A_2084] : memref<4096xf32, #tpu.memory_space<vmem>>[vector<16xi32>], vector<16xf32>,
      %add3A_2086 = arith.constant 12 : i32
      %add3A_2087 = vector.broadcast %add3A_2086 : i32 to vector<16xi32>
      %add3A_2088 = arith.addi %mul3A_2037, %add3A_2087 : vector<16xi32>
      %gather3A_2089 = tpu.vector_load_idx %arg16[%add3A_2088] : memref<4096xf32, #tpu.memory_space<vmem>>[vector<16xi32>], vector<16xf32>,
      %add3A_2090 = arith.constant 13 : i32
      %add3A_2091 = vector.broadcast %add3A_2090 : i32 to vector<16xi32>
      %add3A_2092 = arith.addi %mul3A_2037, %add3A_2091 : vector<16xi32>
      %gather3A_2093 = tpu.vector_load_idx %arg16[%add3A_2092] : memref<4096xf32, #tpu.memory_space<vmem>>[vector<16xi32>], vector<16xf32>,
      %add3A_2094 = arith.constant 14 : i32
      %add3A_2095 = vector.broadcast %add3A_2094 : i32 to vector<16xi32>
      %add3A_2096 = arith.addi %mul3A_2037, %add3A_2095 : vector<16xi32>
      %gather3A_2097 = tpu.vector_load_idx %arg16[%add3A_2096] : memref<4096xf32, #tpu.memory_space<vmem>>[vector<16xi32>], vector<16xf32>,
      %add3A_2098 = arith.constant 15 : i32
      %add3A_2099 = vector.broadcast %add3A_2098 : i32 to vector<16xi32>
      %add3A_2100 = arith.addi %mul3A_2037, %add3A_2099 : vector<16xi32>
      %gather3A_2101 = tpu.vector_load_idx %arg16[%add3A_2100] : memref<4096xf32, #tpu.memory_space<vmem>>[vector<16xi32>], vector<16xf32>,
      %add3A_2102 = arith.addf %gather3A_2041, %gather3A_2045 : vector<16xf32>
      %add3A_2103 = arith.addf %gather3A_2049, %gather3A_2053 : vector<16xf32>
      %add3A_2104 = arith.addf %gather3A_2057, %gather3A_2061 : vector<16xf32>
      %add3A_2105 = arith.addf %gather3A_2065, %gather3A_2069 : vector<16xf32>
      %add3A_2106 = arith.addf %gather3A_2073, %gather3A_2077 : vector<16xf32>
      %add3A_2107 = arith.addf %gather3A_2081, %gather3A_2085 : vector<16xf32>
      %add3A_2108 = arith.addf %gather3A_2089, %gather3A_2093 : vector<16xf32>
      %add3A_2109 = arith.addf %gather3A_2097, %gather3A_2101 : vector<16xf32>
      %add3A_2110 = arith.addf %add3A_2102, %add3A_2103 : vector<16xf32>
      %add3A_2111 = arith.addf %add3A_2104, %add3A_2105 : vector<16xf32>
      %add3A_2112 = arith.addf %add3A_2106, %add3A_2107 : vector<16xf32>
      %add3A_2113 = arith.addf %add3A_2108, %add3A_2109 : vector<16xf32>
      %add3A_2114 = arith.addf %add3A_2110, %add3A_2111 : vector<16xf32>
      %add3A_2115 = arith.addf %add3A_2112, %add3A_2113 : vector<16xf32>
      %add3A_2116 = arith.addf %add3A_2114, %add3A_2115 : vector<16xf32>
      %add3A_2117 = arith.addf %add3A_2116, %get3A_20 : vector<16xf32>
      %neg3A_2118 = arith.constant 0.000000e+00 : f32
      %neg3A_2119 = vector.broadcast %neg3A_2118 : f32 to vector<16xf32>
      %neg3A_2120 = arith.subf %neg3A_2119, %add3A_2117 : vector<16xf32>
      %exp3A_2121 = math.exp %neg3A_2120 : vector<16xf32>
      %add3A_2122 = arith.constant 1.000000e+00 : f32
      %add3A_2123 = vector.broadcast %add3A_2122 : f32 to vector<16xf32>
      %add3A_2124 = arith.addf %add3A_2123, %exp3A_2121 : vector<16xf32>
      %div3A_2125 = arith.constant 1.000000e+00 : f32
      %div3A_2126 = vector.broadcast %div3A_2125 : f32 to vector<16xf32>
      %div3A_2127 = arith.divf %div3A_2126, %add3A_2124 : vector<16xf32>
      %swap3A_2128 = arith.constant 48 : index
      %swap3A_2129 = tpu.vector_load %arg15[%swap3A_2128] {strides = array<i32>} : memref<256xf32, #tpu.memory_space<vmem>>, vector<16xf32>,
      tpu.vector_store %arg15[%swap3A_2128], %div3A_2127 {strides = array<i32>} : memref<256xf32, #tpu.memory_space<vmem>>, vector<16xf32>,
      %add3A_2130 = arith.constant 64 : i32
      %add3A_2131 = vector.broadcast %add3A_2130 : i32 to vector<16xi32>
      %add3A_2132 = arith.addi %add3A_2131, %iota3A : vector<16xi32>
      %mul3A_2133 = arith.constant 16 : i32
      %mul3A_2134 = vector.broadcast %mul3A_2133 : i32 to vector<16xi32>
      %mul3A_2135 = arith.muli %add3A_2132, %mul3A_2134 : vector<16xi32>
      %add3A_2136 = arith.constant 0 : i32
      %add3A_2137 = vector.broadcast %add3A_2136 : i32 to vector<16xi32>
      %add3A_2138 = arith.addi %mul3A_2135, %add3A_2137 : vector<16xi32>
      %gather3A_2139 = tpu.vector_load_idx %arg16[%add3A_2138] : memref<4096xf32, #tpu.memory_space<vmem>>[vector<16xi32>], vector<16xf32>,
      %add3A_2140 = arith.constant 1 : i32
      %add3A_2141 = vector.broadcast %add3A_2140 : i32 to vector<16xi32>
      %add3A_2142 = arith.addi %mul3A_2135, %add3A_2141 : vector<16xi32>
      %gather3A_2143 = tpu.vector_load_idx %arg16[%add3A_2142] : memref<4096xf32, #tpu.memory_space<vmem>>[vector<16xi32>], vector<16xf32>,
      %add3A_2144 = arith.constant 2 : i32
      %add3A_2145 = vector.broadcast %add3A_2144 : i32 to vector<16xi32>
      %add3A_2146 = arith.addi %mul3A_2135, %add3A_2145 : vector<16xi32>
      %gather3A_2147 = tpu.vector_load_idx %arg16[%add3A_2146] : memref<4096xf32, #tpu.memory_space<vmem>>[vector<16xi32>], vector<16xf32>,
      %add3A_2148 = arith.constant 3 : i32
      %add3A_2149 = vector.broadcast %add3A_2148 : i32 to vector<16xi32>
      %add3A_2150 = arith.addi %mul3A_2135, %add3A_2149 : vector<16xi32>
      %gather3A_2151 = tpu.vector_load_idx %arg16[%add3A_2150] : memref<4096xf32, #tpu.memory_space<vmem>>[vector<16xi32>], vector<16xf32>,
      %add3A_2152 = arith.constant 4 : i32
      %add3A_2153 = vector.broadcast %add3A_2152 : i32 to vector<16xi32>
      %add3A_2154 = arith.addi %mul3A_2135, %add3A_2153 : vector<16xi32>
      %gather3A_2155 = tpu.vector_load_idx %arg16[%add3A_2154] : memref<4096xf32, #tpu.memory_space<vmem>>[vector<16xi32>], vector<16xf32>,
      %add3A_2156 = arith.constant 5 : i32
      %add3A_2157 = vector.broadcast %add3A_2156 : i32 to vector<16xi32>
      %add3A_2158 = arith.addi %mul3A_2135, %add3A_2157 : vector<16xi32>
      %gather3A_2159 = tpu.vector_load_idx %arg16[%add3A_2158] : memref<4096xf32, #tpu.memory_space<vmem>>[vector<16xi32>], vector<16xf32>,
      %add3A_2160 = arith.constant 6 : i32
      %add3A_2161 = vector.broadcast %add3A_2160 : i32 to vector<16xi32>
      %add3A_2162 = arith.addi %mul3A_2135, %add3A_2161 : vector<16xi32>
      %gather3A_2163 = tpu.vector_load_idx %arg16[%add3A_2162] : memref<4096xf32, #tpu.memory_space<vmem>>[vector<16xi32>], vector<16xf32>,
      %add3A_2164 = arith.constant 7 : i32
      %add3A_2165 = vector.broadcast %add3A_2164 : i32 to vector<16xi32>
      %add3A_2166 = arith.addi %mul3A_2135, %add3A_2165 : vector<16xi32>
      %gather3A_2167 = tpu.vector_load_idx %arg16[%add3A_2166] : memref<4096xf32, #tpu.memory_space<vmem>>[vector<16xi32>], vector<16xf32>,
      %add3A_2168 = arith.constant 8 : i32
      %add3A_2169 = vector.broadcast %add3A_2168 : i32 to vector<16xi32>
      %add3A_2170 = arith.addi %mul3A_2135, %add3A_2169 : vector<16xi32>
      %gather3A_2171 = tpu.vector_load_idx %arg16[%add3A_2170] : memref<4096xf32, #tpu.memory_space<vmem>>[vector<16xi32>], vector<16xf32>,
      %add3A_2172 = arith.constant 9 : i32
      %add3A_2173 = vector.broadcast %add3A_2172 : i32 to vector<16xi32>
      %add3A_2174 = arith.addi %mul3A_2135, %add3A_2173 : vector<16xi32>
      %gather3A_2175 = tpu.vector_load_idx %arg16[%add3A_2174] : memref<4096xf32, #tpu.memory_space<vmem>>[vector<16xi32>], vector<16xf32>,
      %add3A_2176 = arith.constant 10 : i32
      %add3A_2177 = vector.broadcast %add3A_2176 : i32 to vector<16xi32>
      %add3A_2178 = arith.addi %mul3A_2135, %add3A_2177 : vector<16xi32>
      %gather3A_2179 = tpu.vector_load_idx %arg16[%add3A_2178] : memref<4096xf32, #tpu.memory_space<vmem>>[vector<16xi32>], vector<16xf32>,
      %add3A_2180 = arith.constant 11 : i32
      %add3A_2181 = vector.broadcast %add3A_2180 : i32 to vector<16xi32>
      %add3A_2182 = arith.addi %mul3A_2135, %add3A_2181 : vector<16xi32>
      %gather3A_2183 = tpu.vector_load_idx %arg16[%add3A_2182] : memref<4096xf32, #tpu.memory_space<vmem>>[vector<16xi32>], vector<16xf32>,
      %add3A_2184 = arith.constant 12 : i32
      %add3A_2185 = vector.broadcast %add3A_2184 : i32 to vector<16xi32>
      %add3A_2186 = arith.addi %mul3A_2135, %add3A_2185 : vector<16xi32>
      %gather3A_2187 = tpu.vector_load_idx %arg16[%add3A_2186] : memref<4096xf32, #tpu.memory_space<vmem>>[vector<16xi32>], vector<16xf32>,
      %add3A_2188 = arith.constant 13 : i32
      %add3A_2189 = vector.broadcast %add3A_2188 : i32 to vector<16xi32>
      %add3A_2190 = arith.addi %mul3A_2135, %add3A_2189 : vector<16xi32>
      %gather3A_2191 = tpu.vector_load_idx %arg16[%add3A_2190] : memref<4096xf32, #tpu.memory_space<vmem>>[vector<16xi32>], vector<16xf32>,
      %add3A_2192 = arith.constant 14 : i32
      %add3A_2193 = vector.broadcast %add3A_2192 : i32 to vector<16xi32>
      %add3A_2194 = arith.addi %mul3A_2135, %add3A_2193 : vector<16xi32>
      %gather3A_2195 = tpu.vector_load_idx %arg16[%add3A_2194] : memref<4096xf32, #tpu.memory_space<vmem>>[vector<16xi32>], vector<16xf32>,
      %add3A_2196 = arith.constant 15 : i32
      %add3A_2197 = vector.broadcast %add3A_2196 : i32 to vector<16xi32>
      %add3A_2198 = arith.addi %mul3A_2135, %add3A_2197 : vector<16xi32>
      %gather3A_2199 = tpu.vector_load_idx %arg16[%add3A_2198] : memref<4096xf32, #tpu.memory_space<vmem>>[vector<16xi32>], vector<16xf32>,
      %add3A_2200 = arith.addf %gather3A_2139, %gather3A_2143 : vector<16xf32>
      %add3A_2201 = arith.addf %gather3A_2147, %gather3A_2151 : vector<16xf32>
      %add3A_2202 = arith.addf %gather3A_2155, %gather3A_2159 : vector<16xf32>
      %add3A_2203 = arith.addf %gather3A_2163, %gather3A_2167 : vector<16xf32>
      %add3A_2204 = arith.addf %gather3A_2171, %gather3A_2175 : vector<16xf32>
      %add3A_2205 = arith.addf %gather3A_2179, %gather3A_2183 : vector<16xf32>
      %add3A_2206 = arith.addf %gather3A_2187, %gather3A_2191 : vector<16xf32>
      %add3A_2207 = arith.addf %gather3A_2195, %gather3A_2199 : vector<16xf32>
      %add3A_2208 = arith.addf %add3A_2200, %add3A_2201 : vector<16xf32>
      %add3A_2209 = arith.addf %add3A_2202, %add3A_2203 : vector<16xf32>
      %add3A_2210 = arith.addf %add3A_2204, %add3A_2205 : vector<16xf32>
      %add3A_2211 = arith.addf %add3A_2206, %add3A_2207 : vector<16xf32>
      %add3A_2212 = arith.addf %add3A_2208, %add3A_2209 : vector<16xf32>
      %add3A_2213 = arith.addf %add3A_2210, %add3A_2211 : vector<16xf32>
      %add3A_2214 = arith.addf %add3A_2212, %add3A_2213 : vector<16xf32>
      %add3A_2215 = arith.addf %add3A_2214, %get3A_20 : vector<16xf32>
      %neg3A_2216 = arith.constant 0.000000e+00 : f32
      %neg3A_2217 = vector.broadcast %neg3A_2216 : f32 to vector<16xf32>
      %neg3A_2218 = arith.subf %neg3A_2217, %add3A_2215 : vector<16xf32>
      %exp3A_2219 = math.exp %neg3A_2218 : vector<16xf32>
      %add3A_2220 = arith.constant 1.000000e+00 : f32
      %add3A_2221 = vector.broadcast %add3A_2220 : f32 to vector<16xf32>
      %add3A_2222 = arith.addf %add3A_2221, %exp3A_2219 : vector<16xf32>
      %div3A_2223 = arith.constant 1.000000e+00 : f32
      %div3A_2224 = vector.broadcast %div3A_2223 : f32 to vector<16xf32>
      %div3A_2225 = arith.divf %div3A_2224, %add3A_2222 : vector<16xf32>
      %swap3A_2226 = arith.constant 64 : index
      %swap3A_2227 = tpu.vector_load %arg15[%swap3A_2226] {strides = array<i32>} : memref<256xf32, #tpu.memory_space<vmem>>, vector<16xf32>,
      tpu.vector_store %arg15[%swap3A_2226], %div3A_2225 {strides = array<i32>} : memref<256xf32, #tpu.memory_space<vmem>>, vector<16xf32>,
      %add3A_2228 = arith.constant 80 : i32
      %add3A_2229 = vector.broadcast %add3A_2228 : i32 to vector<16xi32>
      %add3A_2230 = arith.addi %add3A_2229, %iota3A : vector<16xi32>
      %mul3A_2231 = arith.constant 16 : i32
      %mul3A_2232 = vector.broadcast %mul3A_2231 : i32 to vector<16xi32>
      %mul3A_2233 = arith.muli %add3A_2230, %mul3A_2232 : vector<16xi32>
      %add3A_2234 = arith.constant 0 : i32
      %add3A_2235 = vector.broadcast %add3A_2234 : i32 to vector<16xi32>
      %add3A_2236 = arith.addi %mul3A_2233, %add3A_2235 : vector<16xi32>
      %gather3A_2237 = tpu.vector_load_idx %arg16[%add3A_2236] : memref<4096xf32, #tpu.memory_space<vmem>>[vector<16xi32>], vector<16xf32>,
      %add3A_2238 = arith.constant 1 : i32
      %add3A_2239 = vector.broadcast %add3A_2238 : i32 to vector<16xi32>
      %add3A_2240 = arith.addi %mul3A_2233, %add3A_2239 : vector<16xi32>
      %gather3A_2241 = tpu.vector_load_idx %arg16[%add3A_2240] : memref<4096xf32, #tpu.memory_space<vmem>>[vector<16xi32>], vector<16xf32>,
      %add3A_2242 = arith.constant 2 : i32
      %add3A_2243 = vector.broadcast %add3A_2242 : i32 to vector<16xi32>
      %add3A_2244 = arith.addi %mul3A_2233, %add3A_2243 : vector<16xi32>
      %gather3A_2245 = tpu.vector_load_idx %arg16[%add3A_2244] : memref<4096xf32, #tpu.memory_space<vmem>>[vector<16xi32>], vector<16xf32>,
      %add3A_2246 = arith.constant 3 : i32
      %add3A_2247 = vector.broadcast %add3A_2246 : i32 to vector<16xi32>
      %add3A_2248 = arith.addi %mul3A_2233, %add3A_2247 : vector<16xi32>
      %gather3A_2249 = tpu.vector_load_idx %arg16[%add3A_2248] : memref<4096xf32, #tpu.memory_space<vmem>>[vector<16xi32>], vector<16xf32>,
      %add3A_2250 = arith.constant 4 : i32
      %add3A_2251 = vector.broadcast %add3A_2250 : i32 to vector<16xi32>
      %add3A_2252 = arith.addi %mul3A_2233, %add3A_2251 : vector<16xi32>
      %gather3A_2253 = tpu.vector_load_idx %arg16[%add3A_2252] : memref<4096xf32, #tpu.memory_space<vmem>>[vector<16xi32>], vector<16xf32>,
      %add3A_2254 = arith.constant 5 : i32
      %add3A_2255 = vector.broadcast %add3A_2254 : i32 to vector<16xi32>
      %add3A_2256 = arith.addi %mul3A_2233, %add3A_2255 : vector<16xi32>
      %gather3A_2257 = tpu.vector_load_idx %arg16[%add3A_2256] : memref<4096xf32, #tpu.memory_space<vmem>>[vector<16xi32>], vector<16xf32>,
      %add3A_2258 = arith.constant 6 : i32
      %add3A_2259 = vector.broadcast %add3A_2258 : i32 to vector<16xi32>
      %add3A_2260 = arith.addi %mul3A_2233, %add3A_2259 : vector<16xi32>
      %gather3A_2261 = tpu.vector_load_idx %arg16[%add3A_2260] : memref<4096xf32, #tpu.memory_space<vmem>>[vector<16xi32>], vector<16xf32>,
      %add3A_2262 = arith.constant 7 : i32
      %add3A_2263 = vector.broadcast %add3A_2262 : i32 to vector<16xi32>
      %add3A_2264 = arith.addi %mul3A_2233, %add3A_2263 : vector<16xi32>
      %gather3A_2265 = tpu.vector_load_idx %arg16[%add3A_2264] : memref<4096xf32, #tpu.memory_space<vmem>>[vector<16xi32>], vector<16xf32>,
      %add3A_2266 = arith.constant 8 : i32
      %add3A_2267 = vector.broadcast %add3A_2266 : i32 to vector<16xi32>
      %add3A_2268 = arith.addi %mul3A_2233, %add3A_2267 : vector<16xi32>
      %gather3A_2269 = tpu.vector_load_idx %arg16[%add3A_2268] : memref<4096xf32, #tpu.memory_space<vmem>>[vector<16xi32>], vector<16xf32>,
      %add3A_2270 = arith.constant 9 : i32
      %add3A_2271 = vector.broadcast %add3A_2270 : i32 to vector<16xi32>
      %add3A_2272 = arith.addi %mul3A_2233, %add3A_2271 : vector<16xi32>
      %gather3A_2273 = tpu.vector_load_idx %arg16[%add3A_2272] : memref<4096xf32, #tpu.memory_space<vmem>>[vector<16xi32>], vector<16xf32>,
      %add3A_2274 = arith.constant 10 : i32
      %add3A_2275 = vector.broadcast %add3A_2274 : i32 to vector<16xi32>
      %add3A_2276 = arith.addi %mul3A_2233, %add3A_2275 : vector<16xi32>
      %gather3A_2277 = tpu.vector_load_idx %arg16[%add3A_2276] : memref<4096xf32, #tpu.memory_space<vmem>>[vector<16xi32>], vector<16xf32>,
      %add3A_2278 = arith.constant 11 : i32
      %add3A_2279 = vector.broadcast %add3A_2278 : i32 to vector<16xi32>
      %add3A_2280 = arith.addi %mul3A_2233, %add3A_2279 : vector<16xi32>
      %gather3A_2281 = tpu.vector_load_idx %arg16[%add3A_2280] : memref<4096xf32, #tpu.memory_space<vmem>>[vector<16xi32>], vector<16xf32>,
      %add3A_2282 = arith.constant 12 : i32
      %add3A_2283 = vector.broadcast %add3A_2282 : i32 to vector<16xi32>
      %add3A_2284 = arith.addi %mul3A_2233, %add3A_2283 : vector<16xi32>
      %gather3A_2285 = tpu.vector_load_idx %arg16[%add3A_2284] : memref<4096xf32, #tpu.memory_space<vmem>>[vector<16xi32>], vector<16xf32>,
      %add3A_2286 = arith.constant 13 : i32
      %add3A_2287 = vector.broadcast %add3A_2286 : i32 to vector<16xi32>
      %add3A_2288 = arith.addi %mul3A_2233, %add3A_2287 : vector<16xi32>
      %gather3A_2289 = tpu.vector_load_idx %arg16[%add3A_2288] : memref<4096xf32, #tpu.memory_space<vmem>>[vector<16xi32>], vector<16xf32>,
      %add3A_2290 = arith.constant 14 : i32
      %add3A_2291 = vector.broadcast %add3A_2290 : i32 to vector<16xi32>
      %add3A_2292 = arith.addi %mul3A_2233, %add3A_2291 : vector<16xi32>
      %gather3A_2293 = tpu.vector_load_idx %arg16[%add3A_2292] : memref<4096xf32, #tpu.memory_space<vmem>>[vector<16xi32>], vector<16xf32>,
      %add3A_2294 = arith.constant 15 : i32
      %add3A_2295 = vector.broadcast %add3A_2294 : i32 to vector<16xi32>
      %add3A_2296 = arith.addi %mul3A_2233, %add3A_2295 : vector<16xi32>
      %gather3A_2297 = tpu.vector_load_idx %arg16[%add3A_2296] : memref<4096xf32, #tpu.memory_space<vmem>>[vector<16xi32>], vector<16xf32>,
      %add3A_2298 = arith.addf %gather3A_2237, %gather3A_2241 : vector<16xf32>
      %add3A_2299 = arith.addf %gather3A_2245, %gather3A_2249 : vector<16xf32>
      %add3A_2300 = arith.addf %gather3A_2253, %gather3A_2257 : vector<16xf32>
      %add3A_2301 = arith.addf %gather3A_2261, %gather3A_2265 : vector<16xf32>
      %add3A_2302 = arith.addf %gather3A_2269, %gather3A_2273 : vector<16xf32>
      %add3A_2303 = arith.addf %gather3A_2277, %gather3A_2281 : vector<16xf32>
      %add3A_2304 = arith.addf %gather3A_2285, %gather3A_2289 : vector<16xf32>
      %add3A_2305 = arith.addf %gather3A_2293, %gather3A_2297 : vector<16xf32>
      %add3A_2306 = arith.addf %add3A_2298, %add3A_2299 : vector<16xf32>
      %add3A_2307 = arith.addf %add3A_2300, %add3A_2301 : vector<16xf32>
      %add3A_2308 = arith.addf %add3A_2302, %add3A_2303 : vector<16xf32>
      %add3A_2309 = arith.addf %add3A_2304, %add3A_2305 : vector<16xf32>
      %add3A_2310 = arith.addf %add3A_2306, %add3A_2307 : vector<16xf32>
      %add3A_2311 = arith.addf %add3A_2308, %add3A_2309 : vector<16xf32>
      %add3A_2312 = arith.addf %add3A_2310, %add3A_2311 : vector<16xf32>
      %add3A_2313 = arith.addf %add3A_2312, %get3A_20 : vector<16xf32>
      %neg3A_2314 = arith.constant 0.000000e+00 : f32
      %neg3A_2315 = vector.broadcast %neg3A_2314 : f32 to vector<16xf32>
      %neg3A_2316 = arith.subf %neg3A_2315, %add3A_2313 : vector<16xf32>
      %exp3A_2317 = math.exp %neg3A_2316 : vector<16xf32>
      %add3A_2318 = arith.constant 1.000000e+00 : f32
      %add3A_2319 = vector.broadcast %add3A_2318 : f32 to vector<16xf32>
      %add3A_2320 = arith.addf %add3A_2319, %exp3A_2317 : vector<16xf32>
      %div3A_2321 = arith.constant 1.000000e+00 : f32
      %div3A_2322 = vector.broadcast %div3A_2321 : f32 to vector<16xf32>
      %div3A_2323 = arith.divf %div3A_2322, %add3A_2320 : vector<16xf32>
      %swap3A_2324 = arith.constant 80 : index
      %swap3A_2325 = tpu.vector_load %arg15[%swap3A_2324] {strides = array<i32>} : memref<256xf32, #tpu.memory_space<vmem>>, vector<16xf32>,
      tpu.vector_store %arg15[%swap3A_2324], %div3A_2323 {strides = array<i32>} : memref<256xf32, #tpu.memory_space<vmem>>, vector<16xf32>,
      %add3A_2326 = arith.constant 96 : i32
      %add3A_2327 = vector.broadcast %add3A_2326 : i32 to vector<16xi32>
      %add3A_2328 = arith.addi %add3A_2327, %iota3A : vector<16xi32>
      %mul3A_2329 = arith.constant 16 : i32
      %mul3A_2330 = vector.broadcast %mul3A_2329 : i32 to vector<16xi32>
      %mul3A_2331 = arith.muli %add3A_2328, %mul3A_2330 : vector<16xi32>
      %add3A_2332 = arith.constant 0 : i32
      %add3A_2333 = vector.broadcast %add3A_2332 : i32 to vector<16xi32>
      %add3A_2334 = arith.addi %mul3A_2331, %add3A_2333 : vector<16xi32>
      %gather3A_2335 = tpu.vector_load_idx %arg16[%add3A_2334] : memref<4096xf32, #tpu.memory_space<vmem>>[vector<16xi32>], vector<16xf32>,
      %add3A_2336 = arith.constant 1 : i32
      %add3A_2337 = vector.broadcast %add3A_2336 : i32 to vector<16xi32>
      %add3A_2338 = arith.addi %mul3A_2331, %add3A_2337 : vector<16xi32>
      %gather3A_2339 = tpu.vector_load_idx %arg16[%add3A_2338] : memref<4096xf32, #tpu.memory_space<vmem>>[vector<16xi32>], vector<16xf32>,
      %add3A_2340 = arith.constant 2 : i32
      %add3A_2341 = vector.broadcast %add3A_2340 : i32 to vector<16xi32>
      %add3A_2342 = arith.addi %mul3A_2331, %add3A_2341 : vector<16xi32>
      %gather3A_2343 = tpu.vector_load_idx %arg16[%add3A_2342] : memref<4096xf32, #tpu.memory_space<vmem>>[vector<16xi32>], vector<16xf32>,
      %add3A_2344 = arith.constant 3 : i32
      %add3A_2345 = vector.broadcast %add3A_2344 : i32 to vector<16xi32>
      %add3A_2346 = arith.addi %mul3A_2331, %add3A_2345 : vector<16xi32>
      %gather3A_2347 = tpu.vector_load_idx %arg16[%add3A_2346] : memref<4096xf32, #tpu.memory_space<vmem>>[vector<16xi32>], vector<16xf32>,
      %add3A_2348 = arith.constant 4 : i32
      %add3A_2349 = vector.broadcast %add3A_2348 : i32 to vector<16xi32>
      %add3A_2350 = arith.addi %mul3A_2331, %add3A_2349 : vector<16xi32>
      %gather3A_2351 = tpu.vector_load_idx %arg16[%add3A_2350] : memref<4096xf32, #tpu.memory_space<vmem>>[vector<16xi32>], vector<16xf32>,
      %add3A_2352 = arith.constant 5 : i32
      %add3A_2353 = vector.broadcast %add3A_2352 : i32 to vector<16xi32>
      %add3A_2354 = arith.addi %mul3A_2331, %add3A_2353 : vector<16xi32>
      %gather3A_2355 = tpu.vector_load_idx %arg16[%add3A_2354] : memref<4096xf32, #tpu.memory_space<vmem>>[vector<16xi32>], vector<16xf32>,
      %add3A_2356 = arith.constant 6 : i32
      %add3A_2357 = vector.broadcast %add3A_2356 : i32 to vector<16xi32>
      %add3A_2358 = arith.addi %mul3A_2331, %add3A_2357 : vector<16xi32>
      %gather3A_2359 = tpu.vector_load_idx %arg16[%add3A_2358] : memref<4096xf32, #tpu.memory_space<vmem>>[vector<16xi32>], vector<16xf32>,
      %add3A_2360 = arith.constant 7 : i32
      %add3A_2361 = vector.broadcast %add3A_2360 : i32 to vector<16xi32>
      %add3A_2362 = arith.addi %mul3A_2331, %add3A_2361 : vector<16xi32>
      %gather3A_2363 = tpu.vector_load_idx %arg16[%add3A_2362] : memref<4096xf32, #tpu.memory_space<vmem>>[vector<16xi32>], vector<16xf32>,
      %add3A_2364 = arith.constant 8 : i32
      %add3A_2365 = vector.broadcast %add3A_2364 : i32 to vector<16xi32>
      %add3A_2366 = arith.addi %mul3A_2331, %add3A_2365 : vector<16xi32>
      %gather3A_2367 = tpu.vector_load_idx %arg16[%add3A_2366] : memref<4096xf32, #tpu.memory_space<vmem>>[vector<16xi32>], vector<16xf32>,
      %add3A_2368 = arith.constant 9 : i32
      %add3A_2369 = vector.broadcast %add3A_2368 : i32 to vector<16xi32>
      %add3A_2370 = arith.addi %mul3A_2331, %add3A_2369 : vector<16xi32>
      %gather3A_2371 = tpu.vector_load_idx %arg16[%add3A_2370] : memref<4096xf32, #tpu.memory_space<vmem>>[vector<16xi32>], vector<16xf32>,
      %add3A_2372 = arith.constant 10 : i32
      %add3A_2373 = vector.broadcast %add3A_2372 : i32 to vector<16xi32>
      %add3A_2374 = arith.addi %mul3A_2331, %add3A_2373 : vector<16xi32>
      %gather3A_2375 = tpu.vector_load_idx %arg16[%add3A_2374] : memref<4096xf32, #tpu.memory_space<vmem>>[vector<16xi32>], vector<16xf32>,
      %add3A_2376 = arith.constant 11 : i32
      %add3A_2377 = vector.broadcast %add3A_2376 : i32 to vector<16xi32>
      %add3A_2378 = arith.addi %mul3A_2331, %add3A_2377 : vector<16xi32>
      %gather3A_2379 = tpu.vector_load_idx %arg16[%add3A_2378] : memref<4096xf32, #tpu.memory_space<vmem>>[vector<16xi32>], vector<16xf32>,
      %add3A_2380 = arith.constant 12 : i32
      %add3A_2381 = vector.broadcast %add3A_2380 : i32 to vector<16xi32>
      %add3A_2382 = arith.addi %mul3A_2331, %add3A_2381 : vector<16xi32>
      %gather3A_2383 = tpu.vector_load_idx %arg16[%add3A_2382] : memref<4096xf32, #tpu.memory_space<vmem>>[vector<16xi32>], vector<16xf32>,
      %add3A_2384 = arith.constant 13 : i32
      %add3A_2385 = vector.broadcast %add3A_2384 : i32 to vector<16xi32>
      %add3A_2386 = arith.addi %mul3A_2331, %add3A_2385 : vector<16xi32>
      %gather3A_2387 = tpu.vector_load_idx %arg16[%add3A_2386] : memref<4096xf32, #tpu.memory_space<vmem>>[vector<16xi32>], vector<16xf32>,
      %add3A_2388 = arith.constant 14 : i32
      %add3A_2389 = vector.broadcast %add3A_2388 : i32 to vector<16xi32>
      %add3A_2390 = arith.addi %mul3A_2331, %add3A_2389 : vector<16xi32>
      %gather3A_2391 = tpu.vector_load_idx %arg16[%add3A_2390] : memref<4096xf32, #tpu.memory_space<vmem>>[vector<16xi32>], vector<16xf32>,
      %add3A_2392 = arith.constant 15 : i32
      %add3A_2393 = vector.broadcast %add3A_2392 : i32 to vector<16xi32>
      %add3A_2394 = arith.addi %mul3A_2331, %add3A_2393 : vector<16xi32>
      %gather3A_2395 = tpu.vector_load_idx %arg16[%add3A_2394] : memref<4096xf32, #tpu.memory_space<vmem>>[vector<16xi32>], vector<16xf32>,
      %add3A_2396 = arith.addf %gather3A_2335, %gather3A_2339 : vector<16xf32>
      %add3A_2397 = arith.addf %gather3A_2343, %gather3A_2347 : vector<16xf32>
      %add3A_2398 = arith.addf %gather3A_2351, %gather3A_2355 : vector<16xf32>
      %add3A_2399 = arith.addf %gather3A_2359, %gather3A_2363 : vector<16xf32>
      %add3A_2400 = arith.addf %gather3A_2367, %gather3A_2371 : vector<16xf32>
      %add3A_2401 = arith.addf %gather3A_2375, %gather3A_2379 : vector<16xf32>
      %add3A_2402 = arith.addf %gather3A_2383, %gather3A_2387 : vector<16xf32>
      %add3A_2403 = arith.addf %gather3A_2391, %gather3A_2395 : vector<16xf32>
      %add3A_2404 = arith.addf %add3A_2396, %add3A_2397 : vector<16xf32>
      %add3A_2405 = arith.addf %add3A_2398, %add3A_2399 : vector<16xf32>
      %add3A_2406 = arith.addf %add3A_2400, %add3A_2401 : vector<16xf32>
      %add3A_2407 = arith.addf %add3A_2402, %add3A_2403 : vector<16xf32>
      %add3A_2408 = arith.addf %add3A_2404, %add3A_2405 : vector<16xf32>
      %add3A_2409 = arith.addf %add3A_2406, %add3A_2407 : vector<16xf32>
      %add3A_2410 = arith.addf %add3A_2408, %add3A_2409 : vector<16xf32>
      %add3A_2411 = arith.addf %add3A_2410, %get3A_20 : vector<16xf32>
      %neg3A_2412 = arith.constant 0.000000e+00 : f32
      %neg3A_2413 = vector.broadcast %neg3A_2412 : f32 to vector<16xf32>
      %neg3A_2414 = arith.subf %neg3A_2413, %add3A_2411 : vector<16xf32>
      %exp3A_2415 = math.exp %neg3A_2414 : vector<16xf32>
      %add3A_2416 = arith.constant 1.000000e+00 : f32
      %add3A_2417 = vector.broadcast %add3A_2416 : f32 to vector<16xf32>
      %add3A_2418 = arith.addf %add3A_2417, %exp3A_2415 : vector<16xf32>
      %div3A_2419 = arith.constant 1.000000e+00 : f32
      %div3A_2420 = vector.broadcast %div3A_2419 : f32 to vector<16xf32>
      %div3A_2421 = arith.divf %div3A_2420, %add3A_2418 : vector<16xf32>
      %swap3A_2422 = arith.constant 96 : index
      %swap3A_2423 = tpu.vector_load %arg15[%swap3A_2422] {strides = array<i32>} : memref<256xf32, #tpu.memory_space<vmem>>, vector<16xf32>,
      tpu.vector_store %arg15[%swap3A_2422], %div3A_2421 {strides = array<i32>} : memref<256xf32, #tpu.memory_space<vmem>>, vector<16xf32>,
      %add3A_2424 = arith.constant 112 : i32
      %add3A_2425 = vector.broadcast %add3A_2424 : i32 to vector<16xi32>
      %add3A_2426 = arith.addi %add3A_2425, %iota3A : vector<16xi32>
      %mul3A_2427 = arith.constant 16 : i32
      %mul3A_2428 = vector.broadcast %mul3A_2427 : i32 to vector<16xi32>
      %mul3A_2429 = arith.muli %add3A_2426, %mul3A_2428 : vector<16xi32>
      %add3A_2430 = arith.constant 0 : i32
      %add3A_2431 = vector.broadcast %add3A_2430 : i32 to vector<16xi32>
      %add3A_2432 = arith.addi %mul3A_2429, %add3A_2431 : vector<16xi32>
      %gather3A_2433 = tpu.vector_load_idx %arg16[%add3A_2432] : memref<4096xf32, #tpu.memory_space<vmem>>[vector<16xi32>], vector<16xf32>,
      %add3A_2434 = arith.constant 1 : i32
      %add3A_2435 = vector.broadcast %add3A_2434 : i32 to vector<16xi32>
      %add3A_2436 = arith.addi %mul3A_2429, %add3A_2435 : vector<16xi32>
      %gather3A_2437 = tpu.vector_load_idx %arg16[%add3A_2436] : memref<4096xf32, #tpu.memory_space<vmem>>[vector<16xi32>], vector<16xf32>,
      %add3A_2438 = arith.constant 2 : i32
      %add3A_2439 = vector.broadcast %add3A_2438 : i32 to vector<16xi32>
      %add3A_2440 = arith.addi %mul3A_2429, %add3A_2439 : vector<16xi32>
      %gather3A_2441 = tpu.vector_load_idx %arg16[%add3A_2440] : memref<4096xf32, #tpu.memory_space<vmem>>[vector<16xi32>], vector<16xf32>,
      %add3A_2442 = arith.constant 3 : i32
      %add3A_2443 = vector.broadcast %add3A_2442 : i32 to vector<16xi32>
      %add3A_2444 = arith.addi %mul3A_2429, %add3A_2443 : vector<16xi32>
      %gather3A_2445 = tpu.vector_load_idx %arg16[%add3A_2444] : memref<4096xf32, #tpu.memory_space<vmem>>[vector<16xi32>], vector<16xf32>,
      %add3A_2446 = arith.constant 4 : i32
      %add3A_2447 = vector.broadcast %add3A_2446 : i32 to vector<16xi32>
      %add3A_2448 = arith.addi %mul3A_2429, %add3A_2447 : vector<16xi32>
      %gather3A_2449 = tpu.vector_load_idx %arg16[%add3A_2448] : memref<4096xf32, #tpu.memory_space<vmem>>[vector<16xi32>], vector<16xf32>,
      %add3A_2450 = arith.constant 5 : i32
      %add3A_2451 = vector.broadcast %add3A_2450 : i32 to vector<16xi32>
      %add3A_2452 = arith.addi %mul3A_2429, %add3A_2451 : vector<16xi32>
      %gather3A_2453 = tpu.vector_load_idx %arg16[%add3A_2452] : memref<4096xf32, #tpu.memory_space<vmem>>[vector<16xi32>], vector<16xf32>,
      %add3A_2454 = arith.constant 6 : i32
      %add3A_2455 = vector.broadcast %add3A_2454 : i32 to vector<16xi32>
      %add3A_2456 = arith.addi %mul3A_2429, %add3A_2455 : vector<16xi32>
      %gather3A_2457 = tpu.vector_load_idx %arg16[%add3A_2456] : memref<4096xf32, #tpu.memory_space<vmem>>[vector<16xi32>], vector<16xf32>,
      %add3A_2458 = arith.constant 7 : i32
      %add3A_2459 = vector.broadcast %add3A_2458 : i32 to vector<16xi32>
      %add3A_2460 = arith.addi %mul3A_2429, %add3A_2459 : vector<16xi32>
      %gather3A_2461 = tpu.vector_load_idx %arg16[%add3A_2460] : memref<4096xf32, #tpu.memory_space<vmem>>[vector<16xi32>], vector<16xf32>,
      %add3A_2462 = arith.constant 8 : i32
      %add3A_2463 = vector.broadcast %add3A_2462 : i32 to vector<16xi32>
      %add3A_2464 = arith.addi %mul3A_2429, %add3A_2463 : vector<16xi32>
      %gather3A_2465 = tpu.vector_load_idx %arg16[%add3A_2464] : memref<4096xf32, #tpu.memory_space<vmem>>[vector<16xi32>], vector<16xf32>,
      %add3A_2466 = arith.constant 9 : i32
      %add3A_2467 = vector.broadcast %add3A_2466 : i32 to vector<16xi32>
      %add3A_2468 = arith.addi %mul3A_2429, %add3A_2467 : vector<16xi32>
      %gather3A_2469 = tpu.vector_load_idx %arg16[%add3A_2468] : memref<4096xf32, #tpu.memory_space<vmem>>[vector<16xi32>], vector<16xf32>,
      %add3A_2470 = arith.constant 10 : i32
      %add3A_2471 = vector.broadcast %add3A_2470 : i32 to vector<16xi32>
      %add3A_2472 = arith.addi %mul3A_2429, %add3A_2471 : vector<16xi32>
      %gather3A_2473 = tpu.vector_load_idx %arg16[%add3A_2472] : memref<4096xf32, #tpu.memory_space<vmem>>[vector<16xi32>], vector<16xf32>,
      %add3A_2474 = arith.constant 11 : i32
      %add3A_2475 = vector.broadcast %add3A_2474 : i32 to vector<16xi32>
      %add3A_2476 = arith.addi %mul3A_2429, %add3A_2475 : vector<16xi32>
      %gather3A_2477 = tpu.vector_load_idx %arg16[%add3A_2476] : memref<4096xf32, #tpu.memory_space<vmem>>[vector<16xi32>], vector<16xf32>,
      %add3A_2478 = arith.constant 12 : i32
      %add3A_2479 = vector.broadcast %add3A_2478 : i32 to vector<16xi32>
      %add3A_2480 = arith.addi %mul3A_2429, %add3A_2479 : vector<16xi32>
      %gather3A_2481 = tpu.vector_load_idx %arg16[%add3A_2480] : memref<4096xf32, #tpu.memory_space<vmem>>[vector<16xi32>], vector<16xf32>,
      %add3A_2482 = arith.constant 13 : i32
      %add3A_2483 = vector.broadcast %add3A_2482 : i32 to vector<16xi32>
      %add3A_2484 = arith.addi %mul3A_2429, %add3A_2483 : vector<16xi32>
      %gather3A_2485 = tpu.vector_load_idx %arg16[%add3A_2484] : memref<4096xf32, #tpu.memory_space<vmem>>[vector<16xi32>], vector<16xf32>,
      %add3A_2486 = arith.constant 14 : i32
      %add3A_2487 = vector.broadcast %add3A_2486 : i32 to vector<16xi32>
      %add3A_2488 = arith.addi %mul3A_2429, %add3A_2487 : vector<16xi32>
      %gather3A_2489 = tpu.vector_load_idx %arg16[%add3A_2488] : memref<4096xf32, #tpu.memory_space<vmem>>[vector<16xi32>], vector<16xf32>,
      %add3A_2490 = arith.constant 15 : i32
      %add3A_2491 = vector.broadcast %add3A_2490 : i32 to vector<16xi32>
      %add3A_2492 = arith.addi %mul3A_2429, %add3A_2491 : vector<16xi32>
      %gather3A_2493 = tpu.vector_load_idx %arg16[%add3A_2492] : memref<4096xf32, #tpu.memory_space<vmem>>[vector<16xi32>], vector<16xf32>,
      %add3A_2494 = arith.addf %gather3A_2433, %gather3A_2437 : vector<16xf32>
      %add3A_2495 = arith.addf %gather3A_2441, %gather3A_2445 : vector<16xf32>
      %add3A_2496 = arith.addf %gather3A_2449, %gather3A_2453 : vector<16xf32>
      %add3A_2497 = arith.addf %gather3A_2457, %gather3A_2461 : vector<16xf32>
      %add3A_2498 = arith.addf %gather3A_2465, %gather3A_2469 : vector<16xf32>
      %add3A_2499 = arith.addf %gather3A_2473, %gather3A_2477 : vector<16xf32>
      %add3A_2500 = arith.addf %gather3A_2481, %gather3A_2485 : vector<16xf32>
      %add3A_2501 = arith.addf %gather3A_2489, %gather3A_2493 : vector<16xf32>
      %add3A_2502 = arith.addf %add3A_2494, %add3A_2495 : vector<16xf32>
      %add3A_2503 = arith.addf %add3A_2496, %add3A_2497 : vector<16xf32>
      %add3A_2504 = arith.addf %add3A_2498, %add3A_2499 : vector<16xf32>
      %add3A_2505 = arith.addf %add3A_2500, %add3A_2501 : vector<16xf32>
      %add3A_2506 = arith.addf %add3A_2502, %add3A_2503 : vector<16xf32>
      %add3A_2507 = arith.addf %add3A_2504, %add3A_2505 : vector<16xf32>
      %add3A_2508 = arith.addf %add3A_2506, %add3A_2507 : vector<16xf32>
      %add3A_2509 = arith.addf %add3A_2508, %get3A_20 : vector<16xf32>
      %neg3A_2510 = arith.constant 0.000000e+00 : f32
      %neg3A_2511 = vector.broadcast %neg3A_2510 : f32 to vector<16xf32>
      %neg3A_2512 = arith.subf %neg3A_2511, %add3A_2509 : vector<16xf32>
      %exp3A_2513 = math.exp %neg3A_2512 : vector<16xf32>
      %add3A_2514 = arith.constant 1.000000e+00 : f32
      %add3A_2515 = vector.broadcast %add3A_2514 : f32 to vector<16xf32>
      %add3A_2516 = arith.addf %add3A_2515, %exp3A_2513 : vector<16xf32>
      %div3A_2517 = arith.constant 1.000000e+00 : f32
      %div3A_2518 = vector.broadcast %div3A_2517 : f32 to vector<16xf32>
      %div3A_2519 = arith.divf %div3A_2518, %add3A_2516 : vector<16xf32>
      %swap3A_2520 = arith.constant 112 : index
      %swap3A_2521 = tpu.vector_load %arg15[%swap3A_2520] {strides = array<i32>} : memref<256xf32, #tpu.memory_space<vmem>>, vector<16xf32>,
      tpu.vector_store %arg15[%swap3A_2520], %div3A_2519 {strides = array<i32>} : memref<256xf32, #tpu.memory_space<vmem>>, vector<16xf32>,
      %add3A_2522 = arith.constant 128 : i32
      %add3A_2523 = vector.broadcast %add3A_2522 : i32 to vector<16xi32>
      %add3A_2524 = arith.addi %add3A_2523, %iota3A : vector<16xi32>
      %mul3A_2525 = arith.constant 16 : i32
      %mul3A_2526 = vector.broadcast %mul3A_2525 : i32 to vector<16xi32>
      %mul3A_2527 = arith.muli %add3A_2524, %mul3A_2526 : vector<16xi32>
      %add3A_2528 = arith.constant 0 : i32
      %add3A_2529 = vector.broadcast %add3A_2528 : i32 to vector<16xi32>
      %add3A_2530 = arith.addi %mul3A_2527, %add3A_2529 : vector<16xi32>
      %gather3A_2531 = tpu.vector_load_idx %arg16[%add3A_2530] : memref<4096xf32, #tpu.memory_space<vmem>>[vector<16xi32>], vector<16xf32>,
      %add3A_2532 = arith.constant 1 : i32
      %add3A_2533 = vector.broadcast %add3A_2532 : i32 to vector<16xi32>
      %add3A_2534 = arith.addi %mul3A_2527, %add3A_2533 : vector<16xi32>
      %gather3A_2535 = tpu.vector_load_idx %arg16[%add3A_2534] : memref<4096xf32, #tpu.memory_space<vmem>>[vector<16xi32>], vector<16xf32>,
      %add3A_2536 = arith.constant 2 : i32
      %add3A_2537 = vector.broadcast %add3A_2536 : i32 to vector<16xi32>
      %add3A_2538 = arith.addi %mul3A_2527, %add3A_2537 : vector<16xi32>
      %gather3A_2539 = tpu.vector_load_idx %arg16[%add3A_2538] : memref<4096xf32, #tpu.memory_space<vmem>>[vector<16xi32>], vector<16xf32>,
      %add3A_2540 = arith.constant 3 : i32
      %add3A_2541 = vector.broadcast %add3A_2540 : i32 to vector<16xi32>
      %add3A_2542 = arith.addi %mul3A_2527, %add3A_2541 : vector<16xi32>
      %gather3A_2543 = tpu.vector_load_idx %arg16[%add3A_2542] : memref<4096xf32, #tpu.memory_space<vmem>>[vector<16xi32>], vector<16xf32>,
      %add3A_2544 = arith.constant 4 : i32
      %add3A_2545 = vector.broadcast %add3A_2544 : i32 to vector<16xi32>
      %add3A_2546 = arith.addi %mul3A_2527, %add3A_2545 : vector<16xi32>
      %gather3A_2547 = tpu.vector_load_idx %arg16[%add3A_2546] : memref<4096xf32, #tpu.memory_space<vmem>>[vector<16xi32>], vector<16xf32>,
      %add3A_2548 = arith.constant 5 : i32
      %add3A_2549 = vector.broadcast %add3A_2548 : i32 to vector<16xi32>
      %add3A_2550 = arith.addi %mul3A_2527, %add3A_2549 : vector<16xi32>
      %gather3A_2551 = tpu.vector_load_idx %arg16[%add3A_2550] : memref<4096xf32, #tpu.memory_space<vmem>>[vector<16xi32>], vector<16xf32>,
      %add3A_2552 = arith.constant 6 : i32
      %add3A_2553 = vector.broadcast %add3A_2552 : i32 to vector<16xi32>
      %add3A_2554 = arith.addi %mul3A_2527, %add3A_2553 : vector<16xi32>
      %gather3A_2555 = tpu.vector_load_idx %arg16[%add3A_2554] : memref<4096xf32, #tpu.memory_space<vmem>>[vector<16xi32>], vector<16xf32>,
      %add3A_2556 = arith.constant 7 : i32
      %add3A_2557 = vector.broadcast %add3A_2556 : i32 to vector<16xi32>
      %add3A_2558 = arith.addi %mul3A_2527, %add3A_2557 : vector<16xi32>
      %gather3A_2559 = tpu.vector_load_idx %arg16[%add3A_2558] : memref<4096xf32, #tpu.memory_space<vmem>>[vector<16xi32>], vector<16xf32>,
      %add3A_2560 = arith.constant 8 : i32
      %add3A_2561 = vector.broadcast %add3A_2560 : i32 to vector<16xi32>
      %add3A_2562 = arith.addi %mul3A_2527, %add3A_2561 : vector<16xi32>
      %gather3A_2563 = tpu.vector_load_idx %arg16[%add3A_2562] : memref<4096xf32, #tpu.memory_space<vmem>>[vector<16xi32>], vector<16xf32>,
      %add3A_2564 = arith.constant 9 : i32
      %add3A_2565 = vector.broadcast %add3A_2564 : i32 to vector<16xi32>
      %add3A_2566 = arith.addi %mul3A_2527, %add3A_2565 : vector<16xi32>
      %gather3A_2567 = tpu.vector_load_idx %arg16[%add3A_2566] : memref<4096xf32, #tpu.memory_space<vmem>>[vector<16xi32>], vector<16xf32>,
      %add3A_2568 = arith.constant 10 : i32
      %add3A_2569 = vector.broadcast %add3A_2568 : i32 to vector<16xi32>
      %add3A_2570 = arith.addi %mul3A_2527, %add3A_2569 : vector<16xi32>
      %gather3A_2571 = tpu.vector_load_idx %arg16[%add3A_2570] : memref<4096xf32, #tpu.memory_space<vmem>>[vector<16xi32>], vector<16xf32>,
      %add3A_2572 = arith.constant 11 : i32
      %add3A_2573 = vector.broadcast %add3A_2572 : i32 to vector<16xi32>
      %add3A_2574 = arith.addi %mul3A_2527, %add3A_2573 : vector<16xi32>
      %gather3A_2575 = tpu.vector_load_idx %arg16[%add3A_2574] : memref<4096xf32, #tpu.memory_space<vmem>>[vector<16xi32>], vector<16xf32>,
      %add3A_2576 = arith.constant 12 : i32
      %add3A_2577 = vector.broadcast %add3A_2576 : i32 to vector<16xi32>
      %add3A_2578 = arith.addi %mul3A_2527, %add3A_2577 : vector<16xi32>
      %gather3A_2579 = tpu.vector_load_idx %arg16[%add3A_2578] : memref<4096xf32, #tpu.memory_space<vmem>>[vector<16xi32>], vector<16xf32>,
      %add3A_2580 = arith.constant 13 : i32
      %add3A_2581 = vector.broadcast %add3A_2580 : i32 to vector<16xi32>
      %add3A_2582 = arith.addi %mul3A_2527, %add3A_2581 : vector<16xi32>
      %gather3A_2583 = tpu.vector_load_idx %arg16[%add3A_2582] : memref<4096xf32, #tpu.memory_space<vmem>>[vector<16xi32>], vector<16xf32>,
      %add3A_2584 = arith.constant 14 : i32
      %add3A_2585 = vector.broadcast %add3A_2584 : i32 to vector<16xi32>
      %add3A_2586 = arith.addi %mul3A_2527, %add3A_2585 : vector<16xi32>
      %gather3A_2587 = tpu.vector_load_idx %arg16[%add3A_2586] : memref<4096xf32, #tpu.memory_space<vmem>>[vector<16xi32>], vector<16xf32>,
      %add3A_2588 = arith.constant 15 : i32
      %add3A_2589 = vector.broadcast %add3A_2588 : i32 to vector<16xi32>
      %add3A_2590 = arith.addi %mul3A_2527, %add3A_2589 : vector<16xi32>
      %gather3A_2591 = tpu.vector_load_idx %arg16[%add3A_2590] : memref<4096xf32, #tpu.memory_space<vmem>>[vector<16xi32>], vector<16xf32>,
      %add3A_2592 = arith.addf %gather3A_2531, %gather3A_2535 : vector<16xf32>
      %add3A_2593 = arith.addf %gather3A_2539, %gather3A_2543 : vector<16xf32>
      %add3A_2594 = arith.addf %gather3A_2547, %gather3A_2551 : vector<16xf32>
      %add3A_2595 = arith.addf %gather3A_2555, %gather3A_2559 : vector<16xf32>
      %add3A_2596 = arith.addf %gather3A_2563, %gather3A_2567 : vector<16xf32>
      %add3A_2597 = arith.addf %gather3A_2571, %gather3A_2575 : vector<16xf32>
      %add3A_2598 = arith.addf %gather3A_2579, %gather3A_2583 : vector<16xf32>
      %add3A_2599 = arith.addf %gather3A_2587, %gather3A_2591 : vector<16xf32>
      %add3A_2600 = arith.addf %add3A_2592, %add3A_2593 : vector<16xf32>
      %add3A_2601 = arith.addf %add3A_2594, %add3A_2595 : vector<16xf32>
      %add3A_2602 = arith.addf %add3A_2596, %add3A_2597 : vector<16xf32>
      %add3A_2603 = arith.addf %add3A_2598, %add3A_2599 : vector<16xf32>
      %add3A_2604 = arith.addf %add3A_2600, %add3A_2601 : vector<16xf32>
      %add3A_2605 = arith.addf %add3A_2602, %add3A_2603 : vector<16xf32>
      %add3A_2606 = arith.addf %add3A_2604, %add3A_2605 : vector<16xf32>
      %add3A_2607 = arith.addf %add3A_2606, %get3A_20 : vector<16xf32>
      %neg3A_2608 = arith.constant 0.000000e+00 : f32
      %neg3A_2609 = vector.broadcast %neg3A_2608 : f32 to vector<16xf32>
      %neg3A_2610 = arith.subf %neg3A_2609, %add3A_2607 : vector<16xf32>
      %exp3A_2611 = math.exp %neg3A_2610 : vector<16xf32>
      %add3A_2612 = arith.constant 1.000000e+00 : f32
      %add3A_2613 = vector.broadcast %add3A_2612 : f32 to vector<16xf32>
      %add3A_2614 = arith.addf %add3A_2613, %exp3A_2611 : vector<16xf32>
      %div3A_2615 = arith.constant 1.000000e+00 : f32
      %div3A_2616 = vector.broadcast %div3A_2615 : f32 to vector<16xf32>
      %div3A_2617 = arith.divf %div3A_2616, %add3A_2614 : vector<16xf32>
      %swap3A_2618 = arith.constant 128 : index
      %swap3A_2619 = tpu.vector_load %arg15[%swap3A_2618] {strides = array<i32>} : memref<256xf32, #tpu.memory_space<vmem>>, vector<16xf32>,
      tpu.vector_store %arg15[%swap3A_2618], %div3A_2617 {strides = array<i32>} : memref<256xf32, #tpu.memory_space<vmem>>, vector<16xf32>,
      %add3A_2620 = arith.constant 144 : i32
      %add3A_2621 = vector.broadcast %add3A_2620 : i32 to vector<16xi32>
      %add3A_2622 = arith.addi %add3A_2621, %iota3A : vector<16xi32>
      %mul3A_2623 = arith.constant 16 : i32
      %mul3A_2624 = vector.broadcast %mul3A_2623 : i32 to vector<16xi32>
      %mul3A_2625 = arith.muli %add3A_2622, %mul3A_2624 : vector<16xi32>
      %add3A_2626 = arith.constant 0 : i32
      %add3A_2627 = vector.broadcast %add3A_2626 : i32 to vector<16xi32>
      %add3A_2628 = arith.addi %mul3A_2625, %add3A_2627 : vector<16xi32>
      %gather3A_2629 = tpu.vector_load_idx %arg16[%add3A_2628] : memref<4096xf32, #tpu.memory_space<vmem>>[vector<16xi32>], vector<16xf32>,
      %add3A_2630 = arith.constant 1 : i32
      %add3A_2631 = vector.broadcast %add3A_2630 : i32 to vector<16xi32>
      %add3A_2632 = arith.addi %mul3A_2625, %add3A_2631 : vector<16xi32>
      %gather3A_2633 = tpu.vector_load_idx %arg16[%add3A_2632] : memref<4096xf32, #tpu.memory_space<vmem>>[vector<16xi32>], vector<16xf32>,
      %add3A_2634 = arith.constant 2 : i32
      %add3A_2635 = vector.broadcast %add3A_2634 : i32 to vector<16xi32>
      %add3A_2636 = arith.addi %mul3A_2625, %add3A_2635 : vector<16xi32>
      %gather3A_2637 = tpu.vector_load_idx %arg16[%add3A_2636] : memref<4096xf32, #tpu.memory_space<vmem>>[vector<16xi32>], vector<16xf32>,
      %add3A_2638 = arith.constant 3 : i32
      %add3A_2639 = vector.broadcast %add3A_2638 : i32 to vector<16xi32>
      %add3A_2640 = arith.addi %mul3A_2625, %add3A_2639 : vector<16xi32>
      %gather3A_2641 = tpu.vector_load_idx %arg16[%add3A_2640] : memref<4096xf32, #tpu.memory_space<vmem>>[vector<16xi32>], vector<16xf32>,
      %add3A_2642 = arith.constant 4 : i32
      %add3A_2643 = vector.broadcast %add3A_2642 : i32 to vector<16xi32>
      %add3A_2644 = arith.addi %mul3A_2625, %add3A_2643 : vector<16xi32>
      %gather3A_2645 = tpu.vector_load_idx %arg16[%add3A_2644] : memref<4096xf32, #tpu.memory_space<vmem>>[vector<16xi32>], vector<16xf32>,
      %add3A_2646 = arith.constant 5 : i32
      %add3A_2647 = vector.broadcast %add3A_2646 : i32 to vector<16xi32>
      %add3A_2648 = arith.addi %mul3A_2625, %add3A_2647 : vector<16xi32>
      %gather3A_2649 = tpu.vector_load_idx %arg16[%add3A_2648] : memref<4096xf32, #tpu.memory_space<vmem>>[vector<16xi32>], vector<16xf32>,
      %add3A_2650 = arith.constant 6 : i32
      %add3A_2651 = vector.broadcast %add3A_2650 : i32 to vector<16xi32>
      %add3A_2652 = arith.addi %mul3A_2625, %add3A_2651 : vector<16xi32>
      %gather3A_2653 = tpu.vector_load_idx %arg16[%add3A_2652] : memref<4096xf32, #tpu.memory_space<vmem>>[vector<16xi32>], vector<16xf32>,
      %add3A_2654 = arith.constant 7 : i32
      %add3A_2655 = vector.broadcast %add3A_2654 : i32 to vector<16xi32>
      %add3A_2656 = arith.addi %mul3A_2625, %add3A_2655 : vector<16xi32>
      %gather3A_2657 = tpu.vector_load_idx %arg16[%add3A_2656] : memref<4096xf32, #tpu.memory_space<vmem>>[vector<16xi32>], vector<16xf32>,
      %add3A_2658 = arith.constant 8 : i32
      %add3A_2659 = vector.broadcast %add3A_2658 : i32 to vector<16xi32>
      %add3A_2660 = arith.addi %mul3A_2625, %add3A_2659 : vector<16xi32>
      %gather3A_2661 = tpu.vector_load_idx %arg16[%add3A_2660] : memref<4096xf32, #tpu.memory_space<vmem>>[vector<16xi32>], vector<16xf32>,
      %add3A_2662 = arith.constant 9 : i32
      %add3A_2663 = vector.broadcast %add3A_2662 : i32 to vector<16xi32>
      %add3A_2664 = arith.addi %mul3A_2625, %add3A_2663 : vector<16xi32>
      %gather3A_2665 = tpu.vector_load_idx %arg16[%add3A_2664] : memref<4096xf32, #tpu.memory_space<vmem>>[vector<16xi32>], vector<16xf32>,
      %add3A_2666 = arith.constant 10 : i32
      %add3A_2667 = vector.broadcast %add3A_2666 : i32 to vector<16xi32>
      %add3A_2668 = arith.addi %mul3A_2625, %add3A_2667 : vector<16xi32>
      %gather3A_2669 = tpu.vector_load_idx %arg16[%add3A_2668] : memref<4096xf32, #tpu.memory_space<vmem>>[vector<16xi32>], vector<16xf32>,
      %add3A_2670 = arith.constant 11 : i32
      %add3A_2671 = vector.broadcast %add3A_2670 : i32 to vector<16xi32>
      %add3A_2672 = arith.addi %mul3A_2625, %add3A_2671 : vector<16xi32>
      %gather3A_2673 = tpu.vector_load_idx %arg16[%add3A_2672] : memref<4096xf32, #tpu.memory_space<vmem>>[vector<16xi32>], vector<16xf32>,
      %add3A_2674 = arith.constant 12 : i32
      %add3A_2675 = vector.broadcast %add3A_2674 : i32 to vector<16xi32>
      %add3A_2676 = arith.addi %mul3A_2625, %add3A_2675 : vector<16xi32>
      %gather3A_2677 = tpu.vector_load_idx %arg16[%add3A_2676] : memref<4096xf32, #tpu.memory_space<vmem>>[vector<16xi32>], vector<16xf32>,
      %add3A_2678 = arith.constant 13 : i32
      %add3A_2679 = vector.broadcast %add3A_2678 : i32 to vector<16xi32>
      %add3A_2680 = arith.addi %mul3A_2625, %add3A_2679 : vector<16xi32>
      %gather3A_2681 = tpu.vector_load_idx %arg16[%add3A_2680] : memref<4096xf32, #tpu.memory_space<vmem>>[vector<16xi32>], vector<16xf32>,
      %add3A_2682 = arith.constant 14 : i32
      %add3A_2683 = vector.broadcast %add3A_2682 : i32 to vector<16xi32>
      %add3A_2684 = arith.addi %mul3A_2625, %add3A_2683 : vector<16xi32>
      %gather3A_2685 = tpu.vector_load_idx %arg16[%add3A_2684] : memref<4096xf32, #tpu.memory_space<vmem>>[vector<16xi32>], vector<16xf32>,
      %add3A_2686 = arith.constant 15 : i32
      %add3A_2687 = vector.broadcast %add3A_2686 : i32 to vector<16xi32>
      %add3A_2688 = arith.addi %mul3A_2625, %add3A_2687 : vector<16xi32>
      %gather3A_2689 = tpu.vector_load_idx %arg16[%add3A_2688] : memref<4096xf32, #tpu.memory_space<vmem>>[vector<16xi32>], vector<16xf32>,
      %add3A_2690 = arith.addf %gather3A_2629, %gather3A_2633 : vector<16xf32>
      %add3A_2691 = arith.addf %gather3A_2637, %gather3A_2641 : vector<16xf32>
      %add3A_2692 = arith.addf %gather3A_2645, %gather3A_2649 : vector<16xf32>
      %add3A_2693 = arith.addf %gather3A_2653, %gather3A_2657 : vector<16xf32>
      %add3A_2694 = arith.addf %gather3A_2661, %gather3A_2665 : vector<16xf32>
      %add3A_2695 = arith.addf %gather3A_2669, %gather3A_2673 : vector<16xf32>
      %add3A_2696 = arith.addf %gather3A_2677, %gather3A_2681 : vector<16xf32>
      %add3A_2697 = arith.addf %gather3A_2685, %gather3A_2689 : vector<16xf32>
      %add3A_2698 = arith.addf %add3A_2690, %add3A_2691 : vector<16xf32>
      %add3A_2699 = arith.addf %add3A_2692, %add3A_2693 : vector<16xf32>
      %add3A_2700 = arith.addf %add3A_2694, %add3A_2695 : vector<16xf32>
      %add3A_2701 = arith.addf %add3A_2696, %add3A_2697 : vector<16xf32>
      %add3A_2702 = arith.addf %add3A_2698, %add3A_2699 : vector<16xf32>
      %add3A_2703 = arith.addf %add3A_2700, %add3A_2701 : vector<16xf32>
      %add3A_2704 = arith.addf %add3A_2702, %add3A_2703 : vector<16xf32>
      %add3A_2705 = arith.addf %add3A_2704, %get3A_20 : vector<16xf32>
      %neg3A_2706 = arith.constant 0.000000e+00 : f32
      %neg3A_2707 = vector.broadcast %neg3A_2706 : f32 to vector<16xf32>
      %neg3A_2708 = arith.subf %neg3A_2707, %add3A_2705 : vector<16xf32>
      %exp3A_2709 = math.exp %neg3A_2708 : vector<16xf32>
      %add3A_2710 = arith.constant 1.000000e+00 : f32
      %add3A_2711 = vector.broadcast %add3A_2710 : f32 to vector<16xf32>
      %add3A_2712 = arith.addf %add3A_2711, %exp3A_2709 : vector<16xf32>
      %div3A_2713 = arith.constant 1.000000e+00 : f32
      %div3A_2714 = vector.broadcast %div3A_2713 : f32 to vector<16xf32>
      %div3A_2715 = arith.divf %div3A_2714, %add3A_2712 : vector<16xf32>
      %swap3A_2716 = arith.constant 144 : index
      %swap3A_2717 = tpu.vector_load %arg15[%swap3A_2716] {strides = array<i32>} : memref<256xf32, #tpu.memory_space<vmem>>, vector<16xf32>,
      tpu.vector_store %arg15[%swap3A_2716], %div3A_2715 {strides = array<i32>} : memref<256xf32, #tpu.memory_space<vmem>>, vector<16xf32>,
      %add3A_2718 = arith.constant 160 : i32
      %add3A_2719 = vector.broadcast %add3A_2718 : i32 to vector<16xi32>
      %add3A_2720 = arith.addi %add3A_2719, %iota3A : vector<16xi32>
      %mul3A_2721 = arith.constant 16 : i32
      %mul3A_2722 = vector.broadcast %mul3A_2721 : i32 to vector<16xi32>
      %mul3A_2723 = arith.muli %add3A_2720, %mul3A_2722 : vector<16xi32>
      %add3A_2724 = arith.constant 0 : i32
      %add3A_2725 = vector.broadcast %add3A_2724 : i32 to vector<16xi32>
      %add3A_2726 = arith.addi %mul3A_2723, %add3A_2725 : vector<16xi32>
      %gather3A_2727 = tpu.vector_load_idx %arg16[%add3A_2726] : memref<4096xf32, #tpu.memory_space<vmem>>[vector<16xi32>], vector<16xf32>,
      %add3A_2728 = arith.constant 1 : i32
      %add3A_2729 = vector.broadcast %add3A_2728 : i32 to vector<16xi32>
      %add3A_2730 = arith.addi %mul3A_2723, %add3A_2729 : vector<16xi32>
      %gather3A_2731 = tpu.vector_load_idx %arg16[%add3A_2730] : memref<4096xf32, #tpu.memory_space<vmem>>[vector<16xi32>], vector<16xf32>,
      %add3A_2732 = arith.constant 2 : i32
      %add3A_2733 = vector.broadcast %add3A_2732 : i32 to vector<16xi32>
      %add3A_2734 = arith.addi %mul3A_2723, %add3A_2733 : vector<16xi32>
      %gather3A_2735 = tpu.vector_load_idx %arg16[%add3A_2734] : memref<4096xf32, #tpu.memory_space<vmem>>[vector<16xi32>], vector<16xf32>,
      %add3A_2736 = arith.constant 3 : i32
      %add3A_2737 = vector.broadcast %add3A_2736 : i32 to vector<16xi32>
      %add3A_2738 = arith.addi %mul3A_2723, %add3A_2737 : vector<16xi32>
      %gather3A_2739 = tpu.vector_load_idx %arg16[%add3A_2738] : memref<4096xf32, #tpu.memory_space<vmem>>[vector<16xi32>], vector<16xf32>,
      %add3A_2740 = arith.constant 4 : i32
      %add3A_2741 = vector.broadcast %add3A_2740 : i32 to vector<16xi32>
      %add3A_2742 = arith.addi %mul3A_2723, %add3A_2741 : vector<16xi32>
      %gather3A_2743 = tpu.vector_load_idx %arg16[%add3A_2742] : memref<4096xf32, #tpu.memory_space<vmem>>[vector<16xi32>], vector<16xf32>,
      %add3A_2744 = arith.constant 5 : i32
      %add3A_2745 = vector.broadcast %add3A_2744 : i32 to vector<16xi32>
      %add3A_2746 = arith.addi %mul3A_2723, %add3A_2745 : vector<16xi32>
      %gather3A_2747 = tpu.vector_load_idx %arg16[%add3A_2746] : memref<4096xf32, #tpu.memory_space<vmem>>[vector<16xi32>], vector<16xf32>,
      %add3A_2748 = arith.constant 6 : i32
      %add3A_2749 = vector.broadcast %add3A_2748 : i32 to vector<16xi32>
      %add3A_2750 = arith.addi %mul3A_2723, %add3A_2749 : vector<16xi32>
      %gather3A_2751 = tpu.vector_load_idx %arg16[%add3A_2750] : memref<4096xf32, #tpu.memory_space<vmem>>[vector<16xi32>], vector<16xf32>,
      %add3A_2752 = arith.constant 7 : i32
      %add3A_2753 = vector.broadcast %add3A_2752 : i32 to vector<16xi32>
      %add3A_2754 = arith.addi %mul3A_2723, %add3A_2753 : vector<16xi32>
      %gather3A_2755 = tpu.vector_load_idx %arg16[%add3A_2754] : memref<4096xf32, #tpu.memory_space<vmem>>[vector<16xi32>], vector<16xf32>,
      %add3A_2756 = arith.constant 8 : i32
      %add3A_2757 = vector.broadcast %add3A_2756 : i32 to vector<16xi32>
      %add3A_2758 = arith.addi %mul3A_2723, %add3A_2757 : vector<16xi32>
      %gather3A_2759 = tpu.vector_load_idx %arg16[%add3A_2758] : memref<4096xf32, #tpu.memory_space<vmem>>[vector<16xi32>], vector<16xf32>,
      %add3A_2760 = arith.constant 9 : i32
      %add3A_2761 = vector.broadcast %add3A_2760 : i32 to vector<16xi32>
      %add3A_2762 = arith.addi %mul3A_2723, %add3A_2761 : vector<16xi32>
      %gather3A_2763 = tpu.vector_load_idx %arg16[%add3A_2762] : memref<4096xf32, #tpu.memory_space<vmem>>[vector<16xi32>], vector<16xf32>,
      %add3A_2764 = arith.constant 10 : i32
      %add3A_2765 = vector.broadcast %add3A_2764 : i32 to vector<16xi32>
      %add3A_2766 = arith.addi %mul3A_2723, %add3A_2765 : vector<16xi32>
      %gather3A_2767 = tpu.vector_load_idx %arg16[%add3A_2766] : memref<4096xf32, #tpu.memory_space<vmem>>[vector<16xi32>], vector<16xf32>,
      %add3A_2768 = arith.constant 11 : i32
      %add3A_2769 = vector.broadcast %add3A_2768 : i32 to vector<16xi32>
      %add3A_2770 = arith.addi %mul3A_2723, %add3A_2769 : vector<16xi32>
      %gather3A_2771 = tpu.vector_load_idx %arg16[%add3A_2770] : memref<4096xf32, #tpu.memory_space<vmem>>[vector<16xi32>], vector<16xf32>,
      %add3A_2772 = arith.constant 12 : i32
      %add3A_2773 = vector.broadcast %add3A_2772 : i32 to vector<16xi32>
      %add3A_2774 = arith.addi %mul3A_2723, %add3A_2773 : vector<16xi32>
      %gather3A_2775 = tpu.vector_load_idx %arg16[%add3A_2774] : memref<4096xf32, #tpu.memory_space<vmem>>[vector<16xi32>], vector<16xf32>,
      %add3A_2776 = arith.constant 13 : i32
      %add3A_2777 = vector.broadcast %add3A_2776 : i32 to vector<16xi32>
      %add3A_2778 = arith.addi %mul3A_2723, %add3A_2777 : vector<16xi32>
      %gather3A_2779 = tpu.vector_load_idx %arg16[%add3A_2778] : memref<4096xf32, #tpu.memory_space<vmem>>[vector<16xi32>], vector<16xf32>,
      %add3A_2780 = arith.constant 14 : i32
      %add3A_2781 = vector.broadcast %add3A_2780 : i32 to vector<16xi32>
      %add3A_2782 = arith.addi %mul3A_2723, %add3A_2781 : vector<16xi32>
      %gather3A_2783 = tpu.vector_load_idx %arg16[%add3A_2782] : memref<4096xf32, #tpu.memory_space<vmem>>[vector<16xi32>], vector<16xf32>,
      %add3A_2784 = arith.constant 15 : i32
      %add3A_2785 = vector.broadcast %add3A_2784 : i32 to vector<16xi32>
      %add3A_2786 = arith.addi %mul3A_2723, %add3A_2785 : vector<16xi32>
      %gather3A_2787 = tpu.vector_load_idx %arg16[%add3A_2786] : memref<4096xf32, #tpu.memory_space<vmem>>[vector<16xi32>], vector<16xf32>,
      %add3A_2788 = arith.addf %gather3A_2727, %gather3A_2731 : vector<16xf32>
      %add3A_2789 = arith.addf %gather3A_2735, %gather3A_2739 : vector<16xf32>
      %add3A_2790 = arith.addf %gather3A_2743, %gather3A_2747 : vector<16xf32>
      %add3A_2791 = arith.addf %gather3A_2751, %gather3A_2755 : vector<16xf32>
      %add3A_2792 = arith.addf %gather3A_2759, %gather3A_2763 : vector<16xf32>
      %add3A_2793 = arith.addf %gather3A_2767, %gather3A_2771 : vector<16xf32>
      %add3A_2794 = arith.addf %gather3A_2775, %gather3A_2779 : vector<16xf32>
      %add3A_2795 = arith.addf %gather3A_2783, %gather3A_2787 : vector<16xf32>
      %add3A_2796 = arith.addf %add3A_2788, %add3A_2789 : vector<16xf32>
      %add3A_2797 = arith.addf %add3A_2790, %add3A_2791 : vector<16xf32>
      %add3A_2798 = arith.addf %add3A_2792, %add3A_2793 : vector<16xf32>
      %add3A_2799 = arith.addf %add3A_2794, %add3A_2795 : vector<16xf32>
      %add3A_2800 = arith.addf %add3A_2796, %add3A_2797 : vector<16xf32>
      %add3A_2801 = arith.addf %add3A_2798, %add3A_2799 : vector<16xf32>
      %add3A_2802 = arith.addf %add3A_2800, %add3A_2801 : vector<16xf32>
      %add3A_2803 = arith.addf %add3A_2802, %get3A_20 : vector<16xf32>
      %neg3A_2804 = arith.constant 0.000000e+00 : f32
      %neg3A_2805 = vector.broadcast %neg3A_2804 : f32 to vector<16xf32>
      %neg3A_2806 = arith.subf %neg3A_2805, %add3A_2803 : vector<16xf32>
      %exp3A_2807 = math.exp %neg3A_2806 : vector<16xf32>
      %add3A_2808 = arith.constant 1.000000e+00 : f32
      %add3A_2809 = vector.broadcast %add3A_2808 : f32 to vector<16xf32>
      %add3A_2810 = arith.addf %add3A_2809, %exp3A_2807 : vector<16xf32>
      %div3A_2811 = arith.constant 1.000000e+00 : f32
      %div3A_2812 = vector.broadcast %div3A_2811 : f32 to vector<16xf32>
      %div3A_2813 = arith.divf %div3A_2812, %add3A_2810 : vector<16xf32>
      %swap3A_2814 = arith.constant 160 : index
      %swap3A_2815 = tpu.vector_load %arg15[%swap3A_2814] {strides = array<i32>} : memref<256xf32, #tpu.memory_space<vmem>>, vector<16xf32>,
      tpu.vector_store %arg15[%swap3A_2814], %div3A_2813 {strides = array<i32>} : memref<256xf32, #tpu.memory_space<vmem>>, vector<16xf32>,
      %add3A_2816 = arith.constant 176 : i32
      %add3A_2817 = vector.broadcast %add3A_2816 : i32 to vector<16xi32>
      %add3A_2818 = arith.addi %add3A_2817, %iota3A : vector<16xi32>
      %mul3A_2819 = arith.constant 16 : i32
      %mul3A_2820 = vector.broadcast %mul3A_2819 : i32 to vector<16xi32>
      %mul3A_2821 = arith.muli %add3A_2818, %mul3A_2820 : vector<16xi32>
      %add3A_2822 = arith.constant 0 : i32
      %add3A_2823 = vector.broadcast %add3A_2822 : i32 to vector<16xi32>
      %add3A_2824 = arith.addi %mul3A_2821, %add3A_2823 : vector<16xi32>
      %gather3A_2825 = tpu.vector_load_idx %arg16[%add3A_2824] : memref<4096xf32, #tpu.memory_space<vmem>>[vector<16xi32>], vector<16xf32>,
      %add3A_2826 = arith.constant 1 : i32
      %add3A_2827 = vector.broadcast %add3A_2826 : i32 to vector<16xi32>
      %add3A_2828 = arith.addi %mul3A_2821, %add3A_2827 : vector<16xi32>
      %gather3A_2829 = tpu.vector_load_idx %arg16[%add3A_2828] : memref<4096xf32, #tpu.memory_space<vmem>>[vector<16xi32>], vector<16xf32>,
      %add3A_2830 = arith.constant 2 : i32
      %add3A_2831 = vector.broadcast %add3A_2830 : i32 to vector<16xi32>
      %add3A_2832 = arith.addi %mul3A_2821, %add3A_2831 : vector<16xi32>
      %gather3A_2833 = tpu.vector_load_idx %arg16[%add3A_2832] : memref<4096xf32, #tpu.memory_space<vmem>>[vector<16xi32>], vector<16xf32>,
      %add3A_2834 = arith.constant 3 : i32
      %add3A_2835 = vector.broadcast %add3A_2834 : i32 to vector<16xi32>
      %add3A_2836 = arith.addi %mul3A_2821, %add3A_2835 : vector<16xi32>
      %gather3A_2837 = tpu.vector_load_idx %arg16[%add3A_2836] : memref<4096xf32, #tpu.memory_space<vmem>>[vector<16xi32>], vector<16xf32>,
      %add3A_2838 = arith.constant 4 : i32
      %add3A_2839 = vector.broadcast %add3A_2838 : i32 to vector<16xi32>
      %add3A_2840 = arith.addi %mul3A_2821, %add3A_2839 : vector<16xi32>
      %gather3A_2841 = tpu.vector_load_idx %arg16[%add3A_2840] : memref<4096xf32, #tpu.memory_space<vmem>>[vector<16xi32>], vector<16xf32>,
      %add3A_2842 = arith.constant 5 : i32
      %add3A_2843 = vector.broadcast %add3A_2842 : i32 to vector<16xi32>
      %add3A_2844 = arith.addi %mul3A_2821, %add3A_2843 : vector<16xi32>
      %gather3A_2845 = tpu.vector_load_idx %arg16[%add3A_2844] : memref<4096xf32, #tpu.memory_space<vmem>>[vector<16xi32>], vector<16xf32>,
      %add3A_2846 = arith.constant 6 : i32
      %add3A_2847 = vector.broadcast %add3A_2846 : i32 to vector<16xi32>
      %add3A_2848 = arith.addi %mul3A_2821, %add3A_2847 : vector<16xi32>
      %gather3A_2849 = tpu.vector_load_idx %arg16[%add3A_2848] : memref<4096xf32, #tpu.memory_space<vmem>>[vector<16xi32>], vector<16xf32>,
      %add3A_2850 = arith.constant 7 : i32
      %add3A_2851 = vector.broadcast %add3A_2850 : i32 to vector<16xi32>
      %add3A_2852 = arith.addi %mul3A_2821, %add3A_2851 : vector<16xi32>
      %gather3A_2853 = tpu.vector_load_idx %arg16[%add3A_2852] : memref<4096xf32, #tpu.memory_space<vmem>>[vector<16xi32>], vector<16xf32>,
      %add3A_2854 = arith.constant 8 : i32
      %add3A_2855 = vector.broadcast %add3A_2854 : i32 to vector<16xi32>
      %add3A_2856 = arith.addi %mul3A_2821, %add3A_2855 : vector<16xi32>
      %gather3A_2857 = tpu.vector_load_idx %arg16[%add3A_2856] : memref<4096xf32, #tpu.memory_space<vmem>>[vector<16xi32>], vector<16xf32>,
      %add3A_2858 = arith.constant 9 : i32
      %add3A_2859 = vector.broadcast %add3A_2858 : i32 to vector<16xi32>
      %add3A_2860 = arith.addi %mul3A_2821, %add3A_2859 : vector<16xi32>
      %gather3A_2861 = tpu.vector_load_idx %arg16[%add3A_2860] : memref<4096xf32, #tpu.memory_space<vmem>>[vector<16xi32>], vector<16xf32>,
      %add3A_2862 = arith.constant 10 : i32
      %add3A_2863 = vector.broadcast %add3A_2862 : i32 to vector<16xi32>
      %add3A_2864 = arith.addi %mul3A_2821, %add3A_2863 : vector<16xi32>
      %gather3A_2865 = tpu.vector_load_idx %arg16[%add3A_2864] : memref<4096xf32, #tpu.memory_space<vmem>>[vector<16xi32>], vector<16xf32>,
      %add3A_2866 = arith.constant 11 : i32
      %add3A_2867 = vector.broadcast %add3A_2866 : i32 to vector<16xi32>
      %add3A_2868 = arith.addi %mul3A_2821, %add3A_2867 : vector<16xi32>
      %gather3A_2869 = tpu.vector_load_idx %arg16[%add3A_2868] : memref<4096xf32, #tpu.memory_space<vmem>>[vector<16xi32>], vector<16xf32>,
      %add3A_2870 = arith.constant 12 : i32
      %add3A_2871 = vector.broadcast %add3A_2870 : i32 to vector<16xi32>
      %add3A_2872 = arith.addi %mul3A_2821, %add3A_2871 : vector<16xi32>
      %gather3A_2873 = tpu.vector_load_idx %arg16[%add3A_2872] : memref<4096xf32, #tpu.memory_space<vmem>>[vector<16xi32>], vector<16xf32>,
      %add3A_2874 = arith.constant 13 : i32
      %add3A_2875 = vector.broadcast %add3A_2874 : i32 to vector<16xi32>
      %add3A_2876 = arith.addi %mul3A_2821, %add3A_2875 : vector<16xi32>
      %gather3A_2877 = tpu.vector_load_idx %arg16[%add3A_2876] : memref<4096xf32, #tpu.memory_space<vmem>>[vector<16xi32>], vector<16xf32>,
      %add3A_2878 = arith.constant 14 : i32
      %add3A_2879 = vector.broadcast %add3A_2878 : i32 to vector<16xi32>
      %add3A_2880 = arith.addi %mul3A_2821, %add3A_2879 : vector<16xi32>
      %gather3A_2881 = tpu.vector_load_idx %arg16[%add3A_2880] : memref<4096xf32, #tpu.memory_space<vmem>>[vector<16xi32>], vector<16xf32>,
      %add3A_2882 = arith.constant 15 : i32
      %add3A_2883 = vector.broadcast %add3A_2882 : i32 to vector<16xi32>
      %add3A_2884 = arith.addi %mul3A_2821, %add3A_2883 : vector<16xi32>
      %gather3A_2885 = tpu.vector_load_idx %arg16[%add3A_2884] : memref<4096xf32, #tpu.memory_space<vmem>>[vector<16xi32>], vector<16xf32>,
      %add3A_2886 = arith.addf %gather3A_2825, %gather3A_2829 : vector<16xf32>
      %add3A_2887 = arith.addf %gather3A_2833, %gather3A_2837 : vector<16xf32>
      %add3A_2888 = arith.addf %gather3A_2841, %gather3A_2845 : vector<16xf32>
      %add3A_2889 = arith.addf %gather3A_2849, %gather3A_2853 : vector<16xf32>
      %add3A_2890 = arith.addf %gather3A_2857, %gather3A_2861 : vector<16xf32>
      %add3A_2891 = arith.addf %gather3A_2865, %gather3A_2869 : vector<16xf32>
      %add3A_2892 = arith.addf %gather3A_2873, %gather3A_2877 : vector<16xf32>
      %add3A_2893 = arith.addf %gather3A_2881, %gather3A_2885 : vector<16xf32>
      %add3A_2894 = arith.addf %add3A_2886, %add3A_2887 : vector<16xf32>
      %add3A_2895 = arith.addf %add3A_2888, %add3A_2889 : vector<16xf32>
      %add3A_2896 = arith.addf %add3A_2890, %add3A_2891 : vector<16xf32>
      %add3A_2897 = arith.addf %add3A_2892, %add3A_2893 : vector<16xf32>
      %add3A_2898 = arith.addf %add3A_2894, %add3A_2895 : vector<16xf32>
      %add3A_2899 = arith.addf %add3A_2896, %add3A_2897 : vector<16xf32>
      %add3A_2900 = arith.addf %add3A_2898, %add3A_2899 : vector<16xf32>
      %add3A_2901 = arith.addf %add3A_2900, %get3A_20 : vector<16xf32>
      %neg3A_2902 = arith.constant 0.000000e+00 : f32
      %neg3A_2903 = vector.broadcast %neg3A_2902 : f32 to vector<16xf32>
      %neg3A_2904 = arith.subf %neg3A_2903, %add3A_2901 : vector<16xf32>
      %exp3A_2905 = math.exp %neg3A_2904 : vector<16xf32>
      %add3A_2906 = arith.constant 1.000000e+00 : f32
      %add3A_2907 = vector.broadcast %add3A_2906 : f32 to vector<16xf32>
      %add3A_2908 = arith.addf %add3A_2907, %exp3A_2905 : vector<16xf32>
      %div3A_2909 = arith.constant 1.000000e+00 : f32
      %div3A_2910 = vector.broadcast %div3A_2909 : f32 to vector<16xf32>
      %div3A_2911 = arith.divf %div3A_2910, %add3A_2908 : vector<16xf32>
      %swap3A_2912 = arith.constant 176 : index
      %swap3A_2913 = tpu.vector_load %arg15[%swap3A_2912] {strides = array<i32>} : memref<256xf32, #tpu.memory_space<vmem>>, vector<16xf32>,
      tpu.vector_store %arg15[%swap3A_2912], %div3A_2911 {strides = array<i32>} : memref<256xf32, #tpu.memory_space<vmem>>, vector<16xf32>,
      %add3A_2914 = arith.constant 192 : i32
      %add3A_2915 = vector.broadcast %add3A_2914 : i32 to vector<16xi32>
      %add3A_2916 = arith.addi %add3A_2915, %iota3A : vector<16xi32>
      %mul3A_2917 = arith.constant 16 : i32
      %mul3A_2918 = vector.broadcast %mul3A_2917 : i32 to vector<16xi32>
      %mul3A_2919 = arith.muli %add3A_2916, %mul3A_2918 : vector<16xi32>
      %add3A_2920 = arith.constant 0 : i32
      %add3A_2921 = vector.broadcast %add3A_2920 : i32 to vector<16xi32>
      %add3A_2922 = arith.addi %mul3A_2919, %add3A_2921 : vector<16xi32>
      %gather3A_2923 = tpu.vector_load_idx %arg16[%add3A_2922] : memref<4096xf32, #tpu.memory_space<vmem>>[vector<16xi32>], vector<16xf32>,
      %add3A_2924 = arith.constant 1 : i32
      %add3A_2925 = vector.broadcast %add3A_2924 : i32 to vector<16xi32>
      %add3A_2926 = arith.addi %mul3A_2919, %add3A_2925 : vector<16xi32>
      %gather3A_2927 = tpu.vector_load_idx %arg16[%add3A_2926] : memref<4096xf32, #tpu.memory_space<vmem>>[vector<16xi32>], vector<16xf32>,
      %add3A_2928 = arith.constant 2 : i32
      %add3A_2929 = vector.broadcast %add3A_2928 : i32 to vector<16xi32>
      %add3A_2930 = arith.addi %mul3A_2919, %add3A_2929 : vector<16xi32>
      %gather3A_2931 = tpu.vector_load_idx %arg16[%add3A_2930] : memref<4096xf32, #tpu.memory_space<vmem>>[vector<16xi32>], vector<16xf32>,
      %add3A_2932 = arith.constant 3 : i32
      %add3A_2933 = vector.broadcast %add3A_2932 : i32 to vector<16xi32>
      %add3A_2934 = arith.addi %mul3A_2919, %add3A_2933 : vector<16xi32>
      %gather3A_2935 = tpu.vector_load_idx %arg16[%add3A_2934] : memref<4096xf32, #tpu.memory_space<vmem>>[vector<16xi32>], vector<16xf32>,
      %add3A_2936 = arith.constant 4 : i32
      %add3A_2937 = vector.broadcast %add3A_2936 : i32 to vector<16xi32>
      %add3A_2938 = arith.addi %mul3A_2919, %add3A_2937 : vector<16xi32>
      %gather3A_2939 = tpu.vector_load_idx %arg16[%add3A_2938] : memref<4096xf32, #tpu.memory_space<vmem>>[vector<16xi32>], vector<16xf32>,
      %add3A_2940 = arith.constant 5 : i32
      %add3A_2941 = vector.broadcast %add3A_2940 : i32 to vector<16xi32>
      %add3A_2942 = arith.addi %mul3A_2919, %add3A_2941 : vector<16xi32>
      %gather3A_2943 = tpu.vector_load_idx %arg16[%add3A_2942] : memref<4096xf32, #tpu.memory_space<vmem>>[vector<16xi32>], vector<16xf32>,
      %add3A_2944 = arith.constant 6 : i32
      %add3A_2945 = vector.broadcast %add3A_2944 : i32 to vector<16xi32>
      %add3A_2946 = arith.addi %mul3A_2919, %add3A_2945 : vector<16xi32>
      %gather3A_2947 = tpu.vector_load_idx %arg16[%add3A_2946] : memref<4096xf32, #tpu.memory_space<vmem>>[vector<16xi32>], vector<16xf32>,
      %add3A_2948 = arith.constant 7 : i32
      %add3A_2949 = vector.broadcast %add3A_2948 : i32 to vector<16xi32>
      %add3A_2950 = arith.addi %mul3A_2919, %add3A_2949 : vector<16xi32>
      %gather3A_2951 = tpu.vector_load_idx %arg16[%add3A_2950] : memref<4096xf32, #tpu.memory_space<vmem>>[vector<16xi32>], vector<16xf32>,
      %add3A_2952 = arith.constant 8 : i32
      %add3A_2953 = vector.broadcast %add3A_2952 : i32 to vector<16xi32>
      %add3A_2954 = arith.addi %mul3A_2919, %add3A_2953 : vector<16xi32>
      %gather3A_2955 = tpu.vector_load_idx %arg16[%add3A_2954] : memref<4096xf32, #tpu.memory_space<vmem>>[vector<16xi32>], vector<16xf32>,
      %add3A_2956 = arith.constant 9 : i32
      %add3A_2957 = vector.broadcast %add3A_2956 : i32 to vector<16xi32>
      %add3A_2958 = arith.addi %mul3A_2919, %add3A_2957 : vector<16xi32>
      %gather3A_2959 = tpu.vector_load_idx %arg16[%add3A_2958] : memref<4096xf32, #tpu.memory_space<vmem>>[vector<16xi32>], vector<16xf32>,
      %add3A_2960 = arith.constant 10 : i32
      %add3A_2961 = vector.broadcast %add3A_2960 : i32 to vector<16xi32>
      %add3A_2962 = arith.addi %mul3A_2919, %add3A_2961 : vector<16xi32>
      %gather3A_2963 = tpu.vector_load_idx %arg16[%add3A_2962] : memref<4096xf32, #tpu.memory_space<vmem>>[vector<16xi32>], vector<16xf32>,
      %add3A_2964 = arith.constant 11 : i32
      %add3A_2965 = vector.broadcast %add3A_2964 : i32 to vector<16xi32>
      %add3A_2966 = arith.addi %mul3A_2919, %add3A_2965 : vector<16xi32>
      %gather3A_2967 = tpu.vector_load_idx %arg16[%add3A_2966] : memref<4096xf32, #tpu.memory_space<vmem>>[vector<16xi32>], vector<16xf32>,
      %add3A_2968 = arith.constant 12 : i32
      %add3A_2969 = vector.broadcast %add3A_2968 : i32 to vector<16xi32>
      %add3A_2970 = arith.addi %mul3A_2919, %add3A_2969 : vector<16xi32>
      %gather3A_2971 = tpu.vector_load_idx %arg16[%add3A_2970] : memref<4096xf32, #tpu.memory_space<vmem>>[vector<16xi32>], vector<16xf32>,
      %add3A_2972 = arith.constant 13 : i32
      %add3A_2973 = vector.broadcast %add3A_2972 : i32 to vector<16xi32>
      %add3A_2974 = arith.addi %mul3A_2919, %add3A_2973 : vector<16xi32>
      %gather3A_2975 = tpu.vector_load_idx %arg16[%add3A_2974] : memref<4096xf32, #tpu.memory_space<vmem>>[vector<16xi32>], vector<16xf32>,
      %add3A_2976 = arith.constant 14 : i32
      %add3A_2977 = vector.broadcast %add3A_2976 : i32 to vector<16xi32>
      %add3A_2978 = arith.addi %mul3A_2919, %add3A_2977 : vector<16xi32>
      %gather3A_2979 = tpu.vector_load_idx %arg16[%add3A_2978] : memref<4096xf32, #tpu.memory_space<vmem>>[vector<16xi32>], vector<16xf32>,
      %add3A_2980 = arith.constant 15 : i32
      %add3A_2981 = vector.broadcast %add3A_2980 : i32 to vector<16xi32>
      %add3A_2982 = arith.addi %mul3A_2919, %add3A_2981 : vector<16xi32>
      %gather3A_2983 = tpu.vector_load_idx %arg16[%add3A_2982] : memref<4096xf32, #tpu.memory_space<vmem>>[vector<16xi32>], vector<16xf32>,
      %add3A_2984 = arith.addf %gather3A_2923, %gather3A_2927 : vector<16xf32>
      %add3A_2985 = arith.addf %gather3A_2931, %gather3A_2935 : vector<16xf32>
      %add3A_2986 = arith.addf %gather3A_2939, %gather3A_2943 : vector<16xf32>
      %add3A_2987 = arith.addf %gather3A_2947, %gather3A_2951 : vector<16xf32>
      %add3A_2988 = arith.addf %gather3A_2955, %gather3A_2959 : vector<16xf32>
      %add3A_2989 = arith.addf %gather3A_2963, %gather3A_2967 : vector<16xf32>
      %add3A_2990 = arith.addf %gather3A_2971, %gather3A_2975 : vector<16xf32>
      %add3A_2991 = arith.addf %gather3A_2979, %gather3A_2983 : vector<16xf32>
      %add3A_2992 = arith.addf %add3A_2984, %add3A_2985 : vector<16xf32>
      %add3A_2993 = arith.addf %add3A_2986, %add3A_2987 : vector<16xf32>
      %add3A_2994 = arith.addf %add3A_2988, %add3A_2989 : vector<16xf32>
      %add3A_2995 = arith.addf %add3A_2990, %add3A_2991 : vector<16xf32>
      %add3A_2996 = arith.addf %add3A_2992, %add3A_2993 : vector<16xf32>
      %add3A_2997 = arith.addf %add3A_2994, %add3A_2995 : vector<16xf32>
      %add3A_2998 = arith.addf %add3A_2996, %add3A_2997 : vector<16xf32>
      %add3A_2999 = arith.addf %add3A_2998, %get3A_20 : vector<16xf32>
      %neg3A_3000 = arith.constant 0.000000e+00 : f32
      %neg3A_3001 = vector.broadcast %neg3A_3000 : f32 to vector<16xf32>
      %neg3A_3002 = arith.subf %neg3A_3001, %add3A_2999 : vector<16xf32>
      %exp3A_3003 = math.exp %neg3A_3002 : vector<16xf32>
      %add3A_3004 = arith.constant 1.000000e+00 : f32
      %add3A_3005 = vector.broadcast %add3A_3004 : f32 to vector<16xf32>
      %add3A_3006 = arith.addf %add3A_3005, %exp3A_3003 : vector<16xf32>
      %div3A_3007 = arith.constant 1.000000e+00 : f32
      %div3A_3008 = vector.broadcast %div3A_3007 : f32 to vector<16xf32>
      %div3A_3009 = arith.divf %div3A_3008, %add3A_3006 : vector<16xf32>
      %swap3A_3010 = arith.constant 192 : index
      %swap3A_3011 = tpu.vector_load %arg15[%swap3A_3010] {strides = array<i32>} : memref<256xf32, #tpu.memory_space<vmem>>, vector<16xf32>,
      tpu.vector_store %arg15[%swap3A_3010], %div3A_3009 {strides = array<i32>} : memref<256xf32, #tpu.memory_space<vmem>>, vector<16xf32>,
      %add3A_3012 = arith.constant 208 : i32
      %add3A_3013 = vector.broadcast %add3A_3012 : i32 to vector<16xi32>
      %add3A_3014 = arith.addi %add3A_3013, %iota3A : vector<16xi32>
      %mul3A_3015 = arith.constant 16 : i32
      %mul3A_3016 = vector.broadcast %mul3A_3015 : i32 to vector<16xi32>
      %mul3A_3017 = arith.muli %add3A_3014, %mul3A_3016 : vector<16xi32>
      %add3A_3018 = arith.constant 0 : i32
      %add3A_3019 = vector.broadcast %add3A_3018 : i32 to vector<16xi32>
      %add3A_3020 = arith.addi %mul3A_3017, %add3A_3019 : vector<16xi32>
      %gather3A_3021 = tpu.vector_load_idx %arg16[%add3A_3020] : memref<4096xf32, #tpu.memory_space<vmem>>[vector<16xi32>], vector<16xf32>,
      %add3A_3022 = arith.constant 1 : i32
      %add3A_3023 = vector.broadcast %add3A_3022 : i32 to vector<16xi32>
      %add3A_3024 = arith.addi %mul3A_3017, %add3A_3023 : vector<16xi32>
      %gather3A_3025 = tpu.vector_load_idx %arg16[%add3A_3024] : memref<4096xf32, #tpu.memory_space<vmem>>[vector<16xi32>], vector<16xf32>,
      %add3A_3026 = arith.constant 2 : i32
      %add3A_3027 = vector.broadcast %add3A_3026 : i32 to vector<16xi32>
      %add3A_3028 = arith.addi %mul3A_3017, %add3A_3027 : vector<16xi32>
      %gather3A_3029 = tpu.vector_load_idx %arg16[%add3A_3028] : memref<4096xf32, #tpu.memory_space<vmem>>[vector<16xi32>], vector<16xf32>,
      %add3A_3030 = arith.constant 3 : i32
      %add3A_3031 = vector.broadcast %add3A_3030 : i32 to vector<16xi32>
      %add3A_3032 = arith.addi %mul3A_3017, %add3A_3031 : vector<16xi32>
      %gather3A_3033 = tpu.vector_load_idx %arg16[%add3A_3032] : memref<4096xf32, #tpu.memory_space<vmem>>[vector<16xi32>], vector<16xf32>,
      %add3A_3034 = arith.constant 4 : i32
      %add3A_3035 = vector.broadcast %add3A_3034 : i32 to vector<16xi32>
      %add3A_3036 = arith.addi %mul3A_3017, %add3A_3035 : vector<16xi32>
      %gather3A_3037 = tpu.vector_load_idx %arg16[%add3A_3036] : memref<4096xf32, #tpu.memory_space<vmem>>[vector<16xi32>], vector<16xf32>,
      %add3A_3038 = arith.constant 5 : i32
      %add3A_3039 = vector.broadcast %add3A_3038 : i32 to vector<16xi32>
      %add3A_3040 = arith.addi %mul3A_3017, %add3A_3039 : vector<16xi32>
      %gather3A_3041 = tpu.vector_load_idx %arg16[%add3A_3040] : memref<4096xf32, #tpu.memory_space<vmem>>[vector<16xi32>], vector<16xf32>,
      %add3A_3042 = arith.constant 6 : i32
      %add3A_3043 = vector.broadcast %add3A_3042 : i32 to vector<16xi32>
      %add3A_3044 = arith.addi %mul3A_3017, %add3A_3043 : vector<16xi32>
      %gather3A_3045 = tpu.vector_load_idx %arg16[%add3A_3044] : memref<4096xf32, #tpu.memory_space<vmem>>[vector<16xi32>], vector<16xf32>,
      %add3A_3046 = arith.constant 7 : i32
      %add3A_3047 = vector.broadcast %add3A_3046 : i32 to vector<16xi32>
      %add3A_3048 = arith.addi %mul3A_3017, %add3A_3047 : vector<16xi32>
      %gather3A_3049 = tpu.vector_load_idx %arg16[%add3A_3048] : memref<4096xf32, #tpu.memory_space<vmem>>[vector<16xi32>], vector<16xf32>,
      %add3A_3050 = arith.constant 8 : i32
      %add3A_3051 = vector.broadcast %add3A_3050 : i32 to vector<16xi32>
      %add3A_3052 = arith.addi %mul3A_3017, %add3A_3051 : vector<16xi32>
      %gather3A_3053 = tpu.vector_load_idx %arg16[%add3A_3052] : memref<4096xf32, #tpu.memory_space<vmem>>[vector<16xi32>], vector<16xf32>,
      %add3A_3054 = arith.constant 9 : i32
      %add3A_3055 = vector.broadcast %add3A_3054 : i32 to vector<16xi32>
      %add3A_3056 = arith.addi %mul3A_3017, %add3A_3055 : vector<16xi32>
      %gather3A_3057 = tpu.vector_load_idx %arg16[%add3A_3056] : memref<4096xf32, #tpu.memory_space<vmem>>[vector<16xi32>], vector<16xf32>,
      %add3A_3058 = arith.constant 10 : i32
      %add3A_3059 = vector.broadcast %add3A_3058 : i32 to vector<16xi32>
      %add3A_3060 = arith.addi %mul3A_3017, %add3A_3059 : vector<16xi32>
      %gather3A_3061 = tpu.vector_load_idx %arg16[%add3A_3060] : memref<4096xf32, #tpu.memory_space<vmem>>[vector<16xi32>], vector<16xf32>,
      %add3A_3062 = arith.constant 11 : i32
      %add3A_3063 = vector.broadcast %add3A_3062 : i32 to vector<16xi32>
      %add3A_3064 = arith.addi %mul3A_3017, %add3A_3063 : vector<16xi32>
      %gather3A_3065 = tpu.vector_load_idx %arg16[%add3A_3064] : memref<4096xf32, #tpu.memory_space<vmem>>[vector<16xi32>], vector<16xf32>,
      %add3A_3066 = arith.constant 12 : i32
      %add3A_3067 = vector.broadcast %add3A_3066 : i32 to vector<16xi32>
      %add3A_3068 = arith.addi %mul3A_3017, %add3A_3067 : vector<16xi32>
      %gather3A_3069 = tpu.vector_load_idx %arg16[%add3A_3068] : memref<4096xf32, #tpu.memory_space<vmem>>[vector<16xi32>], vector<16xf32>,
      %add3A_3070 = arith.constant 13 : i32
      %add3A_3071 = vector.broadcast %add3A_3070 : i32 to vector<16xi32>
      %add3A_3072 = arith.addi %mul3A_3017, %add3A_3071 : vector<16xi32>
      %gather3A_3073 = tpu.vector_load_idx %arg16[%add3A_3072] : memref<4096xf32, #tpu.memory_space<vmem>>[vector<16xi32>], vector<16xf32>,
      %add3A_3074 = arith.constant 14 : i32
      %add3A_3075 = vector.broadcast %add3A_3074 : i32 to vector<16xi32>
      %add3A_3076 = arith.addi %mul3A_3017, %add3A_3075 : vector<16xi32>
      %gather3A_3077 = tpu.vector_load_idx %arg16[%add3A_3076] : memref<4096xf32, #tpu.memory_space<vmem>>[vector<16xi32>], vector<16xf32>,
      %add3A_3078 = arith.constant 15 : i32
      %add3A_3079 = vector.broadcast %add3A_3078 : i32 to vector<16xi32>
      %add3A_3080 = arith.addi %mul3A_3017, %add3A_3079 : vector<16xi32>
      %gather3A_3081 = tpu.vector_load_idx %arg16[%add3A_3080] : memref<4096xf32, #tpu.memory_space<vmem>>[vector<16xi32>], vector<16xf32>,
      %add3A_3082 = arith.addf %gather3A_3021, %gather3A_3025 : vector<16xf32>
      %add3A_3083 = arith.addf %gather3A_3029, %gather3A_3033 : vector<16xf32>
      %add3A_3084 = arith.addf %gather3A_3037, %gather3A_3041 : vector<16xf32>
      %add3A_3085 = arith.addf %gather3A_3045, %gather3A_3049 : vector<16xf32>
      %add3A_3086 = arith.addf %gather3A_3053, %gather3A_3057 : vector<16xf32>
      %add3A_3087 = arith.addf %gather3A_3061, %gather3A_3065 : vector<16xf32>
      %add3A_3088 = arith.addf %gather3A_3069, %gather3A_3073 : vector<16xf32>
      %add3A_3089 = arith.addf %gather3A_3077, %gather3A_3081 : vector<16xf32>
      %add3A_3090 = arith.addf %add3A_3082, %add3A_3083 : vector<16xf32>
      %add3A_3091 = arith.addf %add3A_3084, %add3A_3085 : vector<16xf32>
      %add3A_3092 = arith.addf %add3A_3086, %add3A_3087 : vector<16xf32>
      %add3A_3093 = arith.addf %add3A_3088, %add3A_3089 : vector<16xf32>
      %add3A_3094 = arith.addf %add3A_3090, %add3A_3091 : vector<16xf32>
      %add3A_3095 = arith.addf %add3A_3092, %add3A_3093 : vector<16xf32>
      %add3A_3096 = arith.addf %add3A_3094, %add3A_3095 : vector<16xf32>
      %add3A_3097 = arith.addf %add3A_3096, %get3A_20 : vector<16xf32>
      %neg3A_3098 = arith.constant 0.000000e+00 : f32
      %neg3A_3099 = vector.broadcast %neg3A_3098 : f32 to vector<16xf32>
      %neg3A_3100 = arith.subf %neg3A_3099, %add3A_3097 : vector<16xf32>
      %exp3A_3101 = math.exp %neg3A_3100 : vector<16xf32>
      %add3A_3102 = arith.constant 1.000000e+00 : f32
      %add3A_3103 = vector.broadcast %add3A_3102 : f32 to vector<16xf32>
      %add3A_3104 = arith.addf %add3A_3103, %exp3A_3101 : vector<16xf32>
      %div3A_3105 = arith.constant 1.000000e+00 : f32
      %div3A_3106 = vector.broadcast %div3A_3105 : f32 to vector<16xf32>
      %div3A_3107 = arith.divf %div3A_3106, %add3A_3104 : vector<16xf32>
      %swap3A_3108 = arith.constant 208 : index
      %swap3A_3109 = tpu.vector_load %arg15[%swap3A_3108] {strides = array<i32>} : memref<256xf32, #tpu.memory_space<vmem>>, vector<16xf32>,
      tpu.vector_store %arg15[%swap3A_3108], %div3A_3107 {strides = array<i32>} : memref<256xf32, #tpu.memory_space<vmem>>, vector<16xf32>,
      %add3A_3110 = arith.constant 224 : i32
      %add3A_3111 = vector.broadcast %add3A_3110 : i32 to vector<16xi32>
      %add3A_3112 = arith.addi %add3A_3111, %iota3A : vector<16xi32>
      %mul3A_3113 = arith.constant 16 : i32
      %mul3A_3114 = vector.broadcast %mul3A_3113 : i32 to vector<16xi32>
      %mul3A_3115 = arith.muli %add3A_3112, %mul3A_3114 : vector<16xi32>
      %add3A_3116 = arith.constant 0 : i32
      %add3A_3117 = vector.broadcast %add3A_3116 : i32 to vector<16xi32>
      %add3A_3118 = arith.addi %mul3A_3115, %add3A_3117 : vector<16xi32>
      %gather3A_3119 = tpu.vector_load_idx %arg16[%add3A_3118] : memref<4096xf32, #tpu.memory_space<vmem>>[vector<16xi32>], vector<16xf32>,
      %add3A_3120 = arith.constant 1 : i32
      %add3A_3121 = vector.broadcast %add3A_3120 : i32 to vector<16xi32>
      %add3A_3122 = arith.addi %mul3A_3115, %add3A_3121 : vector<16xi32>
      %gather3A_3123 = tpu.vector_load_idx %arg16[%add3A_3122] : memref<4096xf32, #tpu.memory_space<vmem>>[vector<16xi32>], vector<16xf32>,
      %add3A_3124 = arith.constant 2 : i32
      %add3A_3125 = vector.broadcast %add3A_3124 : i32 to vector<16xi32>
      %add3A_3126 = arith.addi %mul3A_3115, %add3A_3125 : vector<16xi32>
      %gather3A_3127 = tpu.vector_load_idx %arg16[%add3A_3126] : memref<4096xf32, #tpu.memory_space<vmem>>[vector<16xi32>], vector<16xf32>,
      %add3A_3128 = arith.constant 3 : i32
      %add3A_3129 = vector.broadcast %add3A_3128 : i32 to vector<16xi32>
      %add3A_3130 = arith.addi %mul3A_3115, %add3A_3129 : vector<16xi32>
      %gather3A_3131 = tpu.vector_load_idx %arg16[%add3A_3130] : memref<4096xf32, #tpu.memory_space<vmem>>[vector<16xi32>], vector<16xf32>,
      %add3A_3132 = arith.constant 4 : i32
      %add3A_3133 = vector.broadcast %add3A_3132 : i32 to vector<16xi32>
      %add3A_3134 = arith.addi %mul3A_3115, %add3A_3133 : vector<16xi32>
      %gather3A_3135 = tpu.vector_load_idx %arg16[%add3A_3134] : memref<4096xf32, #tpu.memory_space<vmem>>[vector<16xi32>], vector<16xf32>,
      %add3A_3136 = arith.constant 5 : i32
      %add3A_3137 = vector.broadcast %add3A_3136 : i32 to vector<16xi32>
      %add3A_3138 = arith.addi %mul3A_3115, %add3A_3137 : vector<16xi32>
      %gather3A_3139 = tpu.vector_load_idx %arg16[%add3A_3138] : memref<4096xf32, #tpu.memory_space<vmem>>[vector<16xi32>], vector<16xf32>,
      %add3A_3140 = arith.constant 6 : i32
      %add3A_3141 = vector.broadcast %add3A_3140 : i32 to vector<16xi32>
      %add3A_3142 = arith.addi %mul3A_3115, %add3A_3141 : vector<16xi32>
      %gather3A_3143 = tpu.vector_load_idx %arg16[%add3A_3142] : memref<4096xf32, #tpu.memory_space<vmem>>[vector<16xi32>], vector<16xf32>,
      %add3A_3144 = arith.constant 7 : i32
      %add3A_3145 = vector.broadcast %add3A_3144 : i32 to vector<16xi32>
      %add3A_3146 = arith.addi %mul3A_3115, %add3A_3145 : vector<16xi32>
      %gather3A_3147 = tpu.vector_load_idx %arg16[%add3A_3146] : memref<4096xf32, #tpu.memory_space<vmem>>[vector<16xi32>], vector<16xf32>,
      %add3A_3148 = arith.constant 8 : i32
      %add3A_3149 = vector.broadcast %add3A_3148 : i32 to vector<16xi32>
      %add3A_3150 = arith.addi %mul3A_3115, %add3A_3149 : vector<16xi32>
      %gather3A_3151 = tpu.vector_load_idx %arg16[%add3A_3150] : memref<4096xf32, #tpu.memory_space<vmem>>[vector<16xi32>], vector<16xf32>,
      %add3A_3152 = arith.constant 9 : i32
      %add3A_3153 = vector.broadcast %add3A_3152 : i32 to vector<16xi32>
      %add3A_3154 = arith.addi %mul3A_3115, %add3A_3153 : vector<16xi32>
      %gather3A_3155 = tpu.vector_load_idx %arg16[%add3A_3154] : memref<4096xf32, #tpu.memory_space<vmem>>[vector<16xi32>], vector<16xf32>,
      %add3A_3156 = arith.constant 10 : i32
      %add3A_3157 = vector.broadcast %add3A_3156 : i32 to vector<16xi32>
      %add3A_3158 = arith.addi %mul3A_3115, %add3A_3157 : vector<16xi32>
      %gather3A_3159 = tpu.vector_load_idx %arg16[%add3A_3158] : memref<4096xf32, #tpu.memory_space<vmem>>[vector<16xi32>], vector<16xf32>,
      %add3A_3160 = arith.constant 11 : i32
      %add3A_3161 = vector.broadcast %add3A_3160 : i32 to vector<16xi32>
      %add3A_3162 = arith.addi %mul3A_3115, %add3A_3161 : vector<16xi32>
      %gather3A_3163 = tpu.vector_load_idx %arg16[%add3A_3162] : memref<4096xf32, #tpu.memory_space<vmem>>[vector<16xi32>], vector<16xf32>,
      %add3A_3164 = arith.constant 12 : i32
      %add3A_3165 = vector.broadcast %add3A_3164 : i32 to vector<16xi32>
      %add3A_3166 = arith.addi %mul3A_3115, %add3A_3165 : vector<16xi32>
      %gather3A_3167 = tpu.vector_load_idx %arg16[%add3A_3166] : memref<4096xf32, #tpu.memory_space<vmem>>[vector<16xi32>], vector<16xf32>,
      %add3A_3168 = arith.constant 13 : i32
      %add3A_3169 = vector.broadcast %add3A_3168 : i32 to vector<16xi32>
      %add3A_3170 = arith.addi %mul3A_3115, %add3A_3169 : vector<16xi32>
      %gather3A_3171 = tpu.vector_load_idx %arg16[%add3A_3170] : memref<4096xf32, #tpu.memory_space<vmem>>[vector<16xi32>], vector<16xf32>,
      %add3A_3172 = arith.constant 14 : i32
      %add3A_3173 = vector.broadcast %add3A_3172 : i32 to vector<16xi32>
      %add3A_3174 = arith.addi %mul3A_3115, %add3A_3173 : vector<16xi32>
      %gather3A_3175 = tpu.vector_load_idx %arg16[%add3A_3174] : memref<4096xf32, #tpu.memory_space<vmem>>[vector<16xi32>], vector<16xf32>,
      %add3A_3176 = arith.constant 15 : i32
      %add3A_3177 = vector.broadcast %add3A_3176 : i32 to vector<16xi32>
      %add3A_3178 = arith.addi %mul3A_3115, %add3A_3177 : vector<16xi32>
      %gather3A_3179 = tpu.vector_load_idx %arg16[%add3A_3178] : memref<4096xf32, #tpu.memory_space<vmem>>[vector<16xi32>], vector<16xf32>,
      %add3A_3180 = arith.addf %gather3A_3119, %gather3A_3123 : vector<16xf32>
      %add3A_3181 = arith.addf %gather3A_3127, %gather3A_3131 : vector<16xf32>
      %add3A_3182 = arith.addf %gather3A_3135, %gather3A_3139 : vector<16xf32>
      %add3A_3183 = arith.addf %gather3A_3143, %gather3A_3147 : vector<16xf32>
      %add3A_3184 = arith.addf %gather3A_3151, %gather3A_3155 : vector<16xf32>
      %add3A_3185 = arith.addf %gather3A_3159, %gather3A_3163 : vector<16xf32>
      %add3A_3186 = arith.addf %gather3A_3167, %gather3A_3171 : vector<16xf32>
      %add3A_3187 = arith.addf %gather3A_3175, %gather3A_3179 : vector<16xf32>
      %add3A_3188 = arith.addf %add3A_3180, %add3A_3181 : vector<16xf32>
      %add3A_3189 = arith.addf %add3A_3182, %add3A_3183 : vector<16xf32>
      %add3A_3190 = arith.addf %add3A_3184, %add3A_3185 : vector<16xf32>
      %add3A_3191 = arith.addf %add3A_3186, %add3A_3187 : vector<16xf32>
      %add3A_3192 = arith.addf %add3A_3188, %add3A_3189 : vector<16xf32>
      %add3A_3193 = arith.addf %add3A_3190, %add3A_3191 : vector<16xf32>
      %add3A_3194 = arith.addf %add3A_3192, %add3A_3193 : vector<16xf32>
      %add3A_3195 = arith.addf %add3A_3194, %get3A_20 : vector<16xf32>
      %neg3A_3196 = arith.constant 0.000000e+00 : f32
      %neg3A_3197 = vector.broadcast %neg3A_3196 : f32 to vector<16xf32>
      %neg3A_3198 = arith.subf %neg3A_3197, %add3A_3195 : vector<16xf32>
      %exp3A_3199 = math.exp %neg3A_3198 : vector<16xf32>
      %add3A_3200 = arith.constant 1.000000e+00 : f32
      %add3A_3201 = vector.broadcast %add3A_3200 : f32 to vector<16xf32>
      %add3A_3202 = arith.addf %add3A_3201, %exp3A_3199 : vector<16xf32>
      %div3A_3203 = arith.constant 1.000000e+00 : f32
      %div3A_3204 = vector.broadcast %div3A_3203 : f32 to vector<16xf32>
      %div3A_3205 = arith.divf %div3A_3204, %add3A_3202 : vector<16xf32>
      %swap3A_3206 = arith.constant 224 : index
      %swap3A_3207 = tpu.vector_load %arg15[%swap3A_3206] {strides = array<i32>} : memref<256xf32, #tpu.memory_space<vmem>>, vector<16xf32>,
      tpu.vector_store %arg15[%swap3A_3206], %div3A_3205 {strides = array<i32>} : memref<256xf32, #tpu.memory_space<vmem>>, vector<16xf32>,
      %add3A_3208 = arith.constant 240 : i32
      %add3A_3209 = vector.broadcast %add3A_3208 : i32 to vector<16xi32>
      %add3A_3210 = arith.addi %add3A_3209, %iota3A : vector<16xi32>
      %mul3A_3211 = arith.constant 16 : i32
      %mul3A_3212 = vector.broadcast %mul3A_3211 : i32 to vector<16xi32>
      %mul3A_3213 = arith.muli %add3A_3210, %mul3A_3212 : vector<16xi32>
      %add3A_3214 = arith.constant 0 : i32
      %add3A_3215 = vector.broadcast %add3A_3214 : i32 to vector<16xi32>
      %add3A_3216 = arith.addi %mul3A_3213, %add3A_3215 : vector<16xi32>
      %gather3A_3217 = tpu.vector_load_idx %arg16[%add3A_3216] : memref<4096xf32, #tpu.memory_space<vmem>>[vector<16xi32>], vector<16xf32>,
      %add3A_3218 = arith.constant 1 : i32
      %add3A_3219 = vector.broadcast %add3A_3218 : i32 to vector<16xi32>
      %add3A_3220 = arith.addi %mul3A_3213, %add3A_3219 : vector<16xi32>
      %gather3A_3221 = tpu.vector_load_idx %arg16[%add3A_3220] : memref<4096xf32, #tpu.memory_space<vmem>>[vector<16xi32>], vector<16xf32>,
      %add3A_3222 = arith.constant 2 : i32
      %add3A_3223 = vector.broadcast %add3A_3222 : i32 to vector<16xi32>
      %add3A_3224 = arith.addi %mul3A_3213, %add3A_3223 : vector<16xi32>
      %gather3A_3225 = tpu.vector_load_idx %arg16[%add3A_3224] : memref<4096xf32, #tpu.memory_space<vmem>>[vector<16xi32>], vector<16xf32>,
      %add3A_3226 = arith.constant 3 : i32
      %add3A_3227 = vector.broadcast %add3A_3226 : i32 to vector<16xi32>
      %add3A_3228 = arith.addi %mul3A_3213, %add3A_3227 : vector<16xi32>
      %gather3A_3229 = tpu.vector_load_idx %arg16[%add3A_3228] : memref<4096xf32, #tpu.memory_space<vmem>>[vector<16xi32>], vector<16xf32>,
      %add3A_3230 = arith.constant 4 : i32
      %add3A_3231 = vector.broadcast %add3A_3230 : i32 to vector<16xi32>
      %add3A_3232 = arith.addi %mul3A_3213, %add3A_3231 : vector<16xi32>
      %gather3A_3233 = tpu.vector_load_idx %arg16[%add3A_3232] : memref<4096xf32, #tpu.memory_space<vmem>>[vector<16xi32>], vector<16xf32>,
      %add3A_3234 = arith.constant 5 : i32
      %add3A_3235 = vector.broadcast %add3A_3234 : i32 to vector<16xi32>
      %add3A_3236 = arith.addi %mul3A_3213, %add3A_3235 : vector<16xi32>
      %gather3A_3237 = tpu.vector_load_idx %arg16[%add3A_3236] : memref<4096xf32, #tpu.memory_space<vmem>>[vector<16xi32>], vector<16xf32>,
      %add3A_3238 = arith.constant 6 : i32
      %add3A_3239 = vector.broadcast %add3A_3238 : i32 to vector<16xi32>
      %add3A_3240 = arith.addi %mul3A_3213, %add3A_3239 : vector<16xi32>
      %gather3A_3241 = tpu.vector_load_idx %arg16[%add3A_3240] : memref<4096xf32, #tpu.memory_space<vmem>>[vector<16xi32>], vector<16xf32>,
      %add3A_3242 = arith.constant 7 : i32
      %add3A_3243 = vector.broadcast %add3A_3242 : i32 to vector<16xi32>
      %add3A_3244 = arith.addi %mul3A_3213, %add3A_3243 : vector<16xi32>
      %gather3A_3245 = tpu.vector_load_idx %arg16[%add3A_3244] : memref<4096xf32, #tpu.memory_space<vmem>>[vector<16xi32>], vector<16xf32>,
      %add3A_3246 = arith.constant 8 : i32
      %add3A_3247 = vector.broadcast %add3A_3246 : i32 to vector<16xi32>
      %add3A_3248 = arith.addi %mul3A_3213, %add3A_3247 : vector<16xi32>
      %gather3A_3249 = tpu.vector_load_idx %arg16[%add3A_3248] : memref<4096xf32, #tpu.memory_space<vmem>>[vector<16xi32>], vector<16xf32>,
      %add3A_3250 = arith.constant 9 : i32
      %add3A_3251 = vector.broadcast %add3A_3250 : i32 to vector<16xi32>
      %add3A_3252 = arith.addi %mul3A_3213, %add3A_3251 : vector<16xi32>
      %gather3A_3253 = tpu.vector_load_idx %arg16[%add3A_3252] : memref<4096xf32, #tpu.memory_space<vmem>>[vector<16xi32>], vector<16xf32>,
      %add3A_3254 = arith.constant 10 : i32
      %add3A_3255 = vector.broadcast %add3A_3254 : i32 to vector<16xi32>
      %add3A_3256 = arith.addi %mul3A_3213, %add3A_3255 : vector<16xi32>
      %gather3A_3257 = tpu.vector_load_idx %arg16[%add3A_3256] : memref<4096xf32, #tpu.memory_space<vmem>>[vector<16xi32>], vector<16xf32>,
      %add3A_3258 = arith.constant 11 : i32
      %add3A_3259 = vector.broadcast %add3A_3258 : i32 to vector<16xi32>
      %add3A_3260 = arith.addi %mul3A_3213, %add3A_3259 : vector<16xi32>
      %gather3A_3261 = tpu.vector_load_idx %arg16[%add3A_3260] : memref<4096xf32, #tpu.memory_space<vmem>>[vector<16xi32>], vector<16xf32>,
      %add3A_3262 = arith.constant 12 : i32
      %add3A_3263 = vector.broadcast %add3A_3262 : i32 to vector<16xi32>
      %add3A_3264 = arith.addi %mul3A_3213, %add3A_3263 : vector<16xi32>
      %gather3A_3265 = tpu.vector_load_idx %arg16[%add3A_3264] : memref<4096xf32, #tpu.memory_space<vmem>>[vector<16xi32>], vector<16xf32>,
      %add3A_3266 = arith.constant 13 : i32
      %add3A_3267 = vector.broadcast %add3A_3266 : i32 to vector<16xi32>
      %add3A_3268 = arith.addi %mul3A_3213, %add3A_3267 : vector<16xi32>
      %gather3A_3269 = tpu.vector_load_idx %arg16[%add3A_3268] : memref<4096xf32, #tpu.memory_space<vmem>>[vector<16xi32>], vector<16xf32>,
      %add3A_3270 = arith.constant 14 : i32
      %add3A_3271 = vector.broadcast %add3A_3270 : i32 to vector<16xi32>
      %add3A_3272 = arith.addi %mul3A_3213, %add3A_3271 : vector<16xi32>
      %gather3A_3273 = tpu.vector_load_idx %arg16[%add3A_3272] : memref<4096xf32, #tpu.memory_space<vmem>>[vector<16xi32>], vector<16xf32>,
      %add3A_3274 = arith.constant 15 : i32
      %add3A_3275 = vector.broadcast %add3A_3274 : i32 to vector<16xi32>
      %add3A_3276 = arith.addi %mul3A_3213, %add3A_3275 : vector<16xi32>
      %gather3A_3277 = tpu.vector_load_idx %arg16[%add3A_3276] : memref<4096xf32, #tpu.memory_space<vmem>>[vector<16xi32>], vector<16xf32>,
      %add3A_3278 = arith.addf %gather3A_3217, %gather3A_3221 : vector<16xf32>
      %add3A_3279 = arith.addf %gather3A_3225, %gather3A_3229 : vector<16xf32>
      %add3A_3280 = arith.addf %gather3A_3233, %gather3A_3237 : vector<16xf32>
      %add3A_3281 = arith.addf %gather3A_3241, %gather3A_3245 : vector<16xf32>
      %add3A_3282 = arith.addf %gather3A_3249, %gather3A_3253 : vector<16xf32>
      %add3A_3283 = arith.addf %gather3A_3257, %gather3A_3261 : vector<16xf32>
      %add3A_3284 = arith.addf %gather3A_3265, %gather3A_3269 : vector<16xf32>
      %add3A_3285 = arith.addf %gather3A_3273, %gather3A_3277 : vector<16xf32>
      %add3A_3286 = arith.addf %add3A_3278, %add3A_3279 : vector<16xf32>
      %add3A_3287 = arith.addf %add3A_3280, %add3A_3281 : vector<16xf32>
      %add3A_3288 = arith.addf %add3A_3282, %add3A_3283 : vector<16xf32>
      %add3A_3289 = arith.addf %add3A_3284, %add3A_3285 : vector<16xf32>
      %add3A_3290 = arith.addf %add3A_3286, %add3A_3287 : vector<16xf32>
      %add3A_3291 = arith.addf %add3A_3288, %add3A_3289 : vector<16xf32>
      %add3A_3292 = arith.addf %add3A_3290, %add3A_3291 : vector<16xf32>
      %add3A_3293 = arith.addf %add3A_3292, %get3A_20 : vector<16xf32>
      %neg3A_3294 = arith.constant 0.000000e+00 : f32
      %neg3A_3295 = vector.broadcast %neg3A_3294 : f32 to vector<16xf32>
      %neg3A_3296 = arith.subf %neg3A_3295, %add3A_3293 : vector<16xf32>
      %exp3A_3297 = math.exp %neg3A_3296 : vector<16xf32>
      %add3A_3298 = arith.constant 1.000000e+00 : f32
      %add3A_3299 = vector.broadcast %add3A_3298 : f32 to vector<16xf32>
      %add3A_3300 = arith.addf %add3A_3299, %exp3A_3297 : vector<16xf32>
      %div3A_3301 = arith.constant 1.000000e+00 : f32
      %div3A_3302 = vector.broadcast %div3A_3301 : f32 to vector<16xf32>
      %div3A_3303 = arith.divf %div3A_3302, %add3A_3300 : vector<16xf32>
      %swap3A_3304 = arith.constant 240 : index
      %swap3A_3305 = tpu.vector_load %arg15[%swap3A_3304] {strides = array<i32>} : memref<256xf32, #tpu.memory_space<vmem>>, vector<16xf32>,
      tpu.vector_store %arg15[%swap3A_3304], %div3A_3303 {strides = array<i32>} : memref<256xf32, #tpu.memory_space<vmem>>, vector<16xf32>,
      %mul3A_3306 = arith.constant 256 : i32
      %mul3A_3307 = arith.muli %add3A_1690, %mul3A_3306 : i32
      %min3A_3308 = arith.constant 9744 : i32
      %min3A_3309 = arith.minsi %mul3A_3307, %min3A_3308 : i32
      %add3A_3310 = arith.addi %multiple_of3A, %min3A_3309 : i32
      %multiple_of3A_3311 = tpu.assume_multiple %add3A_3310, 8 : i32
      %dma_start3A_3312 = tpu.memref_slice %arg7[%multiple_of3A_3311] : memref<320000xf32, #tpu.memory_space<hbm>> -> memref<256xf32, #tpu.memory_space<hbm>>
      %dma_start3A_3313 = tpu.memref_slice %arg7[%multiple_of3A_3311] : memref<320000xf32, #tpu.memory_space<hbm>> -> memref<256xf32, #tpu.memory_space<hbm>>
      tpu.enqueue_dma source(%arg15 : memref<256xf32, #tpu.memory_space<vmem>>) target(%dma_start3A_3313 : memref<256xf32, #tpu.memory_space<hbm>>) target_semaphore(%arg24 : memref<!tpu.dma_semaphore, #tpu.memory_space<semaphore_mem>>)
      %scan3A_3314 = arith.constant 0 : i32
      scf.yield %scan3A_3314 : i32
    }
    %scan3A_62 = arith.constant 20 : i32
    %dma_wait3A = arith.constant 0 : i32
    %dma_wait3A_63 = tpu.memref_slice %arg7[%dma_wait3A] : memref<320000xf32, #tpu.memory_space<hbm>> -> memref<256xf32, #tpu.memory_space<hbm>>
    %dma_wait3A_64 = arith.constant 0 : i32
    %dma_wait3A_65 = tpu.memref_slice %arg7[%dma_wait3A_64] : memref<320000xf32, #tpu.memory_space<hbm>> -> memref<256xf32, #tpu.memory_space<hbm>>
    tpu.wait_dma2 semaphore(%arg23 : memref<!tpu.dma_semaphore, #tpu.memory_space<semaphore_mem>>) src(%arg14 : memref<256xf32, #tpu.memory_space<vmem>>) dst(%dma_wait3A_65 : memref<256xf32, #tpu.memory_space<hbm>>)
    %dma_wait3A_66 = arith.constant 0 : i32
    %dma_wait3A_67 = tpu.memref_slice %arg7[%dma_wait3A_66] : memref<320000xf32, #tpu.memory_space<hbm>> -> memref<256xf32, #tpu.memory_space<hbm>>
    %dma_wait3A_68 = arith.constant 0 : i32
    %dma_wait3A_69 = tpu.memref_slice %arg7[%dma_wait3A_68] : memref<320000xf32, #tpu.memory_space<hbm>> -> memref<256xf32, #tpu.memory_space<hbm>>
    tpu.wait_dma2 semaphore(%arg24 : memref<!tpu.dma_semaphore, #tpu.memory_space<semaphore_mem>>) src(%arg15 : memref<256xf32, #tpu.memory_space<vmem>>) dst(%dma_wait3A_69 : memref<256xf32, #tpu.memory_space<hbm>>)
    return
  }
}

module attributes {stable_mosaic.version = 14 : i64} {
  func.func @_tables_body(%arg0: i32, %arg1: memref<1000x128xf32, #tpu.memory_space<vmem>>, %arg2: memref<128x128xf32, #tpu.memory_space<vmem>>, %arg3: memref<128x128xf32, #tpu.memory_space<vmem>>, %arg4: memref<1x128xf32, #tpu.memory_space<vmem>>, %arg5: memref<1000x64xi32, #tpu.memory_space<vmem>>, %arg6: memref<1000x64xi32, #tpu.memory_space<vmem>>) attributes {dimension_semantics = [#tpu.dimension_semantics<arbitrary>], iteration_bounds = array<i64: 10>, scalar_prefetch = 0 : i64, scratch_operands = 0 : i64, tpu.core_type = #tpu.core_type<tc>, window_params = [{transform_indices = @transform_0, window_bounds = array<i64: 1000, 128>}, {pipeline_mode = #tpu.pipeline_mode<synchronous>, transform_indices = @transform_1, window_bounds = array<i64: 128, 128>}, {pipeline_mode = #tpu.pipeline_mode<synchronous>, transform_indices = @transform_2, window_bounds = array<i64: 128, 128>}, {pipeline_mode = #tpu.pipeline_mode<synchronous>, transform_indices = @transform_3, window_bounds = array<i64: 1, 128>}, {transform_indices = @transform_4, window_bounds = array<i64: 1000, 64>}, {transform_indices = @transform_5, window_bounds = array<i64: 1000, 64>}]} {
    %get3A = arith.constant 0 : index
    %get3A_0 = arith.constant 0 : index
    %get3A_1 = vector.load %arg1[%get3A, %get3A_0] : memref<1000x128xf32, #tpu.memory_space<vmem>>, vector<1000x128xf32>
    %convert_element_type3A = arith.truncf %get3A_1 : vector<1000x128xf32> to vector<1000x128xbf16>
    %get3A_2 = arith.constant 0 : index
    %get3A_3 = arith.constant 0 : index
    %get3A_4 = vector.load %arg2[%get3A_2, %get3A_3] : memref<128x128xf32, #tpu.memory_space<vmem>>, vector<128x128xf32>
    %convert_element_type3A_5 = arith.truncf %get3A_4 : vector<128x128xf32> to vector<128x128xbf16>
    %dot_general3A = arith.constant dense<0.000000e+00> : vector<1000x128xf32>
    %dot_general3A_6 = tpu.matmul %convert_element_type3A, %convert_element_type3A_5, %dot_general3A {dimension_numbers = #tpu.dot_dimension_numbers<[1], [1], [0], [0], [0, 0, 1, 0], [], []>, transpose_lhs_hint = false} : vector<1000x128xbf16>, vector<128x128xbf16>, vector<1000x128xf32> -> vector<1000x128xf32>
    %get3A_7 = arith.constant 0 : index
    %get3A_8 = arith.constant 0 : index
    %get3A_9 = vector.load %arg3[%get3A_7, %get3A_8] : memref<128x128xf32, #tpu.memory_space<vmem>>, vector<128x128xf32>
    %convert_element_type3A_10 = arith.truncf %get3A_9 : vector<128x128xf32> to vector<128x128xbf16>
    %dot_general3A_11 = arith.constant dense<0.000000e+00> : vector<1000x128xf32>
    %dot_general3A_12 = tpu.matmul %convert_element_type3A, %convert_element_type3A_10, %dot_general3A_11 {dimension_numbers = #tpu.dot_dimension_numbers<[1], [1], [0], [0], [0, 0, 1, 0], [], []>, transpose_lhs_hint = false} : vector<1000x128xbf16>, vector<128x128xbf16>, vector<1000x128xf32> -> vector<1000x128xf32>
    %get3A_13 = arith.constant 0 : index
    %get3A_14 = arith.constant 0 : index
    %get3A_15 = vector.load %arg4[%get3A_13, %get3A_14] : memref<1x128xf32, #tpu.memory_space<vmem>>, vector<1x128xf32>
    %add3A = vector.broadcast %get3A_15 : vector<1x128xf32> to vector<1000x128xf32>
    %add3A_16 = arith.addf %dot_general3A_6, %add3A : vector<1000x128xf32>
    %convert_element_type3A_17 = arith.truncf %add3A_16 : vector<1000x128xf32> to vector<1000x128xbf16>
    %bitcast_convert_type3A = tpu.bitcast %convert_element_type3A_17 : vector<1000x128xbf16> -> vector<1000x128xi16>
    %slice3A = vector.extract_strided_slice %bitcast_convert_type3A {offsets = [0, 0], sizes = [1000, 64], strides = [1, 1]} : vector<1000x128xi16> to vector<1000x64xi16>
    %convert_element_type3A_18 = arith.extui %slice3A : vector<1000x64xi16> to vector<1000x64xi32>
    %slice3A_19 = vector.extract_strided_slice %bitcast_convert_type3A {offsets = [0, 64], sizes = [1000, 64], strides = [1, 1]} : vector<1000x128xi16> to vector<1000x64xi16>
    %convert_element_type3A_20 = arith.extui %slice3A_19 : vector<1000x64xi16> to vector<1000x64xi32>
    %shift_left3A = arith.constant 16 : i32
    %shift_left3A_21 = vector.broadcast %shift_left3A : i32 to vector<1000x64xi32>
    %shift_left3A_22 = arith.shli %convert_element_type3A_20, %shift_left3A_21 : vector<1000x64xi32>
    %or3A = arith.ori %convert_element_type3A_18, %shift_left3A_22 : vector<1000x64xi32>
    %bitcast_convert_type3A_23 = tpu.bitcast %or3A : vector<1000x64xi32> -> vector<1000x64xi32>
    %swap3A = arith.constant 0 : index
    %swap3A_24 = arith.constant 0 : index
    %swap3A_25 = vector.load %arg5[%swap3A, %swap3A_24] : memref<1000x64xi32, #tpu.memory_space<vmem>>, vector<1000x64xi32>
    tpu.vector_store %arg5[%swap3A, %swap3A_24], %bitcast_convert_type3A_23 {strides = array<i32>} : memref<1000x64xi32, #tpu.memory_space<vmem>>, vector<1000x64xi32>,
    %convert_element_type3A_26 = arith.truncf %dot_general3A_12 : vector<1000x128xf32> to vector<1000x128xbf16>
    %bitcast_convert_type3A_27 = tpu.bitcast %convert_element_type3A_26 : vector<1000x128xbf16> -> vector<1000x128xi16>
    %slice3A_28 = vector.extract_strided_slice %bitcast_convert_type3A_27 {offsets = [0, 0], sizes = [1000, 64], strides = [1, 1]} : vector<1000x128xi16> to vector<1000x64xi16>
    %convert_element_type3A_29 = arith.extui %slice3A_28 : vector<1000x64xi16> to vector<1000x64xi32>
    %slice3A_30 = vector.extract_strided_slice %bitcast_convert_type3A_27 {offsets = [0, 64], sizes = [1000, 64], strides = [1, 1]} : vector<1000x128xi16> to vector<1000x64xi16>
    %convert_element_type3A_31 = arith.extui %slice3A_30 : vector<1000x64xi16> to vector<1000x64xi32>
    %shift_left3A_32 = arith.constant 16 : i32
    %shift_left3A_33 = vector.broadcast %shift_left3A_32 : i32 to vector<1000x64xi32>
    %shift_left3A_34 = arith.shli %convert_element_type3A_31, %shift_left3A_33 : vector<1000x64xi32>
    %or3A_35 = arith.ori %convert_element_type3A_29, %shift_left3A_34 : vector<1000x64xi32>
    %bitcast_convert_type3A_36 = tpu.bitcast %or3A_35 : vector<1000x64xi32> -> vector<1000x64xi32>
    %swap3A_37 = arith.constant 0 : index
    %swap3A_38 = arith.constant 0 : index
    %swap3A_39 = vector.load %arg6[%swap3A_37, %swap3A_38] : memref<1000x64xi32, #tpu.memory_space<vmem>>, vector<1000x64xi32>
    tpu.vector_store %arg6[%swap3A_37, %swap3A_38], %bitcast_convert_type3A_36 {strides = array<i32>} : memref<1000x64xi32, #tpu.memory_space<vmem>>, vector<1000x64xi32>,
    return
  }
  func.func @transform_0(%arg0: i32) -> (i32, i32) {
    %c0_i32 = arith.constant 0 : i32
    %c0_i32_0 = arith.constant 0 : i32
    return %arg0, %c0_i32 : i32, i32
  }
  func.func @transform_1(%arg0: i32) -> (i32, i32) {
    %c0_i32 = arith.constant 0 : i32
    %c0_i32_0 = arith.constant 0 : i32
    %c0_i32_1 = arith.constant 0 : i32
    return %c0_i32, %c0_i32_0 : i32, i32
  }
  func.func @transform_2(%arg0: i32) -> (i32, i32) {
    %c0_i32 = arith.constant 0 : i32
    %c0_i32_0 = arith.constant 0 : i32
    %c0_i32_1 = arith.constant 0 : i32
    return %c0_i32, %c0_i32_0 : i32, i32
  }
  func.func @transform_3(%arg0: i32) -> (i32, i32) {
    %c0_i32 = arith.constant 0 : i32
    %c0_i32_0 = arith.constant 0 : i32
    %c0_i32_1 = arith.constant 0 : i32
    return %c0_i32, %c0_i32_0 : i32, i32
  }
  func.func @transform_4(%arg0: i32) -> (i32, i32) {
    %c0_i32 = arith.constant 0 : i32
    %c0_i32_0 = arith.constant 0 : i32
    return %arg0, %c0_i32 : i32, i32
  }
  func.func @transform_5(%arg0: i32) -> (i32, i32) {
    %c0_i32 = arith.constant 0 : i32
    %c0_i32_0 = arith.constant 0 : i32
    return %arg0, %c0_i32 : i32, i32
  }
}

</mosaic_0001>

<sc_bundles>
// kernel: kernel.4.cloned.1.call-start
scs
__scs_entry_jumppad:
0x0: {  	(pc) =	sbr.rel $0x88, $3  }
0x1: {  	(tag) =	ssettag $0x0;
	lr =	simm.s32 $0x1  }
0x2: {  	[smem:$0x3F9B] =	sst lr;
	_ =	strace $0xD0000000  }
0x3: {  	_ = 	snop  }
0x4: {  	_ = 	snop  }
0x5: {  	_ = 	snop  }
0x6: {  	_ = 	snop  }
0x7: {  	_ = 	snop  }
__scs_overlays_trampoline_lowered:
0x8: {  	[smem:$0x3FAA] =	sst s0  }
0x9: {  	[smem:$0x3FAB] =	sst s1  }
0xa: {  	[smem:$0x3FAC] =	sst s2  }
0xb: {  	[smem:$0x3FAD] =	sst s3  }
0xc: {  	[smem:$0x3FAE] =	sst s4  }
0xd: {  	[smem:$0x3FAF] =	sst s5  }
0xe: {  	[smem:$0x3FB0] =	sst s6  }
0xf: {  	[smem:$0x3FB1] =	sst s7  }
0x10: {  	[smem:$0x3FB2] =	sst s8  }
0x11: {  	[smem:$0x3FB3] =	sst s9;
	s0 =	simm.s32 @!p0 $0x0  }
0x12: {  	s1 =	sld [smem:$0x3F99];
	s0 =	simm.s32 @p0 $0x1  }
0x13: {  	[smem:$0x3FB4] =	sst s0;
	s0 =	simm.s32 @!p1 $0x0  }
0x14: {  	s2 =	sld [smem:$0x3F98];
	s0 =	simm.s32 @p1 $0x1  }
0x15: {  	[smem:$0x3FB5] =	sst s0;
	s0 =	simm.s32 @!p2 $0x0  }
0x16: {  	s3 =	sld [smem:$0x3FDB];
	s0 =	simm.s32 @p2 $0x1  }
0x17: {  	s4 =	simm.s32 $0x1BF5;
	[smem:$0x3FB7] =	sst s0  }
0x18: {  	s0 =	sld [smem:$0x3F9A];
	_ =	swait.ge [sflag:s4], $0x0  }
0x19: {  	s7 =	sld [smem:$0x3F9B]  }
0x1a: {  	s8 =	sadd.s32 $0xFFFFE003, lr  }
0x1b: {  	s9 =	sadd.s32 $0xFFFFFEF7, lr;
	s5 =	simm.s32 $0xFFFFFFFF;
	p2 =	slt.u32 s8, $0xFFFFF086  }
0x1c: {  	p1 =	slt.u32 s9, $0xF7A;
	s5 =	simm.s32 @!p2 $0x0  }
0x1d: {  	s5 =	simm.s32 @p1 $0x1;
	p0 =	seq.s32 s7, s2  }
0x1e: {  	s7 =	smul.u32 @!p0 $0xF7A, s2;
	p2 =	seq.s32 @!p0 s5, $0x0  }
0x1f: {  	s9 =	smul.u32 $0xF7A, s1;
	s8 =	simm.s32 @!p0 $0x1BF5;
	p2 =	por !p2, p0  }
0x20: {  	[sflag:s8] =	ssyncset.s32 @!p0 $0xFFFFF086;
	s6 =	sadd.s32 @!p0 s3, s7;
	s7 =	simm.s32 @!p0 $0x108  }
0x21: {  	s3 =	sadd.s32 s3, s9;
	s6 =	sadd.s32 @!p0 $0x88, s6;
	s7 =	simm.s32 @p2 $0x1082  }
0x22: {  	[simem:s7], [sflag:s8] =	dma.local @!p0 [hbm:s6], $0xF7A  }
0x23: {  	s9 =	sor.u32 $0xD0000000, s2;
	s6 =	simm.s32 $0x108;
	_ =	swait.ge @!p0 [sflag:s8], $0x0  }
0x24: {  	s3 =	sadd.s32 $0x88, s3;
	s6 =	simm.s32 @!p1 $0x1082;
	[sflag:s4] =	ssyncset.s32 $0xFFFFF086  }
0x25: {  	[simem:s6], [sflag:s4] =	dma.local [hbm:s3], $0xF7A  }
0x26: {  	[smem:$0x3F9B] =	sst s1;
	(tag) =	ssettag s2;
	_ =	strace s9  }
0x27: {  	s1 =	sld [smem:$0x3FAB]  }
0x28: {  	s2 =	sld [smem:$0x3FAC]  }
0x29: {  	s4 =	sld [smem:$0x3FAE]  }
0x2a: {  	p0 =	seq.s32 s5, $0x0;
	s5 =	sld [smem:$0x3FAF]  }
0x2b: {  	s6 =	sld [smem:$0x3FB0]  }
0x2c: {  	s7 =	sld [smem:$0x3FB1]  }
0x2d: {  	s3 =	simm.s32 $0x108;
	s8 =	sld [smem:$0x3FB2]  }
0x2e: {  	s3 =	simm.s32 @!p0 $0x1082;
	s9 =	sld [smem:$0x3FB3]  }
0x2f: {  	lr =	sadd.s32 s0, s3;
	s0 =	sld [smem:$0x3FAA]  }
0x30: {  	s3 =	sld [smem:$0x3FAD]  }
0x31: {  	[smem:$0x3FB6] =	sst s10  }
0x32: {  	s10 =	sld [smem:$0x3FB4];
	_ =	sdelay $0x3  }
0x33: {  	p0 =	seq.s32 s10, $0x1;
	s10 =	sld [smem:$0x3FB6];
	_ =	sdelay $0x3  }
0x34: {  	[smem:$0x3FB6] =	sst s10  }
0x35: {  	s10 =	sld [smem:$0x3FB5];
	_ =	sdelay $0x3  }
0x36: {  	p1 =	seq.s32 s10, $0x1;
	s10 =	sld [smem:$0x3FB6];
	_ =	sdelay $0x3  }
0x37: {  	[smem:$0x3FB6] =	sst s10  }
0x38: {  	s10 =	sld [smem:$0x3FB7]  }
0x39: {  	_ = 	snop;
	(pc) =	sbr.ind lr, $3  }
0x3a: {  	_ = 	snop  }
0x3b: {  	_ = 	snop  }
0x3c: {  	p2 =	seq.s32 s10, $0x1;
	s10 =	sld [smem:$0x3FB6]  }
0x3d: {  	_ =	shalt  }
0x3e: {  	_ =	shalt  }
0x3f: {  	_ =	shalt  }
0x40: {  	_ =	shalt  }
0x41: {  	_ =	shalt  }
0x42: {  	_ =	shalt  }
0x43: {  	_ =	shalt  }
0x44: {  	_ =	shalt  }
0x45: {  	_ =	shalt  }
0x46: {  	_ =	shalt  }
0x47: {  	_ =	shalt  }
0x48: {  	_ =	shalt  }
0x49: {  	_ =	shalt  }
0x4a: {  	_ =	shalt  }
0x4b: {  	_ =	shalt  }
0x4c: {  	_ =	shalt  }
0x4d: {  	_ =	shalt  }
0x4e: {  	_ =	shalt  }
0x4f: {  	_ =	shalt  }
0x50: {  	_ =	shalt  }
0x51: {  	_ =	shalt  }
0x52: {  	_ =	shalt  }
0x53: {  	_ =	shalt  }
0x54: {  	_ =	shalt  }
0x55: {  	_ =	shalt  }
0x56: {  	_ =	shalt  }
0x57: {  	_ =	shalt  }
0x58: {  	_ =	shalt  }
0x59: {  	_ =	shalt  }
0x5a: {  	_ =	shalt  }
0x5b: {  	_ =	shalt  }
0x5c: {  	_ =	shalt  }
0x5d: {  	_ =	shalt  }
0x5e: {  	_ =	shalt  }
0x5f: {  	_ =	shalt  }
0x60: {  	_ =	shalt  }
0x61: {  	_ =	shalt  }
0x62: {  	_ =	shalt  }
0x63: {  	_ =	shalt  }
0x64: {  	_ =	shalt  }
0x65: {  	_ =	shalt  }
0x66: {  	_ =	shalt  }
0x67: {  	_ =	shalt  }
0x68: {  	_ =	shalt  }
0x69: {  	_ =	shalt  }
0x6a: {  	_ =	shalt  }
0x6b: {  	_ =	shalt  }
0x6c: {  	_ =	shalt  }
0x6d: {  	_ =	shalt  }
0x6e: {  	_ =	shalt  }
0x6f: {  	_ =	shalt  }
0x70: {  	_ =	shalt  }
0x71: {  	_ =	shalt  }
0x72: {  	_ =	shalt  }
0x73: {  	_ =	shalt  }
0x74: {  	_ =	shalt  }
0x75: {  	_ =	shalt  }
0x76: {  	_ =	shalt  }
0x77: {  	_ =	shalt  }
0x78: {  	_ =	shalt  }
0x79: {  	_ =	shalt  }
0x7a: {  	_ =	shalt  }
0x7b: {  	_ =	shalt  }
0x7c: {  	_ =	shalt  }
0x7d: {  	_ =	shalt  }
0x7e: {  	_ =	shalt  }
0x7f: {  	_ =	shalt  }
0x80: {  	_ =	shalt  }
0x81: {  	_ =	shalt  }
0x82: {  	_ =	shalt  }
0x83: {  	_ =	shalt  }
0x84: {  	_ =	shalt  }
0x85: {  	_ =	shalt  }
0x86: {  	_ =	shalt  }
0x87: {  	_ =	shalt  }
.Lfunc_end0:
.L_simem_size_0:
called_computation_lowered:
.L_overlay_start_0:
0x88: {  	s2 =	sld [smem:$0x3FD9]  }
0x89: {  	s3 =	sld [smem:$0x3FFE];
	_ =	sdelay $0x1  }
0x8a: {  	s1 =	srdreg.scid  }
0x8b: {  	s0 =	sand.u32 $0x1, s1  }
0x8c: {  	s17 =	sshll.u32 s0, $0xA;
	s2 =	sadd.s32 s3, s2  }
0x8d: {  	s2 =	sadd.s32 s2, s17  }
0x8e: {  	[smem:$0x3FC2] =	sst s2  }
0x8f: {  	_ = 	snop  }
0x90: {  	s2 =	sld [smem:$0x3FD0];
	(tm) =	ssettm $0x1  }
0x91: {  	s18 =	sld [smem:$0x3FFB];
	_ =	sdelay $0x3  }
0x92: {  	_ =	strace s18  }
0x93: {  	s3 =	sld [smem:$0x3FFC];
	_ =	sdelay $0x3  }
0x94: {  	_ =	strace s3  }
0x95: {  	s3 =	sld [smem:$0x3FFD];
	_ =	sdelay $0x3  }
0x96: {  	_ =	strace s3  }
0x97: {  	_ =	strace $0x8FFFFFFF  }
0x98: {  	s19 =	sld [smem:$0x3FDB];
	_ =	sdelay $0x1  }
0x99: {  	s4 =	simm.s32 $_scs_section_size  }
0x9a: {  	s5 =	simm.s32 $_size__tile_overlayer_lowered;
	s6 =	simm.s32 $_tile_overlayer_lowered  }
0x9b: {  	s22 =	simm.s32 $0x1BFF;
	s21 =	sshll.u32 s6, $0x1;
	s3 =	sadd.s32 s4, s19  }
0x9c: {  	s7 =	simm.s32 $0x0;
	s20 =	sshll.u32 s5, $0x1;
	s5 =	sadd.s32 s21, s3  }
0x9d: {  	[timem:s7], [sflag:s22] =	dma.local [hbm:s5], s20  }
0x9e: {  	_ =	swait.ge [sflag:s22], s20  }
0x9f: {  	s4 =	ssub.s32 $0x0, s20;
	[sflag:s22] =	ssyncset.done $0x0  }
0xa0: {  	[sflag:s22] =	ssyncadd.s32 s4;
	_ =	sdelay $0x1  }
0xa1: {  	s23 =	simm.s32 $0x1B8B  }
0xa2: {  	_ =	swait.ge [sflag:s23], $0x1  }
0xa3: {  	[sflag:s23] =	ssyncset.done $0x0  }
0xa4: {  	s25 =	simm.s32 $0x1B8E;
	s24 =	sld [smem:$0x3FFE];
	[sflag:s23] =	ssyncadd.s32 $0xFFFFFFFF  }
0xa5: {  	s26 =	simm.s32 $execute0_lowered;
	[smem:$0x3FD2] =	sst s25  }
0xa6: {  	s5 =	sshll.u32 s26, $0x1;
	_ =	strace $0x80000046;
	[dreg:$0x1] =	wrdreg $0xFFFFFFFF  }
0xa7: {  	s28 =	simm.s32 $_size_execute0_lowered;
	s3 =	sadd.s32 s3, s5;
	[dreg:$0x0] =	wrdreg $0x0  }
0xa8: {  	s5 =	sshll.u32 s28, $0x1;
	[dreg:$0x2] =	wrdreg s3  }
0xa9: {  	[dreg:$0x3] =	wrdreg s5  }
0xaa: {  	[dreg:$0x4] =	wrdreg $0xC0  }
0xab: {  	_ =	task [dreg:s7], $0x5FFFF  }
0xac: {  	[dreg:$0x1] =	wrdreg $0xFFFFFFFF  }
0xad: {  	[dreg:$0x0] =	wrdreg $0x60  }
0xae: {  	[dreg:$0x2] =	wrdreg s24  }
0xaf: {  	[dreg:$0x3] =	wrdreg s2  }
0xb0: {  	[dreg:$0x4] =	wrdreg $0x9  }
0xb1: {  	_ =	task.clear_ibuf [dreg:s7], $0x5FFFF;
	_ =	strace $0x90000046  }
0xb2: {  	s29 =	simm.s32 $0x9;
	_ =	strace $0x80000048  }
0xb3: {  	_ =	swait.ge [sflag:s29], $0x1  }
0xb4: {  	[sflag:s29] =	ssyncadd.s32 $0xFFFFFFFF  }
0xb5: {  	_ =	strace $0x90000048  }
0xb6: {  	_ =	sfence  }
0xb7: {  	s30 =	sld [smem:$0x0];
	_ =	sdelay $0x2  }
0xb8: {  	s31 =	sshll.u32 s1, $0xD;
	s1 =	sshrl.u32 s1, $0x2  }
0xb9: {  	s3 =	sand.u32 $0x4000, s31;
	s1 =	sadd.s32 s1, s30  }
0xba: {  	s0 =	sor.u32 s3, s0;
	s1 =	sshll.u32 s1, $0x11  }
0xbb: {  	s0 =	sor.u32 s1, s0  }
0xbc: {  	s0 =	sadd.s32 $0x8F2B, s0  }
0xbd: {  	[sflag:s0] =	ssyncadd.remote.s32 $0x1  }
0xbe: {  	_ =	sfence.sel $0xFFFF  }
0xbf: {  	[dreg:$0x0] =	wrdreg $0xFFFFFFFF;
	(pc) =	sbr.abs _section_cstart, $3  }
0xc0: {  	[dreg:$0x1] =	wrdreg $0xFFFFFFFF  }
0xc1: {  	_ =	task.clear_ibuf [dreg:s7], $0x2FFFF;
	_ =	strace $0x9FFFFFFF  }
0xc2: {  	(tm) =	ssettm $0x7FFFFFFF  }
0xc3: {  	_ =	shalt  }
tec
execute0_lowered:
.L_overlay_start_1:
0x0: {  	(tag) =	ssettag $0x1  }
0x1: {  	v0 =	vlaneseq.u32  }
0x2: {  	v0 =	vmul.u32 $0x10, v0;
	_ =	sdelay $0x1  }
0x3: {  	v2 =	vor.u32 $0x4, v0  }
0x4: {  	[tilespmem:$0x1FCB0] =	vst v2;
	v2 =	vor.u32 $0x5, v0  }
0x5: {  	[tilespmem:$0x1FCC0] =	vst v2;
	v2 =	vor.u32 $0x6, v0  }
0x6: {  	[tilespmem:$0x1FCD0] =	vst v2;
	v2 =	vor.u32 $0x7, v0  }
0x7: {  	[tilespmem:$0x1FCE0] =	vst v2;
	v2 =	vor.u32 $0x8, v0  }
0x8: {  	[tilespmem:$0x1FCF0] =	vst v2;
	v2 =	vor.u32 $0x9, v0  }
0x9: {  	[tilespmem:$0x1FD00] =	vst v2;
	v2 =	vor.u32 $0xA, v0  }
0xa: {  	[tilespmem:$0x1FD10] =	vst v2;
	v2 =	vor.u32 $0xB, v0  }
0xb: {  	[tilespmem:$0x1FD20] =	vst v2;
	v2 =	vor.u32 $0xC, v0  }
0xc: {  	s3 =	stileid.u32;
	[tilespmem:$0x1FD30] =	vst v2;
	v2 =	vor.u32 $0xD, v0  }
0xd: {  	s0 =	rddreg [dreg:$0x0];
	s4 =	sshll.u32 s3, $0x1;
	s3 =	simm.s32 $0x0;
	[tilespmem:$0x1FD40] =	vst v2;
	v2 =	vor.u32 $0xE, v0  }
0xe: {  	[smem:$0x7FF] =	sst s3;
	[tilespmem:$0x1FD50] =	vst v2;
	v2 =	vor.u32 $0xF, v0  }
0xf: {  	s2 =	rddreg [dreg:$0x1];
	v45 =	vor.u32 $0x1, v0;
	_ =	strace $0x80000047;
	[tilespmem:$0x1FD60] =	vst v2  }
0x10: {  	v46 =	vor.u32 $0x2, v0;
	[tilespmem:$0x1FFD0] =	vst v45  }
0x11: {  	v47 =	vor.u32 $0x3, v0;
	[tilespmem:$0x1FFE0] =	vst v46  }
0x12: {  	v2 =	vor.u32 $0x100, v0;
	[tilespmem:$0x1FFF0] =	vst v47  }
0x13: {  	[tilespmem:$0x1FD70] =	vst v2;
	v2 =	vor.u32 $0x101, v0  }
0x14: {  	[tilespmem:$0x1FD80] =	vst v2;
	v2 =	vor.u32 $0x102, v0  }
0x15: {  	[tilespmem:$0x1FD90] =	vst v2;
	v2 =	vor.u32 $0x103, v0  }
0x16: {  	[tilespmem:$0x1FDA0] =	vst v2;
	v2 =	vor.u32 $0x104, v0  }
0x17: {  	[tilespmem:$0x1FDB0] =	vst v2;
	v2 =	vor.u32 $0x105, v0  }
0x18: {  	[tilespmem:$0x1FDC0] =	vst v2;
	v2 =	vor.u32 $0x106, v0  }
0x19: {  	[tilespmem:$0x1FDD0] =	vst v2;
	v2 =	vor.u32 $0x107, v0  }
0x1a: {  	[tilespmem:$0x1FDE0] =	vst v2;
	v2 =	vor.u32 $0x108, v0  }
0x1b: {  	[tilespmem:$0x1FDF0] =	vst v2;
	v2 =	vor.u32 $0x109, v0  }
0x1c: {  	[tilespmem:$0x1FE00] =	vst v2;
	v2 =	vor.u32 $0x10A, v0  }
0x1d: {  	[tilespmem:$0x1FE10] =	vst v2;
	v2 =	vor.u32 $0x10B, v0  }
0x1e: {  	[tilespmem:$0x1FE20] =	vst v2;
	v2 =	vor.u32 $0x10C, v0  }
0x1f: {  	[tilespmem:$0x1FE30] =	vst v2;
	v2 =	vor.u32 $0x10D, v0  }
0x20: {  	[tilespmem:$0x1FE40] =	vst v2;
	v2 =	vor.u32 $0x10E, v0  }
0x21: {  	[tilespmem:$0x1FE50] =	vst v2;
	v2 =	vor.u32 $0x10F, v0  }
0x22: {  	[tilespmem:$0x1FE60] =	vst v2;
	v2 =	vor.u32 $0x200, v0  }
0x23: {  	[tilespmem:$0x1FE70] =	vst v2;
	v2 =	vor.u32 $0x201, v0  }
0x24: {  	[tilespmem:$0x1FE80] =	vst v2;
	v2 =	vor.u32 $0x202, v0  }
0x25: {  	[tilespmem:$0x1FE90] =	vst v2;
	v2 =	vor.u32 $0x203, v0  }
0x26: {  	[tilespmem:$0x1FEA0] =	vst v2;
	v2 =	vor.u32 $0x204, v0  }
0x27: {  	[tilespmem:$0x1FEB0] =	vst v2;
	v2 =	vor.u32 $0x205, v0  }
0x28: {  	[tilespmem:$0x1FEC0] =	vst v2;
	v2 =	vor.u32 $0x206, v0  }
0x29: {  	[tilespmem:$0x1FED0] =	vst v2;
	v2 =	vor.u32 $0x207, v0  }
0x2a: {  	[tilespmem:$0x1FEE0] =	vst v2;
	v2 =	vor.u32 $0x208, v0  }
0x2b: {  	[tilespmem:$0x1FEF0] =	vst v2;
	v2 =	vor.u32 $0x209, v0  }
0x2c: {  	[tilespmem:$0x1FF00] =	vst v2;
	v2 =	vor.u32 $0x20A, v0  }
0x2d: {  	s1 =	srdreg.scid;
	[tilespmem:$0x1FF10] =	vst v2;
	v2 =	vor.u32 $0x20B, v0  }
0x2e: {  	s13 =	simm.s32 $0x7;
	s16 =	simm.s32 $0x80;
	s22 =	simm.s32 $0x8E20;
	[tilespmem:$0x1FF20] =	vst v2;
	v2 =	vor.u32 $0x20C, v0  }
0x2f: {  	s23 =	simm.s32 $0x10E20;
	s24 =	simm.s32 $0xAE20;
	s25 =	simm.s32 $0x12E20;
	[tilespmem:$0x1FF30] =	vst v2;
	v2 =	vor.u32 $0x20D, v0  }
0x30: {  	s28 =	simm.s32 $0x3;
	s29 =	simm.s32 $0x15020;
	s30 =	simm.s32 $0x14E20;
	[tilespmem:$0x1FF40] =	vst v2;
	v2 =	vor.u32 $0x20E, v0  }
0x31: {  	s31 =	simm.s32 $0x2;
	s12 =	simm.s32 $0x5;
	s1 =	sand.u32 $0x1, s1;
	[tilespmem:$0x1FF50] =	vst v2;
	v2 =	vor.u32 $0x20F, v0  }
0x32: {  	s14 =	simm.s32 $0x6;
	s17 =	simm.s32 $0x0;
	s4 =	sor.u32 s1, s4;
	[tilespmem:$0x1FF60] =	vst v2;
	v2 =	vor.u32 $0x300, v0  }
0x33: {  	s5 =	sadd.s32 $0x14000, s0;
	s1 =	ssub.s32 $0x2, s1;
	s4 =	smul.u32 $0x2710, s4;
	[tilespmem:$0x1FF70] =	vst v2;
	v2 =	vor.u32 $0x301, v0  }
0x34: {  	s6 =	sadd.s32 $0x600, s0;
	s9 =	sadd.s32 $0x3B400, s0;
	s8 =	sshrl.u32 s1, $0x1;
	[tilespmem:$0x1FF80] =	vst v2;
	v2 =	vor.u32 $0x302, v0  }
0x35: {  	s26 =	ssub.s32 s1, s8;
	s1 =	simm.s32 $0x4;
	s7 =	sshrl.u32 s4, $0x3;
	[tilespmem:$0x1FF90] =	vst v2;
	v2 =	vor.u32 $0x303, v0  }
0x36: {  	s11 =	smax.u32 s26, $0x1;
	s26 =	simm.s32 $0x1;
	s7 =	sadd.s32 s7, s0;
	[tilespmem:$0x1FFA0] =	vst v2;
	v2 =	vor.u32 $0x304, v0  }
0x37: {  	s0 =	sadd.s32 $0x3B600, s0;
	s10 =	sadd.s32 $0x31640, s7;
	[dreg:$0x3] =	wrdreg s9;
	[tilespmem:$0x1FFB0] =	vst v2;
	v2 =	vor.u32 $0x305, v0  }
0x38: {  	v1 =	vimm.bf16 $0.0e+00;
	[dreg:$0x4] =	wrdreg s0;
	s9 =	sadd.s32 $0x27A00, s7;
	s0 =	simm.s32 $0x14F20;
	[tilespmem:$0x1FFC0] =	vst v2  }
.LBB2_1:
0x39: {  	s7 =	rddreg [dreg:$0x3];
	s8 =	simm.s32 $0x16020  }
0x3a: {  	[tilespmem:s8], [sflag:$0x7] =	stream.linear.gather [hbm4b:s7+s3], $0x40, $0x38;
	[tilespmem:$0x16070] =	vst v63  }
0x3b: {  	_ =	swait.ge [sflag:s13], $0x40  }
0x3c: {  	[sflag:s13] =	ssyncset.done $0x0  }
0x3d: {  	s20 =	simm.s32 $0x16060;
	s19 =	rddreg [dreg:$0x4];
	[sflag:s13] =	ssyncadd.s32 $0xFFFFFFC0  }
0x3e: {  	[tilespmem:s20], [sflag:$0x7] =	stream.linear.gather [hbm4b:s19+s3], $0x10, $0x38;
	[tilespmem:$0x16070] =	vst v63  }
0x3f: {  	_ =	swait.ge [sflag:s13], $0x10  }
0x40: {  	[sflag:s13] =	ssyncset.done $0x0  }
0x41: {  	[sflag:s13] =	ssyncadd.s32 $0xFFFFFFF0  }
0x42: {  	[tilespmem:s3], [sflag:$0x7] =	stream.linear.gather [hbm4b:s9+s3], $0x2710, $0x38;
	[tilespmem:$0x16070] =	vst v63  }
0x43: {  	_ =	swait.ge [sflag:s13], $0x2710  }
0x44: {  	[sflag:s13] =	ssyncset.done $0x0  }
0x45: {  	s21 =	simm.s32 $0x2710;
	[sflag:s13] =	ssyncadd.s32 $0xFFFFD8F0  }
0x46: {  	[tilespmem:s21], [sflag:$0x7] =	stream.linear.gather [hbm4b:s10+s3], $0x2710, $0x38;
	[tilespmem:$0x16070] =	vst v63  }
0x47: {  	_ =	swait.ge [sflag:s13], $0x2710  }
0x48: {  	[sflag:s13] =	ssyncset.done $0x0  }
0x49: {  	[sflag:s13] =	ssyncadd.s32 $0xFFFFD8F0  }
0x4a: {  	v55 =	vld [tilespmem:$0x16020]  }
0x4b: {  	v56 =	vld [tilespmem:$0x16030]  }
0x4c: {  	v57 =	vld [tilespmem:$0x16040]  }
0x4d: {  	s15 =	simm.s32 $0x4E20;
	v58 =	vld [tilespmem:$0x16050]  }
0x4e: {  	v59 =	vld [tilespmem:$0x16060];
	[tilespmem:s15], [sflag:$0x1] =	stream.indirect.gather [hbm4b:s5+s16], $0x40, s3, s16, $0xb8  }
0x4f: {  	s18 =	simm.s32 $0xCE20  }
0x50: {  	[tilespmem:s18], [sflag:$0x3] =	stream.indirect.gather [hbm4b:s6+s16], $0x40, s21, s16, $0xb8;
	[tilespmem:$0x16070] =	vst v63  }
0x51: {  	s19 =	simm.s32 $0x6E20  }
0x52: {  	[tilespmem:s19], [sflag:$0x1] =	stream.indirect.gather [hbm4b:s5+s16], $0x40, s16, s16, $0xb8;
	[tilespmem:$0x16070] =	vst v63  }
0x53: {  	s20 =	simm.s32 $0x2790;
	s21 =	simm.s32 $0xEE20;
	s18 =	simm.s32 $0x0  }
0x54: {  	[tilespmem:s21], [sflag:$0x3] =	stream.indirect.gather [hbm4b:s6+s16], $0x40, s20, s16, $0xb8;
	[tilespmem:$0x16070] =	vst v63  }
.LBB2_2:
0x55: {  	s20 =	sshll.u32 s18, $0x9  }
0x56: {  	s7 =	sor.u32 $0x100, s20  }
0x57: {  	s19 =	smin.u32 s7, $0x2610  }
0x58: {  	[tilespmem:s22], [sflag:$0x2] =	stream.indirect.gather [hbm4b:s5+s16], $0x40, s19, s16, $0xb8;
	[tilespmem:$0x16070] =	vst v63  }
0x59: {  	s7 =	sadd.s32 $0x2710, s19  }
0x5a: {  	[tilespmem:s23], [sflag:$0x4] =	stream.indirect.gather [hbm4b:s6+s16], $0x40, s7, s16, $0xb8;
	[tilespmem:$0x16070] =	vst v63  }
0x5b: {  	s15 =	sor.u32 $0x80, s19  }
0x5c: {  	[tilespmem:s24], [sflag:$0x2] =	stream.indirect.gather [hbm4b:s5+s16], $0x40, s15, s16, $0xb8;
	[tilespmem:$0x16070] =	vst v63  }
0x5d: {  	s21 =	sadd.s32 $0x2790, s19  }
0x5e: {  	[tilespmem:s25], [sflag:$0x4] =	stream.indirect.gather [hbm4b:s6+s16], $0x40, s21, s16, $0xb8;
	[tilespmem:$0x16070] =	vst v63  }
0x5f: {  	_ =	swait.ge [sflag:s26], $0x2000  }
0x60: {  	[sflag:s26] =	ssyncset.done $0x0  }
0x61: {  	[sflag:s26] =	ssyncadd.s32 $0xFFFFE000  }
0x62: {  	_ =	swait.ge [sflag:s28], $0x2000  }
0x63: {  	[sflag:s28] =	ssyncset.done $0x0  }
0x64: {  	[sflag:s28] =	ssyncadd.s32 $0xFFFFE000  }
0x65: {  	_ =	swait.ge [sflag:s26], $0x2000  }
0x66: {  	[sflag:s26] =	ssyncset.done $0x0  }
0x67: {  	[sflag:s26] =	ssyncadd.s32 $0xFFFFE000  }
0x68: {  	_ =	swait.ge [sflag:s28], $0x2000  }
0x69: {  	p0 =	seq.s32 s18, $0x0;
	[sflag:s28] =	ssyncset.done $0x0  }
0x6a: {  	s7 =	simm.s32 @!p0 $0x5;
	[sflag:s28] =	ssyncadd.s32 $0xFFFFE000  }
0x6b: {  	_ =	swait.ge @!p0 [sflag:s7], $0x100  }
0x6c: {  	[sflag:s7] =	ssyncset.done @!p0 $0x0  }
0x6d: {  	s8 =	simm.s32 $0x4EA0;
	[sflag:s7] =	ssyncadd.s32 @!p0 $0xFFFFFF00  }
0x6e: {  	s21 =	simm.s32 $0xCEA0;
	v2 =	vld [tilespmem:s8+$0x60]  }
0x6f: {  	v3 =	vld [tilespmem:s21+$0x60]  }
0x70: {  	v4 =	vld [tilespmem:s8+$0x40]  }
0x71: {  	v5 =	vld [tilespmem:s21+$0x40]  }
0x72: {  	v6 =	vld [tilespmem:s8+$0x50]  }
0x73: {  	v7 =	vld [tilespmem:s21+$0x50]  }
0x74: {  	v8 =	vld [tilespmem:s8+$0x70]  }
0x75: {  	v9 =	vld [tilespmem:s21+$0x70]  }
0x76: {  	v10 =	vld [tilespmem:s21+$0xFFFFFF80]  }
0x77: {  	v11 =	vld [tilespmem:s8+$0xFFFFFF90]  }
0x78: {  	v12 =	vld [tilespmem:s21+$0xFFFFFF90]  }
0x79: {  	v13 =	vld [tilespmem:s8+$0x0]  }
0x7a: {  	v14 =	vld [tilespmem:s21+$0x0];
	v4 =	vadd.bf16 v5, v4  }
0x7b: {  	v5 =	vadd.bf16 v7, v6;
	v7 =	vadd.bf16 v9, v8;
	v8 =	vld [tilespmem:s8+$0xFFFFFFD0]  }
0x7c: {  	v2 =	vadd.bf16 v3, v2;
	v9 =	vld [tilespmem:s21+$0xFFFFFFD0]  }
0x7d: {  	v6 =	vld [tilespmem:s8+$0xFFFFFFC0];
	v4 =	vmax.bf16 v4, v1;
	v5 =	vmax.bf16 v5, v1  }
0x7e: {  	v3 =	vld [tilespmem:s21+$0xFFFFFFC0];
	v2 =	vmax.bf16 v2, v1;
	v4 =	vmul.bf16 v4, v55;
	v5 =	vmul.bf16 v5, v56  }
0x7f: {  	v15 =	vld [tilespmem:s21+$0xFFFFFFB0];
	v11 =	vadd.bf16 v12, v11;
	v7 =	vmax.bf16 v7, v1;
	v2 =	vmul.bf16 v2, v57  }
0x80: {  	v12 =	vld [tilespmem:s8+$0x10];
	v7 =	vmul.bf16 v7, v58;
	v4 =	vadd.bf16 v1, v4;
	v5 =	vadd.bf16 v1, v5  }
0x81: {  	v8 =	vadd.bf16 v9, v8;
	v9 =	vld [tilespmem:s21+$0xFFFFFFA0]  }
0x82: {  	v2 =	vadd.bf16 v2, v4;
	v4 =	vadd.bf16 v7, v5;
	v7 =	vld [tilespmem:s8+$0xFFFFFF80]  }
0x83: {  	v11 =	vmax.bf16 v11, v1;
	v3 =	vadd.bf16 v3, v6;
	v5 =	vld [tilespmem:s21+$0x10]  }
0x84: {  	v6 =	vmul.bf16 v11, v56;
	v2 =	vadd.bf16 v4, v2;
	v4 =	vld [tilespmem:s8+$0xFFFFFFA0]  }
0x85: {  	v11 =	vadd.bf16 v14, v13;
	v14 =	vld [tilespmem:s8+$0xFFFFFFB0];
	v3 =	vmax.bf16 v3, v1;
	v8 =	vmax.bf16 v8, v1  }
0x86: {  	v6 =	vadd.bf16 v1, v6;
	v13 =	vunpack.i.u.bf16.f32 v2;
	v2 =	vunpack.i.l.bf16.f32 v2  }
0x87: {  	v3 =	vmul.bf16 v3, v55;
	v13 =	vadd.f32 v2, v13;
	v7 =	vadd.bf16 v10, v7;
	v10 =	vld [tilespmem:s8+$0xFFFFFFE0]  }
0x88: {  	v2 =	vmul.bf16 v8, v56;
	v8 =	vmax.bf16 v11, v1;
	v5 =	vadd.bf16 v5, v12;
	v12 =	vld [tilespmem:s21+$0xFFFFFFE0]  }
0x89: {  	v16 =	vmul.bf16 v8, v55;
	v8 =	vmax.bf16 v7, v1;
	v4 =	vadd.bf16 v9, v4;
	v7 =	vld [tilespmem:s8+$0xFFFFFFF0]  }
0x8a: {  	v3 =	vadd.bf16 v1, v3;
	v14 =	vadd.bf16 v15, v14;
	v9 =	vld [tilespmem:s21+$0xFFFFFFF0];
	v11 =	vmul.bf16 v8, v55  }
0x8b: {  	v2 =	vadd.bf16 v1, v2;
	v5 =	vmax.bf16 v5, v1;
	v8 =	vld [tilespmem:s8+$0x20];
	v4 =	vmax.bf16 v4, v1  }
0x8c: {  	s15 =	simm.s32 $0x15040;
	v5 =	vmul.bf16 v5, v56;
	v15 =	vadd.bf16 v1, v11;
	v17 =	vmul.bf16 v4, v57;
	v11 =	vld [tilespmem:s21+$0x20]  }
0x8d: {  	[tilespmem:s15+$0x10] =	vst v13;
	v13 =	vld [tilespmem:s21+$0x30];
	v4 =	vadd.bf16 v1, v16;
	v16 =	vmax.bf16 v14, v1;
	v14 =	vadd.bf16 v12, v10  }
0x8e: {  	s7 =	simm.s32 $0x0;
	v10 =	vld [tilespmem:s8+$0x30];
	v5 =	vadd.bf16 v1, v5;
	s8 =	simm.s32 $0x4FA0;
	v12 =	vadd.bf16 v17, v15;
	v15 =	vmul.bf16 v16, v58  }
.LBB2_3:
0x8f: {  	v16 =	vld [tilespmem:s8+$0x60];
	v14 =	vmax.bf16 v14, v1;
	v7 =	vadd.bf16 v9, v7;
	s21 =	sadd.s32 $0x100, s21  }
0x90: {  	v9 =	vld [tilespmem:s21+$0x60];
	v6 =	vadd.bf16 v15, v6;
	v14 =	vmul.bf16 v14, v57  }
0x91: {  	v15 =	vld [tilespmem:s8+$0x40];
	v7 =	vmax.bf16 v7, v1;
	v8 =	vadd.bf16 v11, v8  }
0x92: {  	v11 =	vld [tilespmem:s21+$0x40];
	v6 =	vadd.bf16 v6, v12;
	v3 =	vadd.bf16 v14, v3;
	v7 =	vmul.bf16 v7, v58  }
0x93: {  	v12 =	vld [tilespmem:s8+$0x50];
	v8 =	vmax.bf16 v8, v1;
	v10 =	vadd.bf16 v13, v10  }
0x94: {  	s7 =	sadd.s32 $0x4, s7;
	v13 =	vld [tilespmem:s21+$0x50];
	v14 =	vunpack.i.u.bf16.f32 v6;
	v2 =	vadd.bf16 v7, v2;
	v7 =	vmul.bf16 v8, v57  }
0x95: {  	p1 =	slt.u32 s7, $0xFC;
	v6 =	vunpack.i.l.bf16.f32 v6;
	v8 =	vld [tilespmem:s8+$0x70];
	v10 =	vmax.bf16 v10, v1  }
0x96: {  	v17 =	vld [tilespmem:s21+$0x70];
	v2 =	vadd.bf16 v2, v3;
	v3 =	vadd.bf16 v7, v4;
	v4 =	vmul.bf16 v10, v58  }
0x97: {  	v6 =	vadd.f32 v6, v14;
	v7 =	vld [tilespmem:s21+$0xFFFFFF80]  }
0x98: {  	v10 =	vld [tilespmem:s8+$0xFFFFFF90];
	v14 =	vunpack.i.u.bf16.f32 v2;
	v2 =	vunpack.i.l.bf16.f32 v2;
	v4 =	vadd.bf16 v4, v5  }
0x99: {  	v11 =	vadd.bf16 v11, v15;
	v5 =	vld [tilespmem:s21+$0xFFFFFF90];
	v12 =	vadd.bf16 v13, v12;
	[tilespmem:s15+$0xFFFFFFE0] =	vst v6  }
0x9a: {  	v9 =	vadd.bf16 v9, v16;
	v6 =	vld [tilespmem:s8+$0xFFFFFFC0];
	v3 =	vadd.bf16 v4, v3  }
0x9b: {  	v11 =	vmax.bf16 v11, v1;
	v4 =	vld [tilespmem:s21+$0xFFFFFFC0];
	v12 =	vmax.bf16 v12, v1;
	v8 =	vadd.bf16 v17, v8  }
0x9c: {  	v9 =	vmax.bf16 v9, v1;
	v11 =	vmul.bf16 v11, v55;
	v13 =	vld [tilespmem:s8+$0xFFFFFFD0];
	v12 =	vmul.bf16 v12, v56  }
0x9d: {  	v9 =	vmul.bf16 v9, v57;
	v16 =	vunpack.i.u.bf16.f32 v3;
	v15 =	vld [tilespmem:s21+$0xFFFFFFD0];
	v8 =	vmax.bf16 v8, v1  }
0x9e: {  	v11 =	vadd.bf16 v1, v11;
	v17 =	vld [tilespmem:s8+$0x0];
	v12 =	vadd.bf16 v1, v12;
	v8 =	vmul.bf16 v8, v58  }
0x9f: {  	v2 =	vadd.f32 v2, v14;
	v3 =	vunpack.i.l.bf16.f32 v3;
	v5 =	vadd.bf16 v5, v10;
	v10 =	vld [tilespmem:s21+$0x0]  }
0xa0: {  	v9 =	vadd.bf16 v9, v11;
	v14 =	vld [tilespmem:s8+$0x10];
	v8 =	vadd.bf16 v8, v12  }
0xa1: {  	v5 =	vmax.bf16 v5, v1;
	v4 =	vadd.bf16 v4, v6;
	v6 =	vld [tilespmem:s21+$0x10];
	[tilespmem:s15+$0xFFFFFFF0] =	vst v2;
	v2 =	vadd.f32 v3, v16  }
0xa2: {  	v5 =	vmul.bf16 v5, v56;
	v3 =	vld [tilespmem:s8+$0xFFFFFF80];
	v11 =	vadd.bf16 v15, v13;
	v8 =	vadd.bf16 v8, v9  }
0xa3: {  	v4 =	vmax.bf16 v4, v1;
	v9 =	vld [tilespmem:s8+$0xFFFFFFA0];
	[tilespmem:s15+$0x0] =	vst v2  }
0xa4: {  	v12 =	vld [tilespmem:s21+$0xFFFFFFA0];
	v2 =	vadd.bf16 v10, v17;
	v10 =	vunpack.i.u.bf16.f32 v8;
	v8 =	vunpack.i.l.bf16.f32 v8  }
0xa5: {  	v4 =	vmul.bf16 v4, v55;
	v11 =	vmax.bf16 v11, v1;
	v13 =	vld [tilespmem:s8+$0xFFFFFFB0];
	v8 =	vadd.f32 v8, v10  }
0xa6: {  	s15 =	sadd.s32 $0x40, s15;
	v11 =	vmul.bf16 v11, v56;
	v10 =	vld [tilespmem:s21+$0xFFFFFFB0];
	v2 =	vmax.bf16 v2, v1;
	v14 =	vadd.bf16 v6, v14  }
0xa7: {  	v6 =	vadd.bf16 v1, v5;
	v7 =	vadd.bf16 v7, v3;
	v15 =	vld [tilespmem:s8+$0xFFFFFFE0];
	v5 =	vmul.bf16 v2, v55;
	[tilespmem:s15+$0x10] =	vst v8  }
0xa8: {  	v3 =	vadd.bf16 v1, v4;
	v2 =	vadd.bf16 v1, v11;
	v16 =	vld [tilespmem:s21+$0xFFFFFFE0];
	v4 =	vmax.bf16 v14, v1  }
0xa9: {  	v8 =	vmax.bf16 v7, v1;
	v11 =	vadd.bf16 v12, v9;
	v7 =	vld [tilespmem:s8+$0xFFFFFFF0];
	v12 =	vmul.bf16 v4, v56  }
.Ltmp0:
0xaa: {  	v4 =	vadd.bf16 v1, v5;
	v14 =	vmul.bf16 v8, v55;
	v9 =	vld [tilespmem:s21+$0xFFFFFFF0];
	(pc) =	sbr.rel @p1 .LBB2_3-.Ltmp0, $4  }
0xab: {  	v11 =	vmax.bf16 v11, v1;
	v10 =	vadd.bf16 v10, v13;
	v5 =	vadd.bf16 v1, v12;
	v8 =	vld [tilespmem:s8+$0x20]  }
0xac: {  	v12 =	vadd.bf16 v1, v14;
	v13 =	vmul.bf16 v11, v57;
	v11 =	vld [tilespmem:s21+$0x20]  }
0xad: {  	v17 =	vmax.bf16 v10, v1;
	v14 =	vadd.bf16 v16, v15;
	v10 =	vld [tilespmem:s8+$0x30]  }
0xae: {  	s8 =	sadd.s32 $0x100, s8;
	v12 =	vadd.bf16 v13, v12;
	v15 =	vmul.bf16 v17, v58;
	v13 =	vld [tilespmem:s21+$0x30]  }
0xaf: {  	_ =	sdelay $0x2  }
0xb0: {  	v7 =	vadd.bf16 v9, v7  }
0xb1: {  	v9 =	vmax.bf16 v14, v1;
	v8 =	vadd.bf16 v11, v8;
	v10 =	vadd.bf16 v13, v10  }
0xb2: {  	v6 =	vadd.bf16 v15, v6;
	v9 =	vmul.bf16 v9, v57;
	v7 =	vmax.bf16 v7, v1  }
0xb3: {  	v7 =	vmul.bf16 v7, v58;
	v8 =	vmax.bf16 v8, v1;
	v10 =	vmax.bf16 v10, v1  }
0xb4: {  	v6 =	vadd.bf16 v6, v12;
	v8 =	vmul.bf16 v8, v57;
	v10 =	vmul.bf16 v10, v58  }
0xb5: {  	v3 =	vadd.bf16 v9, v3;
	v2 =	vadd.bf16 v7, v2  }
0xb6: {  	v4 =	vadd.bf16 v8, v4;
	v5 =	vadd.bf16 v10, v5  }
0xb7: {  	v2 =	vadd.bf16 v2, v3  }
0xb8: {  	v3 =	vunpack.i.u.bf16.f32 v6;
	v6 =	vunpack.i.l.bf16.f32 v6;
	v4 =	vadd.bf16 v5, v4  }
0xb9: {  	v3 =	vadd.f32 v6, v3;
	v5 =	vunpack.i.u.bf16.f32 v2;
	v2 =	vunpack.i.l.bf16.f32 v2  }
0xba: {  	v2 =	vadd.f32 v2, v5;
	v6 =	vunpack.i.u.bf16.f32 v4;
	v4 =	vunpack.i.l.bf16.f32 v4  }
0xbb: {  	[tilespmem:s15+$0xFFFFFFE0] =	vst v3;
	v3 =	vadd.f32 v4, v6  }
0xbc: {  	[tilespmem:s15+$0xFFFFFFF0] =	vst v2  }
0xbd: {  	[tilespmem:s15+$0x0] =	vst v3  }
0xbe: {  	v2 =	vld.idx.msk [tilespmem:v0+s29+$0x0], $0xffff  }
0xbf: {  	v3 =	vld.idx.msk [tilespmem:v45+s29+$0x0], $0xffff  }
0xc0: {  	v4 =	vld.idx.msk [tilespmem:v46+s29+$0x0], $0xffff  }
0xc1: {  	v5 =	vld.idx.msk [tilespmem:v47+s29+$0x0], $0xffff  }
0xc2: {  	v6 =	vld [tilespmem:$0x1FCB0]  }
0xc3: {  	v7 =	vld [tilespmem:$0x1FCC0]  }
0xc4: {  	v8 =	vld [tilespmem:$0x1FCD0]  }
0xc5: {  	v9 =	vld [tilespmem:$0x1FCE0]  }
0xc6: {  	v10 =	vld [tilespmem:$0x1FCF0]  }
0xc7: {  	v11 =	vld [tilespmem:$0x1FD00]  }
0xc8: {  	v12 =	vld [tilespmem:$0x1FD10]  }
0xc9: {  	v13 =	vld [tilespmem:$0x1FD20]  }
0xca: {  	v14 =	vld [tilespmem:$0x1FD30]  }
0xcb: {  	v15 =	vld [tilespmem:$0x1FD40]  }
0xcc: {  	v16 =	vld [tilespmem:$0x1FD50]  }
0xcd: {  	v17 =	vld [tilespmem:$0x1FD60]  }
0xce: {  	v6 =	vld.idx.msk [tilespmem:v6+s29+$0x0], $0xffff  }
0xcf: {  	v7 =	vld.idx.msk [tilespmem:v7+s29+$0x0], $0xffff  }
0xd0: {  	v8 =	vld.idx.msk [tilespmem:v8+s29+$0x0], $0xffff  }
0xd1: {  	v9 =	vld.idx.msk [tilespmem:v9+s29+$0x0], $0xffff  }
0xd2: {  	v10 =	vld.idx.msk [tilespmem:v10+s29+$0x0], $0xffff  }
0xd3: {  	v11 =	vld.idx.msk [tilespmem:v11+s29+$0x0], $0xffff  }
0xd4: {  	v12 =	vld.idx.msk [tilespmem:v12+s29+$0x0], $0xffff  }
0xd5: {  	v13 =	vld.idx.msk [tilespmem:v13+s29+$0x0], $0xffff  }
0xd6: {  	v14 =	vld.idx.msk [tilespmem:v14+s29+$0x0], $0xffff  }
0xd7: {  	v15 =	vld.idx.msk [tilespmem:v15+s29+$0x0], $0xffff  }
0xd8: {  	v16 =	vld.idx.msk [tilespmem:v16+s29+$0x0], $0xffff  }
0xd9: {  	v17 =	vld.idx.msk [tilespmem:v17+s29+$0x0], $0xffff;
	_ =	sdelay $0x1  }
0xda: {  	v2 =	vadd.f32 v3, v2;
	v3 =	vadd.f32 v5, v4  }
0xdb: {  	v4 =	vadd.f32 v7, v6;
	v5 =	vadd.f32 v9, v8  }
0xdc: {  	v6 =	vadd.f32 v11, v10;
	v7 =	vadd.f32 v13, v12  }
0xdd: {  	v8 =	vadd.f32 v15, v14;
	v9 =	vadd.f32 v17, v16  }
0xde: {  	v2 =	vadd.f32 v3, v2;
	v3 =	vadd.f32 v5, v4  }
0xdf: {  	v4 =	vadd.f32 v7, v6;
	v5 =	vadd.f32 v9, v8;
	_ =	sdelay $0x1  }
0xe0: {  	v2 =	vadd.f32 v3, v2;
	v3 =	vadd.f32 v5, v4;
	_ =	sdelay $0x1  }
0xe1: {  	v2 =	vadd.f32 v3, v2;
	_ =	sdelay $0x1  }
0xe2: {  	v2 =	vadd.f32 v2, v59;
	_ =	sdelay $0x1  }
0xe3: {  	v2 =	vsub.f32 $0.0e+00, v2;
	_ =	sdelay $0x1  }
0xe4: {  	v2 =	vmul.f32 $1.442695020e+00, v2;
	_ =	sdelay $0x1  }
0xe5: {  	(erf) = vpow2.f32 v2;
	_ =	sdelay $0x6  }
0xe6: {  	v10 =	vld [tilespmem:$0x1FDF0]  }
0xe7: {  	v11 =	vld [tilespmem:$0x1FE00]  }
0xe8: {  	v12 =	vld [tilespmem:$0x1FE10];
	v2 =	vpop (erf)  }
0xe9: {  	v13 =	vld [tilespmem:$0x1FE20];
	v2 =	vadd.f32 $1.000000000e+00, v2  }
0xea: {  	v14 =	vld [tilespmem:$0x1FE30]  }
0xeb: {  	v15 =	vld [tilespmem:$0x1FE40];
	(erf) = vrcp.f32 v2  }
0xec: {  	v16 =	vld [tilespmem:$0x1FE50]  }
0xed: {  	v17 =	vld [tilespmem:$0x1FE60]  }
0xee: {  	v3 =	vld [tilespmem:$0x1FD80]  }
0xef: {  	v4 =	vld [tilespmem:$0x1FD90]  }
0xf0: {  	v5 =	vld [tilespmem:$0x1FDA0]  }
0xf1: {  	v6 =	vld [tilespmem:$0x1FDB0]  }
0xf2: {  	v7 =	vld [tilespmem:$0x1FDC0]  }
0xf3: {  	v8 =	vld [tilespmem:$0x1FDD0]  }
0xf4: {  	v9 =	vld [tilespmem:$0x1FDE0];
	v2 =	vpop (erf)  }
0xf5: {  	[tilespmem:$0x14E20] =	vst v2;
	v2 =	vld [tilespmem:$0x1FD70]  }
0xf6: {  	v3 =	vld.idx.msk [tilespmem:v3+s29+$0x0], $0xffff  }
0xf7: {  	v4 =	vld.idx.msk [tilespmem:v4+s29+$0x0], $0xffff  }
0xf8: {  	v5 =	vld.idx.msk [tilespmem:v5+s29+$0x0], $0xffff  }
0xf9: {  	v6 =	vld.idx.msk [tilespmem:v6+s29+$0x0], $0xffff  }
0xfa: {  	v7 =	vld.idx.msk [tilespmem:v7+s29+$0x0], $0xffff  }
0xfb: {  	v8 =	vld.idx.msk [tilespmem:v8+s29+$0x0], $0xffff  }
0xfc: {  	v9 =	vld.idx.msk [tilespmem:v9+s29+$0x0], $0xffff  }
0xfd: {  	v10 =	vld.idx.msk [tilespmem:v10+s29+$0x0], $0xffff  }
0xfe: {  	v11 =	vld.idx.msk [tilespmem:v11+s29+$0x0], $0xffff  }
0xff: {  	v12 =	vld.idx.msk [tilespmem:v12+s29+$0x0], $0xffff  }
0x100: {  	v13 =	vld.idx.msk [tilespmem:v13+s29+$0x0], $0xffff  }
0x101: {  	v14 =	vld.idx.msk [tilespmem:v14+s29+$0x0], $0xffff  }
0x102: {  	v2 =	vld.idx.msk [tilespmem:v2+s29+$0x0], $0xffff  }
0x103: {  	v15 =	vld.idx.msk [tilespmem:v15+s29+$0x0], $0xffff  }
0x104: {  	v16 =	vld.idx.msk [tilespmem:v16+s29+$0x0], $0xffff  }
0x105: {  	v17 =	vld.idx.msk [tilespmem:v17+s29+$0x0], $0xffff;
	_ =	sdelay $0x1  }
0x106: {  	v2 =	vadd.f32 v3, v2;
	v3 =	vadd.f32 v5, v4  }
0x107: {  	v4 =	vadd.f32 v7, v6;
	v5 =	vadd.f32 v9, v8  }
0x108: {  	v6 =	vadd.f32 v11, v10;
	v7 =	vadd.f32 v13, v12  }
0x109: {  	v8 =	vadd.f32 v15, v14;
	v9 =	vadd.f32 v17, v16  }
0x10a: {  	v2 =	vadd.f32 v3, v2;
	v3 =	vadd.f32 v5, v4  }
0x10b: {  	v4 =	vadd.f32 v7, v6;
	v5 =	vadd.f32 v9, v8;
	_ =	sdelay $0x1  }
0x10c: {  	v2 =	vadd.f32 v3, v2;
	v3 =	vadd.f32 v5, v4;
	_ =	sdelay $0x1  }
0x10d: {  	v2 =	vadd.f32 v3, v2;
	_ =	sdelay $0x1  }
0x10e: {  	v2 =	vadd.f32 v2, v59;
	_ =	sdelay $0x1  }
0x10f: {  	v2 =	vsub.f32 $0.0e+00, v2;
	_ =	sdelay $0x1  }
0x110: {  	v2 =	vmul.f32 $1.442695020e+00, v2;
	_ =	sdelay $0x1  }
0x111: {  	(erf) = vpow2.f32 v2;
	_ =	sdelay $0x8  }
0x112: {  	v10 =	vld [tilespmem:$0x1FEF0];
	v2 =	vpop (erf)  }
0x113: {  	v11 =	vld [tilespmem:$0x1FF00];
	v2 =	vadd.f32 $1.000000000e+00, v2  }
0x114: {  	v12 =	vld [tilespmem:$0x1FF10]  }
0x115: {  	v13 =	vld [tilespmem:$0x1FF20];
	(erf) = vrcp.f32 v2  }
0x116: {  	v14 =	vld [tilespmem:$0x1FF30]  }
0x117: {  	v15 =	vld [tilespmem:$0x1FF40]  }
0x118: {  	v3 =	vld [tilespmem:$0x1FE80]  }
0x119: {  	v4 =	vld [tilespmem:$0x1FE90]  }
0x11a: {  	v5 =	vld [tilespmem:$0x1FEA0]  }
0x11b: {  	v6 =	vld [tilespmem:$0x1FEB0]  }
0x11c: {  	v7 =	vld [tilespmem:$0x1FEC0]  }
0x11d: {  	v8 =	vld [tilespmem:$0x1FED0]  }
0x11e: {  	v9 =	vld [tilespmem:$0x1FEE0];
	v2 =	vpop (erf)  }
0x11f: {  	[tilespmem:$0x14E30] =	vst v2;
	v2 =	vld [tilespmem:$0x1FE70]  }
0x120: {  	v3 =	vld.idx.msk [tilespmem:v3+s29+$0x0], $0xffff  }
0x121: {  	v4 =	vld.idx.msk [tilespmem:v4+s29+$0x0], $0xffff  }
0x122: {  	v5 =	vld.idx.msk [tilespmem:v5+s29+$0x0], $0xffff  }
0x123: {  	v6 =	vld.idx.msk [tilespmem:v6+s29+$0x0], $0xffff  }
0x124: {  	v7 =	vld.idx.msk [tilespmem:v7+s29+$0x0], $0xffff  }
0x125: {  	v8 =	vld.idx.msk [tilespmem:v8+s29+$0x0], $0xffff  }
0x126: {  	v9 =	vld.idx.msk [tilespmem:v9+s29+$0x0], $0xffff  }
0x127: {  	v10 =	vld.idx.msk [tilespmem:v10+s29+$0x0], $0xffff  }
0x128: {  	v11 =	vld.idx.msk [tilespmem:v11+s29+$0x0], $0xffff  }
0x129: {  	v12 =	vld.idx.msk [tilespmem:v12+s29+$0x0], $0xffff  }
0x12a: {  	v13 =	vld.idx.msk [tilespmem:v13+s29+$0x0], $0xffff  }
0x12b: {  	v14 =	vld.idx.msk [tilespmem:v14+s29+$0x0], $0xffff  }
0x12c: {  	v15 =	vld.idx.msk [tilespmem:v15+s29+$0x0], $0xffff  }
0x12d: {  	v2 =	vld.idx.msk [tilespmem:v2+s29+$0x0], $0xffff  }
0x12e: {  	v16 =	vld [tilespmem:$0x1FF50]  }
0x12f: {  	v17 =	vld [tilespmem:$0x1FF60];
	_ =	sdelay $0x6  }
0x130: {  	v16 =	vld.idx.msk [tilespmem:v16+s29+$0x0], $0xffff  }
0x131: {  	v17 =	vld.idx.msk [tilespmem:v17+s29+$0x0], $0xffff;
	_ =	sdelay $0x1  }
0x132: {  	v2 =	vadd.f32 v3, v2;
	v3 =	vadd.f32 v5, v4  }
0x133: {  	v4 =	vadd.f32 v7, v6;
	v5 =	vadd.f32 v9, v8  }
0x134: {  	v6 =	vadd.f32 v11, v10;
	v7 =	vadd.f32 v13, v12  }
0x135: {  	v8 =	vadd.f32 v15, v14;
	v9 =	vadd.f32 v17, v16  }
0x136: {  	v2 =	vadd.f32 v3, v2;
	v3 =	vadd.f32 v5, v4  }
0x137: {  	v4 =	vadd.f32 v7, v6;
	v5 =	vadd.f32 v9, v8;
	_ =	sdelay $0x1  }
0x138: {  	v2 =	vadd.f32 v3, v2;
	v3 =	vadd.f32 v5, v4;
	_ =	sdelay $0x1  }
0x139: {  	v2 =	vadd.f32 v3, v2;
	_ =	sdelay $0x1  }
0x13a: {  	v2 =	vadd.f32 v2, v59;
	_ =	sdelay $0x1  }
0x13b: {  	v2 =	vsub.f32 $0.0e+00, v2;
	_ =	sdelay $0x1  }
0x13c: {  	v2 =	vmul.f32 $1.442695020e+00, v2;
	_ =	sdelay $0x1  }
0x13d: {  	(erf) = vpow2.f32 v2;
	_ =	sdelay $0x8  }
0x13e: {  	v2 =	vpop (erf)  }
0x13f: {  	v2 =	vadd.f32 $1.000000000e+00, v2;
	_ =	sdelay $0x1  }
0x140: {  	(erf) = vrcp.f32 v2;
	_ =	sdelay $0x2  }
0x141: {  	v3 =	vld [tilespmem:$0x1FF80]  }
0x142: {  	v4 =	vld [tilespmem:$0x1FF90]  }
0x143: {  	v5 =	vld [tilespmem:$0x1FFA0]  }
0x144: {  	v6 =	vld [tilespmem:$0x1FFB0]  }
0x145: {  	v7 =	vld [tilespmem:$0x1FFC0];
	_ =	sdelay $0x1  }
0x146: {  	v2 =	vpop (erf)  }
0x147: {  	[tilespmem:$0x14E40] =	vst v2;
	v2 =	vld [tilespmem:$0x1FF70]  }
0x148: {  	v8 =	vor.u32 $0x306, v0;
	v3 =	vld.idx.msk [tilespmem:v3+s29+$0x0], $0xffff  }
0x149: {  	v9 =	vor.u32 $0x307, v0;
	v4 =	vld.idx.msk [tilespmem:v4+s29+$0x0], $0xffff  }
0x14a: {  	v10 =	vor.u32 $0x308, v0;
	v5 =	vld.idx.msk [tilespmem:v5+s29+$0x0], $0xffff  }
0x14b: {  	v11 =	vor.u32 $0x309, v0;
	v6 =	vld.idx.msk [tilespmem:v6+s29+$0x0], $0xffff  }
0x14c: {  	v12 =	vor.u32 $0x30A, v0;
	v7 =	vld.idx.msk [tilespmem:v7+s29+$0x0], $0xffff  }
0x14d: {  	v13 =	vor.u32 $0x30B, v0;
	[tilespmem:$0x1F270] =	vst v8;
	v8 =	vld.idx.msk [tilespmem:v8+s29+$0x0], $0xffff  }
0x14e: {  	v14 =	vor.u32 $0x30C, v0;
	[tilespmem:$0x1F280] =	vst v9;
	v9 =	vld.idx.msk [tilespmem:v9+s29+$0x0], $0xffff  }
0x14f: {  	[tilespmem:$0x1F290] =	vst v10;
	v10 =	vld.idx.msk [tilespmem:v10+s29+$0x0], $0xffff  }
0x150: {  	v15 =	vor.u32 $0x30D, v0;
	[tilespmem:$0x1F2A0] =	vst v11;
	v11 =	vld.idx.msk [tilespmem:v11+s29+$0x0], $0xffff  }
0x151: {  	[tilespmem:$0x1F2B0] =	vst v12;
	v16 =	vor.u32 $0x30E, v0;
	v12 =	vld.idx.msk [tilespmem:v12+s29+$0x0], $0xffff  }
0x152: {  	[tilespmem:$0x1F2C0] =	vst v13;
	v17 =	vor.u32 $0x30F, v0;
	v13 =	vld.idx.msk [tilespmem:v13+s29+$0x0], $0xffff  }
0x153: {  	[tilespmem:$0x1F2D0] =	vst v14;
	v14 =	vld.idx.msk [tilespmem:v14+s29+$0x0], $0xffff  }
0x154: {  	v2 =	vld.idx.msk [tilespmem:v2+s29+$0x0], $0xffff  }
0x155: {  	[tilespmem:$0x1F2E0] =	vst v15;
	v15 =	vld.idx.msk [tilespmem:v15+s29+$0x0], $0xffff  }
0x156: {  	[tilespmem:$0x1F2F0] =	vst v16;
	v16 =	vld.idx.msk [tilespmem:v16+s29+$0x0], $0xffff  }
0x157: {  	[tilespmem:$0x1F300] =	vst v17;
	v17 =	vld.idx.msk [tilespmem:v17+s29+$0x0], $0xffff;
	_ =	sdelay $0x1  }
0x158: {  	v2 =	vadd.f32 v3, v2;
	v3 =	vadd.f32 v5, v4  }
0x159: {  	v4 =	vadd.f32 v7, v6;
	v5 =	vadd.f32 v9, v8  }
0x15a: {  	v6 =	vadd.f32 v11, v10;
	v7 =	vadd.f32 v13, v12  }
0x15b: {  	v8 =	vadd.f32 v15, v14;
	v9 =	vadd.f32 v17, v16  }
0x15c: {  	v2 =	vadd.f32 v3, v2;
	v3 =	vadd.f32 v5, v4  }
0x15d: {  	v4 =	vadd.f32 v7, v6;
	v5 =	vadd.f32 v9, v8;
	_ =	sdelay $0x1  }
0x15e: {  	v2 =	vadd.f32 v3, v2;
	v3 =	vadd.f32 v5, v4;
	_ =	sdelay $0x1  }
0x15f: {  	v2 =	vadd.f32 v3, v2;
	_ =	sdelay $0x1  }
0x160: {  	v2 =	vadd.f32 v2, v59;
	_ =	sdelay $0x1  }
0x161: {  	v2 =	vsub.f32 $0.0e+00, v2;
	_ =	sdelay $0x1  }
0x162: {  	v2 =	vmul.f32 $1.442695020e+00, v2;
	_ =	sdelay $0x1  }
0x163: {  	(erf) = vpow2.f32 v2;
	_ =	sdelay $0x8  }
0x164: {  	v2 =	vpop (erf)  }
0x165: {  	v2 =	vadd.f32 $1.000000000e+00, v2;
	_ =	sdelay $0x1  }
0x166: {  	(erf) = vrcp.f32 v2;
	_ =	sdelay $0x5  }
0x167: {  	v3 =	vor.u32 $0x400, v0  }
0x168: {  	v4 =	vor.u32 $0x401, v0  }
0x169: {  	v5 =	vor.u32 $0x402, v0  }
0x16a: {  	v6 =	vor.u32 $0x403, v0;
	v2 =	vpop (erf)  }
0x16b: {  	v7 =	vor.u32 $0x404, v0;
	[tilespmem:$0x14E50] =	vst v2  }
0x16c: {  	v8 =	vor.u32 $0x405, v0;
	v2 =	vld.idx.msk [tilespmem:v3+s29+$0x0], $0xffff  }
0x16d: {  	v9 =	vor.u32 $0x406, v0;
	[tilespmem:$0x1F310] =	vst v3;
	v3 =	vld.idx.msk [tilespmem:v4+s29+$0x0], $0xffff  }
0x16e: {  	v10 =	vor.u32 $0x407, v0;
	[tilespmem:$0x1F320] =	vst v4;
	v4 =	vld.idx.msk [tilespmem:v5+s29+$0x0], $0xffff  }
0x16f: {  	v11 =	vor.u32 $0x408, v0;
	[tilespmem:$0x1F330] =	vst v5;
	v5 =	vld.idx.msk [tilespmem:v6+s29+$0x0], $0xffff  }
0x170: {  	v12 =	vor.u32 $0x409, v0;
	[tilespmem:$0x1F340] =	vst v6;
	v6 =	vld.idx.msk [tilespmem:v7+s29+$0x0], $0xffff  }
0x171: {  	v13 =	vor.u32 $0x40A, v0;
	[tilespmem:$0x1F350] =	vst v7;
	v7 =	vld.idx.msk [tilespmem:v8+s29+$0x0], $0xffff  }
0x172: {  	v14 =	vor.u32 $0x40B, v0;
	[tilespmem:$0x1F360] =	vst v8;
	v8 =	vld.idx.msk [tilespmem:v9+s29+$0x0], $0xffff  }
0x173: {  	v15 =	vor.u32 $0x40C, v0;
	[tilespmem:$0x1F370] =	vst v9;
	v9 =	vld.idx.msk [tilespmem:v10+s29+$0x0], $0xffff  }
0x174: {  	v16 =	vor.u32 $0x40D, v0;
	[tilespmem:$0x1F380] =	vst v10;
	v10 =	vld.idx.msk [tilespmem:v11+s29+$0x0], $0xffff  }
0x175: {  	v17 =	vor.u32 $0x40E, v0;
	[tilespmem:$0x1F390] =	vst v11;
	v11 =	vld.idx.msk [tilespmem:v12+s29+$0x0], $0xffff  }
0x176: {  	v18 =	vor.u32 $0x40F, v0;
	[tilespmem:$0x1F3A0] =	vst v12;
	v12 =	vld.idx.msk [tilespmem:v13+s29+$0x0], $0xffff  }
0x177: {  	[tilespmem:$0x1F3B0] =	vst v13;
	v13 =	vld.idx.msk [tilespmem:v14+s29+$0x0], $0xffff  }
0x178: {  	[tilespmem:$0x1F3C0] =	vst v14;
	v14 =	vld.idx.msk [tilespmem:v15+s29+$0x0], $0xffff  }
0x179: {  	[tilespmem:$0x1F3D0] =	vst v15;
	v15 =	vld.idx.msk [tilespmem:v16+s29+$0x0], $0xffff  }
0x17a: {  	[tilespmem:$0x1F3E0] =	vst v16;
	v16 =	vld.idx.msk [tilespmem:v17+s29+$0x0], $0xffff  }
0x17b: {  	[tilespmem:$0x1F3F0] =	vst v17;
	v17 =	vld.idx.msk [tilespmem:v18+s29+$0x0], $0xffff;
	_ =	sdelay $0x1  }
0x17c: {  	v2 =	vadd.f32 v3, v2;
	v3 =	vadd.f32 v5, v4  }
0x17d: {  	v4 =	vadd.f32 v7, v6;
	v5 =	vadd.f32 v9, v8  }
0x17e: {  	v6 =	vadd.f32 v11, v10;
	v7 =	vadd.f32 v13, v12  }
0x17f: {  	v8 =	vadd.f32 v15, v14;
	v9 =	vadd.f32 v17, v16  }
0x180: {  	v2 =	vadd.f32 v3, v2;
	v3 =	vadd.f32 v5, v4  }
0x181: {  	v4 =	vadd.f32 v7, v6;
	v5 =	vadd.f32 v9, v8;
	_ =	sdelay $0x1  }
0x182: {  	v2 =	vadd.f32 v3, v2;
	v3 =	vadd.f32 v5, v4;
	_ =	sdelay $0x1  }
0x183: {  	v2 =	vadd.f32 v3, v2;
	_ =	sdelay $0x1  }
0x184: {  	v2 =	vadd.f32 v2, v59;
	_ =	sdelay $0x1  }
0x185: {  	v2 =	vsub.f32 $0.0e+00, v2;
	_ =	sdelay $0x1  }
0x186: {  	v2 =	vmul.f32 $1.442695020e+00, v2;
	_ =	sdelay $0x1  }
0x187: {  	(erf) = vpow2.f32 v2;
	_ =	sdelay $0x8  }
0x188: {  	v2 =	vpop (erf)  }
0x189: {  	v2 =	vadd.f32 $1.000000000e+00, v2;
	_ =	sdelay $0x1  }
0x18a: {  	(erf) = vrcp.f32 v2;
	_ =	sdelay $0x5  }
0x18b: {  	v3 =	vor.u32 $0x500, v0  }
0x18c: {  	v4 =	vor.u32 $0x501, v0  }
0x18d: {  	v5 =	vor.u32 $0x502, v0  }
0x18e: {  	v6 =	vor.u32 $0x503, v0;
	v2 =	vpop (erf)  }
0x18f: {  	v7 =	vor.u32 $0x504, v0;
	[tilespmem:$0x14E60] =	vst v2  }
0x190: {  	[tilespmem:$0x1F400] =	vst v18;
	v8 =	vor.u32 $0x505, v0;
	v2 =	vld.idx.msk [tilespmem:v3+s29+$0x0], $0xffff  }
0x191: {  	v9 =	vor.u32 $0x506, v0;
	[tilespmem:$0x1F410] =	vst v3;
	v3 =	vld.idx.msk [tilespmem:v4+s29+$0x0], $0xffff  }
0x192: {  	v10 =	vor.u32 $0x507, v0;
	[tilespmem:$0x1F420] =	vst v4;
	v4 =	vld.idx.msk [tilespmem:v5+s29+$0x0], $0xffff  }
0x193: {  	v11 =	vor.u32 $0x508, v0;
	[tilespmem:$0x1F430] =	vst v5;
	v5 =	vld.idx.msk [tilespmem:v6+s29+$0x0], $0xffff  }
0x194: {  	v12 =	vor.u32 $0x509, v0;
	[tilespmem:$0x1F440] =	vst v6;
	v6 =	vld.idx.msk [tilespmem:v7+s29+$0x0], $0xffff  }
0x195: {  	v13 =	vor.u32 $0x50A, v0;
	[tilespmem:$0x1F450] =	vst v7;
	v7 =	vld.idx.msk [tilespmem:v8+s29+$0x0], $0xffff  }
0x196: {  	v14 =	vor.u32 $0x50B, v0;
	[tilespmem:$0x1F460] =	vst v8;
	v8 =	vld.idx.msk [tilespmem:v9+s29+$0x0], $0xffff  }
0x197: {  	v15 =	vor.u32 $0x50C, v0;
	[tilespmem:$0x1F470] =	vst v9;
	v9 =	vld.idx.msk [tilespmem:v10+s29+$0x0], $0xffff  }
0x198: {  	v16 =	vor.u32 $0x50D, v0;
	[tilespmem:$0x1F480] =	vst v10;
	v10 =	vld.idx.msk [tilespmem:v11+s29+$0x0], $0xffff  }
0x199: {  	v17 =	vor.u32 $0x50E, v0;
	[tilespmem:$0x1F490] =	vst v11;
	v11 =	vld.idx.msk [tilespmem:v12+s29+$0x0], $0xffff  }
0x19a: {  	v18 =	vor.u32 $0x50F, v0;
	[tilespmem:$0x1F4A0] =	vst v12;
	v12 =	vld.idx.msk [tilespmem:v13+s29+$0x0], $0xffff  }
0x19b: {  	[tilespmem:$0x1F4B0] =	vst v13;
	v13 =	vld.idx.msk [tilespmem:v14+s29+$0x0], $0xffff  }
0x19c: {  	[tilespmem:$0x1F4C0] =	vst v14;
	v14 =	vld.idx.msk [tilespmem:v15+s29+$0x0], $0xffff  }
0x19d: {  	[tilespmem:$0x1F4D0] =	vst v15;
	v15 =	vld.idx.msk [tilespmem:v16+s29+$0x0], $0xffff  }
0x19e: {  	[tilespmem:$0x1F4E0] =	vst v16;
	v16 =	vld.idx.msk [tilespmem:v17+s29+$0x0], $0xffff  }
0x19f: {  	[tilespmem:$0x1F4F0] =	vst v17;
	v17 =	vld.idx.msk [tilespmem:v18+s29+$0x0], $0xffff;
	_ =	sdelay $0x1  }
0x1a0: {  	v2 =	vadd.f32 v3, v2;
	v3 =	vadd.f32 v5, v4  }
0x1a1: {  	v4 =	vadd.f32 v7, v6;
	v5 =	vadd.f32 v9, v8  }
0x1a2: {  	v6 =	vadd.f32 v11, v10;
	v7 =	vadd.f32 v13, v12  }
0x1a3: {  	v8 =	vadd.f32 v15, v14;
	v9 =	vadd.f32 v17, v16  }
0x1a4: {  	v2 =	vadd.f32 v3, v2;
	v3 =	vadd.f32 v5, v4  }
0x1a5: {  	v4 =	vadd.f32 v7, v6;
	v5 =	vadd.f32 v9, v8;
	_ =	sdelay $0x1  }
0x1a6: {  	v2 =	vadd.f32 v3, v2;
	v3 =	vadd.f32 v5, v4;
	_ =	sdelay $0x1  }
0x1a7: {  	v2 =	vadd.f32 v3, v2;
	_ =	sdelay $0x1  }
0x1a8: {  	v2 =	vadd.f32 v2, v59;
	_ =	sdelay $0x1  }
0x1a9: {  	v2 =	vsub.f32 $0.0e+00, v2;
	_ =	sdelay $0x1  }
0x1aa: {  	v2 =	vmul.f32 $1.442695020e+00, v2;
	_ =	sdelay $0x1  }
0x1ab: {  	(erf) = vpow2.f32 v2;
	_ =	sdelay $0x8  }
0x1ac: {  	v2 =	vpop (erf)  }
0x1ad: {  	v2 =	vadd.f32 $1.000000000e+00, v2;
	_ =	sdelay $0x1  }
0x1ae: {  	(erf) = vrcp.f32 v2;
	_ =	sdelay $0x5  }
0x1af: {  	v3 =	vor.u32 $0x600, v0  }
0x1b0: {  	v4 =	vor.u32 $0x601, v0  }
0x1b1: {  	v5 =	vor.u32 $0x602, v0  }
0x1b2: {  	v6 =	vor.u32 $0x603, v0;
	v2 =	vpop (erf)  }
0x1b3: {  	v7 =	vor.u32 $0x604, v0;
	[tilespmem:$0x14E70] =	vst v2  }
0x1b4: {  	[tilespmem:$0x1F500] =	vst v18;
	v8 =	vor.u32 $0x605, v0;
	v2 =	vld.idx.msk [tilespmem:v3+s29+$0x0], $0xffff  }
0x1b5: {  	v9 =	vor.u32 $0x606, v0;
	[tilespmem:$0x1F510] =	vst v3;
	v3 =	vld.idx.msk [tilespmem:v4+s29+$0x0], $0xffff  }
0x1b6: {  	v10 =	vor.u32 $0x607, v0;
	[tilespmem:$0x1F520] =	vst v4;
	v4 =	vld.idx.msk [tilespmem:v5+s29+$0x0], $0xffff  }
0x1b7: {  	v11 =	vor.u32 $0x608, v0;
	[tilespmem:$0x1F530] =	vst v5;
	v5 =	vld.idx.msk [tilespmem:v6+s29+$0x0], $0xffff  }
0x1b8: {  	v12 =	vor.u32 $0x609, v0;
	[tilespmem:$0x1F540] =	vst v6;
	v6 =	vld.idx.msk [tilespmem:v7+s29+$0x0], $0xffff  }
0x1b9: {  	v13 =	vor.u32 $0x60A, v0;
	[tilespmem:$0x1F550] =	vst v7;
	v7 =	vld.idx.msk [tilespmem:v8+s29+$0x0], $0xffff  }
0x1ba: {  	v14 =	vor.u32 $0x60B, v0;
	[tilespmem:$0x1F560] =	vst v8;
	v8 =	vld.idx.msk [tilespmem:v9+s29+$0x0], $0xffff  }
0x1bb: {  	v15 =	vor.u32 $0x60C, v0;
	[tilespmem:$0x1F570] =	vst v9;
	v9 =	vld.idx.msk [tilespmem:v10+s29+$0x0], $0xffff  }
0x1bc: {  	v16 =	vor.u32 $0x60D, v0;
	[tilespmem:$0x1F580] =	vst v10;
	v10 =	vld.idx.msk [tilespmem:v11+s29+$0x0], $0xffff  }
0x1bd: {  	v17 =	vor.u32 $0x60E, v0;
	[tilespmem:$0x1F590] =	vst v11;
	v11 =	vld.idx.msk [tilespmem:v12+s29+$0x0], $0xffff  }
0x1be: {  	v18 =	vor.u32 $0x60F, v0;
	[tilespmem:$0x1F5A0] =	vst v12;
	v12 =	vld.idx.msk [tilespmem:v13+s29+$0x0], $0xffff  }
0x1bf: {  	[tilespmem:$0x1F5B0] =	vst v13;
	v13 =	vld.idx.msk [tilespmem:v14+s29+$0x0], $0xffff  }
0x1c0: {  	[tilespmem:$0x1F5C0] =	vst v14;
	v14 =	vld.idx.msk [tilespmem:v15+s29+$0x0], $0xffff  }
0x1c1: {  	[tilespmem:$0x1F5D0] =	vst v15;
	v15 =	vld.idx.msk [tilespmem:v16+s29+$0x0], $0xffff  }
0x1c2: {  	[tilespmem:$0x1F5E0] =	vst v16;
	v16 =	vld.idx.msk [tilespmem:v17+s29+$0x0], $0xffff  }
0x1c3: {  	[tilespmem:$0x1F5F0] =	vst v17;
	v17 =	vld.idx.msk [tilespmem:v18+s29+$0x0], $0xffff;
	_ =	sdelay $0x1  }
0x1c4: {  	v2 =	vadd.f32 v3, v2;
	v3 =	vadd.f32 v5, v4  }
0x1c5: {  	v4 =	vadd.f32 v7, v6;
	v5 =	vadd.f32 v9, v8  }
0x1c6: {  	v6 =	vadd.f32 v11, v10;
	v7 =	vadd.f32 v13, v12  }
0x1c7: {  	v8 =	vadd.f32 v15, v14;
	v9 =	vadd.f32 v17, v16  }
0x1c8: {  	v2 =	vadd.f32 v3, v2;
	v3 =	vadd.f32 v5, v4  }
0x1c9: {  	v4 =	vadd.f32 v7, v6;
	v5 =	vadd.f32 v9, v8;
	_ =	sdelay $0x1  }
0x1ca: {  	v2 =	vadd.f32 v3, v2;
	v3 =	vadd.f32 v5, v4;
	_ =	sdelay $0x1  }
0x1cb: {  	v2 =	vadd.f32 v3, v2;
	_ =	sdelay $0x1  }
0x1cc: {  	v2 =	vadd.f32 v2, v59;
	_ =	sdelay $0x1  }
0x1cd: {  	v2 =	vsub.f32 $0.0e+00, v2;
	_ =	sdelay $0x1  }
0x1ce: {  	v2 =	vmul.f32 $1.442695020e+00, v2;
	_ =	sdelay $0x1  }
0x1cf: {  	(erf) = vpow2.f32 v2;
	_ =	sdelay $0x8  }
0x1d0: {  	v2 =	vpop (erf)  }
0x1d1: {  	v2 =	vadd.f32 $1.000000000e+00, v2;
	_ =	sdelay $0x1  }
0x1d2: {  	(erf) = vrcp.f32 v2;
	_ =	sdelay $0x5  }
0x1d3: {  	v3 =	vor.u32 $0x700, v0  }
0x1d4: {  	v4 =	vor.u32 $0x701, v0  }
0x1d5: {  	v5 =	vor.u32 $0x702, v0  }
0x1d6: {  	v6 =	vor.u32 $0x703, v0;
	v2 =	vpop (erf)  }
0x1d7: {  	v7 =	vor.u32 $0x704, v0;
	[tilespmem:$0x14E80] =	vst v2  }
0x1d8: {  	[tilespmem:$0x1F600] =	vst v18;
	v8 =	vor.u32 $0x705, v0;
	v2 =	vld.idx.msk [tilespmem:v3+s29+$0x0], $0xffff  }
0x1d9: {  	v9 =	vor.u32 $0x706, v0;
	[tilespmem:$0x1F610] =	vst v3;
	v3 =	vld.idx.msk [tilespmem:v4+s29+$0x0], $0xffff  }
0x1da: {  	v10 =	vor.u32 $0x707, v0;
	[tilespmem:$0x1F620] =	vst v4;
	v4 =	vld.idx.msk [tilespmem:v5+s29+$0x0], $0xffff  }
0x1db: {  	v11 =	vor.u32 $0x708, v0;
	[tilespmem:$0x1F630] =	vst v5;
	v5 =	vld.idx.msk [tilespmem:v6+s29+$0x0], $0xffff  }
0x1dc: {  	v12 =	vor.u32 $0x709, v0;
	[tilespmem:$0x1F640] =	vst v6;
	v6 =	vld.idx.msk [tilespmem:v7+s29+$0x0], $0xffff  }
0x1dd: {  	v13 =	vor.u32 $0x70A, v0;
	[tilespmem:$0x1F650] =	vst v7;
	v7 =	vld.idx.msk [tilespmem:v8+s29+$0x0], $0xffff  }
0x1de: {  	v14 =	vor.u32 $0x70B, v0;
	[tilespmem:$0x1F660] =	vst v8;
	v8 =	vld.idx.msk [tilespmem:v9+s29+$0x0], $0xffff  }
0x1df: {  	v15 =	vor.u32 $0x70C, v0;
	[tilespmem:$0x1F670] =	vst v9;
	v9 =	vld.idx.msk [tilespmem:v10+s29+$0x0], $0xffff  }
0x1e0: {  	v16 =	vor.u32 $0x70D, v0;
	[tilespmem:$0x1F680] =	vst v10;
	v10 =	vld.idx.msk [tilespmem:v11+s29+$0x0], $0xffff  }
0x1e1: {  	v17 =	vor.u32 $0x70E, v0;
	[tilespmem:$0x1F690] =	vst v11;
	v11 =	vld.idx.msk [tilespmem:v12+s29+$0x0], $0xffff  }
0x1e2: {  	v18 =	vor.u32 $0x70F, v0;
	[tilespmem:$0x1F6A0] =	vst v12;
	v12 =	vld.idx.msk [tilespmem:v13+s29+$0x0], $0xffff  }
0x1e3: {  	[tilespmem:$0x1F6B0] =	vst v13;
	v13 =	vld.idx.msk [tilespmem:v14+s29+$0x0], $0xffff  }
0x1e4: {  	[tilespmem:$0x1F6C0] =	vst v14;
	v14 =	vld.idx.msk [tilespmem:v15+s29+$0x0], $0xffff  }
0x1e5: {  	[tilespmem:$0x1F6D0] =	vst v15;
	v15 =	vld.idx.msk [tilespmem:v16+s29+$0x0], $0xffff  }
0x1e6: {  	[tilespmem:$0x1F6E0] =	vst v16;
	v16 =	vld.idx.msk [tilespmem:v17+s29+$0x0], $0xffff  }
0x1e7: {  	[tilespmem:$0x1F6F0] =	vst v17;
	v17 =	vld.idx.msk [tilespmem:v18+s29+$0x0], $0xffff;
	_ =	sdelay $0x1  }
0x1e8: {  	v2 =	vadd.f32 v3, v2;
	v3 =	vadd.f32 v5, v4  }
0x1e9: {  	v4 =	vadd.f32 v7, v6;
	v5 =	vadd.f32 v9, v8  }
0x1ea: {  	v6 =	vadd.f32 v11, v10;
	v7 =	vadd.f32 v13, v12  }
0x1eb: {  	v8 =	vadd.f32 v15, v14;
	v9 =	vadd.f32 v17, v16  }
0x1ec: {  	v2 =	vadd.f32 v3, v2;
	v3 =	vadd.f32 v5, v4  }
0x1ed: {  	v4 =	vadd.f32 v7, v6;
	v5 =	vadd.f32 v9, v8;
	_ =	sdelay $0x1  }
0x1ee: {  	v2 =	vadd.f32 v3, v2;
	v3 =	vadd.f32 v5, v4;
	_ =	sdelay $0x1  }
0x1ef: {  	v2 =	vadd.f32 v3, v2;
	_ =	sdelay $0x1  }
0x1f0: {  	v2 =	vadd.f32 v2, v59;
	_ =	sdelay $0x1  }
0x1f1: {  	v2 =	vsub.f32 $0.0e+00, v2;
	_ =	sdelay $0x1  }
0x1f2: {  	v2 =	vmul.f32 $1.442695020e+00, v2;
	_ =	sdelay $0x1  }
0x1f3: {  	(erf) = vpow2.f32 v2;
	_ =	sdelay $0x8  }
0x1f4: {  	v2 =	vpop (erf)  }
0x1f5: {  	v2 =	vadd.f32 $1.000000000e+00, v2;
	_ =	sdelay $0x1  }
0x1f6: {  	(erf) = vrcp.f32 v2;
	_ =	sdelay $0x5  }
0x1f7: {  	v3 =	vor.u32 $0x800, v0  }
0x1f8: {  	v4 =	vor.u32 $0x801, v0  }
0x1f9: {  	v5 =	vor.u32 $0x802, v0  }
0x1fa: {  	v6 =	vor.u32 $0x803, v0;
	v2 =	vpop (erf)  }
0x1fb: {  	v7 =	vor.u32 $0x804, v0;
	[tilespmem:$0x14E90] =	vst v2  }
0x1fc: {  	[tilespmem:$0x1F700] =	vst v18;
	v8 =	vor.u32 $0x805, v0;
	v2 =	vld.idx.msk [tilespmem:v3+s29+$0x0], $0xffff  }
0x1fd: {  	v9 =	vor.u32 $0x806, v0;
	[tilespmem:$0x1F710] =	vst v3;
	v3 =	vld.idx.msk [tilespmem:v4+s29+$0x0], $0xffff  }
0x1fe: {  	v10 =	vor.u32 $0x807, v0;
	[tilespmem:$0x1F720] =	vst v4;
	v4 =	vld.idx.msk [tilespmem:v5+s29+$0x0], $0xffff  }
0x1ff: {  	v11 =	vor.u32 $0x808, v0;
	[tilespmem:$0x1F730] =	vst v5;
	v5 =	vld.idx.msk [tilespmem:v6+s29+$0x0], $0xffff  }
0x200: {  	v12 =	vor.u32 $0x809, v0;
	[tilespmem:$0x1F740] =	vst v6;
	v6 =	vld.idx.msk [tilespmem:v7+s29+$0x0], $0xffff  }
0x201: {  	v13 =	vor.u32 $0x80A, v0;
	[tilespmem:$0x1F750] =	vst v7;
	v7 =	vld.idx.msk [tilespmem:v8+s29+$0x0], $0xffff  }
0x202: {  	v14 =	vor.u32 $0x80B, v0;
	[tilespmem:$0x1F760] =	vst v8;
	v8 =	vld.idx.msk [tilespmem:v9+s29+$0x0], $0xffff  }
0x203: {  	v15 =	vor.u32 $0x80C, v0;
	[tilespmem:$0x1F770] =	vst v9;
	v9 =	vld.idx.msk [tilespmem:v10+s29+$0x0], $0xffff  }
0x204: {  	v16 =	vor.u32 $0x80D, v0;
	[tilespmem:$0x1F780] =	vst v10;
	v10 =	vld.idx.msk [tilespmem:v11+s29+$0x0], $0xffff  }
0x205: {  	v17 =	vor.u32 $0x80E, v0;
	[tilespmem:$0x1F790] =	vst v11;
	v11 =	vld.idx.msk [tilespmem:v12+s29+$0x0], $0xffff  }
0x206: {  	v18 =	vor.u32 $0x80F, v0;
	[tilespmem:$0x1F7A0] =	vst v12;
	v12 =	vld.idx.msk [tilespmem:v13+s29+$0x0], $0xffff  }
0x207: {  	[tilespmem:$0x1F7B0] =	vst v13;
	v13 =	vld.idx.msk [tilespmem:v14+s29+$0x0], $0xffff  }
0x208: {  	[tilespmem:$0x1F7C0] =	vst v14;
	v14 =	vld.idx.msk [tilespmem:v15+s29+$0x0], $0xffff  }
0x209: {  	[tilespmem:$0x1F7D0] =	vst v15;
	v15 =	vld.idx.msk [tilespmem:v16+s29+$0x0], $0xffff  }
0x20a: {  	[tilespmem:$0x1F7E0] =	vst v16;
	v16 =	vld.idx.msk [tilespmem:v17+s29+$0x0], $0xffff  }
0x20b: {  	[tilespmem:$0x1F7F0] =	vst v17;
	v17 =	vld.idx.msk [tilespmem:v18+s29+$0x0], $0xffff;
	_ =	sdelay $0x1  }
0x20c: {  	v2 =	vadd.f32 v3, v2;
	v3 =	vadd.f32 v5, v4  }
0x20d: {  	v4 =	vadd.f32 v7, v6;
	v5 =	vadd.f32 v9, v8  }
0x20e: {  	v6 =	vadd.f32 v11, v10;
	v7 =	vadd.f32 v13, v12  }
0x20f: {  	v8 =	vadd.f32 v15, v14;
	v9 =	vadd.f32 v17, v16  }
0x210: {  	v2 =	vadd.f32 v3, v2;
	v3 =	vadd.f32 v5, v4  }
0x211: {  	v4 =	vadd.f32 v7, v6;
	v5 =	vadd.f32 v9, v8;
	_ =	sdelay $0x1  }
0x212: {  	v2 =	vadd.f32 v3, v2;
	v3 =	vadd.f32 v5, v4;
	_ =	sdelay $0x1  }
0x213: {  	v2 =	vadd.f32 v3, v2;
	_ =	sdelay $0x1  }
0x214: {  	v2 =	vadd.f32 v2, v59;
	_ =	sdelay $0x1  }
0x215: {  	v2 =	vsub.f32 $0.0e+00, v2;
	_ =	sdelay $0x1  }
0x216: {  	v2 =	vmul.f32 $1.442695020e+00, v2;
	_ =	sdelay $0x1  }
0x217: {  	(erf) = vpow2.f32 v2;
	_ =	sdelay $0x8  }
0x218: {  	v2 =	vpop (erf)  }
0x219: {  	v2 =	vadd.f32 $1.000000000e+00, v2;
	_ =	sdelay $0x1  }
0x21a: {  	(erf) = vrcp.f32 v2;
	_ =	sdelay $0x5  }
0x21b: {  	v3 =	vor.u32 $0x900, v0  }
0x21c: {  	v4 =	vor.u32 $0x901, v0  }
0x21d: {  	v5 =	vor.u32 $0x902, v0  }
0x21e: {  	v6 =	vor.u32 $0x903, v0;
	v2 =	vpop (erf)  }
0x21f: {  	v7 =	vor.u32 $0x904, v0;
	[tilespmem:$0x14EA0] =	vst v2  }
0x220: {  	[tilespmem:$0x1F800] =	vst v18;
	v8 =	vor.u32 $0x905, v0;
	v2 =	vld.idx.msk [tilespmem:v3+s29+$0x0], $0xffff  }
0x221: {  	v9 =	vor.u32 $0x906, v0;
	[tilespmem:$0x1F810] =	vst v3;
	v3 =	vld.idx.msk [tilespmem:v4+s29+$0x0], $0xffff  }
0x222: {  	v10 =	vor.u32 $0x907, v0;
	[tilespmem:$0x1F820] =	vst v4;
	v4 =	vld.idx.msk [tilespmem:v5+s29+$0x0], $0xffff  }
0x223: {  	v11 =	vor.u32 $0x908, v0;
	[tilespmem:$0x1F830] =	vst v5;
	v5 =	vld.idx.msk [tilespmem:v6+s29+$0x0], $0xffff  }
0x224: {  	v12 =	vor.u32 $0x909, v0;
	[tilespmem:$0x1F840] =	vst v6;
	v6 =	vld.idx.msk [tilespmem:v7+s29+$0x0], $0xffff  }
0x225: {  	v13 =	vor.u32 $0x90A, v0;
	[tilespmem:$0x1F850] =	vst v7;
	v7 =	vld.idx.msk [tilespmem:v8+s29+$0x0], $0xffff  }
0x226: {  	v14 =	vor.u32 $0x90B, v0;
	[tilespmem:$0x1F860] =	vst v8;
	v8 =	vld.idx.msk [tilespmem:v9+s29+$0x0], $0xffff  }
0x227: {  	v15 =	vor.u32 $0x90C, v0;
	[tilespmem:$0x1F870] =	vst v9;
	v9 =	vld.idx.msk [tilespmem:v10+s29+$0x0], $0xffff  }
0x228: {  	v16 =	vor.u32 $0x90D, v0;
	[tilespmem:$0x1F880] =	vst v10;
	v10 =	vld.idx.msk [tilespmem:v11+s29+$0x0], $0xffff  }
0x229: {  	v17 =	vor.u32 $0x90E, v0;
	[tilespmem:$0x1F890] =	vst v11;
	v11 =	vld.idx.msk [tilespmem:v12+s29+$0x0], $0xffff  }
0x22a: {  	v18 =	vor.u32 $0x90F, v0;
	[tilespmem:$0x1F8A0] =	vst v12;
	v12 =	vld.idx.msk [tilespmem:v13+s29+$0x0], $0xffff  }
0x22b: {  	[tilespmem:$0x1F8B0] =	vst v13;
	v13 =	vld.idx.msk [tilespmem:v14+s29+$0x0], $0xffff  }
0x22c: {  	[tilespmem:$0x1F8C0] =	vst v14;
	v14 =	vld.idx.msk [tilespmem:v15+s29+$0x0], $0xffff  }
0x22d: {  	[tilespmem:$0x1F8D0] =	vst v15;
	v15 =	vld.idx.msk [tilespmem:v16+s29+$0x0], $0xffff  }
0x22e: {  	[tilespmem:$0x1F8E0] =	vst v16;
	v16 =	vld.idx.msk [tilespmem:v17+s29+$0x0], $0xffff  }
0x22f: {  	[tilespmem:$0x1F8F0] =	vst v17;
	v17 =	vld.idx.msk [tilespmem:v18+s29+$0x0], $0xffff;
	_ =	sdelay $0x1  }
0x230: {  	v2 =	vadd.f32 v3, v2;
	v3 =	vadd.f32 v5, v4  }
0x231: {  	v4 =	vadd.f32 v7, v6;
	v5 =	vadd.f32 v9, v8  }
0x232: {  	v6 =	vadd.f32 v11, v10;
	v7 =	vadd.f32 v13, v12  }
0x233: {  	v8 =	vadd.f32 v15, v14;
	v9 =	vadd.f32 v17, v16  }
0x234: {  	v2 =	vadd.f32 v3, v2;
	v3 =	vadd.f32 v5, v4  }
0x235: {  	v4 =	vadd.f32 v7, v6;
	v5 =	vadd.f32 v9, v8;
	_ =	sdelay $0x1  }
0x236: {  	v2 =	vadd.f32 v3, v2;
	v3 =	vadd.f32 v5, v4;
	_ =	sdelay $0x1  }
0x237: {  	v2 =	vadd.f32 v3, v2;
	_ =	sdelay $0x1  }
0x238: {  	v2 =	vadd.f32 v2, v59;
	_ =	sdelay $0x1  }
0x239: {  	v2 =	vsub.f32 $0.0e+00, v2;
	_ =	sdelay $0x1  }
0x23a: {  	v2 =	vmul.f32 $1.442695020e+00, v2;
	_ =	sdelay $0x1  }
0x23b: {  	(erf) = vpow2.f32 v2;
	_ =	sdelay $0x8  }
0x23c: {  	v2 =	vpop (erf)  }
0x23d: {  	v2 =	vadd.f32 $1.000000000e+00, v2;
	_ =	sdelay $0x1  }
0x23e: {  	(erf) = vrcp.f32 v2;
	_ =	sdelay $0x5  }
0x23f: {  	v3 =	vor.u32 $0xA00, v0  }
0x240: {  	v4 =	vor.u32 $0xA01, v0  }
0x241: {  	v5 =	vor.u32 $0xA02, v0  }
0x242: {  	v6 =	vor.u32 $0xA03, v0;
	v2 =	vpop (erf)  }
0x243: {  	v7 =	vor.u32 $0xA04, v0;
	[tilespmem:$0x14EB0] =	vst v2  }
0x244: {  	[tilespmem:$0x1F900] =	vst v18;
	v8 =	vor.u32 $0xA05, v0;
	v2 =	vld.idx.msk [tilespmem:v3+s29+$0x0], $0xffff  }
0x245: {  	v9 =	vor.u32 $0xA06, v0;
	[tilespmem:$0x1F910] =	vst v3;
	v3 =	vld.idx.msk [tilespmem:v4+s29+$0x0], $0xffff  }
0x246: {  	v10 =	vor.u32 $0xA07, v0;
	[tilespmem:$0x1F920] =	vst v4;
	v4 =	vld.idx.msk [tilespmem:v5+s29+$0x0], $0xffff  }
0x247: {  	v11 =	vor.u32 $0xA08, v0;
	[tilespmem:$0x1F930] =	vst v5;
	v5 =	vld.idx.msk [tilespmem:v6+s29+$0x0], $0xffff  }
0x248: {  	v12 =	vor.u32 $0xA09, v0;
	[tilespmem:$0x1F940] =	vst v6;
	v6 =	vld.idx.msk [tilespmem:v7+s29+$0x0], $0xffff  }
0x249: {  	v13 =	vor.u32 $0xA0A, v0;
	[tilespmem:$0x1F950] =	vst v7;
	v7 =	vld.idx.msk [tilespmem:v8+s29+$0x0], $0xffff  }
0x24a: {  	v14 =	vor.u32 $0xA0B, v0;
	[tilespmem:$0x1F960] =	vst v8;
	v8 =	vld.idx.msk [tilespmem:v9+s29+$0x0], $0xffff  }
0x24b: {  	v15 =	vor.u32 $0xA0C, v0;
	[tilespmem:$0x1F970] =	vst v9;
	v9 =	vld.idx.msk [tilespmem:v10+s29+$0x0], $0xffff  }
0x24c: {  	v16 =	vor.u32 $0xA0D, v0;
	[tilespmem:$0x1F980] =	vst v10;
	v10 =	vld.idx.msk [tilespmem:v11+s29+$0x0], $0xffff  }
0x24d: {  	v17 =	vor.u32 $0xA0E, v0;
	[tilespmem:$0x1F990] =	vst v11;
	v11 =	vld.idx.msk [tilespmem:v12+s29+$0x0], $0xffff  }
0x24e: {  	v18 =	vor.u32 $0xA0F, v0;
	[tilespmem:$0x1F9A0] =	vst v12;
	v12 =	vld.idx.msk [tilespmem:v13+s29+$0x0], $0xffff  }
0x24f: {  	[tilespmem:$0x1F9B0] =	vst v13;
	v13 =	vld.idx.msk [tilespmem:v14+s29+$0x0], $0xffff  }
0x250: {  	[tilespmem:$0x1F9C0] =	vst v14;
	v14 =	vld.idx.msk [tilespmem:v15+s29+$0x0], $0xffff  }
0x251: {  	[tilespmem:$0x1F9D0] =	vst v15;
	v15 =	vld.idx.msk [tilespmem:v16+s29+$0x0], $0xffff  }
0x252: {  	[tilespmem:$0x1F9E0] =	vst v16;
	v16 =	vld.idx.msk [tilespmem:v17+s29+$0x0], $0xffff  }
0x253: {  	[tilespmem:$0x1F9F0] =	vst v17;
	v17 =	vld.idx.msk [tilespmem:v18+s29+$0x0], $0xffff;
	_ =	sdelay $0x1  }
0x254: {  	v2 =	vadd.f32 v3, v2;
	v3 =	vadd.f32 v5, v4  }
0x255: {  	v4 =	vadd.f32 v7, v6;
	v5 =	vadd.f32 v9, v8  }
0x256: {  	v6 =	vadd.f32 v11, v10;
	v7 =	vadd.f32 v13, v12  }
0x257: {  	v8 =	vadd.f32 v15, v14;
	v9 =	vadd.f32 v17, v16  }
0x258: {  	v2 =	vadd.f32 v3, v2;
	v3 =	vadd.f32 v5, v4  }
0x259: {  	v4 =	vadd.f32 v7, v6;
	v5 =	vadd.f32 v9, v8;
	_ =	sdelay $0x1  }
0x25a: {  	v2 =	vadd.f32 v3, v2;
	v3 =	vadd.f32 v5, v4;
	_ =	sdelay $0x1  }
0x25b: {  	v2 =	vadd.f32 v3, v2;
	_ =	sdelay $0x1  }
0x25c: {  	v2 =	vadd.f32 v2, v59;
	_ =	sdelay $0x1  }
0x25d: {  	v2 =	vsub.f32 $0.0e+00, v2;
	_ =	sdelay $0x1  }
0x25e: {  	v2 =	vmul.f32 $1.442695020e+00, v2;
	_ =	sdelay $0x1  }
0x25f: {  	(erf) = vpow2.f32 v2;
	_ =	sdelay $0x8  }
0x260: {  	v2 =	vpop (erf)  }
0x261: {  	v2 =	vadd.f32 $1.000000000e+00, v2;
	_ =	sdelay $0x1  }
0x262: {  	(erf) = vrcp.f32 v2;
	_ =	sdelay $0x5  }
0x263: {  	v3 =	vor.u32 $0xB00, v0  }
0x264: {  	v4 =	vor.u32 $0xB01, v0  }
0x265: {  	v5 =	vor.u32 $0xB02, v0  }
0x266: {  	v6 =	vor.u32 $0xB03, v0;
	v2 =	vpop (erf)  }
0x267: {  	v7 =	vor.u32 $0xB04, v0;
	[tilespmem:$0x14EC0] =	vst v2  }
0x268: {  	[tilespmem:$0x1FA00] =	vst v18;
	v8 =	vor.u32 $0xB05, v0;
	v2 =	vld.idx.msk [tilespmem:v3+s29+$0x0], $0xffff  }
0x269: {  	v9 =	vor.u32 $0xB06, v0;
	[tilespmem:$0x1FA10] =	vst v3;
	v3 =	vld.idx.msk [tilespmem:v4+s29+$0x0], $0xffff  }
0x26a: {  	v10 =	vor.u32 $0xB07, v0;
	[tilespmem:$0x1FA20] =	vst v4;
	v4 =	vld.idx.msk [tilespmem:v5+s29+$0x0], $0xffff  }
0x26b: {  	v11 =	vor.u32 $0xB08, v0;
	[tilespmem:$0x1FA30] =	vst v5;
	v5 =	vld.idx.msk [tilespmem:v6+s29+$0x0], $0xffff  }
0x26c: {  	v12 =	vor.u32 $0xB09, v0;
	[tilespmem:$0x1FA40] =	vst v6;
	v6 =	vld.idx.msk [tilespmem:v7+s29+$0x0], $0xffff  }
0x26d: {  	v13 =	vor.u32 $0xB0A, v0;
	[tilespmem:$0x1FA50] =	vst v7;
	v7 =	vld.idx.msk [tilespmem:v8+s29+$0x0], $0xffff  }
0x26e: {  	v14 =	vor.u32 $0xB0B, v0;
	[tilespmem:$0x1FA60] =	vst v8;
	v8 =	vld.idx.msk [tilespmem:v9+s29+$0x0], $0xffff  }
0x26f: {  	v15 =	vor.u32 $0xB0C, v0;
	[tilespmem:$0x1FA70] =	vst v9;
	v9 =	vld.idx.msk [tilespmem:v10+s29+$0x0], $0xffff  }
0x270: {  	v16 =	vor.u32 $0xB0D, v0;
	[tilespmem:$0x1FA80] =	vst v10;
	v10 =	vld.idx.msk [tilespmem:v11+s29+$0x0], $0xffff  }
0x271: {  	v17 =	vor.u32 $0xB0E, v0;
	[tilespmem:$0x1FA90] =	vst v11;
	v11 =	vld.idx.msk [tilespmem:v12+s29+$0x0], $0xffff  }
0x272: {  	v18 =	vor.u32 $0xB0F, v0;
	[tilespmem:$0x1FAA0] =	vst v12;
	v12 =	vld.idx.msk [tilespmem:v13+s29+$0x0], $0xffff  }
0x273: {  	[tilespmem:$0x1FAB0] =	vst v13;
	v13 =	vld.idx.msk [tilespmem:v14+s29+$0x0], $0xffff  }
0x274: {  	[tilespmem:$0x1FAC0] =	vst v14;
	v14 =	vld.idx.msk [tilespmem:v15+s29+$0x0], $0xffff  }
0x275: {  	[tilespmem:$0x1FAD0] =	vst v15;
	v15 =	vld.idx.msk [tilespmem:v16+s29+$0x0], $0xffff  }
0x276: {  	[tilespmem:$0x1FAE0] =	vst v16;
	v16 =	vld.idx.msk [tilespmem:v17+s29+$0x0], $0xffff  }
0x277: {  	[tilespmem:$0x1FAF0] =	vst v17;
	v17 =	vld.idx.msk [tilespmem:v18+s29+$0x0], $0xffff;
	_ =	sdelay $0x1  }
0x278: {  	v2 =	vadd.f32 v3, v2;
	v3 =	vadd.f32 v5, v4  }
0x279: {  	v4 =	vadd.f32 v7, v6;
	v5 =	vadd.f32 v9, v8  }
0x27a: {  	v6 =	vadd.f32 v11, v10;
	v7 =	vadd.f32 v13, v12  }
0x27b: {  	v8 =	vadd.f32 v15, v14;
	v9 =	vadd.f32 v17, v16  }
0x27c: {  	v2 =	vadd.f32 v3, v2;
	v3 =	vadd.f32 v5, v4  }
0x27d: {  	v4 =	vadd.f32 v7, v6;
	v5 =	vadd.f32 v9, v8;
	_ =	sdelay $0x1  }
0x27e: {  	v2 =	vadd.f32 v3, v2;
	v3 =	vadd.f32 v5, v4;
	_ =	sdelay $0x1  }
0x27f: {  	v2 =	vadd.f32 v3, v2;
	_ =	sdelay $0x1  }
0x280: {  	v2 =	vadd.f32 v2, v59;
	_ =	sdelay $0x1  }
0x281: {  	v2 =	vsub.f32 $0.0e+00, v2;
	_ =	sdelay $0x1  }
0x282: {  	v2 =	vmul.f32 $1.442695020e+00, v2;
	_ =	sdelay $0x1  }
0x283: {  	(erf) = vpow2.f32 v2;
	_ =	sdelay $0x8  }
0x284: {  	v2 =	vpop (erf)  }
0x285: {  	v2 =	vadd.f32 $1.000000000e+00, v2;
	_ =	sdelay $0x1  }
0x286: {  	(erf) = vrcp.f32 v2;
	_ =	sdelay $0x5  }
0x287: {  	v3 =	vor.u32 $0xC00, v0  }
0x288: {  	v4 =	vor.u32 $0xC01, v0  }
0x289: {  	v5 =	vor.u32 $0xC02, v0  }
0x28a: {  	v6 =	vor.u32 $0xC03, v0;
	v2 =	vpop (erf)  }
0x28b: {  	v7 =	vor.u32 $0xC04, v0;
	[tilespmem:$0x14ED0] =	vst v2  }
0x28c: {  	[tilespmem:$0x1FB00] =	vst v18;
	v8 =	vor.u32 $0xC05, v0;
	v2 =	vld.idx.msk [tilespmem:v3+s29+$0x0], $0xffff  }
0x28d: {  	v9 =	vor.u32 $0xC06, v0;
	[tilespmem:$0x1FB10] =	vst v3;
	v3 =	vld.idx.msk [tilespmem:v4+s29+$0x0], $0xffff  }
0x28e: {  	v10 =	vor.u32 $0xC07, v0;
	[tilespmem:$0x1FB20] =	vst v4;
	v4 =	vld.idx.msk [tilespmem:v5+s29+$0x0], $0xffff  }
0x28f: {  	v11 =	vor.u32 $0xC08, v0;
	[tilespmem:$0x1FB30] =	vst v5;
	v5 =	vld.idx.msk [tilespmem:v6+s29+$0x0], $0xffff  }
0x290: {  	v12 =	vor.u32 $0xC09, v0;
	[tilespmem:$0x1FB40] =	vst v6;
	v6 =	vld.idx.msk [tilespmem:v7+s29+$0x0], $0xffff  }
0x291: {  	v13 =	vor.u32 $0xC0A, v0;
	[tilespmem:$0x1FB50] =	vst v7;
	v7 =	vld.idx.msk [tilespmem:v8+s29+$0x0], $0xffff  }
0x292: {  	v14 =	vor.u32 $0xC0B, v0;
	[tilespmem:$0x1FB60] =	vst v8;
	v8 =	vld.idx.msk [tilespmem:v9+s29+$0x0], $0xffff  }
0x293: {  	v15 =	vor.u32 $0xC0C, v0;
	[tilespmem:$0x1FB70] =	vst v9;
	v9 =	vld.idx.msk [tilespmem:v10+s29+$0x0], $0xffff  }
0x294: {  	v16 =	vor.u32 $0xC0D, v0;
	[tilespmem:$0x1FB80] =	vst v10;
	v10 =	vld.idx.msk [tilespmem:v11+s29+$0x0], $0xffff  }
0x295: {  	v17 =	vor.u32 $0xC0E, v0;
	[tilespmem:$0x1FB90] =	vst v11;
	v11 =	vld.idx.msk [tilespmem:v12+s29+$0x0], $0xffff  }
0x296: {  	v18 =	vor.u32 $0xC0F, v0;
	[tilespmem:$0x1FBA0] =	vst v12;
	v12 =	vld.idx.msk [tilespmem:v13+s29+$0x0], $0xffff  }
0x297: {  	[tilespmem:$0x1FBB0] =	vst v13;
	v13 =	vld.idx.msk [tilespmem:v14+s29+$0x0], $0xffff  }
0x298: {  	[tilespmem:$0x1FBC0] =	vst v14;
	v14 =	vld.idx.msk [tilespmem:v15+s29+$0x0], $0xffff  }
0x299: {  	[tilespmem:$0x1FBD0] =	vst v15;
	v15 =	vld.idx.msk [tilespmem:v16+s29+$0x0], $0xffff  }
0x29a: {  	[tilespmem:$0x1FBE0] =	vst v16;
	v16 =	vld.idx.msk [tilespmem:v17+s29+$0x0], $0xffff  }
0x29b: {  	[tilespmem:$0x1FBF0] =	vst v17;
	v17 =	vld.idx.msk [tilespmem:v18+s29+$0x0], $0xffff;
	_ =	sdelay $0x1  }
0x29c: {  	v2 =	vadd.f32 v3, v2;
	v3 =	vadd.f32 v5, v4  }
0x29d: {  	v4 =	vadd.f32 v7, v6;
	v5 =	vadd.f32 v9, v8  }
0x29e: {  	v6 =	vadd.f32 v11, v10;
	v7 =	vadd.f32 v13, v12  }
0x29f: {  	v8 =	vadd.f32 v15, v14;
	v9 =	vadd.f32 v17, v16  }
0x2a0: {  	v2 =	vadd.f32 v3, v2;
	v3 =	vadd.f32 v5, v4  }
0x2a1: {  	v4 =	vadd.f32 v7, v6;
	v5 =	vadd.f32 v9, v8;
	_ =	sdelay $0x1  }
0x2a2: {  	v2 =	vadd.f32 v3, v2;
	v3 =	vadd.f32 v5, v4;
	_ =	sdelay $0x1  }
0x2a3: {  	v2 =	vadd.f32 v3, v2;
	_ =	sdelay $0x1  }
0x2a4: {  	v2 =	vadd.f32 v2, v59;
	_ =	sdelay $0x1  }
0x2a5: {  	v2 =	vsub.f32 $0.0e+00, v2;
	_ =	sdelay $0x1  }
0x2a6: {  	v2 =	vmul.f32 $1.442695020e+00, v2;
	_ =	sdelay $0x1  }
0x2a7: {  	(erf) = vpow2.f32 v2;
	_ =	sdelay $0x8  }
0x2a8: {  	v2 =	vpop (erf)  }
0x2a9: {  	v2 =	vadd.f32 $1.000000000e+00, v2;
	_ =	sdelay $0x1  }
0x2aa: {  	(erf) = vrcp.f32 v2;
	_ =	sdelay $0x5  }
0x2ab: {  	v3 =	vor.u32 $0xD00, v0  }
0x2ac: {  	v4 =	vor.u32 $0xD01, v0  }
0x2ad: {  	v5 =	vor.u32 $0xD02, v0  }
0x2ae: {  	v6 =	vor.u32 $0xD03, v0;
	v2 =	vpop (erf)  }
0x2af: {  	v7 =	vor.u32 $0xD04, v0;
	[tilespmem:$0x14EE0] =	vst v2  }
0x2b0: {  	v8 =	vor.u32 $0xD05, v0;
	v2 =	vld.idx.msk [tilespmem:v3+s29+$0x0], $0xffff  }
0x2b1: {  	v9 =	vor.u32 $0xD06, v0;
	[tilespmem:$0x1FC10] =	vst v3;
	v3 =	vld.idx.msk [tilespmem:v4+s29+$0x0], $0xffff  }
0x2b2: {  	v10 =	vor.u32 $0xD07, v0;
	[tilespmem:$0x1FC20] =	vst v4;
	v4 =	vld.idx.msk [tilespmem:v5+s29+$0x0], $0xffff  }
0x2b3: {  	v11 =	vor.u32 $0xD08, v0;
	[tilespmem:$0x1FC30] =	vst v5;
	v5 =	vld.idx.msk [tilespmem:v6+s29+$0x0], $0xffff  }
0x2b4: {  	v12 =	vor.u32 $0xD09, v0;
	[tilespmem:$0x1FC40] =	vst v6;
	v6 =	vld.idx.msk [tilespmem:v7+s29+$0x0], $0xffff  }
0x2b5: {  	v48 =	vor.u32 $0xD0A, v0;
	[tilespmem:$0x1FC50] =	vst v7;
	v7 =	vld.idx.msk [tilespmem:v8+s29+$0x0], $0xffff  }
0x2b6: {  	v49 =	vor.u32 $0xD0B, v0;
	[tilespmem:$0x1FC60] =	vst v8;
	v8 =	vld.idx.msk [tilespmem:v9+s29+$0x0], $0xffff  }
0x2b7: {  	v50 =	vor.u32 $0xD0C, v0;
	[tilespmem:$0x1FC70] =	vst v9;
	v9 =	vld.idx.msk [tilespmem:v10+s29+$0x0], $0xffff  }
0x2b8: {  	v51 =	vor.u32 $0xD0D, v0;
	[tilespmem:$0x1FC80] =	vst v10;
	v10 =	vld.idx.msk [tilespmem:v11+s29+$0x0], $0xffff  }
0x2b9: {  	v52 =	vor.u32 $0xD0E, v0;
	[tilespmem:$0x1FC90] =	vst v11;
	v11 =	vld.idx.msk [tilespmem:v12+s29+$0x0], $0xffff  }
0x2ba: {  	v53 =	vor.u32 $0xD0F, v0;
	[tilespmem:$0x1FCA0] =	vst v12;
	v12 =	vld.idx.msk [tilespmem:v48+s29+$0x0], $0xffff  }
0x2bb: {  	v13 =	vld.idx.msk [tilespmem:v49+s29+$0x0], $0xffff  }
0x2bc: {  	v14 =	vld.idx.msk [tilespmem:v50+s29+$0x0], $0xffff  }
0x2bd: {  	v15 =	vld.idx.msk [tilespmem:v51+s29+$0x0], $0xffff  }
0x2be: {  	v16 =	vld.idx.msk [tilespmem:v52+s29+$0x0], $0xffff  }
0x2bf: {  	v17 =	vld.idx.msk [tilespmem:v53+s29+$0x0], $0xffff;
	_ =	sdelay $0x1  }
0x2c0: {  	v2 =	vadd.f32 v3, v2;
	v3 =	vadd.f32 v5, v4  }
0x2c1: {  	v4 =	vadd.f32 v7, v6;
	v5 =	vadd.f32 v9, v8  }
0x2c2: {  	v6 =	vadd.f32 v11, v10;
	v7 =	vadd.f32 v13, v12  }
0x2c3: {  	v8 =	vadd.f32 v15, v14;
	v9 =	vadd.f32 v17, v16  }
0x2c4: {  	v2 =	vadd.f32 v3, v2;
	v3 =	vadd.f32 v5, v4  }
0x2c5: {  	v4 =	vadd.f32 v7, v6;
	v5 =	vadd.f32 v9, v8;
	_ =	sdelay $0x1  }
0x2c6: {  	v2 =	vadd.f32 v3, v2;
	v3 =	vadd.f32 v5, v4;
	_ =	sdelay $0x1  }
0x2c7: {  	v2 =	vadd.f32 v3, v2;
	_ =	sdelay $0x1  }
0x2c8: {  	v2 =	vadd.f32 v2, v59;
	_ =	sdelay $0x1  }
0x2c9: {  	v2 =	vsub.f32 $0.0e+00, v2;
	_ =	sdelay $0x1  }
0x2ca: {  	v2 =	vmul.f32 $1.442695020e+00, v2;
	_ =	sdelay $0x1  }
0x2cb: {  	(erf) = vpow2.f32 v2;
	_ =	sdelay $0x8  }
0x2cc: {  	v2 =	vpop (erf)  }
0x2cd: {  	v2 =	vadd.f32 $1.000000000e+00, v2;
	_ =	sdelay $0x1  }
0x2ce: {  	(erf) = vrcp.f32 v2;
	_ =	sdelay $0x5  }
0x2cf: {  	v54 =	vor.u32 $0xE00, v0  }
0x2d0: {  	v60 =	vor.u32 $0xE01, v0  }
0x2d1: {  	v61 =	vor.u32 $0xE02, v0  }
0x2d2: {  	v62 =	vor.u32 $0xE03, v0;
	v2 =	vpop (erf)  }
0x2d3: {  	v63 =	vor.u32 $0xE04, v0;
	[tilespmem:$0x14EF0] =	vst v2  }
0x2d4: {  	v3 =	vor.u32 $0xE06, v0;
	v13 =	vld.idx.msk [tilespmem:v54+s29+$0x0], $0xffff  }
0x2d5: {  	v4 =	vor.u32 $0xE07, v0;
	v14 =	vld.idx.msk [tilespmem:v60+s29+$0x0], $0xffff  }
0x2d6: {  	v5 =	vor.u32 $0xE08, v0;
	v15 =	vld.idx.msk [tilespmem:v61+s29+$0x0], $0xffff  }
0x2d7: {  	v6 =	vor.u32 $0xE09, v0;
	v16 =	vld.idx.msk [tilespmem:v62+s29+$0x0], $0xffff  }
0x2d8: {  	v7 =	vor.u32 $0xE0A, v0;
	v17 =	vld.idx.msk [tilespmem:v63+s29+$0x0], $0xffff  }
0x2d9: {  	v9 =	vor.u32 $0xE0C, v0;
	v19 =	vld.idx.msk [tilespmem:v3+s29+$0x0], $0xffff  }
0x2da: {  	v10 =	vor.u32 $0xE0D, v0;
	v20 =	vld.idx.msk [tilespmem:v4+s29+$0x0], $0xffff  }
0x2db: {  	v11 =	vor.u32 $0xE0E, v0;
	v21 =	vld.idx.msk [tilespmem:v5+s29+$0x0], $0xffff  }
0x2dc: {  	v12 =	vor.u32 $0xE0F, v0;
	v22 =	vld.idx.msk [tilespmem:v6+s29+$0x0], $0xffff  }
0x2dd: {  	v2 =	vor.u32 $0xE05, v0;
	v23 =	vld.idx.msk [tilespmem:v7+s29+$0x0], $0xffff  }
0x2de: {  	v8 =	vor.u32 $0xE0B, v0;
	v25 =	vld.idx.msk [tilespmem:v9+s29+$0x0], $0xffff  }
0x2df: {  	v26 =	vld.idx.msk [tilespmem:v10+s29+$0x0], $0xffff  }
0x2e0: {  	v27 =	vld.idx.msk [tilespmem:v11+s29+$0x0], $0xffff  }
0x2e1: {  	v28 =	vld.idx.msk [tilespmem:v12+s29+$0x0], $0xffff  }
0x2e2: {  	[tilespmem:$0x1FC00] =	vst v18;
	v18 =	vld.idx.msk [tilespmem:v2+s29+$0x0], $0xffff  }
0x2e3: {  	v24 =	vld.idx.msk [tilespmem:v8+s29+$0x0], $0xffff;
	_ =	sdelay $0x1  }
0x2e4: {  	v13 =	vadd.f32 v14, v13;
	v14 =	vadd.f32 v16, v15  }
0x2e5: {  	v16 =	vadd.f32 v20, v19;
	v19 =	vadd.f32 v26, v25  }
0x2e6: {  	v20 =	vadd.f32 v28, v27;
	v15 =	vadd.f32 v18, v17  }
0x2e7: {  	v17 =	vadd.f32 v22, v21;
	v18 =	vadd.f32 v24, v23  }
0x2e8: {  	v13 =	vadd.f32 v14, v13;
	v14 =	vadd.f32 v16, v15  }
0x2e9: {  	v15 =	vadd.f32 v18, v17;
	v16 =	vadd.f32 v20, v19;
	_ =	sdelay $0x1  }
0x2ea: {  	v13 =	vadd.f32 v14, v13;
	v14 =	vadd.f32 v16, v15;
	_ =	sdelay $0x1  }
0x2eb: {  	v13 =	vadd.f32 v14, v13;
	_ =	sdelay $0x1  }
0x2ec: {  	v13 =	vadd.f32 v13, v59;
	_ =	sdelay $0x1  }
0x2ed: {  	v13 =	vsub.f32 $0.0e+00, v13;
	_ =	sdelay $0x1  }
0x2ee: {  	v13 =	vmul.f32 $1.442695020e+00, v13;
	_ =	sdelay $0x1  }
0x2ef: {  	(erf) = vpow2.f32 v13;
	_ =	sdelay $0x8  }
0x2f0: {  	v13 =	vpop (erf)  }
0x2f1: {  	v13 =	vadd.f32 $1.000000000e+00, v13;
	_ =	sdelay $0x1  }
0x2f2: {  	(erf) = vrcp.f32 v13;
	_ =	sdelay $0x5  }
0x2f3: {  	v13 =	vor.u32 $0xF00, v0  }
0x2f4: {  	v14 =	vor.u32 $0xF01, v0  }
0x2f5: {  	v15 =	vor.u32 $0xF02, v0  }
0x2f6: {  	v16 =	vor.u32 $0xF03, v0;
	v17 =	vpop (erf)  }
0x2f7: {  	v18 =	vor.u32 $0xF05, v0;
	[tilespmem:$0x14F00] =	vst v17  }
0x2f8: {  	v19 =	vor.u32 $0xF06, v0;
	v29 =	vld.idx.msk [tilespmem:v13+s29+$0x0], $0xffff  }
0x2f9: {  	v20 =	vor.u32 $0xF07, v0;
	v30 =	vld.idx.msk [tilespmem:v14+s29+$0x0], $0xffff  }
0x2fa: {  	v21 =	vor.u32 $0xF08, v0;
	v31 =	vld.idx.msk [tilespmem:v15+s29+$0x0], $0xffff  }
0x2fb: {  	v22 =	vor.u32 $0xF09, v0;
	v32 =	vld.idx.msk [tilespmem:v16+s29+$0x0], $0xffff  }
0x2fc: {  	v23 =	vor.u32 $0xF0A, v0;
	v34 =	vld.idx.msk [tilespmem:v18+s29+$0x0], $0xffff  }
0x2fd: {  	v24 =	vor.u32 $0xF0B, v0;
	v35 =	vld.idx.msk [tilespmem:v19+s29+$0x0], $0xffff  }
0x2fe: {  	v25 =	vor.u32 $0xF0C, v0;
	v36 =	vld.idx.msk [tilespmem:v20+s29+$0x0], $0xffff  }
0x2ff: {  	v26 =	vor.u32 $0xF0D, v0;
	v37 =	vld.idx.msk [tilespmem:v21+s29+$0x0], $0xffff  }
0x300: {  	v27 =	vor.u32 $0xF0E, v0;
	v38 =	vld.idx.msk [tilespmem:v22+s29+$0x0], $0xffff  }
0x301: {  	v28 =	vor.u32 $0xF0F, v0;
	v39 =	vld.idx.msk [tilespmem:v23+s29+$0x0], $0xffff  }
0x302: {  	v17 =	vor.u32 $0xF04, v0;
	v40 =	vld.idx.msk [tilespmem:v24+s29+$0x0], $0xffff  }
0x303: {  	v41 =	vld.idx.msk [tilespmem:v25+s29+$0x0], $0xffff  }
0x304: {  	v42 =	vld.idx.msk [tilespmem:v26+s29+$0x0], $0xffff  }
0x305: {  	v43 =	vld.idx.msk [tilespmem:v27+s29+$0x0], $0xffff  }
0x306: {  	v44 =	vld.idx.msk [tilespmem:v28+s29+$0x0], $0xffff  }
0x307: {  	v33 =	vld.idx.msk [tilespmem:v17+s29+$0x0], $0xffff;
	_ =	sdelay $0x1  }
0x308: {  	v29 =	vadd.f32 v30, v29;
	v30 =	vadd.f32 v32, v31  }
0x309: {  	v46 =	vadd.f32 v36, v35;
	v47 =	vadd.f32 v38, v37  }
0x30a: {  	v42 =	vadd.f32 v42, v41;
	v44 =	vadd.f32 v44, v43  }
0x30b: {  	v40 =	vadd.f32 v40, v39;
	v31 =	vadd.f32 v34, v33  }
0x30c: {  	v29 =	vadd.f32 v30, v29;
	v45 =	vadd.f32 v44, v42  }
0x30d: {  	v30 =	vadd.f32 v46, v31;
	v31 =	vadd.f32 v40, v47;
	_ =	sdelay $0x1  }
0x30e: {  	v29 =	vadd.f32 v30, v29;
	v30 =	vadd.f32 v45, v31;
	_ =	sdelay $0x1  }
0x30f: {  	v29 =	vadd.f32 v30, v29;
	_ =	sdelay $0x1  }
0x310: {  	v29 =	vadd.f32 v29, v59;
	_ =	sdelay $0x1  }
0x311: {  	v29 =	vsub.f32 $0.0e+00, v29;
	_ =	sdelay $0x1  }
0x312: {  	v29 =	vmul.f32 $1.442695020e+00, v29;
	_ =	sdelay $0x1  }
0x313: {  	(erf) = vpow2.f32 v29;
	_ =	sdelay $0x8  }
0x314: {  	v29 =	vpop (erf)  }
0x315: {  	v29 =	vadd.f32 $1.000000000e+00, v29;
	_ =	sdelay $0x1  }
0x316: {  	(erf) = vrcp.f32 v29;
	_ =	sdelay $0x7  }
0x317: {  	s7 =	sadd.s32 s4, s20  }
0x318: {  	s7 =	sshrl.u32 s7, $0x3;
	v29 =	vpop (erf)  }
0x319: {  	p1 =	seq.s32 s18, $0x13;
	s7 =	sadd.s32 s2, s7;
	[tilespmem:$0x14F10] =	vst v29  }
0x31a: {  	[hbm4b:s7+s3] =	stream.linear.scatter [tilespmem:s30], [sflag:$0x5], $0x100, $0x38;
	[tilespmem:$0x16070] =	vst v63  }
0x31b: {  	s7 =	smin.u32 @!p1 s20, $0x2410  }
0x31c: {  	s15 =	simm.s32 @!p1 $0x80;
	s20 =	simm.s32 @!p1 $0x4E20;
	s8 =	sadd.s32 @!p1 $0x200, s7  }
0x31d: {  	[tilespmem:s20], [sflag:$0x1] =	stream.indirect.gather @!p1 [hbm4b:s5+s15], $0x40, s8, s15, $0xb8;
	[tilespmem:$0x16070] =	vst v63  }
0x31e: {  	s8 =	sadd.s32 @!p1 $0x2910, s7;
	s20 =	simm.s32 @!p1 $0xCE20  }
0x31f: {  	[tilespmem:s20], [sflag:$0x3] =	stream.indirect.gather @!p1 [hbm4b:s6+s15], $0x40, s8, s15, $0xb8;
	[tilespmem:$0x16070] =	vst v63  }
0x320: {  	s8 =	sadd.s32 @!p1 $0x280, s7;
	s20 =	simm.s32 @!p1 $0x6E20  }
0x321: {  	[tilespmem:s20], [sflag:$0x1] =	stream.indirect.gather @!p1 [hbm4b:s5+s15], $0x40, s8, s15, $0xb8;
	[tilespmem:$0x16070] =	vst v63  }
0x322: {  	s7 =	sadd.s32 @!p1 $0x2990, s7;
	s8 =	simm.s32 @!p1 $0xEE20  }
0x323: {  	[tilespmem:s8], [sflag:$0x3] =	stream.indirect.gather @!p1 [hbm4b:s6+s15], $0x40, s7, s15, $0xb8;
	[tilespmem:$0x16070] =	vst v63  }
0x324: {  	_ =	swait.ge [sflag:s31], $0x2000  }
0x325: {  	[sflag:s31] =	ssyncset.done $0x0  }
0x326: {  	[sflag:s31] =	ssyncadd.s32 $0xFFFFE000  }
0x327: {  	_ =	swait.ge [sflag:s1], $0x2000  }
0x328: {  	[sflag:s1] =	ssyncset.done $0x0  }
0x329: {  	[sflag:s1] =	ssyncadd.s32 $0xFFFFE000  }
0x32a: {  	_ =	swait.ge [sflag:s31], $0x2000  }
0x32b: {  	[sflag:s31] =	ssyncset.done $0x0  }
0x32c: {  	[sflag:s31] =	ssyncadd.s32 $0xFFFFE000  }
0x32d: {  	_ =	swait.ge [sflag:s1], $0x2000  }
0x32e: {  	[sflag:s1] =	ssyncset.done $0x0  }
0x32f: {  	s7 =	simm.s32 @!p0 $0x6;
	[sflag:s1] =	ssyncadd.s32 $0xFFFFE000  }
0x330: {  	_ =	swait.ge @!p0 [sflag:s7], $0x100  }
0x331: {  	[sflag:s7] =	ssyncset.done @!p0 $0x0  }
0x332: {  	s21 =	simm.s32 $0x8EA0;
	[sflag:s7] =	ssyncadd.s32 @!p0 $0xFFFFFF00  }
0x333: {  	s20 =	simm.s32 $0x10EA0;
	v29 =	vld [tilespmem:s21+$0x60]  }
0x334: {  	v30 =	vld [tilespmem:s20+$0x60]  }
0x335: {  	v31 =	vld [tilespmem:s21+$0x40]  }
0x336: {  	v32 =	vld [tilespmem:s20+$0x40]  }
0x337: {  	v33 =	vld [tilespmem:s21+$0x50]  }
0x338: {  	v34 =	vld [tilespmem:s20+$0x50]  }
0x339: {  	v35 =	vld [tilespmem:s21+$0x70]  }
0x33a: {  	v36 =	vld [tilespmem:s20+$0x70]  }
0x33b: {  	v37 =	vld [tilespmem:s20+$0xFFFFFF80]  }
0x33c: {  	v38 =	vld [tilespmem:s21+$0xFFFFFF90]  }
0x33d: {  	v39 =	vld [tilespmem:s20+$0xFFFFFF90]  }
0x33e: {  	v40 =	vld [tilespmem:s21+$0xFFFFFFC0]  }
0x33f: {  	v41 =	vld [tilespmem:s20+$0xFFFFFFC0]  }
0x340: {  	v42 =	vld [tilespmem:s21+$0xFFFFFFD0]  }
0x341: {  	v44 =	vld [tilespmem:s21+$0x0]  }
0x342: {  	v31 =	vadd.bf16 v32, v31;
	v46 =	vadd.bf16 v34, v33;
	v33 =	vld [tilespmem:s20+$0x0]  }
0x343: {  	v29 =	vadd.bf16 v30, v29;
	v30 =	vld [tilespmem:s21+$0x10]  }
0x344: {  	v47 =	vadd.bf16 v36, v35;
	v35 =	vld [tilespmem:s20+$0x10];
	v31 =	vmax.bf16 v31, v1  }
0x345: {  	v36 =	vld [tilespmem:s21+$0xFFFFFF80];
	v32 =	vmax.bf16 v46, v1;
	v31 =	vmul.bf16 v31, v55  }
0x346: {  	v43 =	vld [tilespmem:s20+$0xFFFFFFD0];
	v39 =	vadd.bf16 v39, v38;
	v29 =	vmax.bf16 v29, v1;
	v32 =	vmul.bf16 v32, v56  }
0x347: {  	v45 =	vld [tilespmem:s21+$0xFFFFFFA0];
	v34 =	vmax.bf16 v47, v1;
	v29 =	vmul.bf16 v29, v57;
	v31 =	vadd.bf16 v1, v31  }
0x348: {  	v46 =	vld [tilespmem:s20+$0xFFFFFFA0];
	v34 =	vmul.bf16 v34, v58;
	v32 =	vadd.bf16 v1, v32;
	v33 =	vadd.bf16 v33, v44  }
0x349: {  	v47 =	vld [tilespmem:s21+$0xFFFFFFB0];
	v30 =	vadd.bf16 v35, v30;
	v29 =	vadd.bf16 v29, v31  }
0x34a: {  	v31 =	vadd.bf16 v34, v32;
	v32 =	vld [tilespmem:s20+$0xFFFFFFB0];
	v34 =	vadd.bf16 v37, v36  }
0x34b: {  	v36 =	vld [tilespmem:s21+$0xFFFFFFE0];
	v37 =	vadd.bf16 v41, v40;
	v40 =	vadd.bf16 v43, v42  }
0x34c: {  	v30 =	vmax.bf16 v30, v1;
	v29 =	vadd.bf16 v31, v29;
	v31 =	vld [tilespmem:s20+$0xFFFFFFE0];
	v34 =	vmax.bf16 v34, v1  }
0x34d: {  	v45 =	vadd.bf16 v46, v45;
	v30 =	vmul.bf16 v30, v56;
	v34 =	vmul.bf16 v34, v55  }
0x34e: {  	v44 =	vmax.bf16 v40, v1;
	v46 =	vunpack.i.u.bf16.f32 v29;
	v29 =	vunpack.i.l.bf16.f32 v29  }
0x34f: {  	v41 =	vadd.f32 v29, v46;
	v29 =	vmax.bf16 v45, v1;
	v34 =	vadd.bf16 v1, v34  }
0x350: {  	v35 =	vld [tilespmem:s21+$0xFFFFFFF0];
	v42 =	vadd.bf16 v32, v47;
	v46 =	vmax.bf16 v33, v1;
	v29 =	vmul.bf16 v29, v57  }
0x351: {  	v47 =	vmul.bf16 v46, v55;
	v38 =	vadd.bf16 v31, v36;
	v31 =	vmax.bf16 v37, v1;
	v36 =	vld [tilespmem:s20+$0xFFFFFFF0]  }
0x352: {  	v40 =	vld [tilespmem:s20+$0x20];
	v34 =	vadd.bf16 v29, v34;
	v29 =	vmax.bf16 v39, v1;
	v31 =	vmul.bf16 v31, v55  }
0x353: {  	s15 =	simm.s32 $0x15040;
	v30 =	vadd.bf16 v1, v30;
	v45 =	vmul.bf16 v44, v56;
	v37 =	vld [tilespmem:s21+$0x20];
	v29 =	vmul.bf16 v29, v56  }
0x354: {  	v42 =	vmax.bf16 v42, v1;
	[tilespmem:s15+$0x10] =	vst v41;
	v41 =	vld [tilespmem:s20+$0x30];
	v32 =	vadd.bf16 v1, v31;
	v31 =	vadd.bf16 v1, v47  }
0x355: {  	s7 =	simm.s32 $0x0;
	v39 =	vld [tilespmem:s21+$0x30];
	v42 =	vmul.bf16 v42, v58;
	s21 =	simm.s32 $0x8FA0;
	v33 =	vadd.bf16 v1, v29;
	v29 =	vadd.bf16 v1, v45  }
.LBB2_5:
0x356: {  	v43 =	vld [tilespmem:s21+$0x60];
	v38 =	vmax.bf16 v38, v1;
	v35 =	vadd.bf16 v36, v35;
	s20 =	sadd.s32 $0x100, s20  }
0x357: {  	v36 =	vld [tilespmem:s20+$0x60];
	v33 =	vadd.bf16 v42, v33;
	v38 =	vmul.bf16 v38, v57  }
0x358: {  	v42 =	vld [tilespmem:s21+$0x40];
	v35 =	vmax.bf16 v35, v1;
	v37 =	vadd.bf16 v40, v37  }
0x359: {  	v40 =	vld [tilespmem:s20+$0x40];
	v33 =	vadd.bf16 v33, v34;
	v32 =	vadd.bf16 v38, v32;
	v34 =	vmul.bf16 v35, v58  }
0x35a: {  	v35 =	vld [tilespmem:s21+$0x50];
	v37 =	vmax.bf16 v37, v1;
	v38 =	vadd.bf16 v41, v39  }
0x35b: {  	s7 =	sadd.s32 $0x4, s7;
	v39 =	vld [tilespmem:s20+$0x50];
	v41 =	vunpack.i.u.bf16.f32 v33;
	v29 =	vadd.bf16 v34, v29;
	v34 =	vmul.bf16 v37, v57  }
0x35c: {  	p0 =	slt.u32 s7, $0xFC;
	v33 =	vunpack.i.l.bf16.f32 v33;
	v37 =	vld [tilespmem:s21+$0x70];
	v38 =	vmax.bf16 v38, v1  }
0x35d: {  	v44 =	vld [tilespmem:s20+$0x70];
	v29 =	vadd.bf16 v29, v32;
	v31 =	vadd.bf16 v34, v31;
	v32 =	vmul.bf16 v38, v58  }
0x35e: {  	v33 =	vadd.f32 v33, v41;
	v34 =	vld [tilespmem:s20+$0xFFFFFF80]  }
0x35f: {  	v38 =	vld [tilespmem:s21+$0xFFFFFF90];
	v41 =	vunpack.i.u.bf16.f32 v29;
	v29 =	vunpack.i.l.bf16.f32 v29;
	v30 =	vadd.bf16 v32, v30  }
0x360: {  	v40 =	vadd.bf16 v40, v42;
	v32 =	vld [tilespmem:s20+$0xFFFFFF90];
	v35 =	vadd.bf16 v39, v35;
	[tilespmem:s15+$0xFFFFFFE0] =	vst v33  }
0x361: {  	v36 =	vadd.bf16 v36, v43;
	v33 =	vld [tilespmem:s21+$0xFFFFFFC0];
	v30 =	vadd.bf16 v30, v31  }
0x362: {  	v39 =	vmax.bf16 v40, v1;
	v31 =	vld [tilespmem:s20+$0xFFFFFFC0];
	v35 =	vmax.bf16 v35, v1;
	v37 =	vadd.bf16 v44, v37  }
0x363: {  	v36 =	vmax.bf16 v36, v1;
	v39 =	vmul.bf16 v39, v55;
	v40 =	vld [tilespmem:s21+$0xFFFFFFD0];
	v35 =	vmul.bf16 v35, v56  }
0x364: {  	v36 =	vmul.bf16 v36, v57;
	v43 =	vunpack.i.u.bf16.f32 v30;
	v42 =	vld [tilespmem:s20+$0xFFFFFFD0];
	v37 =	vmax.bf16 v37, v1  }
0x365: {  	v39 =	vadd.bf16 v1, v39;
	v44 =	vld [tilespmem:s21+$0x0];
	v35 =	vadd.bf16 v1, v35;
	v37 =	vmul.bf16 v37, v58  }
0x366: {  	v29 =	vadd.f32 v29, v41;
	v30 =	vunpack.i.l.bf16.f32 v30;
	v32 =	vadd.bf16 v32, v38;
	v38 =	vld [tilespmem:s20+$0x0]  }
0x367: {  	v36 =	vadd.bf16 v36, v39;
	v41 =	vld [tilespmem:s21+$0x10];
	v35 =	vadd.bf16 v37, v35  }
0x368: {  	v32 =	vmax.bf16 v32, v1;
	v31 =	vadd.bf16 v31, v33;
	v33 =	vld [tilespmem:s20+$0x10];
	[tilespmem:s15+$0xFFFFFFF0] =	vst v29;
	v29 =	vadd.f32 v30, v43  }
0x369: {  	v32 =	vmul.bf16 v32, v56;
	v30 =	vld [tilespmem:s21+$0xFFFFFF80];
	v37 =	vadd.bf16 v42, v40;
	v35 =	vadd.bf16 v35, v36  }
0x36a: {  	v31 =	vmax.bf16 v31, v1;
	v36 =	vld [tilespmem:s21+$0xFFFFFFA0];
	[tilespmem:s15+$0x0] =	vst v29  }
0x36b: {  	v39 =	vld [tilespmem:s20+$0xFFFFFFA0];
	v29 =	vadd.bf16 v38, v44;
	v38 =	vunpack.i.u.bf16.f32 v35;
	v35 =	vunpack.i.l.bf16.f32 v35  }
0x36c: {  	v31 =	vmul.bf16 v31, v55;
	v37 =	vmax.bf16 v37, v1;
	v40 =	vld [tilespmem:s21+$0xFFFFFFB0];
	v35 =	vadd.f32 v35, v38  }
0x36d: {  	s15 =	sadd.s32 $0x40, s15;
	v37 =	vmul.bf16 v37, v56;
	v38 =	vld [tilespmem:s20+$0xFFFFFFB0];
	v29 =	vmax.bf16 v29, v1;
	v41 =	vadd.bf16 v33, v41  }
0x36e: {  	v33 =	vadd.bf16 v1, v32;
	v30 =	vadd.bf16 v34, v30;
	v34 =	vld [tilespmem:s21+$0xFFFFFFE0];
	v42 =	vmul.bf16 v29, v55;
	[tilespmem:s15+$0x10] =	vst v35  }
0x36f: {  	v32 =	vadd.bf16 v1, v31;
	v29 =	vadd.bf16 v1, v37;
	v43 =	vld [tilespmem:s20+$0xFFFFFFE0];
	v31 =	vmax.bf16 v41, v1  }
0x370: {  	v30 =	vmax.bf16 v30, v1;
	v37 =	vadd.bf16 v39, v36;
	v35 =	vld [tilespmem:s21+$0xFFFFFFF0];
	v39 =	vmul.bf16 v31, v56  }
.Ltmp1:
0x371: {  	v31 =	vadd.bf16 v1, v42;
	v41 =	vmul.bf16 v30, v55;
	v36 =	vld [tilespmem:s20+$0xFFFFFFF0];
	(pc) =	sbr.rel @p0 .LBB2_5-.Ltmp1, $4  }
0x372: {  	v42 =	vmax.bf16 v37, v1;
	v38 =	vadd.bf16 v38, v40;
	v30 =	vadd.bf16 v1, v39;
	v37 =	vld [tilespmem:s21+$0x20]  }
0x373: {  	v41 =	vadd.bf16 v1, v41;
	v42 =	vmul.bf16 v42, v57;
	v40 =	vld [tilespmem:s20+$0x20]  }
0x374: {  	v44 =	vmax.bf16 v38, v1;
	v38 =	vadd.bf16 v43, v34;
	v39 =	vld [tilespmem:s21+$0x30]  }
0x375: {  	s21 =	sadd.s32 $0x100, s21;
	v34 =	vadd.bf16 v42, v41;
	v42 =	vmul.bf16 v44, v58;
	v41 =	vld [tilespmem:s20+$0x30]  }
0x376: {  	_ =	sdelay $0x1  }
0x377: {  	v35 =	vadd.bf16 v36, v35  }
0x378: {  	v40 =	vadd.bf16 v40, v37  }
0x379: {  	v38 =	vmax.bf16 v38, v1;
	v35 =	vmax.bf16 v35, v1;
	v41 =	vadd.bf16 v41, v39  }
0x37a: {  	v38 =	vmul.bf16 v38, v57;
	v35 =	vmul.bf16 v35, v58;
	v36 =	vmax.bf16 v40, v1  }
0x37b: {  	v43 =	vmul.bf16 v36, v57;
	v37 =	vmax.bf16 v41, v1  }
0x37c: {  	v32 =	vadd.bf16 v38, v32;
	v29 =	vadd.bf16 v35, v29;
	v44 =	vmul.bf16 v37, v58  }
0x37d: {  	v33 =	vadd.bf16 v42, v33;
	v31 =	vadd.bf16 v43, v31  }
0x37e: {  	v29 =	vadd.bf16 v29, v32;
	v30 =	vadd.bf16 v44, v30  }
0x37f: {  	v33 =	vadd.bf16 v33, v34  }
0x380: {  	v47 =	vunpack.i.u.bf16.f32 v29;
	v29 =	vunpack.i.l.bf16.f32 v29;
	v30 =	vadd.bf16 v30, v31  }
0x381: {  	v45 =	vunpack.i.u.bf16.f32 v33;
	v46 =	vunpack.i.l.bf16.f32 v33;
	v29 =	vadd.f32 v29, v47  }
0x382: {  	v31 =	vadd.f32 v46, v45;
	v36 =	vunpack.i.u.bf16.f32 v30;
	v30 =	vunpack.i.l.bf16.f32 v30  }
0x383: {  	[tilespmem:s15+$0xFFFFFFF0] =	vst v29;
	v30 =	vadd.f32 v30, v36  }
0x384: {  	[tilespmem:s15+$0xFFFFFFE0] =	vst v31  }
0x385: {  	[tilespmem:s15+$0x0] =	vst v30  }
0x386: {  	v45 =	vld [tilespmem:$0x1FFD0]  }
0x387: {  	v46 =	vld [tilespmem:$0x1FFE0]  }
0x388: {  	v47 =	vld [tilespmem:$0x1FFF0]  }
0x389: {  	v37 =	vld [tilespmem:$0x1FCB0]  }
0x38a: {  	v40 =	vld [tilespmem:$0x1FCE0]  }
0x38b: {  	v44 =	vld [tilespmem:$0x1FD20]  }
0x38c: {  	v38 =	vld [tilespmem:$0x1FCC0]  }
0x38d: {  	v39 =	vld [tilespmem:$0x1FCD0]  }
0x38e: {  	v41 =	vld [tilespmem:$0x1FCF0]  }
0x38f: {  	v42 =	vld [tilespmem:$0x1FD00]  }
0x390: {  	v43 =	vld [tilespmem:$0x1FD10]  }
0x391: {  	v33 =	vld.idx.msk [tilespmem:v37+s29+$0x0], $0xffff  }
0x392: {  	v36 =	vld.idx.msk [tilespmem:v40+s29+$0x0], $0xffff  }
0x393: {  	v40 =	vld.idx.msk [tilespmem:v44+s29+$0x0], $0xffff  }
0x394: {  	v44 =	vld [tilespmem:$0x1FD30]  }
0x395: {  	v34 =	vld.idx.msk [tilespmem:v38+s29+$0x0], $0xffff  }
0x396: {  	v35 =	vld.idx.msk [tilespmem:v39+s29+$0x0], $0xffff  }
0x397: {  	v37 =	vld.idx.msk [tilespmem:v41+s29+$0x0], $0xffff  }
0x398: {  	v38 =	vld.idx.msk [tilespmem:v42+s29+$0x0], $0xffff  }
0x399: {  	v39 =	vld.idx.msk [tilespmem:v43+s29+$0x0], $0xffff  }
0x39a: {  	v42 =	vld [tilespmem:$0x1FD40]  }
0x39b: {  	v43 =	vld [tilespmem:$0x1FD50]  }
0x39c: {  	v41 =	vld.idx.msk [tilespmem:v44+s29+$0x0], $0xffff  }
0x39d: {  	v44 =	vld [tilespmem:$0x1FD60];
	_ =	sdelay $0x1  }
0x39e: {  	v29 =	vld.idx.msk [tilespmem:v0+s29+$0x0], $0xffff  }
0x39f: {  	v30 =	vld.idx.msk [tilespmem:v45+s29+$0x0], $0xffff  }
0x3a0: {  	v31 =	vld.idx.msk [tilespmem:v46+s29+$0x0], $0xffff  }
0x3a1: {  	v32 =	vld.idx.msk [tilespmem:v47+s29+$0x0], $0xffff  }
0x3a2: {  	v42 =	vld.idx.msk [tilespmem:v42+s29+$0x0], $0xffff  }
0x3a3: {  	v43 =	vld.idx.msk [tilespmem:v43+s29+$0x0], $0xffff  }
0x3a4: {  	v44 =	vld.idx.msk [tilespmem:v44+s29+$0x0], $0xffff;
	_ =	sdelay $0x1  }
0x3a5: {  	v29 =	vadd.f32 v30, v29;
	v30 =	vadd.f32 v32, v31  }
0x3a6: {  	v31 =	vadd.f32 v34, v33;
	v32 =	vadd.f32 v36, v35  }
0x3a7: {  	v33 =	vadd.f32 v38, v37;
	v34 =	vadd.f32 v40, v39  }
0x3a8: {  	v35 =	vadd.f32 v42, v41;
	v40 =	vadd.f32 v44, v43  }
0x3a9: {  	v29 =	vadd.f32 v30, v29;
	v41 =	vadd.f32 v32, v31  }
0x3aa: {  	v42 =	vadd.f32 v34, v33;
	v43 =	vadd.f32 v40, v35;
	_ =	sdelay $0x1  }
0x3ab: {  	v29 =	vadd.f32 v41, v29;
	v44 =	vadd.f32 v43, v42;
	_ =	sdelay $0x1  }
0x3ac: {  	v29 =	vadd.f32 v44, v29;
	_ =	sdelay $0x1  }
0x3ad: {  	v29 =	vadd.f32 v29, v59;
	_ =	sdelay $0x1  }
0x3ae: {  	v29 =	vsub.f32 $0.0e+00, v29;
	_ =	sdelay $0x1  }
0x3af: {  	v29 =	vmul.f32 $1.442695020e+00, v29;
	_ =	sdelay $0x1  }
0x3b0: {  	(erf) = vpow2.f32 v29;
	_ =	sdelay $0x8  }
0x3b1: {  	v29 =	vpop (erf)  }
0x3b2: {  	v29 =	vadd.f32 $1.000000000e+00, v29;
	_ =	sdelay $0x1  }
0x3b3: {  	(erf) = vrcp.f32 v29;
	_ =	sdelay $0x1  }
0x3b4: {  	v36 =	vld [tilespmem:$0x1FDA0]  }
0x3b5: {  	v33 =	vld [tilespmem:$0x1FD70]  }
0x3b6: {  	v34 =	vld [tilespmem:$0x1FD80]  }
0x3b7: {  	v35 =	vld [tilespmem:$0x1FD90]  }
0x3b8: {  	v37 =	vld [tilespmem:$0x1FDB0]  }
0x3b9: {  	v38 =	vld [tilespmem:$0x1FDC0]  }
0x3ba: {  	v39 =	vld [tilespmem:$0x1FDD0]  }
0x3bb: {  	v41 =	vld [tilespmem:$0x1FDF0];
	v29 =	vpop (erf)  }
0x3bc: {  	v40 =	vld [tilespmem:$0x1FDE0];
	[tilespmem:$0x14F20] =	vst v29  }
0x3bd: {  	v29 =	vld.idx.msk [tilespmem:v33+s29+$0x0], $0xffff  }
0x3be: {  	v30 =	vld.idx.msk [tilespmem:v34+s29+$0x0], $0xffff  }
0x3bf: {  	v31 =	vld.idx.msk [tilespmem:v35+s29+$0x0], $0xffff  }
0x3c0: {  	v32 =	vld.idx.msk [tilespmem:v36+s29+$0x0], $0xffff  }
0x3c1: {  	v33 =	vld.idx.msk [tilespmem:v37+s29+$0x0], $0xffff  }
0x3c2: {  	v34 =	vld.idx.msk [tilespmem:v38+s29+$0x0], $0xffff  }
0x3c3: {  	v35 =	vld.idx.msk [tilespmem:v39+s29+$0x0], $0xffff  }
0x3c4: {  	v36 =	vld.idx.msk [tilespmem:v40+s29+$0x0], $0xffff  }
0x3c5: {  	v37 =	vld.idx.msk [tilespmem:v41+s29+$0x0], $0xffff  }
0x3c6: {  	v42 =	vld [tilespmem:$0x1FE00]  }
0x3c7: {  	v44 =	vld [tilespmem:$0x1FE20];
	_ =	sdelay $0x5  }
0x3c8: {  	v43 =	vld [tilespmem:$0x1FE10];
	_ =	sdelay $0x1  }
0x3c9: {  	v40 =	vld.idx.msk [tilespmem:v44+s29+$0x0], $0xffff  }
0x3ca: {  	v44 =	vld [tilespmem:$0x1FE30];
	_ =	sdelay $0x3  }
0x3cb: {  	v38 =	vld.idx.msk [tilespmem:v42+s29+$0x0], $0xffff  }
0x3cc: {  	v39 =	vld.idx.msk [tilespmem:v43+s29+$0x0], $0xffff  }
0x3cd: {  	v42 =	vld [tilespmem:$0x1FE40]  }
0x3ce: {  	v43 =	vld [tilespmem:$0x1FE50]  }
0x3cf: {  	v41 =	vld.idx.msk [tilespmem:v44+s29+$0x0], $0xffff  }
0x3d0: {  	v44 =	vld [tilespmem:$0x1FE60];
	_ =	sdelay $0x5  }
0x3d1: {  	v42 =	vld.idx.msk [tilespmem:v42+s29+$0x0], $0xffff  }
0x3d2: {  	v43 =	vld.idx.msk [tilespmem:v43+s29+$0x0], $0xffff  }
0x3d3: {  	v44 =	vld.idx.msk [tilespmem:v44+s29+$0x0], $0xffff;
	_ =	sdelay $0x1  }
0x3d4: {  	v29 =	vadd.f32 v30, v29;
	v30 =	vadd.f32 v32, v31  }
0x3d5: {  	v31 =	vadd.f32 v34, v33;
	v32 =	vadd.f32 v36, v35  }
0x3d6: {  	v33 =	vadd.f32 v38, v37;
	v34 =	vadd.f32 v40, v39  }
0x3d7: {  	v35 =	vadd.f32 v42, v41;
	v40 =	vadd.f32 v44, v43  }
0x3d8: {  	v29 =	vadd.f32 v30, v29;
	v41 =	vadd.f32 v32, v31  }
0x3d9: {  	v42 =	vadd.f32 v34, v33;
	v43 =	vadd.f32 v40, v35;
	_ =	sdelay $0x1  }
0x3da: {  	v29 =	vadd.f32 v41, v29;
	v44 =	vadd.f32 v43, v42;
	_ =	sdelay $0x1  }
0x3db: {  	v29 =	vadd.f32 v44, v29;
	_ =	sdelay $0x1  }
0x3dc: {  	v29 =	vadd.f32 v29, v59;
	_ =	sdelay $0x1  }
0x3dd: {  	v29 =	vsub.f32 $0.0e+00, v29;
	_ =	sdelay $0x1  }
0x3de: {  	v29 =	vmul.f32 $1.442695020e+00, v29;
	_ =	sdelay $0x1  }
0x3df: {  	(erf) = vpow2.f32 v29;
	_ =	sdelay $0x8  }
0x3e0: {  	v29 =	vpop (erf)  }
0x3e1: {  	v29 =	vadd.f32 $1.000000000e+00, v29  }
0x3e2: {  	v36 =	vld [tilespmem:$0x1FEA0]  }
0x3e3: {  	v37 =	vld [tilespmem:$0x1FEB0];
	(erf) = vrcp.f32 v29  }
0x3e4: {  	v38 =	vld [tilespmem:$0x1FEC0]  }
0x3e5: {  	v39 =	vld [tilespmem:$0x1FED0]  }
0x3e6: {  	v33 =	vld [tilespmem:$0x1FE70]  }
0x3e7: {  	v34 =	vld [tilespmem:$0x1FE80]  }
0x3e8: {  	v35 =	vld [tilespmem:$0x1FE90]  }
0x3e9: {  	v41 =	vld [tilespmem:$0x1FEF0]  }
0x3ea: {  	v40 =	vld [tilespmem:$0x1FEE0]  }
0x3eb: {  	v42 =	vld [tilespmem:$0x1FF00]  }
0x3ec: {  	v44 =	vld [tilespmem:$0x1FF20];
	v29 =	vpop (erf)  }
0x3ed: {  	v43 =	vld [tilespmem:$0x1FF10];
	[tilespmem:$0x14F30] =	vst v29  }
0x3ee: {  	v29 =	vld.idx.msk [tilespmem:v33+s29+$0x0], $0xffff  }
0x3ef: {  	v30 =	vld.idx.msk [tilespmem:v34+s29+$0x0], $0xffff  }
0x3f0: {  	v31 =	vld.idx.msk [tilespmem:v35+s29+$0x0], $0xffff  }
0x3f1: {  	v32 =	vld.idx.msk [tilespmem:v36+s29+$0x0], $0xffff  }
0x3f2: {  	v33 =	vld.idx.msk [tilespmem:v37+s29+$0x0], $0xffff  }
0x3f3: {  	v36 =	vld.idx.msk [tilespmem:v40+s29+$0x0], $0xffff  }
0x3f4: {  	v40 =	vld.idx.msk [tilespmem:v44+s29+$0x0], $0xffff  }
0x3f5: {  	v44 =	vld [tilespmem:$0x1FF30]  }
0x3f6: {  	v34 =	vld.idx.msk [tilespmem:v38+s29+$0x0], $0xffff  }
0x3f7: {  	v35 =	vld.idx.msk [tilespmem:v39+s29+$0x0], $0xffff  }
0x3f8: {  	v37 =	vld.idx.msk [tilespmem:v41+s29+$0x0], $0xffff  }
0x3f9: {  	v38 =	vld.idx.msk [tilespmem:v42+s29+$0x0], $0xffff  }
0x3fa: {  	v39 =	vld.idx.msk [tilespmem:v43+s29+$0x0], $0xffff  }
0x3fb: {  	v42 =	vld [tilespmem:$0x1FF40]  }
0x3fc: {  	v43 =	vld [tilespmem:$0x1FF50]  }
0x3fd: {  	v41 =	vld.idx.msk [tilespmem:v44+s29+$0x0], $0xffff  }
0x3fe: {  	v44 =	vld [tilespmem:$0x1FF60];
	_ =	sdelay $0x5  }
0x3ff: {  	v42 =	vld.idx.msk [tilespmem:v42+s29+$0x0], $0xffff  }
0x400: {  	v43 =	vld.idx.msk [tilespmem:v43+s29+$0x0], $0xffff  }
0x401: {  	v44 =	vld.idx.msk [tilespmem:v44+s29+$0x0], $0xffff;
	_ =	sdelay $0x1  }
0x402: {  	v29 =	vadd.f32 v30, v29;
	v30 =	vadd.f32 v32, v31  }
0x403: {  	v31 =	vadd.f32 v34, v33;
	v32 =	vadd.f32 v36, v35  }
0x404: {  	v33 =	vadd.f32 v38, v37;
	v34 =	vadd.f32 v40, v39  }
0x405: {  	v35 =	vadd.f32 v42, v41;
	v40 =	vadd.f32 v44, v43  }
0x406: {  	v29 =	vadd.f32 v30, v29;
	v41 =	vadd.f32 v32, v31  }
0x407: {  	v42 =	vadd.f32 v34, v33;
	v43 =	vadd.f32 v40, v35;
	_ =	sdelay $0x1  }
0x408: {  	v29 =	vadd.f32 v41, v29;
	v44 =	vadd.f32 v43, v42;
	_ =	sdelay $0x1  }
0x409: {  	v29 =	vadd.f32 v44, v29;
	_ =	sdelay $0x1  }
0x40a: {  	v29 =	vadd.f32 v29, v59;
	_ =	sdelay $0x1  }
0x40b: {  	v29 =	vsub.f32 $0.0e+00, v29;
	_ =	sdelay $0x1  }
0x40c: {  	v29 =	vmul.f32 $1.442695020e+00, v29;
	_ =	sdelay $0x1  }
0x40d: {  	(erf) = vpow2.f32 v29;
	_ =	sdelay $0x8  }
0x40e: {  	v29 =	vpop (erf)  }
0x40f: {  	v29 =	vadd.f32 $1.000000000e+00, v29  }
0x410: {  	v36 =	vld [tilespmem:$0x1F2A0]  }
0x411: {  	v37 =	vld [tilespmem:$0x1F2B0];
	(erf) = vrcp.f32 v29  }
0x412: {  	v38 =	vld [tilespmem:$0x1F2C0]  }
0x413: {  	v39 =	vld [tilespmem:$0x1F2D0]  }
0x414: {  	v33 =	vld [tilespmem:$0x1F270]  }
0x415: {  	v34 =	vld [tilespmem:$0x1F280]  }
0x416: {  	v35 =	vld [tilespmem:$0x1F290]  }
0x417: {  	v41 =	vld [tilespmem:$0x1FF70]  }
0x418: {  	v40 =	vld [tilespmem:$0x1F2E0]  }
0x419: {  	v42 =	vld [tilespmem:$0x1FF80]  }
0x41a: {  	v44 =	vld [tilespmem:$0x1FFA0];
	v29 =	vpop (erf)  }
0x41b: {  	v43 =	vld [tilespmem:$0x1FF90];
	[tilespmem:$0x14F40] =	vst v29  }
0x41c: {  	v29 =	vld.idx.msk [tilespmem:v33+s29+$0x0], $0xffff  }
0x41d: {  	v30 =	vld.idx.msk [tilespmem:v34+s29+$0x0], $0xffff  }
0x41e: {  	v31 =	vld.idx.msk [tilespmem:v35+s29+$0x0], $0xffff  }
0x41f: {  	v32 =	vld.idx.msk [tilespmem:v36+s29+$0x0], $0xffff  }
0x420: {  	v33 =	vld.idx.msk [tilespmem:v37+s29+$0x0], $0xffff  }
0x421: {  	v36 =	vld.idx.msk [tilespmem:v40+s29+$0x0], $0xffff  }
0x422: {  	v40 =	vld.idx.msk [tilespmem:v44+s29+$0x0], $0xffff  }
0x423: {  	v44 =	vld [tilespmem:$0x1FFB0]  }
0x424: {  	v34 =	vld.idx.msk [tilespmem:v38+s29+$0x0], $0xffff  }
0x425: {  	v35 =	vld.idx.msk [tilespmem:v39+s29+$0x0], $0xffff  }
0x426: {  	v37 =	vld.idx.msk [tilespmem:v41+s29+$0x0], $0xffff  }
0x427: {  	v38 =	vld.idx.msk [tilespmem:v42+s29+$0x0], $0xffff  }
0x428: {  	v39 =	vld.idx.msk [tilespmem:v43+s29+$0x0], $0xffff  }
0x429: {  	v42 =	vld [tilespmem:$0x1FFC0]  }
0x42a: {  	v43 =	vld [tilespmem:$0x1F2F0]  }
0x42b: {  	v41 =	vld.idx.msk [tilespmem:v44+s29+$0x0], $0xffff  }
0x42c: {  	v44 =	vld [tilespmem:$0x1F300];
	_ =	sdelay $0x5  }
0x42d: {  	v42 =	vld.idx.msk [tilespmem:v42+s29+$0x0], $0xffff  }
0x42e: {  	v43 =	vld.idx.msk [tilespmem:v43+s29+$0x0], $0xffff  }
0x42f: {  	v44 =	vld.idx.msk [tilespmem:v44+s29+$0x0], $0xffff;
	_ =	sdelay $0x1  }
0x430: {  	v37 =	vadd.f32 v38, v37;
	v38 =	vadd.f32 v40, v39  }
0x431: {  	v29 =	vadd.f32 v30, v29;
	v30 =	vadd.f32 v32, v31  }
0x432: {  	v40 =	vadd.f32 v34, v33;
	v39 =	vadd.f32 v42, v41  }
0x433: {  	v41 =	vadd.f32 v36, v35;
	v42 =	vadd.f32 v44, v43  }
0x434: {  	v30 =	vadd.f32 v40, v30;
	v29 =	vadd.f32 v29, v39  }
0x435: {  	v43 =	vadd.f32 v38, v37;
	v44 =	vadd.f32 v42, v41;
	_ =	sdelay $0x1  }
0x436: {  	v29 =	vadd.f32 v29, v43;
	v30 =	vadd.f32 v44, v30;
	_ =	sdelay $0x1  }
0x437: {  	v29 =	vadd.f32 v30, v29;
	_ =	sdelay $0x1  }
0x438: {  	v29 =	vadd.f32 v29, v59;
	_ =	sdelay $0x1  }
0x439: {  	v29 =	vsub.f32 $0.0e+00, v29;
	_ =	sdelay $0x1  }
0x43a: {  	v29 =	vmul.f32 $1.442695020e+00, v29;
	_ =	sdelay $0x1  }
0x43b: {  	(erf) = vpow2.f32 v29;
	_ =	sdelay $0x8  }
0x43c: {  	v29 =	vpop (erf)  }
0x43d: {  	v29 =	vadd.f32 $1.000000000e+00, v29  }
0x43e: {  	v33 =	vld [tilespmem:$0x1F310]  }
0x43f: {  	v34 =	vld [tilespmem:$0x1F320];
	(erf) = vrcp.f32 v29  }
0x440: {  	v40 =	vld [tilespmem:$0x1F380]  }
0x441: {  	v35 =	vld [tilespmem:$0x1F330]  }
0x442: {  	v36 =	vld [tilespmem:$0x1F340]  }
0x443: {  	v39 =	vld [tilespmem:$0x1F370]  }
0x444: {  	v37 =	vld [tilespmem:$0x1F350]  }
0x445: {  	v38 =	vld [tilespmem:$0x1F360]  }
0x446: {  	v41 =	vld [tilespmem:$0x1F390]  }
0x447: {  	v42 =	vld [tilespmem:$0x1F3A0]  }
0x448: {  	v44 =	vld [tilespmem:$0x1F3C0];
	v29 =	vpop (erf)  }
0x449: {  	v43 =	vld [tilespmem:$0x1F3B0];
	[tilespmem:$0x14F50] =	vst v29  }
0x44a: {  	v29 =	vld.idx.msk [tilespmem:v33+s29+$0x0], $0xffff  }
0x44b: {  	v30 =	vld.idx.msk [tilespmem:v34+s29+$0x0], $0xffff  }
0x44c: {  	v31 =	vld.idx.msk [tilespmem:v35+s29+$0x0], $0xffff  }
0x44d: {  	v32 =	vld.idx.msk [tilespmem:v36+s29+$0x0], $0xffff  }
0x44e: {  	v33 =	vld.idx.msk [tilespmem:v37+s29+$0x0], $0xffff  }
0x44f: {  	v36 =	vld.idx.msk [tilespmem:v40+s29+$0x0], $0xffff  }
0x450: {  	v40 =	vld.idx.msk [tilespmem:v44+s29+$0x0], $0xffff  }
0x451: {  	v44 =	vld [tilespmem:$0x1F3D0]  }
0x452: {  	v34 =	vld.idx.msk [tilespmem:v38+s29+$0x0], $0xffff  }
0x453: {  	v35 =	vld.idx.msk [tilespmem:v39+s29+$0x0], $0xffff  }
0x454: {  	v37 =	vld.idx.msk [tilespmem:v41+s29+$0x0], $0xffff  }
0x455: {  	v38 =	vld.idx.msk [tilespmem:v42+s29+$0x0], $0xffff  }
0x456: {  	v39 =	vld.idx.msk [tilespmem:v43+s29+$0x0], $0xffff  }
0x457: {  	v42 =	vld [tilespmem:$0x1F3E0]  }
0x458: {  	v43 =	vld [tilespmem:$0x1F3F0]  }
0x459: {  	v41 =	vld.idx.msk [tilespmem:v44+s29+$0x0], $0xffff  }
0x45a: {  	v44 =	vld [tilespmem:$0x1F400];
	_ =	sdelay $0x5  }
0x45b: {  	v42 =	vld.idx.msk [tilespmem:v42+s29+$0x0], $0xffff  }
0x45c: {  	v43 =	vld.idx.msk [tilespmem:v43+s29+$0x0], $0xffff  }
0x45d: {  	v44 =	vld.idx.msk [tilespmem:v44+s29+$0x0], $0xffff;
	_ =	sdelay $0x1  }
0x45e: {  	v29 =	vadd.f32 v30, v29;
	v30 =	vadd.f32 v32, v31  }
0x45f: {  	v31 =	vadd.f32 v34, v33;
	v32 =	vadd.f32 v36, v35  }
0x460: {  	v33 =	vadd.f32 v38, v37;
	v34 =	vadd.f32 v40, v39  }
0x461: {  	v35 =	vadd.f32 v42, v41;
	v40 =	vadd.f32 v44, v43  }
0x462: {  	v29 =	vadd.f32 v30, v29;
	v41 =	vadd.f32 v32, v31  }
0x463: {  	v42 =	vadd.f32 v34, v33;
	v43 =	vadd.f32 v40, v35;
	_ =	sdelay $0x1  }
0x464: {  	v29 =	vadd.f32 v41, v29;
	v44 =	vadd.f32 v43, v42;
	_ =	sdelay $0x1  }
0x465: {  	v29 =	vadd.f32 v44, v29;
	_ =	sdelay $0x1  }
0x466: {  	v29 =	vadd.f32 v29, v59;
	_ =	sdelay $0x1  }
0x467: {  	v29 =	vsub.f32 $0.0e+00, v29;
	_ =	sdelay $0x1  }
0x468: {  	v29 =	vmul.f32 $1.442695020e+00, v29;
	_ =	sdelay $0x1  }
0x469: {  	(erf) = vpow2.f32 v29;
	_ =	sdelay $0x8  }
0x46a: {  	v29 =	vpop (erf)  }
0x46b: {  	v29 =	vadd.f32 $1.000000000e+00, v29  }
0x46c: {  	v36 =	vld [tilespmem:$0x1F440]  }
0x46d: {  	v37 =	vld [tilespmem:$0x1F450];
	(erf) = vrcp.f32 v29  }
0x46e: {  	v38 =	vld [tilespmem:$0x1F460]  }
0x46f: {  	v39 =	vld [tilespmem:$0x1F470]  }
0x470: {  	v33 =	vld [tilespmem:$0x1F410]  }
0x471: {  	v34 =	vld [tilespmem:$0x1F420]  }
0x472: {  	v35 =	vld [tilespmem:$0x1F430]  }
0x473: {  	v41 =	vld [tilespmem:$0x1F490]  }
0x474: {  	v40 =	vld [tilespmem:$0x1F480]  }
0x475: {  	v42 =	vld [tilespmem:$0x1F4A0]  }
0x476: {  	v44 =	vld [tilespmem:$0x1F4C0];
	v29 =	vpop (erf)  }
0x477: {  	v43 =	vld [tilespmem:$0x1F4B0];
	[tilespmem:$0x14F60] =	vst v29  }
0x478: {  	v29 =	vld.idx.msk [tilespmem:v33+s29+$0x0], $0xffff  }
0x479: {  	v30 =	vld.idx.msk [tilespmem:v34+s29+$0x0], $0xffff  }
0x47a: {  	v31 =	vld.idx.msk [tilespmem:v35+s29+$0x0], $0xffff  }
0x47b: {  	v32 =	vld.idx.msk [tilespmem:v36+s29+$0x0], $0xffff  }
0x47c: {  	v33 =	vld.idx.msk [tilespmem:v37+s29+$0x0], $0xffff  }
0x47d: {  	v36 =	vld.idx.msk [tilespmem:v40+s29+$0x0], $0xffff  }
0x47e: {  	v40 =	vld.idx.msk [tilespmem:v44+s29+$0x0], $0xffff  }
0x47f: {  	v44 =	vld [tilespmem:$0x1F4D0]  }
0x480: {  	v34 =	vld.idx.msk [tilespmem:v38+s29+$0x0], $0xffff  }
0x481: {  	v35 =	vld.idx.msk [tilespmem:v39+s29+$0x0], $0xffff  }
0x482: {  	v37 =	vld.idx.msk [tilespmem:v41+s29+$0x0], $0xffff  }
0x483: {  	v38 =	vld.idx.msk [tilespmem:v42+s29+$0x0], $0xffff  }
0x484: {  	v39 =	vld.idx.msk [tilespmem:v43+s29+$0x0], $0xffff  }
0x485: {  	v42 =	vld [tilespmem:$0x1F4E0]  }
0x486: {  	v43 =	vld [tilespmem:$0x1F4F0]  }
0x487: {  	v41 =	vld.idx.msk [tilespmem:v44+s29+$0x0], $0xffff  }
0x488: {  	v44 =	vld [tilespmem:$0x1F500];
	_ =	sdelay $0x5  }
0x489: {  	v42 =	vld.idx.msk [tilespmem:v42+s29+$0x0], $0xffff  }
0x48a: {  	v43 =	vld.idx.msk [tilespmem:v43+s29+$0x0], $0xffff  }
0x48b: {  	v44 =	vld.idx.msk [tilespmem:v44+s29+$0x0], $0xffff;
	_ =	sdelay $0x1  }
0x48c: {  	v29 =	vadd.f32 v30, v29;
	v30 =	vadd.f32 v32, v31  }
0x48d: {  	v31 =	vadd.f32 v34, v33;
	v32 =	vadd.f32 v36, v35  }
0x48e: {  	v33 =	vadd.f32 v38, v37;
	v34 =	vadd.f32 v40, v39  }
0x48f: {  	v35 =	vadd.f32 v42, v41;
	v40 =	vadd.f32 v44, v43  }
0x490: {  	v29 =	vadd.f32 v30, v29;
	v41 =	vadd.f32 v32, v31  }
0x491: {  	v42 =	vadd.f32 v34, v33;
	v43 =	vadd.f32 v40, v35;
	_ =	sdelay $0x1  }
0x492: {  	v29 =	vadd.f32 v41, v29;
	v44 =	vadd.f32 v43, v42;
	_ =	sdelay $0x1  }
0x493: {  	v29 =	vadd.f32 v44, v29;
	_ =	sdelay $0x1  }
0x494: {  	v29 =	vadd.f32 v29, v59;
	_ =	sdelay $0x1  }
0x495: {  	v29 =	vsub.f32 $0.0e+00, v29;
	_ =	sdelay $0x1  }
0x496: {  	v29 =	vmul.f32 $1.442695020e+00, v29;
	_ =	sdelay $0x1  }
0x497: {  	(erf) = vpow2.f32 v29;
	_ =	sdelay $0x8  }
0x498: {  	v29 =	vpop (erf)  }
0x499: {  	v29 =	vadd.f32 $1.000000000e+00, v29  }
0x49a: {  	v36 =	vld [tilespmem:$0x1F540]  }
0x49b: {  	v37 =	vld [tilespmem:$0x1F550];
	(erf) = vrcp.f32 v29  }
0x49c: {  	v38 =	vld [tilespmem:$0x1F560]  }
0x49d: {  	v39 =	vld [tilespmem:$0x1F570]  }
0x49e: {  	v33 =	vld [tilespmem:$0x1F510]  }
0x49f: {  	v34 =	vld [tilespmem:$0x1F520]  }
0x4a0: {  	v35 =	vld [tilespmem:$0x1F530]  }
0x4a1: {  	v41 =	vld [tilespmem:$0x1F590]  }
0x4a2: {  	v40 =	vld [tilespmem:$0x1F580]  }
0x4a3: {  	v42 =	vld [tilespmem:$0x1F5A0]  }
0x4a4: {  	v44 =	vld [tilespmem:$0x1F5C0];
	v29 =	vpop (erf)  }
0x4a5: {  	v43 =	vld [tilespmem:$0x1F5B0];
	[tilespmem:$0x14F70] =	vst v29  }
0x4a6: {  	v29 =	vld.idx.msk [tilespmem:v33+s29+$0x0], $0xffff  }
0x4a7: {  	v30 =	vld.idx.msk [tilespmem:v34+s29+$0x0], $0xffff  }
0x4a8: {  	v31 =	vld.idx.msk [tilespmem:v35+s29+$0x0], $0xffff  }
0x4a9: {  	v32 =	vld.idx.msk [tilespmem:v36+s29+$0x0], $0xffff  }
0x4aa: {  	v33 =	vld.idx.msk [tilespmem:v37+s29+$0x0], $0xffff  }
0x4ab: {  	v36 =	vld.idx.msk [tilespmem:v40+s29+$0x0], $0xffff  }
0x4ac: {  	v40 =	vld.idx.msk [tilespmem:v44+s29+$0x0], $0xffff  }
0x4ad: {  	v44 =	vld [tilespmem:$0x1F5D0]  }
0x4ae: {  	v34 =	vld.idx.msk [tilespmem:v38+s29+$0x0], $0xffff  }
0x4af: {  	v35 =	vld.idx.msk [tilespmem:v39+s29+$0x0], $0xffff  }
0x4b0: {  	v37 =	vld.idx.msk [tilespmem:v41+s29+$0x0], $0xffff  }
0x4b1: {  	v38 =	vld.idx.msk [tilespmem:v42+s29+$0x0], $0xffff  }
0x4b2: {  	v39 =	vld.idx.msk [tilespmem:v43+s29+$0x0], $0xffff  }
0x4b3: {  	v42 =	vld [tilespmem:$0x1F5E0]  }
0x4b4: {  	v43 =	vld [tilespmem:$0x1F5F0]  }
0x4b5: {  	v41 =	vld.idx.msk [tilespmem:v44+s29+$0x0], $0xffff  }
0x4b6: {  	v44 =	vld [tilespmem:$0x1F600];
	_ =	sdelay $0x5  }
0x4b7: {  	v42 =	vld.idx.msk [tilespmem:v42+s29+$0x0], $0xffff  }
0x4b8: {  	v43 =	vld.idx.msk [tilespmem:v43+s29+$0x0], $0xffff  }
0x4b9: {  	v44 =	vld.idx.msk [tilespmem:v44+s29+$0x0], $0xffff;
	_ =	sdelay $0x1  }
0x4ba: {  	v29 =	vadd.f32 v30, v29;
	v30 =	vadd.f32 v32, v31  }
0x4bb: {  	v31 =	vadd.f32 v34, v33;
	v32 =	vadd.f32 v36, v35  }
0x4bc: {  	v33 =	vadd.f32 v38, v37;
	v34 =	vadd.f32 v40, v39  }
0x4bd: {  	v35 =	vadd.f32 v42, v41;
	v40 =	vadd.f32 v44, v43  }
0x4be: {  	v29 =	vadd.f32 v30, v29;
	v41 =	vadd.f32 v32, v31  }
0x4bf: {  	v42 =	vadd.f32 v34, v33;
	v43 =	vadd.f32 v40, v35;
	_ =	sdelay $0x1  }
0x4c0: {  	v29 =	vadd.f32 v41, v29;
	v44 =	vadd.f32 v43, v42;
	_ =	sdelay $0x1  }
0x4c1: {  	v29 =	vadd.f32 v44, v29;
	_ =	sdelay $0x1  }
0x4c2: {  	v29 =	vadd.f32 v29, v59;
	_ =	sdelay $0x1  }
0x4c3: {  	v29 =	vsub.f32 $0.0e+00, v29;
	_ =	sdelay $0x1  }
0x4c4: {  	v29 =	vmul.f32 $1.442695020e+00, v29;
	_ =	sdelay $0x1  }
0x4c5: {  	(erf) = vpow2.f32 v29;
	_ =	sdelay $0x8  }
0x4c6: {  	v29 =	vpop (erf)  }
0x4c7: {  	v29 =	vadd.f32 $1.000000000e+00, v29  }
0x4c8: {  	v36 =	vld [tilespmem:$0x1F640]  }
0x4c9: {  	v37 =	vld [tilespmem:$0x1F650];
	(erf) = vrcp.f32 v29  }
0x4ca: {  	v38 =	vld [tilespmem:$0x1F660]  }
0x4cb: {  	v39 =	vld [tilespmem:$0x1F670]  }
0x4cc: {  	v33 =	vld [tilespmem:$0x1F610]  }
0x4cd: {  	v34 =	vld [tilespmem:$0x1F620]  }
0x4ce: {  	v35 =	vld [tilespmem:$0x1F630]  }
0x4cf: {  	v41 =	vld [tilespmem:$0x1F690]  }
0x4d0: {  	v40 =	vld [tilespmem:$0x1F680]  }
0x4d1: {  	v42 =	vld [tilespmem:$0x1F6A0]  }
0x4d2: {  	v44 =	vld [tilespmem:$0x1F6C0];
	v29 =	vpop (erf)  }
0x4d3: {  	v43 =	vld [tilespmem:$0x1F6B0];
	[tilespmem:$0x14F80] =	vst v29  }
0x4d4: {  	v29 =	vld.idx.msk [tilespmem:v33+s29+$0x0], $0xffff  }
0x4d5: {  	v30 =	vld.idx.msk [tilespmem:v34+s29+$0x0], $0xffff  }
0x4d6: {  	v31 =	vld.idx.msk [tilespmem:v35+s29+$0x0], $0xffff  }
0x4d7: {  	v32 =	vld.idx.msk [tilespmem:v36+s29+$0x0], $0xffff  }
0x4d8: {  	v33 =	vld.idx.msk [tilespmem:v37+s29+$0x0], $0xffff  }
0x4d9: {  	v36 =	vld.idx.msk [tilespmem:v40+s29+$0x0], $0xffff  }
0x4da: {  	v40 =	vld.idx.msk [tilespmem:v44+s29+$0x0], $0xffff  }
0x4db: {  	v44 =	vld [tilespmem:$0x1F6D0]  }
0x4dc: {  	v34 =	vld.idx.msk [tilespmem:v38+s29+$0x0], $0xffff  }
0x4dd: {  	v35 =	vld.idx.msk [tilespmem:v39+s29+$0x0], $0xffff  }
0x4de: {  	v37 =	vld.idx.msk [tilespmem:v41+s29+$0x0], $0xffff  }
0x4df: {  	v38 =	vld.idx.msk [tilespmem:v42+s29+$0x0], $0xffff  }
0x4e0: {  	v39 =	vld.idx.msk [tilespmem:v43+s29+$0x0], $0xffff  }
0x4e1: {  	v42 =	vld [tilespmem:$0x1F6E0]  }
0x4e2: {  	v43 =	vld [tilespmem:$0x1F6F0]  }
0x4e3: {  	v41 =	vld.idx.msk [tilespmem:v44+s29+$0x0], $0xffff  }
0x4e4: {  	v44 =	vld [tilespmem:$0x1F700];
	_ =	sdelay $0x5  }
0x4e5: {  	v42 =	vld.idx.msk [tilespmem:v42+s29+$0x0], $0xffff  }
0x4e6: {  	v43 =	vld.idx.msk [tilespmem:v43+s29+$0x0], $0xffff  }
0x4e7: {  	v44 =	vld.idx.msk [tilespmem:v44+s29+$0x0], $0xffff;
	_ =	sdelay $0x1  }
0x4e8: {  	v29 =	vadd.f32 v30, v29;
	v30 =	vadd.f32 v32, v31  }
0x4e9: {  	v31 =	vadd.f32 v34, v33;
	v32 =	vadd.f32 v36, v35  }
0x4ea: {  	v33 =	vadd.f32 v38, v37;
	v34 =	vadd.f32 v40, v39  }
0x4eb: {  	v35 =	vadd.f32 v42, v41;
	v40 =	vadd.f32 v44, v43  }
0x4ec: {  	v29 =	vadd.f32 v30, v29;
	v41 =	vadd.f32 v32, v31  }
0x4ed: {  	v42 =	vadd.f32 v34, v33;
	v43 =	vadd.f32 v40, v35;
	_ =	sdelay $0x1  }
0x4ee: {  	v29 =	vadd.f32 v41, v29;
	v44 =	vadd.f32 v43, v42;
	_ =	sdelay $0x1  }
0x4ef: {  	v29 =	vadd.f32 v44, v29;
	_ =	sdelay $0x1  }
0x4f0: {  	v29 =	vadd.f32 v29, v59;
	_ =	sdelay $0x1  }
0x4f1: {  	v29 =	vsub.f32 $0.0e+00, v29;
	_ =	sdelay $0x1  }
0x4f2: {  	v29 =	vmul.f32 $1.442695020e+00, v29;
	_ =	sdelay $0x1  }
0x4f3: {  	(erf) = vpow2.f32 v29;
	_ =	sdelay $0x8  }
0x4f4: {  	v29 =	vpop (erf)  }
0x4f5: {  	v29 =	vadd.f32 $1.000000000e+00, v29  }
0x4f6: {  	v36 =	vld [tilespmem:$0x1F740]  }
0x4f7: {  	v37 =	vld [tilespmem:$0x1F750];
	(erf) = vrcp.f32 v29  }
0x4f8: {  	v38 =	vld [tilespmem:$0x1F760]  }
0x4f9: {  	v39 =	vld [tilespmem:$0x1F770]  }
0x4fa: {  	v33 =	vld [tilespmem:$0x1F710]  }
0x4fb: {  	v34 =	vld [tilespmem:$0x1F720]  }
0x4fc: {  	v35 =	vld [tilespmem:$0x1F730]  }
0x4fd: {  	v41 =	vld [tilespmem:$0x1F790]  }
0x4fe: {  	v40 =	vld [tilespmem:$0x1F780]  }
0x4ff: {  	v42 =	vld [tilespmem:$0x1F7A0]  }
0x500: {  	v44 =	vld [tilespmem:$0x1F7C0];
	v29 =	vpop (erf)  }
0x501: {  	v43 =	vld [tilespmem:$0x1F7B0];
	[tilespmem:$0x14F90] =	vst v29  }
0x502: {  	v29 =	vld.idx.msk [tilespmem:v33+s29+$0x0], $0xffff  }
0x503: {  	v30 =	vld.idx.msk [tilespmem:v34+s29+$0x0], $0xffff  }
0x504: {  	v31 =	vld.idx.msk [tilespmem:v35+s29+$0x0], $0xffff  }
0x505: {  	v32 =	vld.idx.msk [tilespmem:v36+s29+$0x0], $0xffff  }
0x506: {  	v33 =	vld.idx.msk [tilespmem:v37+s29+$0x0], $0xffff  }
0x507: {  	v36 =	vld.idx.msk [tilespmem:v40+s29+$0x0], $0xffff  }
0x508: {  	v40 =	vld.idx.msk [tilespmem:v44+s29+$0x0], $0xffff  }
0x509: {  	v44 =	vld [tilespmem:$0x1F7D0]  }
0x50a: {  	v34 =	vld.idx.msk [tilespmem:v38+s29+$0x0], $0xffff  }
0x50b: {  	v35 =	vld.idx.msk [tilespmem:v39+s29+$0x0], $0xffff  }
0x50c: {  	v37 =	vld.idx.msk [tilespmem:v41+s29+$0x0], $0xffff  }
0x50d: {  	v38 =	vld.idx.msk [tilespmem:v42+s29+$0x0], $0xffff  }
0x50e: {  	v39 =	vld.idx.msk [tilespmem:v43+s29+$0x0], $0xffff  }
0x50f: {  	v42 =	vld [tilespmem:$0x1F7E0]  }
0x510: {  	v43 =	vld [tilespmem:$0x1F7F0]  }
0x511: {  	v41 =	vld.idx.msk [tilespmem:v44+s29+$0x0], $0xffff  }
0x512: {  	v44 =	vld [tilespmem:$0x1F800];
	_ =	sdelay $0x5  }
0x513: {  	v42 =	vld.idx.msk [tilespmem:v42+s29+$0x0], $0xffff  }
0x514: {  	v43 =	vld.idx.msk [tilespmem:v43+s29+$0x0], $0xffff  }
0x515: {  	v44 =	vld.idx.msk [tilespmem:v44+s29+$0x0], $0xffff;
	_ =	sdelay $0x1  }
0x516: {  	v29 =	vadd.f32 v30, v29;
	v30 =	vadd.f32 v32, v31  }
0x517: {  	v31 =	vadd.f32 v34, v33;
	v32 =	vadd.f32 v36, v35  }
0x518: {  	v33 =	vadd.f32 v38, v37;
	v34 =	vadd.f32 v40, v39  }
0x519: {  	v35 =	vadd.f32 v42, v41;
	v40 =	vadd.f32 v44, v43  }
0x51a: {  	v29 =	vadd.f32 v30, v29;
	v41 =	vadd.f32 v32, v31  }
0x51b: {  	v42 =	vadd.f32 v34, v33;
	v43 =	vadd.f32 v40, v35;
	_ =	sdelay $0x1  }
0x51c: {  	v29 =	vadd.f32 v41, v29;
	v44 =	vadd.f32 v43, v42;
	_ =	sdelay $0x1  }
0x51d: {  	v29 =	vadd.f32 v44, v29;
	_ =	sdelay $0x1  }
0x51e: {  	v29 =	vadd.f32 v29, v59;
	_ =	sdelay $0x1  }
0x51f: {  	v29 =	vsub.f32 $0.0e+00, v29;
	_ =	sdelay $0x1  }
0x520: {  	v29 =	vmul.f32 $1.442695020e+00, v29;
	_ =	sdelay $0x1  }
0x521: {  	(erf) = vpow2.f32 v29;
	_ =	sdelay $0x8  }
0x522: {  	v29 =	vpop (erf)  }
0x523: {  	v29 =	vadd.f32 $1.000000000e+00, v29  }
0x524: {  	v36 =	vld [tilespmem:$0x1F840]  }
0x525: {  	v37 =	vld [tilespmem:$0x1F850];
	(erf) = vrcp.f32 v29  }
0x526: {  	v38 =	vld [tilespmem:$0x1F860]  }
0x527: {  	v39 =	vld [tilespmem:$0x1F870]  }
0x528: {  	v33 =	vld [tilespmem:$0x1F810]  }
0x529: {  	v34 =	vld [tilespmem:$0x1F820]  }
0x52a: {  	v35 =	vld [tilespmem:$0x1F830]  }
0x52b: {  	v41 =	vld [tilespmem:$0x1F890]  }
0x52c: {  	v40 =	vld [tilespmem:$0x1F880]  }
0x52d: {  	v42 =	vld [tilespmem:$0x1F8A0]  }
0x52e: {  	v44 =	vld [tilespmem:$0x1F8C0];
	v29 =	vpop (erf)  }
0x52f: {  	v43 =	vld [tilespmem:$0x1F8B0];
	[tilespmem:$0x14FA0] =	vst v29  }
0x530: {  	v29 =	vld.idx.msk [tilespmem:v33+s29+$0x0], $0xffff  }
0x531: {  	v30 =	vld.idx.msk [tilespmem:v34+s29+$0x0], $0xffff  }
0x532: {  	v31 =	vld.idx.msk [tilespmem:v35+s29+$0x0], $0xffff  }
0x533: {  	v32 =	vld.idx.msk [tilespmem:v36+s29+$0x0], $0xffff  }
0x534: {  	v33 =	vld.idx.msk [tilespmem:v37+s29+$0x0], $0xffff  }
0x535: {  	v36 =	vld.idx.msk [tilespmem:v40+s29+$0x0], $0xffff  }
0x536: {  	v40 =	vld.idx.msk [tilespmem:v44+s29+$0x0], $0xffff  }
0x537: {  	v44 =	vld [tilespmem:$0x1F8D0]  }
0x538: {  	v34 =	vld.idx.msk [tilespmem:v38+s29+$0x0], $0xffff  }
0x539: {  	v35 =	vld.idx.msk [tilespmem:v39+s29+$0x0], $0xffff  }
0x53a: {  	v37 =	vld.idx.msk [tilespmem:v41+s29+$0x0], $0xffff  }
0x53b: {  	v38 =	vld.idx.msk [tilespmem:v42+s29+$0x0], $0xffff  }
0x53c: {  	v39 =	vld.idx.msk [tilespmem:v43+s29+$0x0], $0xffff  }
0x53d: {  	v42 =	vld [tilespmem:$0x1F8E0]  }
0x53e: {  	v43 =	vld [tilespmem:$0x1F8F0]  }
0x53f: {  	v41 =	vld.idx.msk [tilespmem:v44+s29+$0x0], $0xffff  }
0x540: {  	v44 =	vld [tilespmem:$0x1F900];
	_ =	sdelay $0x5  }
0x541: {  	v42 =	vld.idx.msk [tilespmem:v42+s29+$0x0], $0xffff  }
0x542: {  	v43 =	vld.idx.msk [tilespmem:v43+s29+$0x0], $0xffff  }
0x543: {  	v44 =	vld.idx.msk [tilespmem:v44+s29+$0x0], $0xffff;
	_ =	sdelay $0x1  }
0x544: {  	v29 =	vadd.f32 v30, v29;
	v30 =	vadd.f32 v32, v31  }
0x545: {  	v31 =	vadd.f32 v34, v33;
	v32 =	vadd.f32 v36, v35  }
0x546: {  	v33 =	vadd.f32 v38, v37;
	v34 =	vadd.f32 v40, v39  }
0x547: {  	v35 =	vadd.f32 v42, v41;
	v40 =	vadd.f32 v44, v43  }
0x548: {  	v29 =	vadd.f32 v30, v29;
	v41 =	vadd.f32 v32, v31  }
0x549: {  	v42 =	vadd.f32 v34, v33;
	v43 =	vadd.f32 v40, v35;
	_ =	sdelay $0x1  }
0x54a: {  	v29 =	vadd.f32 v41, v29;
	v44 =	vadd.f32 v43, v42;
	_ =	sdelay $0x1  }
0x54b: {  	v29 =	vadd.f32 v44, v29;
	_ =	sdelay $0x1  }
0x54c: {  	v29 =	vadd.f32 v29, v59;
	_ =	sdelay $0x1  }
0x54d: {  	v29 =	vsub.f32 $0.0e+00, v29;
	_ =	sdelay $0x1  }
0x54e: {  	v29 =	vmul.f32 $1.442695020e+00, v29;
	_ =	sdelay $0x1  }
0x54f: {  	(erf) = vpow2.f32 v29;
	_ =	sdelay $0x8  }
0x550: {  	v29 =	vpop (erf)  }
0x551: {  	v29 =	vadd.f32 $1.000000000e+00, v29  }
0x552: {  	v36 =	vld [tilespmem:$0x1F940]  }
0x553: {  	v37 =	vld [tilespmem:$0x1F950];
	(erf) = vrcp.f32 v29  }
0x554: {  	v38 =	vld [tilespmem:$0x1F960]  }
0x555: {  	v39 =	vld [tilespmem:$0x1F970]  }
0x556: {  	v33 =	vld [tilespmem:$0x1F910]  }
0x557: {  	v34 =	vld [tilespmem:$0x1F920]  }
0x558: {  	v35 =	vld [tilespmem:$0x1F930]  }
0x559: {  	v41 =	vld [tilespmem:$0x1F990]  }
0x55a: {  	v40 =	vld [tilespmem:$0x1F980]  }
0x55b: {  	v42 =	vld [tilespmem:$0x1F9A0]  }
0x55c: {  	v44 =	vld [tilespmem:$0x1F9C0];
	v29 =	vpop (erf)  }
0x55d: {  	v43 =	vld [tilespmem:$0x1F9B0];
	[tilespmem:$0x14FB0] =	vst v29  }
0x55e: {  	v29 =	vld.idx.msk [tilespmem:v33+s29+$0x0], $0xffff  }
0x55f: {  	v30 =	vld.idx.msk [tilespmem:v34+s29+$0x0], $0xffff  }
0x560: {  	v31 =	vld.idx.msk [tilespmem:v35+s29+$0x0], $0xffff  }
0x561: {  	v32 =	vld.idx.msk [tilespmem:v36+s29+$0x0], $0xffff  }
0x562: {  	v33 =	vld.idx.msk [tilespmem:v37+s29+$0x0], $0xffff  }
0x563: {  	v36 =	vld.idx.msk [tilespmem:v40+s29+$0x0], $0xffff  }
0x564: {  	v40 =	vld.idx.msk [tilespmem:v44+s29+$0x0], $0xffff  }
0x565: {  	v44 =	vld [tilespmem:$0x1F9D0]  }
0x566: {  	v34 =	vld.idx.msk [tilespmem:v38+s29+$0x0], $0xffff  }
0x567: {  	v35 =	vld.idx.msk [tilespmem:v39+s29+$0x0], $0xffff  }
0x568: {  	v37 =	vld.idx.msk [tilespmem:v41+s29+$0x0], $0xffff  }
0x569: {  	v38 =	vld.idx.msk [tilespmem:v42+s29+$0x0], $0xffff  }
0x56a: {  	v39 =	vld.idx.msk [tilespmem:v43+s29+$0x0], $0xffff  }
0x56b: {  	v42 =	vld [tilespmem:$0x1F9E0]  }
0x56c: {  	v43 =	vld [tilespmem:$0x1F9F0]  }
0x56d: {  	v41 =	vld.idx.msk [tilespmem:v44+s29+$0x0], $0xffff  }
0x56e: {  	v44 =	vld [tilespmem:$0x1FA00];
	_ =	sdelay $0x5  }
0x56f: {  	v42 =	vld.idx.msk [tilespmem:v42+s29+$0x0], $0xffff  }
0x570: {  	v43 =	vld.idx.msk [tilespmem:v43+s29+$0x0], $0xffff  }
0x571: {  	v44 =	vld.idx.msk [tilespmem:v44+s29+$0x0], $0xffff;
	_ =	sdelay $0x1  }
0x572: {  	v29 =	vadd.f32 v30, v29;
	v30 =	vadd.f32 v32, v31  }
0x573: {  	v31 =	vadd.f32 v34, v33;
	v32 =	vadd.f32 v36, v35  }
0x574: {  	v33 =	vadd.f32 v38, v37;
	v34 =	vadd.f32 v40, v39  }
0x575: {  	v35 =	vadd.f32 v42, v41;
	v40 =	vadd.f32 v44, v43  }
0x576: {  	v29 =	vadd.f32 v30, v29;
	v41 =	vadd.f32 v32, v31  }
0x577: {  	v42 =	vadd.f32 v34, v33;
	v43 =	vadd.f32 v40, v35;
	_ =	sdelay $0x1  }
0x578: {  	v29 =	vadd.f32 v41, v29;
	v44 =	vadd.f32 v43, v42;
	_ =	sdelay $0x1  }
0x579: {  	v29 =	vadd.f32 v44, v29;
	_ =	sdelay $0x1  }
0x57a: {  	v29 =	vadd.f32 v29, v59;
	_ =	sdelay $0x1  }
0x57b: {  	v29 =	vsub.f32 $0.0e+00, v29;
	_ =	sdelay $0x1  }
0x57c: {  	v29 =	vmul.f32 $1.442695020e+00, v29;
	_ =	sdelay $0x1  }
0x57d: {  	(erf) = vpow2.f32 v29;
	_ =	sdelay $0x8  }
0x57e: {  	v29 =	vpop (erf)  }
0x57f: {  	v29 =	vadd.f32 $1.000000000e+00, v29  }
0x580: {  	v36 =	vld [tilespmem:$0x1FA40]  }
0x581: {  	v37 =	vld [tilespmem:$0x1FA50];
	(erf) = vrcp.f32 v29  }
0x582: {  	v38 =	vld [tilespmem:$0x1FA60]  }
0x583: {  	v39 =	vld [tilespmem:$0x1FA70]  }
0x584: {  	v33 =	vld [tilespmem:$0x1FA10]  }
0x585: {  	v34 =	vld [tilespmem:$0x1FA20]  }
0x586: {  	v35 =	vld [tilespmem:$0x1FA30]  }
0x587: {  	v41 =	vld [tilespmem:$0x1FA90]  }
0x588: {  	v40 =	vld [tilespmem:$0x1FA80]  }
0x589: {  	v42 =	vld [tilespmem:$0x1FAA0]  }
0x58a: {  	v44 =	vld [tilespmem:$0x1FAC0];
	v29 =	vpop (erf)  }
0x58b: {  	v43 =	vld [tilespmem:$0x1FAB0];
	[tilespmem:$0x14FC0] =	vst v29  }
0x58c: {  	v29 =	vld.idx.msk [tilespmem:v33+s29+$0x0], $0xffff  }
0x58d: {  	v30 =	vld.idx.msk [tilespmem:v34+s29+$0x0], $0xffff  }
0x58e: {  	v31 =	vld.idx.msk [tilespmem:v35+s29+$0x0], $0xffff  }
0x58f: {  	v32 =	vld.idx.msk [tilespmem:v36+s29+$0x0], $0xffff  }
0x590: {  	v33 =	vld.idx.msk [tilespmem:v37+s29+$0x0], $0xffff  }
0x591: {  	v36 =	vld.idx.msk [tilespmem:v40+s29+$0x0], $0xffff  }
0x592: {  	v40 =	vld.idx.msk [tilespmem:v44+s29+$0x0], $0xffff  }
0x593: {  	v44 =	vld [tilespmem:$0x1FAD0]  }
0x594: {  	v34 =	vld.idx.msk [tilespmem:v38+s29+$0x0], $0xffff  }
0x595: {  	v35 =	vld.idx.msk [tilespmem:v39+s29+$0x0], $0xffff  }
0x596: {  	v37 =	vld.idx.msk [tilespmem:v41+s29+$0x0], $0xffff  }
0x597: {  	v38 =	vld.idx.msk [tilespmem:v42+s29+$0x0], $0xffff  }
0x598: {  	v39 =	vld.idx.msk [tilespmem:v43+s29+$0x0], $0xffff  }
0x599: {  	v42 =	vld [tilespmem:$0x1FAE0]  }
0x59a: {  	v43 =	vld [tilespmem:$0x1FAF0]  }
0x59b: {  	v41 =	vld.idx.msk [tilespmem:v44+s29+$0x0], $0xffff  }
0x59c: {  	v44 =	vld [tilespmem:$0x1FB00];
	_ =	sdelay $0x5  }
0x59d: {  	v42 =	vld.idx.msk [tilespmem:v42+s29+$0x0], $0xffff  }
0x59e: {  	v43 =	vld.idx.msk [tilespmem:v43+s29+$0x0], $0xffff  }
0x59f: {  	v44 =	vld.idx.msk [tilespmem:v44+s29+$0x0], $0xffff;
	_ =	sdelay $0x1  }
0x5a0: {  	v29 =	vadd.f32 v30, v29;
	v30 =	vadd.f32 v32, v31  }
0x5a1: {  	v31 =	vadd.f32 v34, v33;
	v32 =	vadd.f32 v36, v35  }
0x5a2: {  	v33 =	vadd.f32 v38, v37;
	v34 =	vadd.f32 v40, v39  }
0x5a3: {  	v35 =	vadd.f32 v42, v41;
	v40 =	vadd.f32 v44, v43  }
0x5a4: {  	v29 =	vadd.f32 v30, v29;
	v41 =	vadd.f32 v32, v31  }
0x5a5: {  	v42 =	vadd.f32 v34, v33;
	v43 =	vadd.f32 v40, v35;
	_ =	sdelay $0x1  }
0x5a6: {  	v29 =	vadd.f32 v41, v29;
	v44 =	vadd.f32 v43, v42;
	_ =	sdelay $0x1  }
0x5a7: {  	v29 =	vadd.f32 v44, v29;
	_ =	sdelay $0x1  }
0x5a8: {  	v29 =	vadd.f32 v29, v59;
	_ =	sdelay $0x1  }
0x5a9: {  	v29 =	vsub.f32 $0.0e+00, v29;
	_ =	sdelay $0x1  }
0x5aa: {  	v29 =	vmul.f32 $1.442695020e+00, v29;
	_ =	sdelay $0x1  }
0x5ab: {  	(erf) = vpow2.f32 v29;
	_ =	sdelay $0x8  }
0x5ac: {  	v29 =	vpop (erf)  }
0x5ad: {  	v29 =	vadd.f32 $1.000000000e+00, v29  }
0x5ae: {  	v36 =	vld [tilespmem:$0x1FB40]  }
0x5af: {  	v37 =	vld [tilespmem:$0x1FB50];
	(erf) = vrcp.f32 v29  }
0x5b0: {  	v38 =	vld [tilespmem:$0x1FB60]  }
0x5b1: {  	v39 =	vld [tilespmem:$0x1FB70]  }
0x5b2: {  	v33 =	vld [tilespmem:$0x1FB10]  }
0x5b3: {  	v34 =	vld [tilespmem:$0x1FB20]  }
0x5b4: {  	v35 =	vld [tilespmem:$0x1FB30]  }
0x5b5: {  	v41 =	vld [tilespmem:$0x1FB90]  }
0x5b6: {  	v40 =	vld [tilespmem:$0x1FB80]  }
0x5b7: {  	v42 =	vld [tilespmem:$0x1FBA0]  }
0x5b8: {  	v44 =	vld [tilespmem:$0x1FBC0];
	v29 =	vpop (erf)  }
0x5b9: {  	v43 =	vld [tilespmem:$0x1FBB0];
	[tilespmem:$0x14FD0] =	vst v29  }
0x5ba: {  	v29 =	vld.idx.msk [tilespmem:v33+s29+$0x0], $0xffff  }
0x5bb: {  	v30 =	vld.idx.msk [tilespmem:v34+s29+$0x0], $0xffff  }
0x5bc: {  	v31 =	vld.idx.msk [tilespmem:v35+s29+$0x0], $0xffff  }
0x5bd: {  	v32 =	vld.idx.msk [tilespmem:v36+s29+$0x0], $0xffff  }
0x5be: {  	v33 =	vld.idx.msk [tilespmem:v37+s29+$0x0], $0xffff  }
0x5bf: {  	v36 =	vld.idx.msk [tilespmem:v40+s29+$0x0], $0xffff  }
0x5c0: {  	v40 =	vld.idx.msk [tilespmem:v44+s29+$0x0], $0xffff  }
0x5c1: {  	v44 =	vld [tilespmem:$0x1FBD0]  }
0x5c2: {  	v34 =	vld.idx.msk [tilespmem:v38+s29+$0x0], $0xffff  }
0x5c3: {  	v35 =	vld.idx.msk [tilespmem:v39+s29+$0x0], $0xffff  }
0x5c4: {  	v37 =	vld.idx.msk [tilespmem:v41+s29+$0x0], $0xffff  }
0x5c5: {  	v38 =	vld.idx.msk [tilespmem:v42+s29+$0x0], $0xffff  }
0x5c6: {  	v39 =	vld.idx.msk [tilespmem:v43+s29+$0x0], $0xffff  }
0x5c7: {  	v42 =	vld [tilespmem:$0x1FBE0]  }
0x5c8: {  	v43 =	vld [tilespmem:$0x1FBF0]  }
0x5c9: {  	v41 =	vld.idx.msk [tilespmem:v44+s29+$0x0], $0xffff  }
0x5ca: {  	v44 =	vld [tilespmem:$0x1FC00];
	_ =	sdelay $0x5  }
0x5cb: {  	v42 =	vld.idx.msk [tilespmem:v42+s29+$0x0], $0xffff  }
0x5cc: {  	v43 =	vld.idx.msk [tilespmem:v43+s29+$0x0], $0xffff  }
0x5cd: {  	v44 =	vld.idx.msk [tilespmem:v44+s29+$0x0], $0xffff;
	_ =	sdelay $0x1  }
0x5ce: {  	v29 =	vadd.f32 v30, v29;
	v30 =	vadd.f32 v32, v31  }
0x5cf: {  	v31 =	vadd.f32 v34, v33;
	v32 =	vadd.f32 v36, v35  }
0x5d0: {  	v33 =	vadd.f32 v38, v37;
	v34 =	vadd.f32 v40, v39  }
0x5d1: {  	v40 =	vadd.f32 v42, v41;
	v41 =	vadd.f32 v44, v43  }
0x5d2: {  	v29 =	vadd.f32 v30, v29;
	v42 =	vadd.f32 v32, v31  }
0x5d3: {  	v43 =	vadd.f32 v34, v33;
	v44 =	vadd.f32 v41, v40;
	_ =	sdelay $0x1  }
0x5d4: {  	v29 =	vadd.f32 v42, v29;
	v34 =	vadd.f32 v44, v43;
	_ =	sdelay $0x1  }
0x5d5: {  	v29 =	vadd.f32 v34, v29;
	_ =	sdelay $0x1  }
0x5d6: {  	v29 =	vadd.f32 v29, v59;
	_ =	sdelay $0x1  }
0x5d7: {  	v29 =	vsub.f32 $0.0e+00, v29;
	_ =	sdelay $0x1  }
0x5d8: {  	v29 =	vmul.f32 $1.442695020e+00, v29;
	_ =	sdelay $0x1  }
0x5d9: {  	(erf) = vpow2.f32 v29;
	_ =	sdelay $0x8  }
0x5da: {  	v29 =	vpop (erf)  }
0x5db: {  	v29 =	vadd.f32 $1.000000000e+00, v29;
	_ =	sdelay $0x1  }
0x5dc: {  	(erf) = vrcp.f32 v29  }
0x5dd: {  	v35 =	vld [tilespmem:$0x1FC10]  }
0x5de: {  	v36 =	vld [tilespmem:$0x1FC20]  }
0x5df: {  	v37 =	vld [tilespmem:$0x1FC30]  }
0x5e0: {  	v38 =	vld [tilespmem:$0x1FC40]  }
0x5e1: {  	v39 =	vld [tilespmem:$0x1FC50]  }
0x5e2: {  	v42 =	vld [tilespmem:$0x1FC80]  }
0x5e3: {  	v40 =	vld [tilespmem:$0x1FC60]  }
0x5e4: {  	v41 =	vld [tilespmem:$0x1FC70]  }
0x5e5: {  	v43 =	vld [tilespmem:$0x1FC90];
	v29 =	vpop (erf)  }
0x5e6: {  	v44 =	vld [tilespmem:$0x1FCA0];
	[tilespmem:$0x14FE0] =	vst v29  }
0x5e7: {  	v29 =	vld.idx.msk [tilespmem:v35+s29+$0x0], $0xffff  }
0x5e8: {  	v30 =	vld.idx.msk [tilespmem:v36+s29+$0x0], $0xffff  }
0x5e9: {  	v31 =	vld.idx.msk [tilespmem:v37+s29+$0x0], $0xffff  }
0x5ea: {  	v32 =	vld.idx.msk [tilespmem:v38+s29+$0x0], $0xffff  }
0x5eb: {  	v33 =	vld.idx.msk [tilespmem:v39+s29+$0x0], $0xffff  }
0x5ec: {  	v34 =	vld.idx.msk [tilespmem:v40+s29+$0x0], $0xffff  }
0x5ed: {  	v35 =	vld.idx.msk [tilespmem:v41+s29+$0x0], $0xffff  }
0x5ee: {  	v36 =	vld.idx.msk [tilespmem:v42+s29+$0x0], $0xffff  }
0x5ef: {  	v37 =	vld.idx.msk [tilespmem:v43+s29+$0x0], $0xffff  }
0x5f0: {  	v38 =	vld.idx.msk [tilespmem:v44+s29+$0x0], $0xffff  }
0x5f1: {  	v39 =	vld.idx.msk [tilespmem:v48+s29+$0x0], $0xffff  }
0x5f2: {  	v40 =	vld.idx.msk [tilespmem:v49+s29+$0x0], $0xffff  }
0x5f3: {  	v41 =	vld.idx.msk [tilespmem:v50+s29+$0x0], $0xffff  }
0x5f4: {  	v42 =	vld.idx.msk [tilespmem:v51+s29+$0x0], $0xffff  }
0x5f5: {  	v48 =	vld.idx.msk [tilespmem:v52+s29+$0x0], $0xffff  }
0x5f6: {  	v49 =	vld.idx.msk [tilespmem:v53+s29+$0x0], $0xffff;
	_ =	sdelay $0x1  }
0x5f7: {  	v29 =	vadd.f32 v30, v29;
	v50 =	vadd.f32 v32, v31  }
0x5f8: {  	v51 =	vadd.f32 v34, v33;
	v52 =	vadd.f32 v36, v35  }
0x5f9: {  	v53 =	vadd.f32 v38, v37;
	v40 =	vadd.f32 v40, v39  }
0x5fa: {  	v42 =	vadd.f32 v42, v41;
	v43 =	vadd.f32 v49, v48  }
0x5fb: {  	v29 =	vadd.f32 v50, v29;
	v44 =	vadd.f32 v52, v51  }
0x5fc: {  	v48 =	vadd.f32 v40, v53;
	v49 =	vadd.f32 v43, v42;
	_ =	sdelay $0x1  }
0x5fd: {  	v29 =	vadd.f32 v44, v29;
	v50 =	vadd.f32 v49, v48;
	_ =	sdelay $0x1  }
0x5fe: {  	v29 =	vadd.f32 v50, v29;
	_ =	sdelay $0x1  }
0x5ff: {  	v29 =	vadd.f32 v29, v59;
	_ =	sdelay $0x1  }
0x600: {  	v29 =	vsub.f32 $0.0e+00, v29;
	_ =	sdelay $0x1  }
0x601: {  	v29 =	vmul.f32 $1.442695020e+00, v29;
	_ =	sdelay $0x1  }
0x602: {  	(erf) = vpow2.f32 v29;
	_ =	sdelay $0x8  }
0x603: {  	v29 =	vpop (erf)  }
0x604: {  	v29 =	vadd.f32 $1.000000000e+00, v29;
	_ =	sdelay $0x1  }
0x605: {  	(erf) = vrcp.f32 v29;
	_ =	sdelay $0x8  }
0x606: {  	v29 =	vpop (erf)  }
0x607: {  	[tilespmem:$0x14FF0] =	vst v29  }
0x608: {  	v29 =	vld.idx.msk [tilespmem:v54+s29+$0x0], $0xffff  }
0x609: {  	v51 =	vld.idx.msk [tilespmem:v60+s29+$0x0], $0xffff  }
0x60a: {  	v52 =	vld.idx.msk [tilespmem:v61+s29+$0x0], $0xffff  }
0x60b: {  	v53 =	vld.idx.msk [tilespmem:v62+s29+$0x0], $0xffff  }
0x60c: {  	v54 =	vld.idx.msk [tilespmem:v63+s29+$0x0], $0xffff  }
0x60d: {  	v2 =	vld.idx.msk [tilespmem:v2+s29+$0x0], $0xffff  }
0x60e: {  	v3 =	vld.idx.msk [tilespmem:v3+s29+$0x0], $0xffff  }
0x60f: {  	v4 =	vld.idx.msk [tilespmem:v4+s29+$0x0], $0xffff  }
0x610: {  	v5 =	vld.idx.msk [tilespmem:v5+s29+$0x0], $0xffff  }
0x611: {  	v6 =	vld.idx.msk [tilespmem:v6+s29+$0x0], $0xffff  }
0x612: {  	v7 =	vld.idx.msk [tilespmem:v7+s29+$0x0], $0xffff  }
0x613: {  	v8 =	vld.idx.msk [tilespmem:v8+s29+$0x0], $0xffff  }
0x614: {  	v9 =	vld.idx.msk [tilespmem:v9+s29+$0x0], $0xffff  }
0x615: {  	v10 =	vld.idx.msk [tilespmem:v10+s29+$0x0], $0xffff  }
0x616: {  	v11 =	vld.idx.msk [tilespmem:v11+s29+$0x0], $0xffff  }
0x617: {  	v12 =	vld.idx.msk [tilespmem:v12+s29+$0x0], $0xffff;
	_ =	sdelay $0x1  }
0x618: {  	v29 =	vadd.f32 v51, v29;
	v60 =	vadd.f32 v53, v52  }
0x619: {  	v2 =	vadd.f32 v2, v54;
	v3 =	vadd.f32 v4, v3  }
0x61a: {  	v61 =	vadd.f32 v6, v5;
	v62 =	vadd.f32 v8, v7  }
0x61b: {  	v63 =	vadd.f32 v10, v9;
	v31 =	vadd.f32 v12, v11  }
0x61c: {  	v32 =	vadd.f32 v60, v29;
	v2 =	vadd.f32 v3, v2  }
0x61d: {  	v3 =	vadd.f32 v62, v61;
	v33 =	vadd.f32 v31, v63;
	_ =	sdelay $0x1  }
0x61e: {  	v2 =	vadd.f32 v2, v32;
	v3 =	vadd.f32 v33, v3;
	_ =	sdelay $0x1  }
0x61f: {  	v2 =	vadd.f32 v3, v2;
	_ =	sdelay $0x1  }
0x620: {  	v2 =	vadd.f32 v2, v59;
	_ =	sdelay $0x1  }
0x621: {  	v2 =	vsub.f32 $0.0e+00, v2;
	_ =	sdelay $0x1  }
0x622: {  	v2 =	vmul.f32 $1.442695020e+00, v2;
	_ =	sdelay $0x1  }
0x623: {  	(erf) = vpow2.f32 v2;
	_ =	sdelay $0x8  }
0x624: {  	v2 =	vpop (erf)  }
0x625: {  	v2 =	vadd.f32 $1.000000000e+00, v2;
	_ =	sdelay $0x1  }
0x626: {  	(erf) = vrcp.f32 v2;
	_ =	sdelay $0x8  }
0x627: {  	v2 =	vpop (erf)  }
0x628: {  	[tilespmem:$0x15000] =	vst v2  }
0x629: {  	v2 =	vld.idx.msk [tilespmem:v13+s29+$0x0], $0xffff  }
0x62a: {  	v3 =	vld.idx.msk [tilespmem:v14+s29+$0x0], $0xffff  }
0x62b: {  	v34 =	vld.idx.msk [tilespmem:v15+s29+$0x0], $0xffff  }
0x62c: {  	v35 =	vld.idx.msk [tilespmem:v16+s29+$0x0], $0xffff  }
0x62d: {  	v36 =	vld.idx.msk [tilespmem:v17+s29+$0x0], $0xffff  }
0x62e: {  	v37 =	vld.idx.msk [tilespmem:v18+s29+$0x0], $0xffff  }
0x62f: {  	v38 =	vld.idx.msk [tilespmem:v19+s29+$0x0], $0xffff  }
0x630: {  	v39 =	vld.idx.msk [tilespmem:v20+s29+$0x0], $0xffff  }
0x631: {  	v40 =	vld.idx.msk [tilespmem:v21+s29+$0x0], $0xffff  }
0x632: {  	v41 =	vld.idx.msk [tilespmem:v22+s29+$0x0], $0xffff  }
0x633: {  	v42 =	vld.idx.msk [tilespmem:v23+s29+$0x0], $0xffff  }
0x634: {  	v43 =	vld.idx.msk [tilespmem:v24+s29+$0x0], $0xffff  }
0x635: {  	v44 =	vld.idx.msk [tilespmem:v25+s29+$0x0], $0xffff  }
0x636: {  	v48 =	vld.idx.msk [tilespmem:v26+s29+$0x0], $0xffff  }
0x637: {  	v49 =	vld.idx.msk [tilespmem:v27+s29+$0x0], $0xffff  }
0x638: {  	v50 =	vld.idx.msk [tilespmem:v28+s29+$0x0], $0xffff;
	_ =	sdelay $0x1  }
0x639: {  	v2 =	vadd.f32 v3, v2;
	v3 =	vadd.f32 v35, v34  }
0x63a: {  	v51 =	vadd.f32 v37, v36;
	v52 =	vadd.f32 v39, v38  }
0x63b: {  	v53 =	vadd.f32 v41, v40;
	v54 =	vadd.f32 v43, v42  }
0x63c: {  	v60 =	vadd.f32 v48, v44;
	v61 =	vadd.f32 v50, v49  }
0x63d: {  	v2 =	vadd.f32 v3, v2;
	v3 =	vadd.f32 v52, v51  }
0x63e: {  	v62 =	vadd.f32 v54, v53;
	v63 =	vadd.f32 v61, v60;
	_ =	sdelay $0x1  }
0x63f: {  	v2 =	vadd.f32 v3, v2;
	v3 =	vadd.f32 v63, v62;
	_ =	sdelay $0x1  }
0x640: {  	v2 =	vadd.f32 v3, v2;
	_ =	sdelay $0x1  }
0x641: {  	v2 =	vadd.f32 v2, v59;
	_ =	sdelay $0x1  }
0x642: {  	v2 =	vsub.f32 $0.0e+00, v2;
	_ =	sdelay $0x1  }
0x643: {  	v2 =	vmul.f32 $1.442695020e+00, v2;
	_ =	sdelay $0x1  }
0x644: {  	(erf) = vpow2.f32 v2;
	_ =	sdelay $0x8  }
0x645: {  	v2 =	vpop (erf)  }
0x646: {  	v2 =	vadd.f32 $1.000000000e+00, v2;
	_ =	sdelay $0x1  }
0x647: {  	(erf) = vrcp.f32 v2;
	_ =	sdelay $0x4  }
0x648: {  	s18 =	sadd.s32 $0x1, s18  }
0x649: {  	p0 =	sne.s32 s18, $0x14  }
.Ltmp2:
0x64a: {  	_ = 	snop;
	(pc) =	sbr.rel @p0 .LBB2_2-.Ltmp2, $4  }
0x64b: {  	s7 =	sadd.s32 s4, s19  }
0x64c: {  	s7 =	sshrl.u32 s7, $0x3;
	v2 =	vpop (erf)  }
0x64d: {  	s7 =	sadd.s32 s2, s7;
	[tilespmem:$0x15010] =	vst v2  }
0x64e: {  	[hbm4b:s7+s3] =	stream.linear.scatter [tilespmem:s0], [sflag:$0x6], $0x100, $0x38;
	[tilespmem:$0x16070] =	vst v63  }
0x64f: {  	s17 =	sadd.s32 $0x1, s17  }
0x650: {  	_ =	swait.ge [sflag:s12], $0x100;
	p0 =	sne.s32 s17, s11  }
.Ltmp3:
0x651: {  	[sflag:s12] =	ssyncset.done $0x0;
	(pc) =	sbr.rel @p0 .LBB2_1-.Ltmp3, $4  }
0x652: {  	[sflag:s12] =	ssyncadd.s32 $0xFFFFFF00  }
0x653: {  	_ =	swait.ge [sflag:s14], $0x100  }
0x654: {  	[sflag:s14] =	ssyncset.done $0x0  }
0x655: {  	[sflag:s14] =	ssyncadd.s32 $0xFFFFFF00  }
0x656: {  	_ =	sfence.sel $0x180000  }
0x657: {  	[bflag:$0x0] =	sbarrier.arrive $0xFFFF  }
0x658: {  	_ =	strace $0x90000047  }
0x659: {  	s0 =	stileid.u32;
	[bflag:$0x2] =	sbarrier.arrive $0xFFFF  }
0x65a: {  	p0 =	sne.s32 s0, $0x0;
	s0 =	rddreg [dreg:$0x2]  }
0x65b: {  	s0 =	sadd.s32 @!p0 $0x100000, s0  }
0x65c: {  	[sflag:s0] =	ssyncadd.tile.s32 @!p0 $0x1;
	_ =	shalt  }
.Lfunc_end2:
_tile_overlayer_lowered:
.L_overlay_start_2:
0x65d: {  	(tag) =	ssettag $0x2  }
0x65e: {  	s0 =	rddreg [dreg:$0x0];
	s2 =	stileid.u32  }
0x65f: {  	s1 =	rddreg [dreg:$0x1];
	p0 =	sne.s32 s2, $0x0  }
0x660: {  	s3 =	rddreg [dreg:$0x2];
	[bflag:$0x3] =	sbarrier.arrive $0xFFFF;
	s2 =	simm.s32 @!p0 $0x1C07  }
0x661: {  	[timem:s3], [sflag:s2] =	dma.local @!p0 [hbm:s0], s1  }
0x662: {  	s0 =	simm.s32 @!p0 $0x7  }
0x663: {  	_ =	swait.ge @!p0 [sflag:s0], s1  }
0x664: {  	s1 =	ssub.s32 @!p0 $0x0, s1;
	[sflag:s0] =	ssyncset.done @!p0 $0x0  }
0x665: {  	[sflag:s0] =	ssyncadd.s32 @!p0 s1  }
0x666: {  	[bflag:$0x3] =	sbarrier.arrive $0xFFFF  }
0x667: {  	_ =	shalt  }

</sc_bundles>
